<compile_context>
chip_gen: v7x
topology: tpu7x:2x2x1
jax: 0.10.2.dev20260603
libtpu: 0.0.44.dev20260713+nightly
codegen_flags: <defaults>
</compile_context>

<pallas_src>
import jax
import jax.numpy as jnp
from jax import lax
from jax.experimental import pallas as pl
from jax.experimental.pallas import tpu as pltpu
from jax.experimental.pallas import tpu_sc as plsc

_R2 = 0.25
_K = 32
_N = 2048
_M = 256
_B = 4
_TP = 8
_DIM = 128
_ROWS = _TP * _B
_NP = _TP * 3
_NTASK = _NP * _B * _M
_NWORK = 32
_TPW = _NTASK // _NWORK


def _fps_body(pts_ref, anch_ref):
    px = pts_ref[0]
    py = pts_ref[1]
    pz = pts_ref[2]
    iota = lax.broadcasted_iota(jnp.int32, (_ROWS, _N), 1)
    iota_m = lax.broadcasted_iota(jnp.int32, (_ROWS, _M), 1)

    def last_coords(nxt):
        oh = iota == nxt
        lx = jnp.sum(jnp.where(oh, px, 0.0), axis=1, keepdims=True)
        ly = jnp.sum(jnp.where(oh, py, 0.0), axis=1, keepdims=True)
        lz = jnp.sum(jnp.where(oh, pz, 0.0), axis=1, keepdims=True)
        return lx, ly, lz

    def body(i, carry):
        dists, nxt, axv, ayv, azv = carry
        lx, ly, lz = last_coords(nxt)
        sel = iota_m == (i - 1)
        axv = jnp.where(sel, lx, axv)
        ayv = jnp.where(sel, ly, ayv)
        azv = jnp.where(sel, lz, azv)
        dx = px - lx
        dy = py - ly
        dz = pz - lz
        d = (dx * dx + dy * dy) + dz * dz
        dists = jnp.minimum(dists, d)
        maxv = jnp.max(dists, axis=1, keepdims=True)
        cand = jnp.where(dists == maxv, iota, _N)
        nxt = jnp.min(cand, axis=1, keepdims=True)
        return dists, nxt, axv, ayv, azv

    dists0 = jnp.full((_ROWS, _N), 1e10, dtype=jnp.float32)
    nxt0 = jnp.zeros((_ROWS, 1), dtype=jnp.int32)
    a0 = jnp.zeros((_ROWS, _M), dtype=jnp.float32)
    _, nxt, axv, ayv, azv = lax.fori_loop(
        1, _M, body, (dists0, nxt0, a0, a0, a0))
    lx, ly, lz = last_coords(nxt)
    sel = iota_m == (_M - 1)
    anch_ref[0] = jnp.where(sel, lx, axv)
    anch_ref[1] = jnp.where(sel, ly, ayv)
    anch_ref[2] = jnp.where(sel, lz, azv)


def _stage2_body(pts_ref, ax_ref, ay_ref, az_ref, wg_ref, cvec_ref,
                 g_ref, idx_ref):
    p_id = pl.program_id(0)
    b_id = pl.program_id(1)
    tapc = (p_id % 3 - 1).astype(jnp.float32)
    rowbase = ((p_id * _B + b_id) * _N).astype(jnp.float32)
    axv = ax_ref[0, 0][:, None]
    ayv = ay_ref[0, 0][:, None]
    azv = az_ref[0, 0][:, None]

    pts = pts_ref[0, 0]
    px = pts[:, 0][None, :]
    py = pts[:, 1][None, :]
    pz = pts[:, 2][None, :]
    g = jnp.dot(pts, wg_ref[:3, :], preferred_element_type=jnp.float32)
    g = g + pts[:, 2][:, None] * wg_ref[3, :][None, :]
    g = g + tapc * cvec_ref[0, :][None, :]
    g_ref[0, 0] = g

    dx = axv - px
    dy = ayv - py
    dz = azv - pz
    d2 = (dx * dx + dy * dy) + dz * dz
    mask = (d2 < _R2).astype(jnp.float32)
    utri = (lax.broadcasted_iota(jnp.int32, (_DIM, _DIM), 0)
            <= lax.broadcasted_iota(jnp.int32, (_DIM, _DIM), 1)
            ).astype(jnp.float32)
    stri16 = (lax.broadcasted_iota(jnp.int32, (16, 16), 0)
              < lax.broadcasted_iota(jnp.int32, (16, 16), 1)
              ).astype(jnp.float32)
    m3 = mask.reshape(_M * 16, _DIM)
    incl = jnp.dot(m3, utri, preferred_element_type=jnp.float32)
    incl = incl.reshape(_M, 16, _DIM)
    tot = incl[:, :, _DIM - 1]
    base = jnp.dot(tot, stri16, preferred_element_type=jnp.float32)
    inclg = incl + base[:, :, None]
    take3 = (mask.reshape(_M, 16, _DIM) > 0.0) & (inclg <= jnp.float32(_K))

    bi = lax.broadcasted_iota(jnp.int32, (_M, 16, _DIM), 1)
    li = lax.broadcasted_iota(jnp.int32, (_M, 16, _DIM), 2)
    n3 = (bi * _DIM + li).astype(jnp.float32)
    ptn = jnp.where(take3, n3, 0.0)
    rk = jnp.where(take3, inclg, 0.0)

    slots = []
    for k in range(_K):
        v = jnp.where(rk == jnp.float32(k + 1), ptn, 0.0)
        slots.append(jnp.sum(v, axis=(1, 2))[:, None])
    idxmat = jnp.concatenate(slots, axis=1)
    total = base[:, 15] + tot[:, 15]
    cntm = jnp.minimum(total, jnp.float32(_K))[:, None]
    kio = lax.broadcasted_iota(jnp.int32, (_M, _K), 1).astype(jnp.float32)
    idxmat = jnp.where(kio < cntm, idxmat, idxmat[:, 0:1])
    idx_ref[0, 0] = (idxmat + rowbase).astype(jnp.int32)


def _sc_body(idx_hbm, g_hbm, out_hbm, idxv0, idxv1, rows0, rows1, outv0,
             outv1, gsem0, gsem1, osem0, osem1):
    cid = lax.axis_index("c")
    sid = lax.axis_index("s")
    wid = sid * 2 + cid
    base_task = wid * _TPW

    def _maxrows(rows, outv):
        for h in range(8):
            acc = rows[0, pl.ds(h * 16, 16)]
            for r in range(1, _K):
                acc = jnp.maximum(acc, rows[r, pl.ds(h * 16, 16)])
            outv[pl.ds(h * 16, 16)] = acc

    pltpu.sync_copy(idx_hbm.at[base_task], idxv0)
    pltpu.async_copy(g_hbm.at[idxv0], rows0, gsem0)
    pltpu.async_copy(outv0, out_hbm.at[base_task], osem0)
    pltpu.async_copy(outv1, out_hbm.at[base_task + 1], osem1)

    def pair(ip, _):
        t0 = base_task + 2 * ip
        pltpu.sync_copy(idx_hbm.at[t0 + 1], idxv1)
        pltpu.make_async_copy(g_hbm.at[idxv0], rows0, gsem0).wait()
        pltpu.async_copy(g_hbm.at[idxv1], rows1, gsem1)
        pltpu.make_async_copy(outv0, out_hbm.at[t0], osem0).wait()
        _maxrows(rows0, outv0)
        pltpu.async_copy(outv0, out_hbm.at[t0], osem0)
        tnx = jnp.minimum(t0 + 2, _NTASK - 1)
        pltpu.sync_copy(idx_hbm.at[tnx], idxv0)
        pltpu.make_async_copy(g_hbm.at[idxv1], rows1, gsem1).wait()
        pltpu.async_copy(g_hbm.at[idxv0], rows0, gsem0)
        pltpu.make_async_copy(outv1, out_hbm.at[t0 + 1], osem1).wait()
        _maxrows(rows1, outv1)
        pltpu.async_copy(outv1, out_hbm.at[t0 + 1], osem1)
        return 0

    lax.fori_loop(0, _TPW // 2, pair, 0)
    pltpu.make_async_copy(g_hbm.at[idxv0], rows0, gsem0).wait()
    pltpu.make_async_copy(outv0, out_hbm.at[base_task], osem0).wait()
    pltpu.make_async_copy(outv1, out_hbm.at[base_task], osem1).wait()


def _epi_body(mx_ref, ax_ref, ay_ref, az_ref, wdelta_ref, cvec_ref,
              out_ref):
    j = pl.program_id(0)
    acc = jnp.maximum(jnp.maximum(mx_ref[0, 0, 0], mx_ref[0, 1, 0]),
                      mx_ref[0, 2, 0])
    axv = ax_ref[0, 0][:, None]
    ayv = ay_ref[0, 0][:, None]
    azv = az_ref[0, 0][:, None]
    a3 = jnp.concatenate([axv, ayv, azv], axis=1)
    corr = jnp.dot(a3, wdelta_ref[...], preferred_element_type=jnp.float32)
    ts = (j + 1).astype(jnp.float32)
    outv = acc + corr + ts * cvec_ref[1, :][None, :] + cvec_ref[2, :][None, :]
    out_ref[0, 0] = jnp.maximum(outv, 0.0)


@jax.jit
def kernel(x, W_d, W_f, W_pos, b_pos):
    xf = x[:, ::2, :, :3]
    pts_fps = xf.transpose(3, 1, 0, 2).reshape(3, _ROWS, _N)
    anchors = pl.pallas_call(
        _fps_body,
        out_shape=jax.ShapeDtypeStruct((3, _ROWS, _M), jnp.float32),
    )(pts_fps)
    ax = anchors[0].reshape(_ROWS, 1, _M)
    ay = anchors[1].reshape(_ROWS, 1, _M)
    az = anchors[2].reshape(_ROWS, 1, _M)

    fids = [[max(2 * j - 1, 0), 2 * j, min(2 * j + 1, 15)] for j in range(_TP)]
    fids = jnp.asarray(fids, dtype=jnp.int32)
    pts = x[:, fids, :, :3]
    pts = pts.transpose(1, 2, 0, 3, 4).reshape(_NP, _B, _N, 3)

    wg = jnp.concatenate([W_d[:, :3].T, W_f[:, 0][None, :]], axis=0)
    wdelta = (W_pos[:, :3] - W_d[:, :3]).T
    cvec = jnp.stack([W_d[:, 3], W_pos[:, 3], b_pos,
                      jnp.zeros_like(b_pos)], axis=0)

    anch_spec = pl.BlockSpec((1, 1, _M), lambda p, b: ((p // 3) * _B + b, 0, 0))
    g_all, idx = pl.pallas_call(
        _stage2_body,
        grid=(_NP, _B),
        in_specs=[
            pl.BlockSpec((1, 1, _N, 3), lambda p, b: (p, b, 0, 0)),
            anch_spec,
            anch_spec,
            anch_spec,
            pl.BlockSpec((4, _DIM), lambda p, b: (0, 0)),
            pl.BlockSpec((4, _DIM), lambda p, b: (0, 0)),
        ],
        out_specs=[
            pl.BlockSpec((1, 1, _N, _DIM), lambda p, b: (p, b, 0, 0)),
            pl.BlockSpec((1, 1, _M, _K), lambda p, b: (p, b, 0, 0)),
        ],
        out_shape=[
            jax.ShapeDtypeStruct((_NP, _B, _N, _DIM), jnp.float32),
            jax.ShapeDtypeStruct((_NP, _B, _M, _K), jnp.int32),
        ],
    )(pts, ax, ay, az, wg, cvec)

    idx_flat = idx.reshape(_NTASK, _K)
    g_flat = g_all.reshape(_NP * _B * _N, _DIM)

    mesh = plsc.VectorSubcoreMesh(core_axis_name="c", subcore_axis_name="s")
    maxg = pl.kernel(
        _sc_body,
        mesh=mesh,
        out_type=jax.ShapeDtypeStruct((_NTASK, _DIM), jnp.float32),
        scratch_types=[
            pltpu.VMEM((_K,), jnp.int32),
            pltpu.VMEM((_K,), jnp.int32),
            pltpu.VMEM((_K, _DIM), jnp.float32),
            pltpu.VMEM((_K, _DIM), jnp.float32),
            pltpu.VMEM((_DIM,), jnp.float32),
            pltpu.VMEM((_DIM,), jnp.float32),
            pltpu.SemaphoreType.DMA,
            pltpu.SemaphoreType.DMA,
            pltpu.SemaphoreType.DMA,
            pltpu.SemaphoreType.DMA,
        ],
    )(idx_flat, g_flat)

    mx = maxg.reshape(_TP, 3, _B, _M, _DIM)
    epi_anch = pl.BlockSpec((1, 1, _M), lambda j, b: (j * _B + b, 0, 0))
    out = pl.pallas_call(
        _epi_body,
        grid=(_TP, _B),
        in_specs=[
            pl.BlockSpec((1, 3, 1, _M, _DIM), lambda j, b: (j, 0, b, 0, 0)),
            epi_anch,
            epi_anch,
            epi_anch,
            pl.BlockSpec((3, _DIM), lambda j, b: (0, 0)),
            pl.BlockSpec((4, _DIM), lambda j, b: (0, 0)),
        ],
        out_specs=pl.BlockSpec((1, 1, _M, _DIM), lambda j, b: (j, b, 0, 0)),
        out_shape=jax.ShapeDtypeStruct((_TP, _B, _M, _DIM), jnp.float32),
    )(mx, ax, ay, az, wdelta, cvec)

    return out.transpose(1, 0, 2, 3).reshape(_B, _TP * _M, _DIM)

# --- scband reference (transcript-rebuilt; emitter-appended) ---
"""Pipeline reference for scband-encoder-16595753632230 (READ-ONLY COPY).

The authoritative reference and input builder live on the scoring server;
editing this copy changes nothing except your own understanding.
"""

import jax, jax.numpy as jnp
import numpy as np

RADIUS = 0.5
NSAMPLES = 32
SPATIAL_STRIDE = 8
TEMPORAL_KS = 3
TEMPORAL_STRIDE = 2
TEMPORAL_PAD = (1, 1)
DIM = 128


def setup_inputs(seed: int = 0):
    key = jax.random.key(seed)
    k1, k2, k3, k4, k5 = jax.random.split(key, 5)
    x = jax.random.normal(k1, (4, 16, 2048, 3), dtype=jnp.float32)
    W_d = jax.random.normal(k2, (DIM, 4), dtype=jnp.float32) * 0.1
    W_f = jax.random.normal(k3, (DIM, 1), dtype=jnp.float32) * 0.1
    W_pos = jax.random.normal(k4, (DIM, 4), dtype=jnp.float32) * 0.1
    b_pos = jax.random.normal(k5, (DIM,), dtype=jnp.float32) * 0.1
    return {"x": x, "W_d": W_d, "W_f": W_f, "W_pos": W_pos, "b_pos": b_pos}


def _fps(xyz, m):
    # Farthest point sampling, deterministic start at index 0 (pointnet2 semantics).
    xyz = jax.lax.stop_gradient(xyz)
    B, N, _ = xyz.shape

    def body(i, state):
        dists, idxs, last = state
        lastxyz = jnp.take_along_axis(xyz, last[:, None, None], axis=1)
        d = jnp.sum((xyz - lastxyz) ** 2, axis=-1)
        dists = jnp.minimum(dists, d)
        nxt = jnp.argmax(dists, axis=-1).astype(jnp.int32)
        idxs = idxs.at[:, i].set(nxt)
        return (dists, idxs, nxt)

    dists = jnp.full((B, N), 1e10, dtype=xyz.dtype)
    idxs = jnp.zeros((B, m), dtype=jnp.int32)
    last = jnp.zeros((B,), dtype=jnp.int32)
    _, idxs, _ = jax.lax.fori_loop(1, m, body, (dists, idxs, last))
    return idxs


def _ball_query(r, k, neighbor_xyz, anchor_xyz):
    # Returns [B, M, k] int32 indices into neighbor_xyz; first-found padding like CUDA ball_query.
    neighbor_xyz = jax.lax.stop_gradient(neighbor_xyz)
    anchor_xyz = jax.lax.stop_gradient(anchor_xyz)
    N = neighbor_xyz.shape[1]
    d2 = jnp.sum((anchor_xyz[:, :, None, :] - neighbor_xyz[:, None, :, :]) ** 2, axis=-1)
    ar = jnp.arange(N, dtype=jnp.int32)
    cand = jnp.where(d2 < r * r, ar[None, None, :], jnp.int32(N))
    cand = jnp.sort(cand, axis=-1)[:, :, :k]
    first = cand[:, :, :1]
    cand = jnp.where(cand == N, first, cand)
    cand = jnp.where(cand == N, 0, cand)
    return cand


def _group(points, idx):
    # points [B, N, C], idx [B, ...] -> [B, ..., C]
    return jax.vmap(lambda p, i: p[i])(points, idx)


def _p4dconv(xyzs, feats, W_d, W_f):
    # xyzs: [B, T, N, 3]; feats: [B, T, N, 1] (z coordinate)
    B, T, N, _ = xyzs.shape
    M = N // SPATIAL_STRIDE
    pad_idx = [0] * TEMPORAL_PAD[0] + list(range(T)) + [T - 1] * TEMPORAL_PAD[1]
    xs = [xyzs[:, i] for i in pad_idx]
    fs = [feats[:, i] for i in pad_idx]
    L = len(xs)
    half = TEMPORAL_KS // 2
    new_xyzs, new_feats = [], []
    for t in range(half, L - half, TEMPORAL_STRIDE):
        anchor_idx = _fps(xs[t], M)
        anchor_xyz = _group(xs[t], anchor_idx)  # [B, M, 3]
        frame_feats = []
        for i in range(t - half, t + half + 1):
            idx = _ball_query(RADIUS, NSAMPLES, xs[i], anchor_xyz)
            nb_xyz = _group(xs[i], idx)  # [B, M, k, 3]
            disp = nb_xyz - anchor_xyz[:, :, None, :]
            t_disp = jnp.full(disp.shape[:3] + (1,), float(i - t), dtype=disp.dtype)
            d4 = jnp.concatenate([disp, t_disp], axis=-1)  # [B, M, k, 4]
            dfeat = d4 @ W_d.T  # conv_d (1x1 conv, no bias)
            nb_f = _group(fs[i], idx)  # [B, M, k, 1]
            ffeat = nb_f @ W_f.T  # conv_f (1x1 conv, no bias)
            feat = ffeat + dfeat  # operator '+'
            feat = jnp.max(feat, axis=2)  # spatial max pooling over k
            frame_feats.append(feat)
        nf = jnp.max(jnp.stack(frame_feats, axis=1), axis=1)  # temporal max pooling
        new_xyzs.append(anchor_xyz)
        new_feats.append(nf)
    return jnp.stack(new_xyzs, axis=1), jnp.stack(new_feats, axis=1)


def reference(x, W_d, W_f, W_pos, b_pos):
    xyzs = x[:, :, :, :3]
    feats = x[:, :, :, 2:3]  # z-coordinate used as input feature (in_planes=1)
    new_xyzs, new_feats = _p4dconv(xyzs, feats, W_d, W_f)  # [B,T',M,3], [B,T',M,DIM]
    B, Tp, M, _ = new_xyzs.shape
    ts = (jnp.arange(Tp, dtype=jnp.float32) + 1.0)[None, :, None, None]
    ts = jnp.broadcast_to(ts, (B, Tp, M, 1))
    xyzts = jnp.concatenate([new_xyzs, ts], axis=-1).reshape(B, Tp * M, 4)
    features = new_feats.reshape(B, Tp * M, -1)
    pos = xyzts @ W_pos.T + b_pos  # pos_embedding Conv1d(4, dim, 1, bias=True)
    embedding = pos + features
    embedding = jax.nn.relu(embedding)  # emb_relu=True
    return embedding

if __name__ == "__main__":
    import jax
    _d = setup_inputs()
    print(jax.jit(kernel)(*tuple(_d.values())))

</pallas_src>

<mosaic_0001>
#map = affine_map<(d0, d1) -> (0, 0)>
module attributes {stable_mosaic.version = 14 : i64} {
  func.func @_sc_body(%arg0: i32, %arg1: i32, %arg2: memref<24576x32xi32, #tpu.memory_space<hbm>>, %arg3: memref<196608x128xf32, #tpu.memory_space<hbm>>, %arg4: memref<24576x128xf32, #tpu.memory_space<hbm>>, %arg5: memref<32xi32, #tpu.memory_space<vmem>>, %arg6: memref<32xi32, #tpu.memory_space<vmem>>, %arg7: memref<32x128xf32, #tpu.memory_space<vmem>>, %arg8: memref<32x128xf32, #tpu.memory_space<vmem>>, %arg9: memref<128xf32, #tpu.memory_space<vmem>>, %arg10: memref<128xf32, #tpu.memory_space<vmem>>, %arg11: memref<!tpu.dma_semaphore, #tpu.memory_space<semaphore_mem>>, %arg12: memref<!tpu.dma_semaphore, #tpu.memory_space<semaphore_mem>>, %arg13: memref<!tpu.dma_semaphore, #tpu.memory_space<semaphore_mem>>, %arg14: memref<!tpu.dma_semaphore, #tpu.memory_space<semaphore_mem>>) attributes {dimension_semantics = [#tpu.dimension_semantics<core_parallel>, #tpu.dimension_semantics<subcore_parallel>], iteration_bounds = array<i64: 2, 16>, scalar_prefetch = 0 : i64, scratch_operands = 10 : i64, tpu.core_type = #tpu.core_type<sc_vector_subcore>, window_params = [{transform_indices = #map}, {transform_indices = #map}, {transform_indices = #map}]} {
    %mul3A = arith.constant 2 : i32
    %mul3A_0 = arith.muli %arg1, %mul3A : i32
    %add3A = arith.addi %mul3A_0, %arg0 : i32
    %mul3A_1 = arith.constant 768 : i32
    %mul3A_2 = arith.muli %add3A, %mul3A_1 : i32
    "tpu.region"() ({
      %run_scoped3A = tpu.sem_alloc : memref<!tpu.dma_semaphore, #tpu.memory_space<semaphore_mem>>
      %dma_start3A_39 = arith.constant 0 : i32
      %dma_start3A_40 = tpu.memref_slice %arg2[%mul3A_2, %dma_start3A_39] : memref<24576x32xi32, #tpu.memory_space<hbm>> -> memref<1x32xi32, #tpu.memory_space<hbm>>
      %dma_start3A_41 = tpu.memref_squeeze %dma_start3A_40 : memref<1x32xi32, #tpu.memory_space<hbm>> -> memref<32xi32, #tpu.memory_space<hbm>>
      %dma_start3A_42 = arith.constant 0 : i32
      %dma_start3A_43 = tpu.memref_slice %arg2[%mul3A_2, %dma_start3A_42] : memref<24576x32xi32, #tpu.memory_space<hbm>> -> memref<1x32xi32, #tpu.memory_space<hbm>>
      %dma_start3A_44 = tpu.memref_squeeze %dma_start3A_43 : memref<1x32xi32, #tpu.memory_space<hbm>> -> memref<32xi32, #tpu.memory_space<hbm>>
      tpu.enqueue_dma source(%dma_start3A_44 : memref<32xi32, #tpu.memory_space<hbm>>) target(%arg5 : memref<32xi32, #tpu.memory_space<vmem>>) target_semaphore(%run_scoped3A : memref<!tpu.dma_semaphore, #tpu.memory_space<semaphore_mem>>)
      %dma_wait3A_45 = arith.constant 0 : i32
      %dma_wait3A_46 = tpu.memref_slice %arg2[%mul3A_2, %dma_wait3A_45] : memref<24576x32xi32, #tpu.memory_space<hbm>> -> memref<1x32xi32, #tpu.memory_space<hbm>>
      %dma_wait3A_47 = tpu.memref_squeeze %dma_wait3A_46 : memref<1x32xi32, #tpu.memory_space<hbm>> -> memref<32xi32, #tpu.memory_space<hbm>>
      %dma_wait3A_48 = arith.constant 0 : i32
      %dma_wait3A_49 = tpu.memref_slice %arg2[%mul3A_2, %dma_wait3A_48] : memref<24576x32xi32, #tpu.memory_space<hbm>> -> memref<1x32xi32, #tpu.memory_space<hbm>>
      %dma_wait3A_50 = tpu.memref_squeeze %dma_wait3A_49 : memref<1x32xi32, #tpu.memory_space<hbm>> -> memref<32xi32, #tpu.memory_space<hbm>>
      tpu.wait_dma2 semaphore(%run_scoped3A : memref<!tpu.dma_semaphore, #tpu.memory_space<semaphore_mem>>) src(%dma_wait3A_50 : memref<32xi32, #tpu.memory_space<hbm>>) dst(%arg5 : memref<32xi32, #tpu.memory_space<vmem>>)
      tpu.yield
    }) : () -> ()
    %dma_start3A = arith.constant 0 : i32
    %dma_start3A_3 = arith.constant 0 : i32
    %dma_start3A_4 = tpu.memref_slice %arg3[%dma_start3A, %dma_start3A_3] : memref<196608x128xf32, #tpu.memory_space<hbm>> -> memref<196608x128xf32, #tpu.memory_space<hbm>>
    tpu.enqueue_indirect_dma source(%dma_start3A_4 : memref<196608x128xf32, #tpu.memory_space<hbm>>) target(%arg7 : memref<32x128xf32, #tpu.memory_space<vmem>>) offsets(%arg5 : memref<32xi32, #tpu.memory_space<vmem>>) semaphore(%arg11 : memref<!tpu.dma_semaphore, #tpu.memory_space<semaphore_mem>>)
    %dma_start3A_5 = arith.constant 0 : i32
    %dma_start3A_6 = tpu.memref_slice %arg4[%mul3A_2, %dma_start3A_5] : memref<24576x128xf32, #tpu.memory_space<hbm>> -> memref<1x128xf32, #tpu.memory_space<hbm>>
    %dma_start3A_7 = tpu.memref_squeeze %dma_start3A_6 : memref<1x128xf32, #tpu.memory_space<hbm>> -> memref<128xf32, #tpu.memory_space<hbm>>
    %dma_start3A_8 = arith.constant 0 : i32
    %dma_start3A_9 = tpu.memref_slice %arg4[%mul3A_2, %dma_start3A_8] : memref<24576x128xf32, #tpu.memory_space<hbm>> -> memref<1x128xf32, #tpu.memory_space<hbm>>
    %dma_start3A_10 = tpu.memref_squeeze %dma_start3A_9 : memref<1x128xf32, #tpu.memory_space<hbm>> -> memref<128xf32, #tpu.memory_space<hbm>>
    tpu.enqueue_dma source(%arg9 : memref<128xf32, #tpu.memory_space<vmem>>) target(%dma_start3A_10 : memref<128xf32, #tpu.memory_space<hbm>>) target_semaphore(%arg13 : memref<!tpu.dma_semaphore, #tpu.memory_space<semaphore_mem>>)
    %add3A_11 = arith.constant 1 : i32
    %add3A_12 = arith.addi %mul3A_2, %add3A_11 : i32
    %dma_start3A_13 = arith.constant 0 : i32
    %dma_start3A_14 = tpu.memref_slice %arg4[%add3A_12, %dma_start3A_13] : memref<24576x128xf32, #tpu.memory_space<hbm>> -> memref<1x128xf32, #tpu.memory_space<hbm>>
    %dma_start3A_15 = tpu.memref_squeeze %dma_start3A_14 : memref<1x128xf32, #tpu.memory_space<hbm>> -> memref<128xf32, #tpu.memory_space<hbm>>
    %dma_start3A_16 = arith.constant 0 : i32
    %dma_start3A_17 = tpu.memref_slice %arg4[%add3A_12, %dma_start3A_16] : memref<24576x128xf32, #tpu.memory_space<hbm>> -> memref<1x128xf32, #tpu.memory_space<hbm>>
    %dma_start3A_18 = tpu.memref_squeeze %dma_start3A_17 : memref<1x128xf32, #tpu.memory_space<hbm>> -> memref<128xf32, #tpu.memory_space<hbm>>
    tpu.enqueue_dma source(%arg10 : memref<128xf32, #tpu.memory_space<vmem>>) target(%dma_start3A_18 : memref<128xf32, #tpu.memory_space<hbm>>) target_semaphore(%arg14 : memref<!tpu.dma_semaphore, #tpu.memory_space<semaphore_mem>>)
    %scan3A = arith.constant 0 : i32
    %scan3A_19 = arith.constant 0 : i32
    %scan3A_20 = arith.constant 384 : i32
    %scan3A_21 = arith.addi %scan3A_19, %scan3A_20 : i32
    %scan3A_22 = arith.constant 1 : i32
    %scan3A_23 = scf.for %scan3A_39 = %scan3A_19 to %scan3A_21 step %scan3A_22 iter_args(%scan3A_40 = %scan3A) -> (i32)  : i32 {
      %mul3A_41 = arith.constant 2 : i32
      %mul3A_42 = arith.muli %mul3A_41, %scan3A_39 : i32
      %add3A_43 = arith.addi %mul3A_2, %mul3A_42 : i32
      %add3A_44 = arith.constant 1 : i32
      %add3A_45 = arith.addi %add3A_43, %add3A_44 : i32
      "tpu.region"() ({
        %run_scoped3A = tpu.sem_alloc : memref<!tpu.dma_semaphore, #tpu.memory_space<semaphore_mem>>
        %dma_start3A_3207 = arith.constant 0 : i32
        %dma_start3A_3208 = tpu.memref_slice %arg2[%add3A_45, %dma_start3A_3207] : memref<24576x32xi32, #tpu.memory_space<hbm>> -> memref<1x32xi32, #tpu.memory_space<hbm>>
        %dma_start3A_3209 = tpu.memref_squeeze %dma_start3A_3208 : memref<1x32xi32, #tpu.memory_space<hbm>> -> memref<32xi32, #tpu.memory_space<hbm>>
        %dma_start3A_3210 = arith.constant 0 : i32
        %dma_start3A_3211 = tpu.memref_slice %arg2[%add3A_45, %dma_start3A_3210] : memref<24576x32xi32, #tpu.memory_space<hbm>> -> memref<1x32xi32, #tpu.memory_space<hbm>>
        %dma_start3A_3212 = tpu.memref_squeeze %dma_start3A_3211 : memref<1x32xi32, #tpu.memory_space<hbm>> -> memref<32xi32, #tpu.memory_space<hbm>>
        tpu.enqueue_dma source(%dma_start3A_3212 : memref<32xi32, #tpu.memory_space<hbm>>) target(%arg6 : memref<32xi32, #tpu.memory_space<vmem>>) target_semaphore(%run_scoped3A : memref<!tpu.dma_semaphore, #tpu.memory_space<semaphore_mem>>)
        %dma_wait3A_3213 = arith.constant 0 : i32
        %dma_wait3A_3214 = tpu.memref_slice %arg2[%add3A_45, %dma_wait3A_3213] : memref<24576x32xi32, #tpu.memory_space<hbm>> -> memref<1x32xi32, #tpu.memory_space<hbm>>
        %dma_wait3A_3215 = tpu.memref_squeeze %dma_wait3A_3214 : memref<1x32xi32, #tpu.memory_space<hbm>> -> memref<32xi32, #tpu.memory_space<hbm>>
        %dma_wait3A_3216 = arith.constant 0 : i32
        %dma_wait3A_3217 = tpu.memref_slice %arg2[%add3A_45, %dma_wait3A_3216] : memref<24576x32xi32, #tpu.memory_space<hbm>> -> memref<1x32xi32, #tpu.memory_space<hbm>>
        %dma_wait3A_3218 = tpu.memref_squeeze %dma_wait3A_3217 : memref<1x32xi32, #tpu.memory_space<hbm>> -> memref<32xi32, #tpu.memory_space<hbm>>
        tpu.wait_dma2 semaphore(%run_scoped3A : memref<!tpu.dma_semaphore, #tpu.memory_space<semaphore_mem>>) src(%dma_wait3A_3218 : memref<32xi32, #tpu.memory_space<hbm>>) dst(%arg6 : memref<32xi32, #tpu.memory_space<vmem>>)
        tpu.yield
      }) : () -> ()
      %dma_wait3A_46 = arith.constant 0 : i32
      %dma_wait3A_47 = arith.constant 0 : i32
      %dma_wait3A_48 = tpu.memref_slice %arg3[%dma_wait3A_46, %dma_wait3A_47] : memref<196608x128xf32, #tpu.memory_space<hbm>> -> memref<196608x128xf32, #tpu.memory_space<hbm>>
      tpu.wait_indirect_dma semaphore(%arg11 : memref<!tpu.dma_semaphore, #tpu.memory_space<semaphore_mem>>) src(%dma_wait3A_48 : memref<196608x128xf32, #tpu.memory_space<hbm>>) dst(%arg7 : memref<32x128xf32, #tpu.memory_space<vmem>>)
      %dma_start3A_49 = arith.constant 0 : i32
      %dma_start3A_50 = arith.constant 0 : i32
      %dma_start3A_51 = tpu.memref_slice %arg3[%dma_start3A_49, %dma_start3A_50] : memref<196608x128xf32, #tpu.memory_space<hbm>> -> memref<196608x128xf32, #tpu.memory_space<hbm>>
      tpu.enqueue_indirect_dma source(%dma_start3A_51 : memref<196608x128xf32, #tpu.memory_space<hbm>>) target(%arg8 : memref<32x128xf32, #tpu.memory_space<vmem>>) offsets(%arg6 : memref<32xi32, #tpu.memory_space<vmem>>) semaphore(%arg12 : memref<!tpu.dma_semaphore, #tpu.memory_space<semaphore_mem>>)
      %dma_wait3A_52 = arith.constant 0 : i32
      %dma_wait3A_53 = tpu.memref_slice %arg4[%add3A_43, %dma_wait3A_52] : memref<24576x128xf32, #tpu.memory_space<hbm>> -> memref<1x128xf32, #tpu.memory_space<hbm>>
      %dma_wait3A_54 = tpu.memref_squeeze %dma_wait3A_53 : memref<1x128xf32, #tpu.memory_space<hbm>> -> memref<128xf32, #tpu.memory_space<hbm>>
      %dma_wait3A_55 = arith.constant 0 : i32
      %dma_wait3A_56 = tpu.memref_slice %arg4[%add3A_43, %dma_wait3A_55] : memref<24576x128xf32, #tpu.memory_space<hbm>> -> memref<1x128xf32, #tpu.memory_space<hbm>>
      %dma_wait3A_57 = tpu.memref_squeeze %dma_wait3A_56 : memref<1x128xf32, #tpu.memory_space<hbm>> -> memref<128xf32, #tpu.memory_space<hbm>>
      tpu.wait_dma2 semaphore(%arg13 : memref<!tpu.dma_semaphore, #tpu.memory_space<semaphore_mem>>) src(%arg9 : memref<128xf32, #tpu.memory_space<vmem>>) dst(%dma_wait3A_57 : memref<128xf32, #tpu.memory_space<hbm>>)
      %get3A = arith.constant 0 : i32
      %get3A_58 = arith.index_cast %get3A : i32 to index
      %get3A_59 = arith.constant 0 : index
      %get3A_60 = tpu.vector_load %arg7[%get3A_58, %get3A_59] {strides = array<i32>} : memref<32x128xf32, #tpu.memory_space<vmem>>, vector<1x16xf32>,
      %get3A_61 = vector.shape_cast %get3A_60 : vector<1x16xf32> to vector<16xf32>
      %get3A_62 = arith.constant 1 : i32
      %get3A_63 = arith.index_cast %get3A_62 : i32 to index
      %get3A_64 = arith.constant 0 : index
      %get3A_65 = tpu.vector_load %arg7[%get3A_63, %get3A_64] {strides = array<i32>} : memref<32x128xf32, #tpu.memory_space<vmem>>, vector<1x16xf32>,
      %get3A_66 = vector.shape_cast %get3A_65 : vector<1x16xf32> to vector<16xf32>
      %max3A = arith.maximumf %get3A_61, %get3A_66 : vector<16xf32>
      %get3A_67 = arith.constant 2 : i32
      %get3A_68 = arith.index_cast %get3A_67 : i32 to index
      %get3A_69 = arith.constant 0 : index
      %get3A_70 = tpu.vector_load %arg7[%get3A_68, %get3A_69] {strides = array<i32>} : memref<32x128xf32, #tpu.memory_space<vmem>>, vector<1x16xf32>,
      %get3A_71 = vector.shape_cast %get3A_70 : vector<1x16xf32> to vector<16xf32>
      %max3A_72 = arith.maximumf %max3A, %get3A_71 : vector<16xf32>
      %get3A_73 = arith.constant 3 : i32
      %get3A_74 = arith.index_cast %get3A_73 : i32 to index
      %get3A_75 = arith.constant 0 : index
      %get3A_76 = tpu.vector_load %arg7[%get3A_74, %get3A_75] {strides = array<i32>} : memref<32x128xf32, #tpu.memory_space<vmem>>, vector<1x16xf32>,
      %get3A_77 = vector.shape_cast %get3A_76 : vector<1x16xf32> to vector<16xf32>
      %max3A_78 = arith.maximumf %max3A_72, %get3A_77 : vector<16xf32>
      %get3A_79 = arith.constant 4 : i32
      %get3A_80 = arith.index_cast %get3A_79 : i32 to index
      %get3A_81 = arith.constant 0 : index
      %get3A_82 = tpu.vector_load %arg7[%get3A_80, %get3A_81] {strides = array<i32>} : memref<32x128xf32, #tpu.memory_space<vmem>>, vector<1x16xf32>,
      %get3A_83 = vector.shape_cast %get3A_82 : vector<1x16xf32> to vector<16xf32>
      %max3A_84 = arith.maximumf %max3A_78, %get3A_83 : vector<16xf32>
      %get3A_85 = arith.constant 5 : i32
      %get3A_86 = arith.index_cast %get3A_85 : i32 to index
      %get3A_87 = arith.constant 0 : index
      %get3A_88 = tpu.vector_load %arg7[%get3A_86, %get3A_87] {strides = array<i32>} : memref<32x128xf32, #tpu.memory_space<vmem>>, vector<1x16xf32>,
      %get3A_89 = vector.shape_cast %get3A_88 : vector<1x16xf32> to vector<16xf32>
      %max3A_90 = arith.maximumf %max3A_84, %get3A_89 : vector<16xf32>
      %get3A_91 = arith.constant 6 : i32
      %get3A_92 = arith.index_cast %get3A_91 : i32 to index
      %get3A_93 = arith.constant 0 : index
      %get3A_94 = tpu.vector_load %arg7[%get3A_92, %get3A_93] {strides = array<i32>} : memref<32x128xf32, #tpu.memory_space<vmem>>, vector<1x16xf32>,
      %get3A_95 = vector.shape_cast %get3A_94 : vector<1x16xf32> to vector<16xf32>
      %max3A_96 = arith.maximumf %max3A_90, %get3A_95 : vector<16xf32>
      %get3A_97 = arith.constant 7 : i32
      %get3A_98 = arith.index_cast %get3A_97 : i32 to index
      %get3A_99 = arith.constant 0 : index
      %get3A_100 = tpu.vector_load %arg7[%get3A_98, %get3A_99] {strides = array<i32>} : memref<32x128xf32, #tpu.memory_space<vmem>>, vector<1x16xf32>,
      %get3A_101 = vector.shape_cast %get3A_100 : vector<1x16xf32> to vector<16xf32>
      %max3A_102 = arith.maximumf %max3A_96, %get3A_101 : vector<16xf32>
      %get3A_103 = arith.constant 8 : i32
      %get3A_104 = arith.index_cast %get3A_103 : i32 to index
      %get3A_105 = arith.constant 0 : index
      %get3A_106 = tpu.vector_load %arg7[%get3A_104, %get3A_105] {strides = array<i32>} : memref<32x128xf32, #tpu.memory_space<vmem>>, vector<1x16xf32>,
      %get3A_107 = vector.shape_cast %get3A_106 : vector<1x16xf32> to vector<16xf32>
      %max3A_108 = arith.maximumf %max3A_102, %get3A_107 : vector<16xf32>
      %get3A_109 = arith.constant 9 : i32
      %get3A_110 = arith.index_cast %get3A_109 : i32 to index
      %get3A_111 = arith.constant 0 : index
      %get3A_112 = tpu.vector_load %arg7[%get3A_110, %get3A_111] {strides = array<i32>} : memref<32x128xf32, #tpu.memory_space<vmem>>, vector<1x16xf32>,
      %get3A_113 = vector.shape_cast %get3A_112 : vector<1x16xf32> to vector<16xf32>
      %max3A_114 = arith.maximumf %max3A_108, %get3A_113 : vector<16xf32>
      %get3A_115 = arith.constant 10 : i32
      %get3A_116 = arith.index_cast %get3A_115 : i32 to index
      %get3A_117 = arith.constant 0 : index
      %get3A_118 = tpu.vector_load %arg7[%get3A_116, %get3A_117] {strides = array<i32>} : memref<32x128xf32, #tpu.memory_space<vmem>>, vector<1x16xf32>,
      %get3A_119 = vector.shape_cast %get3A_118 : vector<1x16xf32> to vector<16xf32>
      %max3A_120 = arith.maximumf %max3A_114, %get3A_119 : vector<16xf32>
      %get3A_121 = arith.constant 11 : i32
      %get3A_122 = arith.index_cast %get3A_121 : i32 to index
      %get3A_123 = arith.constant 0 : index
      %get3A_124 = tpu.vector_load %arg7[%get3A_122, %get3A_123] {strides = array<i32>} : memref<32x128xf32, #tpu.memory_space<vmem>>, vector<1x16xf32>,
      %get3A_125 = vector.shape_cast %get3A_124 : vector<1x16xf32> to vector<16xf32>
      %max3A_126 = arith.maximumf %max3A_120, %get3A_125 : vector<16xf32>
      %get3A_127 = arith.constant 12 : i32
      %get3A_128 = arith.index_cast %get3A_127 : i32 to index
      %get3A_129 = arith.constant 0 : index
      %get3A_130 = tpu.vector_load %arg7[%get3A_128, %get3A_129] {strides = array<i32>} : memref<32x128xf32, #tpu.memory_space<vmem>>, vector<1x16xf32>,
      %get3A_131 = vector.shape_cast %get3A_130 : vector<1x16xf32> to vector<16xf32>
      %max3A_132 = arith.maximumf %max3A_126, %get3A_131 : vector<16xf32>
      %get3A_133 = arith.constant 13 : i32
      %get3A_134 = arith.index_cast %get3A_133 : i32 to index
      %get3A_135 = arith.constant 0 : index
      %get3A_136 = tpu.vector_load %arg7[%get3A_134, %get3A_135] {strides = array<i32>} : memref<32x128xf32, #tpu.memory_space<vmem>>, vector<1x16xf32>,
      %get3A_137 = vector.shape_cast %get3A_136 : vector<1x16xf32> to vector<16xf32>
      %max3A_138 = arith.maximumf %max3A_132, %get3A_137 : vector<16xf32>
      %get3A_139 = arith.constant 14 : i32
      %get3A_140 = arith.index_cast %get3A_139 : i32 to index
      %get3A_141 = arith.constant 0 : index
      %get3A_142 = tpu.vector_load %arg7[%get3A_140, %get3A_141] {strides = array<i32>} : memref<32x128xf32, #tpu.memory_space<vmem>>, vector<1x16xf32>,
      %get3A_143 = vector.shape_cast %get3A_142 : vector<1x16xf32> to vector<16xf32>
      %max3A_144 = arith.maximumf %max3A_138, %get3A_143 : vector<16xf32>
      %get3A_145 = arith.constant 15 : i32
      %get3A_146 = arith.index_cast %get3A_145 : i32 to index
      %get3A_147 = arith.constant 0 : index
      %get3A_148 = tpu.vector_load %arg7[%get3A_146, %get3A_147] {strides = array<i32>} : memref<32x128xf32, #tpu.memory_space<vmem>>, vector<1x16xf32>,
      %get3A_149 = vector.shape_cast %get3A_148 : vector<1x16xf32> to vector<16xf32>
      %max3A_150 = arith.maximumf %max3A_144, %get3A_149 : vector<16xf32>
      %get3A_151 = arith.constant 16 : i32
      %get3A_152 = arith.index_cast %get3A_151 : i32 to index
      %get3A_153 = arith.constant 0 : index
      %get3A_154 = tpu.vector_load %arg7[%get3A_152, %get3A_153] {strides = array<i32>} : memref<32x128xf32, #tpu.memory_space<vmem>>, vector<1x16xf32>,
      %get3A_155 = vector.shape_cast %get3A_154 : vector<1x16xf32> to vector<16xf32>
      %max3A_156 = arith.maximumf %max3A_150, %get3A_155 : vector<16xf32>
      %get3A_157 = arith.constant 17 : i32
      %get3A_158 = arith.index_cast %get3A_157 : i32 to index
      %get3A_159 = arith.constant 0 : index
      %get3A_160 = tpu.vector_load %arg7[%get3A_158, %get3A_159] {strides = array<i32>} : memref<32x128xf32, #tpu.memory_space<vmem>>, vector<1x16xf32>,
      %get3A_161 = vector.shape_cast %get3A_160 : vector<1x16xf32> to vector<16xf32>
      %max3A_162 = arith.maximumf %max3A_156, %get3A_161 : vector<16xf32>
      %get3A_163 = arith.constant 18 : i32
      %get3A_164 = arith.index_cast %get3A_163 : i32 to index
      %get3A_165 = arith.constant 0 : index
      %get3A_166 = tpu.vector_load %arg7[%get3A_164, %get3A_165] {strides = array<i32>} : memref<32x128xf32, #tpu.memory_space<vmem>>, vector<1x16xf32>,
      %get3A_167 = vector.shape_cast %get3A_166 : vector<1x16xf32> to vector<16xf32>
      %max3A_168 = arith.maximumf %max3A_162, %get3A_167 : vector<16xf32>
      %get3A_169 = arith.constant 19 : i32
      %get3A_170 = arith.index_cast %get3A_169 : i32 to index
      %get3A_171 = arith.constant 0 : index
      %get3A_172 = tpu.vector_load %arg7[%get3A_170, %get3A_171] {strides = array<i32>} : memref<32x128xf32, #tpu.memory_space<vmem>>, vector<1x16xf32>,
      %get3A_173 = vector.shape_cast %get3A_172 : vector<1x16xf32> to vector<16xf32>
      %max3A_174 = arith.maximumf %max3A_168, %get3A_173 : vector<16xf32>
      %get3A_175 = arith.constant 20 : i32
      %get3A_176 = arith.index_cast %get3A_175 : i32 to index
      %get3A_177 = arith.constant 0 : index
      %get3A_178 = tpu.vector_load %arg7[%get3A_176, %get3A_177] {strides = array<i32>} : memref<32x128xf32, #tpu.memory_space<vmem>>, vector<1x16xf32>,
      %get3A_179 = vector.shape_cast %get3A_178 : vector<1x16xf32> to vector<16xf32>
      %max3A_180 = arith.maximumf %max3A_174, %get3A_179 : vector<16xf32>
      %get3A_181 = arith.constant 21 : i32
      %get3A_182 = arith.index_cast %get3A_181 : i32 to index
      %get3A_183 = arith.constant 0 : index
      %get3A_184 = tpu.vector_load %arg7[%get3A_182, %get3A_183] {strides = array<i32>} : memref<32x128xf32, #tpu.memory_space<vmem>>, vector<1x16xf32>,
      %get3A_185 = vector.shape_cast %get3A_184 : vector<1x16xf32> to vector<16xf32>
      %max3A_186 = arith.maximumf %max3A_180, %get3A_185 : vector<16xf32>
      %get3A_187 = arith.constant 22 : i32
      %get3A_188 = arith.index_cast %get3A_187 : i32 to index
      %get3A_189 = arith.constant 0 : index
      %get3A_190 = tpu.vector_load %arg7[%get3A_188, %get3A_189] {strides = array<i32>} : memref<32x128xf32, #tpu.memory_space<vmem>>, vector<1x16xf32>,
      %get3A_191 = vector.shape_cast %get3A_190 : vector<1x16xf32> to vector<16xf32>
      %max3A_192 = arith.maximumf %max3A_186, %get3A_191 : vector<16xf32>
      %get3A_193 = arith.constant 23 : i32
      %get3A_194 = arith.index_cast %get3A_193 : i32 to index
      %get3A_195 = arith.constant 0 : index
      %get3A_196 = tpu.vector_load %arg7[%get3A_194, %get3A_195] {strides = array<i32>} : memref<32x128xf32, #tpu.memory_space<vmem>>, vector<1x16xf32>,
      %get3A_197 = vector.shape_cast %get3A_196 : vector<1x16xf32> to vector<16xf32>
      %max3A_198 = arith.maximumf %max3A_192, %get3A_197 : vector<16xf32>
      %get3A_199 = arith.constant 24 : i32
      %get3A_200 = arith.index_cast %get3A_199 : i32 to index
      %get3A_201 = arith.constant 0 : index
      %get3A_202 = tpu.vector_load %arg7[%get3A_200, %get3A_201] {strides = array<i32>} : memref<32x128xf32, #tpu.memory_space<vmem>>, vector<1x16xf32>,
      %get3A_203 = vector.shape_cast %get3A_202 : vector<1x16xf32> to vector<16xf32>
      %max3A_204 = arith.maximumf %max3A_198, %get3A_203 : vector<16xf32>
      %get3A_205 = arith.constant 25 : i32
      %get3A_206 = arith.index_cast %get3A_205 : i32 to index
      %get3A_207 = arith.constant 0 : index
      %get3A_208 = tpu.vector_load %arg7[%get3A_206, %get3A_207] {strides = array<i32>} : memref<32x128xf32, #tpu.memory_space<vmem>>, vector<1x16xf32>,
      %get3A_209 = vector.shape_cast %get3A_208 : vector<1x16xf32> to vector<16xf32>
      %max3A_210 = arith.maximumf %max3A_204, %get3A_209 : vector<16xf32>
      %get3A_211 = arith.constant 26 : i32
      %get3A_212 = arith.index_cast %get3A_211 : i32 to index
      %get3A_213 = arith.constant 0 : index
      %get3A_214 = tpu.vector_load %arg7[%get3A_212, %get3A_213] {strides = array<i32>} : memref<32x128xf32, #tpu.memory_space<vmem>>, vector<1x16xf32>,
      %get3A_215 = vector.shape_cast %get3A_214 : vector<1x16xf32> to vector<16xf32>
      %max3A_216 = arith.maximumf %max3A_210, %get3A_215 : vector<16xf32>
      %get3A_217 = arith.constant 27 : i32
      %get3A_218 = arith.index_cast %get3A_217 : i32 to index
      %get3A_219 = arith.constant 0 : index
      %get3A_220 = tpu.vector_load %arg7[%get3A_218, %get3A_219] {strides = array<i32>} : memref<32x128xf32, #tpu.memory_space<vmem>>, vector<1x16xf32>,
      %get3A_221 = vector.shape_cast %get3A_220 : vector<1x16xf32> to vector<16xf32>
      %max3A_222 = arith.maximumf %max3A_216, %get3A_221 : vector<16xf32>
      %get3A_223 = arith.constant 28 : i32
      %get3A_224 = arith.index_cast %get3A_223 : i32 to index
      %get3A_225 = arith.constant 0 : index
      %get3A_226 = tpu.vector_load %arg7[%get3A_224, %get3A_225] {strides = array<i32>} : memref<32x128xf32, #tpu.memory_space<vmem>>, vector<1x16xf32>,
      %get3A_227 = vector.shape_cast %get3A_226 : vector<1x16xf32> to vector<16xf32>
      %max3A_228 = arith.maximumf %max3A_222, %get3A_227 : vector<16xf32>
      %get3A_229 = arith.constant 29 : i32
      %get3A_230 = arith.index_cast %get3A_229 : i32 to index
      %get3A_231 = arith.constant 0 : index
      %get3A_232 = tpu.vector_load %arg7[%get3A_230, %get3A_231] {strides = array<i32>} : memref<32x128xf32, #tpu.memory_space<vmem>>, vector<1x16xf32>,
      %get3A_233 = vector.shape_cast %get3A_232 : vector<1x16xf32> to vector<16xf32>
      %max3A_234 = arith.maximumf %max3A_228, %get3A_233 : vector<16xf32>
      %get3A_235 = arith.constant 30 : i32
      %get3A_236 = arith.index_cast %get3A_235 : i32 to index
      %get3A_237 = arith.constant 0 : index
      %get3A_238 = tpu.vector_load %arg7[%get3A_236, %get3A_237] {strides = array<i32>} : memref<32x128xf32, #tpu.memory_space<vmem>>, vector<1x16xf32>,
      %get3A_239 = vector.shape_cast %get3A_238 : vector<1x16xf32> to vector<16xf32>
      %max3A_240 = arith.maximumf %max3A_234, %get3A_239 : vector<16xf32>
      %get3A_241 = arith.constant 31 : i32
      %get3A_242 = arith.index_cast %get3A_241 : i32 to index
      %get3A_243 = arith.constant 0 : index
      %get3A_244 = tpu.vector_load %arg7[%get3A_242, %get3A_243] {strides = array<i32>} : memref<32x128xf32, #tpu.memory_space<vmem>>, vector<1x16xf32>,
      %get3A_245 = vector.shape_cast %get3A_244 : vector<1x16xf32> to vector<16xf32>
      %max3A_246 = arith.maximumf %max3A_240, %get3A_245 : vector<16xf32>
      %swap3A = arith.constant 0 : index
      %swap3A_247 = tpu.vector_load %arg9[%swap3A] {strides = array<i32>} : memref<128xf32, #tpu.memory_space<vmem>>, vector<16xf32>,
      %swap3A_248 = vector.shape_cast %swap3A_247 : vector<16xf32> to vector<16xf32>
      %swap3A_249 = vector.shape_cast %max3A_246 : vector<16xf32> to vector<16xf32>
      tpu.vector_store %arg9[%swap3A], %swap3A_249 {strides = array<i32>} : memref<128xf32, #tpu.memory_space<vmem>>, vector<16xf32>,
      %get3A_250 = arith.constant 0 : i32
      %get3A_251 = arith.index_cast %get3A_250 : i32 to index
      %get3A_252 = arith.constant 16 : index
      %get3A_253 = tpu.vector_load %arg7[%get3A_251, %get3A_252] {strides = array<i32>} : memref<32x128xf32, #tpu.memory_space<vmem>>, vector<1x16xf32>,
      %get3A_254 = vector.shape_cast %get3A_253 : vector<1x16xf32> to vector<16xf32>
      %get3A_255 = arith.constant 1 : i32
      %get3A_256 = arith.index_cast %get3A_255 : i32 to index
      %get3A_257 = arith.constant 16 : index
      %get3A_258 = tpu.vector_load %arg7[%get3A_256, %get3A_257] {strides = array<i32>} : memref<32x128xf32, #tpu.memory_space<vmem>>, vector<1x16xf32>,
      %get3A_259 = vector.shape_cast %get3A_258 : vector<1x16xf32> to vector<16xf32>
      %max3A_260 = arith.maximumf %get3A_254, %get3A_259 : vector<16xf32>
      %get3A_261 = arith.constant 2 : i32
      %get3A_262 = arith.index_cast %get3A_261 : i32 to index
      %get3A_263 = arith.constant 16 : index
      %get3A_264 = tpu.vector_load %arg7[%get3A_262, %get3A_263] {strides = array<i32>} : memref<32x128xf32, #tpu.memory_space<vmem>>, vector<1x16xf32>,
      %get3A_265 = vector.shape_cast %get3A_264 : vector<1x16xf32> to vector<16xf32>
      %max3A_266 = arith.maximumf %max3A_260, %get3A_265 : vector<16xf32>
      %get3A_267 = arith.constant 3 : i32
      %get3A_268 = arith.index_cast %get3A_267 : i32 to index
      %get3A_269 = arith.constant 16 : index
      %get3A_270 = tpu.vector_load %arg7[%get3A_268, %get3A_269] {strides = array<i32>} : memref<32x128xf32, #tpu.memory_space<vmem>>, vector<1x16xf32>,
      %get3A_271 = vector.shape_cast %get3A_270 : vector<1x16xf32> to vector<16xf32>
      %max3A_272 = arith.maximumf %max3A_266, %get3A_271 : vector<16xf32>
      %get3A_273 = arith.constant 4 : i32
      %get3A_274 = arith.index_cast %get3A_273 : i32 to index
      %get3A_275 = arith.constant 16 : index
      %get3A_276 = tpu.vector_load %arg7[%get3A_274, %get3A_275] {strides = array<i32>} : memref<32x128xf32, #tpu.memory_space<vmem>>, vector<1x16xf32>,
      %get3A_277 = vector.shape_cast %get3A_276 : vector<1x16xf32> to vector<16xf32>
      %max3A_278 = arith.maximumf %max3A_272, %get3A_277 : vector<16xf32>
      %get3A_279 = arith.constant 5 : i32
      %get3A_280 = arith.index_cast %get3A_279 : i32 to index
      %get3A_281 = arith.constant 16 : index
      %get3A_282 = tpu.vector_load %arg7[%get3A_280, %get3A_281] {strides = array<i32>} : memref<32x128xf32, #tpu.memory_space<vmem>>, vector<1x16xf32>,
      %get3A_283 = vector.shape_cast %get3A_282 : vector<1x16xf32> to vector<16xf32>
      %max3A_284 = arith.maximumf %max3A_278, %get3A_283 : vector<16xf32>
      %get3A_285 = arith.constant 6 : i32
      %get3A_286 = arith.index_cast %get3A_285 : i32 to index
      %get3A_287 = arith.constant 16 : index
      %get3A_288 = tpu.vector_load %arg7[%get3A_286, %get3A_287] {strides = array<i32>} : memref<32x128xf32, #tpu.memory_space<vmem>>, vector<1x16xf32>,
      %get3A_289 = vector.shape_cast %get3A_288 : vector<1x16xf32> to vector<16xf32>
      %max3A_290 = arith.maximumf %max3A_284, %get3A_289 : vector<16xf32>
      %get3A_291 = arith.constant 7 : i32
      %get3A_292 = arith.index_cast %get3A_291 : i32 to index
      %get3A_293 = arith.constant 16 : index
      %get3A_294 = tpu.vector_load %arg7[%get3A_292, %get3A_293] {strides = array<i32>} : memref<32x128xf32, #tpu.memory_space<vmem>>, vector<1x16xf32>,
      %get3A_295 = vector.shape_cast %get3A_294 : vector<1x16xf32> to vector<16xf32>
      %max3A_296 = arith.maximumf %max3A_290, %get3A_295 : vector<16xf32>
      %get3A_297 = arith.constant 8 : i32
      %get3A_298 = arith.index_cast %get3A_297 : i32 to index
      %get3A_299 = arith.constant 16 : index
      %get3A_300 = tpu.vector_load %arg7[%get3A_298, %get3A_299] {strides = array<i32>} : memref<32x128xf32, #tpu.memory_space<vmem>>, vector<1x16xf32>,
      %get3A_301 = vector.shape_cast %get3A_300 : vector<1x16xf32> to vector<16xf32>
      %max3A_302 = arith.maximumf %max3A_296, %get3A_301 : vector<16xf32>
      %get3A_303 = arith.constant 9 : i32
      %get3A_304 = arith.index_cast %get3A_303 : i32 to index
      %get3A_305 = arith.constant 16 : index
      %get3A_306 = tpu.vector_load %arg7[%get3A_304, %get3A_305] {strides = array<i32>} : memref<32x128xf32, #tpu.memory_space<vmem>>, vector<1x16xf32>,
      %get3A_307 = vector.shape_cast %get3A_306 : vector<1x16xf32> to vector<16xf32>
      %max3A_308 = arith.maximumf %max3A_302, %get3A_307 : vector<16xf32>
      %get3A_309 = arith.constant 10 : i32
      %get3A_310 = arith.index_cast %get3A_309 : i32 to index
      %get3A_311 = arith.constant 16 : index
      %get3A_312 = tpu.vector_load %arg7[%get3A_310, %get3A_311] {strides = array<i32>} : memref<32x128xf32, #tpu.memory_space<vmem>>, vector<1x16xf32>,
      %get3A_313 = vector.shape_cast %get3A_312 : vector<1x16xf32> to vector<16xf32>
      %max3A_314 = arith.maximumf %max3A_308, %get3A_313 : vector<16xf32>
      %get3A_315 = arith.constant 11 : i32
      %get3A_316 = arith.index_cast %get3A_315 : i32 to index
      %get3A_317 = arith.constant 16 : index
      %get3A_318 = tpu.vector_load %arg7[%get3A_316, %get3A_317] {strides = array<i32>} : memref<32x128xf32, #tpu.memory_space<vmem>>, vector<1x16xf32>,
      %get3A_319 = vector.shape_cast %get3A_318 : vector<1x16xf32> to vector<16xf32>
      %max3A_320 = arith.maximumf %max3A_314, %get3A_319 : vector<16xf32>
      %get3A_321 = arith.constant 12 : i32
      %get3A_322 = arith.index_cast %get3A_321 : i32 to index
      %get3A_323 = arith.constant 16 : index
      %get3A_324 = tpu.vector_load %arg7[%get3A_322, %get3A_323] {strides = array<i32>} : memref<32x128xf32, #tpu.memory_space<vmem>>, vector<1x16xf32>,
      %get3A_325 = vector.shape_cast %get3A_324 : vector<1x16xf32> to vector<16xf32>
      %max3A_326 = arith.maximumf %max3A_320, %get3A_325 : vector<16xf32>
      %get3A_327 = arith.constant 13 : i32
      %get3A_328 = arith.index_cast %get3A_327 : i32 to index
      %get3A_329 = arith.constant 16 : index
      %get3A_330 = tpu.vector_load %arg7[%get3A_328, %get3A_329] {strides = array<i32>} : memref<32x128xf32, #tpu.memory_space<vmem>>, vector<1x16xf32>,
      %get3A_331 = vector.shape_cast %get3A_330 : vector<1x16xf32> to vector<16xf32>
      %max3A_332 = arith.maximumf %max3A_326, %get3A_331 : vector<16xf32>
      %get3A_333 = arith.constant 14 : i32
      %get3A_334 = arith.index_cast %get3A_333 : i32 to index
      %get3A_335 = arith.constant 16 : index
      %get3A_336 = tpu.vector_load %arg7[%get3A_334, %get3A_335] {strides = array<i32>} : memref<32x128xf32, #tpu.memory_space<vmem>>, vector<1x16xf32>,
      %get3A_337 = vector.shape_cast %get3A_336 : vector<1x16xf32> to vector<16xf32>
      %max3A_338 = arith.maximumf %max3A_332, %get3A_337 : vector<16xf32>
      %get3A_339 = arith.constant 15 : i32
      %get3A_340 = arith.index_cast %get3A_339 : i32 to index
      %get3A_341 = arith.constant 16 : index
      %get3A_342 = tpu.vector_load %arg7[%get3A_340, %get3A_341] {strides = array<i32>} : memref<32x128xf32, #tpu.memory_space<vmem>>, vector<1x16xf32>,
      %get3A_343 = vector.shape_cast %get3A_342 : vector<1x16xf32> to vector<16xf32>
      %max3A_344 = arith.maximumf %max3A_338, %get3A_343 : vector<16xf32>
      %get3A_345 = arith.constant 16 : i32
      %get3A_346 = arith.index_cast %get3A_345 : i32 to index
      %get3A_347 = arith.constant 16 : index
      %get3A_348 = tpu.vector_load %arg7[%get3A_346, %get3A_347] {strides = array<i32>} : memref<32x128xf32, #tpu.memory_space<vmem>>, vector<1x16xf32>,
      %get3A_349 = vector.shape_cast %get3A_348 : vector<1x16xf32> to vector<16xf32>
      %max3A_350 = arith.maximumf %max3A_344, %get3A_349 : vector<16xf32>
      %get3A_351 = arith.constant 17 : i32
      %get3A_352 = arith.index_cast %get3A_351 : i32 to index
      %get3A_353 = arith.constant 16 : index
      %get3A_354 = tpu.vector_load %arg7[%get3A_352, %get3A_353] {strides = array<i32>} : memref<32x128xf32, #tpu.memory_space<vmem>>, vector<1x16xf32>,
      %get3A_355 = vector.shape_cast %get3A_354 : vector<1x16xf32> to vector<16xf32>
      %max3A_356 = arith.maximumf %max3A_350, %get3A_355 : vector<16xf32>
      %get3A_357 = arith.constant 18 : i32
      %get3A_358 = arith.index_cast %get3A_357 : i32 to index
      %get3A_359 = arith.constant 16 : index
      %get3A_360 = tpu.vector_load %arg7[%get3A_358, %get3A_359] {strides = array<i32>} : memref<32x128xf32, #tpu.memory_space<vmem>>, vector<1x16xf32>,
      %get3A_361 = vector.shape_cast %get3A_360 : vector<1x16xf32> to vector<16xf32>
      %max3A_362 = arith.maximumf %max3A_356, %get3A_361 : vector<16xf32>
      %get3A_363 = arith.constant 19 : i32
      %get3A_364 = arith.index_cast %get3A_363 : i32 to index
      %get3A_365 = arith.constant 16 : index
      %get3A_366 = tpu.vector_load %arg7[%get3A_364, %get3A_365] {strides = array<i32>} : memref<32x128xf32, #tpu.memory_space<vmem>>, vector<1x16xf32>,
      %get3A_367 = vector.shape_cast %get3A_366 : vector<1x16xf32> to vector<16xf32>
      %max3A_368 = arith.maximumf %max3A_362, %get3A_367 : vector<16xf32>
      %get3A_369 = arith.constant 20 : i32
      %get3A_370 = arith.index_cast %get3A_369 : i32 to index
      %get3A_371 = arith.constant 16 : index
      %get3A_372 = tpu.vector_load %arg7[%get3A_370, %get3A_371] {strides = array<i32>} : memref<32x128xf32, #tpu.memory_space<vmem>>, vector<1x16xf32>,
      %get3A_373 = vector.shape_cast %get3A_372 : vector<1x16xf32> to vector<16xf32>
      %max3A_374 = arith.maximumf %max3A_368, %get3A_373 : vector<16xf32>
      %get3A_375 = arith.constant 21 : i32
      %get3A_376 = arith.index_cast %get3A_375 : i32 to index
      %get3A_377 = arith.constant 16 : index
      %get3A_378 = tpu.vector_load %arg7[%get3A_376, %get3A_377] {strides = array<i32>} : memref<32x128xf32, #tpu.memory_space<vmem>>, vector<1x16xf32>,
      %get3A_379 = vector.shape_cast %get3A_378 : vector<1x16xf32> to vector<16xf32>
      %max3A_380 = arith.maximumf %max3A_374, %get3A_379 : vector<16xf32>
      %get3A_381 = arith.constant 22 : i32
      %get3A_382 = arith.index_cast %get3A_381 : i32 to index
      %get3A_383 = arith.constant 16 : index
      %get3A_384 = tpu.vector_load %arg7[%get3A_382, %get3A_383] {strides = array<i32>} : memref<32x128xf32, #tpu.memory_space<vmem>>, vector<1x16xf32>,
      %get3A_385 = vector.shape_cast %get3A_384 : vector<1x16xf32> to vector<16xf32>
      %max3A_386 = arith.maximumf %max3A_380, %get3A_385 : vector<16xf32>
      %get3A_387 = arith.constant 23 : i32
      %get3A_388 = arith.index_cast %get3A_387 : i32 to index
      %get3A_389 = arith.constant 16 : index
      %get3A_390 = tpu.vector_load %arg7[%get3A_388, %get3A_389] {strides = array<i32>} : memref<32x128xf32, #tpu.memory_space<vmem>>, vector<1x16xf32>,
      %get3A_391 = vector.shape_cast %get3A_390 : vector<1x16xf32> to vector<16xf32>
      %max3A_392 = arith.maximumf %max3A_386, %get3A_391 : vector<16xf32>
      %get3A_393 = arith.constant 24 : i32
      %get3A_394 = arith.index_cast %get3A_393 : i32 to index
      %get3A_395 = arith.constant 16 : index
      %get3A_396 = tpu.vector_load %arg7[%get3A_394, %get3A_395] {strides = array<i32>} : memref<32x128xf32, #tpu.memory_space<vmem>>, vector<1x16xf32>,
      %get3A_397 = vector.shape_cast %get3A_396 : vector<1x16xf32> to vector<16xf32>
      %max3A_398 = arith.maximumf %max3A_392, %get3A_397 : vector<16xf32>
      %get3A_399 = arith.constant 25 : i32
      %get3A_400 = arith.index_cast %get3A_399 : i32 to index
      %get3A_401 = arith.constant 16 : index
      %get3A_402 = tpu.vector_load %arg7[%get3A_400, %get3A_401] {strides = array<i32>} : memref<32x128xf32, #tpu.memory_space<vmem>>, vector<1x16xf32>,
      %get3A_403 = vector.shape_cast %get3A_402 : vector<1x16xf32> to vector<16xf32>
      %max3A_404 = arith.maximumf %max3A_398, %get3A_403 : vector<16xf32>
      %get3A_405 = arith.constant 26 : i32
      %get3A_406 = arith.index_cast %get3A_405 : i32 to index
      %get3A_407 = arith.constant 16 : index
      %get3A_408 = tpu.vector_load %arg7[%get3A_406, %get3A_407] {strides = array<i32>} : memref<32x128xf32, #tpu.memory_space<vmem>>, vector<1x16xf32>,
      %get3A_409 = vector.shape_cast %get3A_408 : vector<1x16xf32> to vector<16xf32>
      %max3A_410 = arith.maximumf %max3A_404, %get3A_409 : vector<16xf32>
      %get3A_411 = arith.constant 27 : i32
      %get3A_412 = arith.index_cast %get3A_411 : i32 to index
      %get3A_413 = arith.constant 16 : index
      %get3A_414 = tpu.vector_load %arg7[%get3A_412, %get3A_413] {strides = array<i32>} : memref<32x128xf32, #tpu.memory_space<vmem>>, vector<1x16xf32>,
      %get3A_415 = vector.shape_cast %get3A_414 : vector<1x16xf32> to vector<16xf32>
      %max3A_416 = arith.maximumf %max3A_410, %get3A_415 : vector<16xf32>
      %get3A_417 = arith.constant 28 : i32
      %get3A_418 = arith.index_cast %get3A_417 : i32 to index
      %get3A_419 = arith.constant 16 : index
      %get3A_420 = tpu.vector_load %arg7[%get3A_418, %get3A_419] {strides = array<i32>} : memref<32x128xf32, #tpu.memory_space<vmem>>, vector<1x16xf32>,
      %get3A_421 = vector.shape_cast %get3A_420 : vector<1x16xf32> to vector<16xf32>
      %max3A_422 = arith.maximumf %max3A_416, %get3A_421 : vector<16xf32>
      %get3A_423 = arith.constant 29 : i32
      %get3A_424 = arith.index_cast %get3A_423 : i32 to index
      %get3A_425 = arith.constant 16 : index
      %get3A_426 = tpu.vector_load %arg7[%get3A_424, %get3A_425] {strides = array<i32>} : memref<32x128xf32, #tpu.memory_space<vmem>>, vector<1x16xf32>,
      %get3A_427 = vector.shape_cast %get3A_426 : vector<1x16xf32> to vector<16xf32>
      %max3A_428 = arith.maximumf %max3A_422, %get3A_427 : vector<16xf32>
      %get3A_429 = arith.constant 30 : i32
      %get3A_430 = arith.index_cast %get3A_429 : i32 to index
      %get3A_431 = arith.constant 16 : index
      %get3A_432 = tpu.vector_load %arg7[%get3A_430, %get3A_431] {strides = array<i32>} : memref<32x128xf32, #tpu.memory_space<vmem>>, vector<1x16xf32>,
      %get3A_433 = vector.shape_cast %get3A_432 : vector<1x16xf32> to vector<16xf32>
      %max3A_434 = arith.maximumf %max3A_428, %get3A_433 : vector<16xf32>
      %get3A_435 = arith.constant 31 : i32
      %get3A_436 = arith.index_cast %get3A_435 : i32 to index
      %get3A_437 = arith.constant 16 : index
      %get3A_438 = tpu.vector_load %arg7[%get3A_436, %get3A_437] {strides = array<i32>} : memref<32x128xf32, #tpu.memory_space<vmem>>, vector<1x16xf32>,
      %get3A_439 = vector.shape_cast %get3A_438 : vector<1x16xf32> to vector<16xf32>
      %max3A_440 = arith.maximumf %max3A_434, %get3A_439 : vector<16xf32>
      %swap3A_441 = arith.constant 16 : index
      %swap3A_442 = tpu.vector_load %arg9[%swap3A_441] {strides = array<i32>} : memref<128xf32, #tpu.memory_space<vmem>>, vector<16xf32>,
      %swap3A_443 = vector.shape_cast %swap3A_442 : vector<16xf32> to vector<16xf32>
      %swap3A_444 = vector.shape_cast %max3A_440 : vector<16xf32> to vector<16xf32>
      tpu.vector_store %arg9[%swap3A_441], %swap3A_444 {strides = array<i32>} : memref<128xf32, #tpu.memory_space<vmem>>, vector<16xf32>,
      %get3A_445 = arith.constant 0 : i32
      %get3A_446 = arith.index_cast %get3A_445 : i32 to index
      %get3A_447 = arith.constant 32 : index
      %get3A_448 = tpu.vector_load %arg7[%get3A_446, %get3A_447] {strides = array<i32>} : memref<32x128xf32, #tpu.memory_space<vmem>>, vector<1x16xf32>,
      %get3A_449 = vector.shape_cast %get3A_448 : vector<1x16xf32> to vector<16xf32>
      %get3A_450 = arith.constant 1 : i32
      %get3A_451 = arith.index_cast %get3A_450 : i32 to index
      %get3A_452 = arith.constant 32 : index
      %get3A_453 = tpu.vector_load %arg7[%get3A_451, %get3A_452] {strides = array<i32>} : memref<32x128xf32, #tpu.memory_space<vmem>>, vector<1x16xf32>,
      %get3A_454 = vector.shape_cast %get3A_453 : vector<1x16xf32> to vector<16xf32>
      %max3A_455 = arith.maximumf %get3A_449, %get3A_454 : vector<16xf32>
      %get3A_456 = arith.constant 2 : i32
      %get3A_457 = arith.index_cast %get3A_456 : i32 to index
      %get3A_458 = arith.constant 32 : index
      %get3A_459 = tpu.vector_load %arg7[%get3A_457, %get3A_458] {strides = array<i32>} : memref<32x128xf32, #tpu.memory_space<vmem>>, vector<1x16xf32>,
      %get3A_460 = vector.shape_cast %get3A_459 : vector<1x16xf32> to vector<16xf32>
      %max3A_461 = arith.maximumf %max3A_455, %get3A_460 : vector<16xf32>
      %get3A_462 = arith.constant 3 : i32
      %get3A_463 = arith.index_cast %get3A_462 : i32 to index
      %get3A_464 = arith.constant 32 : index
      %get3A_465 = tpu.vector_load %arg7[%get3A_463, %get3A_464] {strides = array<i32>} : memref<32x128xf32, #tpu.memory_space<vmem>>, vector<1x16xf32>,
      %get3A_466 = vector.shape_cast %get3A_465 : vector<1x16xf32> to vector<16xf32>
      %max3A_467 = arith.maximumf %max3A_461, %get3A_466 : vector<16xf32>
      %get3A_468 = arith.constant 4 : i32
      %get3A_469 = arith.index_cast %get3A_468 : i32 to index
      %get3A_470 = arith.constant 32 : index
      %get3A_471 = tpu.vector_load %arg7[%get3A_469, %get3A_470] {strides = array<i32>} : memref<32x128xf32, #tpu.memory_space<vmem>>, vector<1x16xf32>,
      %get3A_472 = vector.shape_cast %get3A_471 : vector<1x16xf32> to vector<16xf32>
      %max3A_473 = arith.maximumf %max3A_467, %get3A_472 : vector<16xf32>
      %get3A_474 = arith.constant 5 : i32
      %get3A_475 = arith.index_cast %get3A_474 : i32 to index
      %get3A_476 = arith.constant 32 : index
      %get3A_477 = tpu.vector_load %arg7[%get3A_475, %get3A_476] {strides = array<i32>} : memref<32x128xf32, #tpu.memory_space<vmem>>, vector<1x16xf32>,
      %get3A_478 = vector.shape_cast %get3A_477 : vector<1x16xf32> to vector<16xf32>
      %max3A_479 = arith.maximumf %max3A_473, %get3A_478 : vector<16xf32>
      %get3A_480 = arith.constant 6 : i32
      %get3A_481 = arith.index_cast %get3A_480 : i32 to index
      %get3A_482 = arith.constant 32 : index
      %get3A_483 = tpu.vector_load %arg7[%get3A_481, %get3A_482] {strides = array<i32>} : memref<32x128xf32, #tpu.memory_space<vmem>>, vector<1x16xf32>,
      %get3A_484 = vector.shape_cast %get3A_483 : vector<1x16xf32> to vector<16xf32>
      %max3A_485 = arith.maximumf %max3A_479, %get3A_484 : vector<16xf32>
      %get3A_486 = arith.constant 7 : i32
      %get3A_487 = arith.index_cast %get3A_486 : i32 to index
      %get3A_488 = arith.constant 32 : index
      %get3A_489 = tpu.vector_load %arg7[%get3A_487, %get3A_488] {strides = array<i32>} : memref<32x128xf32, #tpu.memory_space<vmem>>, vector<1x16xf32>,
      %get3A_490 = vector.shape_cast %get3A_489 : vector<1x16xf32> to vector<16xf32>
      %max3A_491 = arith.maximumf %max3A_485, %get3A_490 : vector<16xf32>
      %get3A_492 = arith.constant 8 : i32
      %get3A_493 = arith.index_cast %get3A_492 : i32 to index
      %get3A_494 = arith.constant 32 : index
      %get3A_495 = tpu.vector_load %arg7[%get3A_493, %get3A_494] {strides = array<i32>} : memref<32x128xf32, #tpu.memory_space<vmem>>, vector<1x16xf32>,
      %get3A_496 = vector.shape_cast %get3A_495 : vector<1x16xf32> to vector<16xf32>
      %max3A_497 = arith.maximumf %max3A_491, %get3A_496 : vector<16xf32>
      %get3A_498 = arith.constant 9 : i32
      %get3A_499 = arith.index_cast %get3A_498 : i32 to index
      %get3A_500 = arith.constant 32 : index
      %get3A_501 = tpu.vector_load %arg7[%get3A_499, %get3A_500] {strides = array<i32>} : memref<32x128xf32, #tpu.memory_space<vmem>>, vector<1x16xf32>,
      %get3A_502 = vector.shape_cast %get3A_501 : vector<1x16xf32> to vector<16xf32>
      %max3A_503 = arith.maximumf %max3A_497, %get3A_502 : vector<16xf32>
      %get3A_504 = arith.constant 10 : i32
      %get3A_505 = arith.index_cast %get3A_504 : i32 to index
      %get3A_506 = arith.constant 32 : index
      %get3A_507 = tpu.vector_load %arg7[%get3A_505, %get3A_506] {strides = array<i32>} : memref<32x128xf32, #tpu.memory_space<vmem>>, vector<1x16xf32>,
      %get3A_508 = vector.shape_cast %get3A_507 : vector<1x16xf32> to vector<16xf32>
      %max3A_509 = arith.maximumf %max3A_503, %get3A_508 : vector<16xf32>
      %get3A_510 = arith.constant 11 : i32
      %get3A_511 = arith.index_cast %get3A_510 : i32 to index
      %get3A_512 = arith.constant 32 : index
      %get3A_513 = tpu.vector_load %arg7[%get3A_511, %get3A_512] {strides = array<i32>} : memref<32x128xf32, #tpu.memory_space<vmem>>, vector<1x16xf32>,
      %get3A_514 = vector.shape_cast %get3A_513 : vector<1x16xf32> to vector<16xf32>
      %max3A_515 = arith.maximumf %max3A_509, %get3A_514 : vector<16xf32>
      %get3A_516 = arith.constant 12 : i32
      %get3A_517 = arith.index_cast %get3A_516 : i32 to index
      %get3A_518 = arith.constant 32 : index
      %get3A_519 = tpu.vector_load %arg7[%get3A_517, %get3A_518] {strides = array<i32>} : memref<32x128xf32, #tpu.memory_space<vmem>>, vector<1x16xf32>,
      %get3A_520 = vector.shape_cast %get3A_519 : vector<1x16xf32> to vector<16xf32>
      %max3A_521 = arith.maximumf %max3A_515, %get3A_520 : vector<16xf32>
      %get3A_522 = arith.constant 13 : i32
      %get3A_523 = arith.index_cast %get3A_522 : i32 to index
      %get3A_524 = arith.constant 32 : index
      %get3A_525 = tpu.vector_load %arg7[%get3A_523, %get3A_524] {strides = array<i32>} : memref<32x128xf32, #tpu.memory_space<vmem>>, vector<1x16xf32>,
      %get3A_526 = vector.shape_cast %get3A_525 : vector<1x16xf32> to vector<16xf32>
      %max3A_527 = arith.maximumf %max3A_521, %get3A_526 : vector<16xf32>
      %get3A_528 = arith.constant 14 : i32
      %get3A_529 = arith.index_cast %get3A_528 : i32 to index
      %get3A_530 = arith.constant 32 : index
      %get3A_531 = tpu.vector_load %arg7[%get3A_529, %get3A_530] {strides = array<i32>} : memref<32x128xf32, #tpu.memory_space<vmem>>, vector<1x16xf32>,
      %get3A_532 = vector.shape_cast %get3A_531 : vector<1x16xf32> to vector<16xf32>
      %max3A_533 = arith.maximumf %max3A_527, %get3A_532 : vector<16xf32>
      %get3A_534 = arith.constant 15 : i32
      %get3A_535 = arith.index_cast %get3A_534 : i32 to index
      %get3A_536 = arith.constant 32 : index
      %get3A_537 = tpu.vector_load %arg7[%get3A_535, %get3A_536] {strides = array<i32>} : memref<32x128xf32, #tpu.memory_space<vmem>>, vector<1x16xf32>,
      %get3A_538 = vector.shape_cast %get3A_537 : vector<1x16xf32> to vector<16xf32>
      %max3A_539 = arith.maximumf %max3A_533, %get3A_538 : vector<16xf32>
      %get3A_540 = arith.constant 16 : i32
      %get3A_541 = arith.index_cast %get3A_540 : i32 to index
      %get3A_542 = arith.constant 32 : index
      %get3A_543 = tpu.vector_load %arg7[%get3A_541, %get3A_542] {strides = array<i32>} : memref<32x128xf32, #tpu.memory_space<vmem>>, vector<1x16xf32>,
      %get3A_544 = vector.shape_cast %get3A_543 : vector<1x16xf32> to vector<16xf32>
      %max3A_545 = arith.maximumf %max3A_539, %get3A_544 : vector<16xf32>
      %get3A_546 = arith.constant 17 : i32
      %get3A_547 = arith.index_cast %get3A_546 : i32 to index
      %get3A_548 = arith.constant 32 : index
      %get3A_549 = tpu.vector_load %arg7[%get3A_547, %get3A_548] {strides = array<i32>} : memref<32x128xf32, #tpu.memory_space<vmem>>, vector<1x16xf32>,
      %get3A_550 = vector.shape_cast %get3A_549 : vector<1x16xf32> to vector<16xf32>
      %max3A_551 = arith.maximumf %max3A_545, %get3A_550 : vector<16xf32>
      %get3A_552 = arith.constant 18 : i32
      %get3A_553 = arith.index_cast %get3A_552 : i32 to index
      %get3A_554 = arith.constant 32 : index
      %get3A_555 = tpu.vector_load %arg7[%get3A_553, %get3A_554] {strides = array<i32>} : memref<32x128xf32, #tpu.memory_space<vmem>>, vector<1x16xf32>,
      %get3A_556 = vector.shape_cast %get3A_555 : vector<1x16xf32> to vector<16xf32>
      %max3A_557 = arith.maximumf %max3A_551, %get3A_556 : vector<16xf32>
      %get3A_558 = arith.constant 19 : i32
      %get3A_559 = arith.index_cast %get3A_558 : i32 to index
      %get3A_560 = arith.constant 32 : index
      %get3A_561 = tpu.vector_load %arg7[%get3A_559, %get3A_560] {strides = array<i32>} : memref<32x128xf32, #tpu.memory_space<vmem>>, vector<1x16xf32>,
      %get3A_562 = vector.shape_cast %get3A_561 : vector<1x16xf32> to vector<16xf32>
      %max3A_563 = arith.maximumf %max3A_557, %get3A_562 : vector<16xf32>
      %get3A_564 = arith.constant 20 : i32
      %get3A_565 = arith.index_cast %get3A_564 : i32 to index
      %get3A_566 = arith.constant 32 : index
      %get3A_567 = tpu.vector_load %arg7[%get3A_565, %get3A_566] {strides = array<i32>} : memref<32x128xf32, #tpu.memory_space<vmem>>, vector<1x16xf32>,
      %get3A_568 = vector.shape_cast %get3A_567 : vector<1x16xf32> to vector<16xf32>
      %max3A_569 = arith.maximumf %max3A_563, %get3A_568 : vector<16xf32>
      %get3A_570 = arith.constant 21 : i32
      %get3A_571 = arith.index_cast %get3A_570 : i32 to index
      %get3A_572 = arith.constant 32 : index
      %get3A_573 = tpu.vector_load %arg7[%get3A_571, %get3A_572] {strides = array<i32>} : memref<32x128xf32, #tpu.memory_space<vmem>>, vector<1x16xf32>,
      %get3A_574 = vector.shape_cast %get3A_573 : vector<1x16xf32> to vector<16xf32>
      %max3A_575 = arith.maximumf %max3A_569, %get3A_574 : vector<16xf32>
      %get3A_576 = arith.constant 22 : i32
      %get3A_577 = arith.index_cast %get3A_576 : i32 to index
      %get3A_578 = arith.constant 32 : index
      %get3A_579 = tpu.vector_load %arg7[%get3A_577, %get3A_578] {strides = array<i32>} : memref<32x128xf32, #tpu.memory_space<vmem>>, vector<1x16xf32>,
      %get3A_580 = vector.shape_cast %get3A_579 : vector<1x16xf32> to vector<16xf32>
      %max3A_581 = arith.maximumf %max3A_575, %get3A_580 : vector<16xf32>
      %get3A_582 = arith.constant 23 : i32
      %get3A_583 = arith.index_cast %get3A_582 : i32 to index
      %get3A_584 = arith.constant 32 : index
      %get3A_585 = tpu.vector_load %arg7[%get3A_583, %get3A_584] {strides = array<i32>} : memref<32x128xf32, #tpu.memory_space<vmem>>, vector<1x16xf32>,
      %get3A_586 = vector.shape_cast %get3A_585 : vector<1x16xf32> to vector<16xf32>
      %max3A_587 = arith.maximumf %max3A_581, %get3A_586 : vector<16xf32>
      %get3A_588 = arith.constant 24 : i32
      %get3A_589 = arith.index_cast %get3A_588 : i32 to index
      %get3A_590 = arith.constant 32 : index
      %get3A_591 = tpu.vector_load %arg7[%get3A_589, %get3A_590] {strides = array<i32>} : memref<32x128xf32, #tpu.memory_space<vmem>>, vector<1x16xf32>,
      %get3A_592 = vector.shape_cast %get3A_591 : vector<1x16xf32> to vector<16xf32>
      %max3A_593 = arith.maximumf %max3A_587, %get3A_592 : vector<16xf32>
      %get3A_594 = arith.constant 25 : i32
      %get3A_595 = arith.index_cast %get3A_594 : i32 to index
      %get3A_596 = arith.constant 32 : index
      %get3A_597 = tpu.vector_load %arg7[%get3A_595, %get3A_596] {strides = array<i32>} : memref<32x128xf32, #tpu.memory_space<vmem>>, vector<1x16xf32>,
      %get3A_598 = vector.shape_cast %get3A_597 : vector<1x16xf32> to vector<16xf32>
      %max3A_599 = arith.maximumf %max3A_593, %get3A_598 : vector<16xf32>
      %get3A_600 = arith.constant 26 : i32
      %get3A_601 = arith.index_cast %get3A_600 : i32 to index
      %get3A_602 = arith.constant 32 : index
      %get3A_603 = tpu.vector_load %arg7[%get3A_601, %get3A_602] {strides = array<i32>} : memref<32x128xf32, #tpu.memory_space<vmem>>, vector<1x16xf32>,
      %get3A_604 = vector.shape_cast %get3A_603 : vector<1x16xf32> to vector<16xf32>
      %max3A_605 = arith.maximumf %max3A_599, %get3A_604 : vector<16xf32>
      %get3A_606 = arith.constant 27 : i32
      %get3A_607 = arith.index_cast %get3A_606 : i32 to index
      %get3A_608 = arith.constant 32 : index
      %get3A_609 = tpu.vector_load %arg7[%get3A_607, %get3A_608] {strides = array<i32>} : memref<32x128xf32, #tpu.memory_space<vmem>>, vector<1x16xf32>,
      %get3A_610 = vector.shape_cast %get3A_609 : vector<1x16xf32> to vector<16xf32>
      %max3A_611 = arith.maximumf %max3A_605, %get3A_610 : vector<16xf32>
      %get3A_612 = arith.constant 28 : i32
      %get3A_613 = arith.index_cast %get3A_612 : i32 to index
      %get3A_614 = arith.constant 32 : index
      %get3A_615 = tpu.vector_load %arg7[%get3A_613, %get3A_614] {strides = array<i32>} : memref<32x128xf32, #tpu.memory_space<vmem>>, vector<1x16xf32>,
      %get3A_616 = vector.shape_cast %get3A_615 : vector<1x16xf32> to vector<16xf32>
      %max3A_617 = arith.maximumf %max3A_611, %get3A_616 : vector<16xf32>
      %get3A_618 = arith.constant 29 : i32
      %get3A_619 = arith.index_cast %get3A_618 : i32 to index
      %get3A_620 = arith.constant 32 : index
      %get3A_621 = tpu.vector_load %arg7[%get3A_619, %get3A_620] {strides = array<i32>} : memref<32x128xf32, #tpu.memory_space<vmem>>, vector<1x16xf32>,
      %get3A_622 = vector.shape_cast %get3A_621 : vector<1x16xf32> to vector<16xf32>
      %max3A_623 = arith.maximumf %max3A_617, %get3A_622 : vector<16xf32>
      %get3A_624 = arith.constant 30 : i32
      %get3A_625 = arith.index_cast %get3A_624 : i32 to index
      %get3A_626 = arith.constant 32 : index
      %get3A_627 = tpu.vector_load %arg7[%get3A_625, %get3A_626] {strides = array<i32>} : memref<32x128xf32, #tpu.memory_space<vmem>>, vector<1x16xf32>,
      %get3A_628 = vector.shape_cast %get3A_627 : vector<1x16xf32> to vector<16xf32>
      %max3A_629 = arith.maximumf %max3A_623, %get3A_628 : vector<16xf32>
      %get3A_630 = arith.constant 31 : i32
      %get3A_631 = arith.index_cast %get3A_630 : i32 to index
      %get3A_632 = arith.constant 32 : index
      %get3A_633 = tpu.vector_load %arg7[%get3A_631, %get3A_632] {strides = array<i32>} : memref<32x128xf32, #tpu.memory_space<vmem>>, vector<1x16xf32>,
      %get3A_634 = vector.shape_cast %get3A_633 : vector<1x16xf32> to vector<16xf32>
      %max3A_635 = arith.maximumf %max3A_629, %get3A_634 : vector<16xf32>
      %swap3A_636 = arith.constant 32 : index
      %swap3A_637 = tpu.vector_load %arg9[%swap3A_636] {strides = array<i32>} : memref<128xf32, #tpu.memory_space<vmem>>, vector<16xf32>,
      %swap3A_638 = vector.shape_cast %swap3A_637 : vector<16xf32> to vector<16xf32>
      %swap3A_639 = vector.shape_cast %max3A_635 : vector<16xf32> to vector<16xf32>
      tpu.vector_store %arg9[%swap3A_636], %swap3A_639 {strides = array<i32>} : memref<128xf32, #tpu.memory_space<vmem>>, vector<16xf32>,
      %get3A_640 = arith.constant 0 : i32
      %get3A_641 = arith.index_cast %get3A_640 : i32 to index
      %get3A_642 = arith.constant 48 : index
      %get3A_643 = tpu.vector_load %arg7[%get3A_641, %get3A_642] {strides = array<i32>} : memref<32x128xf32, #tpu.memory_space<vmem>>, vector<1x16xf32>,
      %get3A_644 = vector.shape_cast %get3A_643 : vector<1x16xf32> to vector<16xf32>
      %get3A_645 = arith.constant 1 : i32
      %get3A_646 = arith.index_cast %get3A_645 : i32 to index
      %get3A_647 = arith.constant 48 : index
      %get3A_648 = tpu.vector_load %arg7[%get3A_646, %get3A_647] {strides = array<i32>} : memref<32x128xf32, #tpu.memory_space<vmem>>, vector<1x16xf32>,
      %get3A_649 = vector.shape_cast %get3A_648 : vector<1x16xf32> to vector<16xf32>
      %max3A_650 = arith.maximumf %get3A_644, %get3A_649 : vector<16xf32>
      %get3A_651 = arith.constant 2 : i32
      %get3A_652 = arith.index_cast %get3A_651 : i32 to index
      %get3A_653 = arith.constant 48 : index
      %get3A_654 = tpu.vector_load %arg7[%get3A_652, %get3A_653] {strides = array<i32>} : memref<32x128xf32, #tpu.memory_space<vmem>>, vector<1x16xf32>,
      %get3A_655 = vector.shape_cast %get3A_654 : vector<1x16xf32> to vector<16xf32>
      %max3A_656 = arith.maximumf %max3A_650, %get3A_655 : vector<16xf32>
      %get3A_657 = arith.constant 3 : i32
      %get3A_658 = arith.index_cast %get3A_657 : i32 to index
      %get3A_659 = arith.constant 48 : index
      %get3A_660 = tpu.vector_load %arg7[%get3A_658, %get3A_659] {strides = array<i32>} : memref<32x128xf32, #tpu.memory_space<vmem>>, vector<1x16xf32>,
      %get3A_661 = vector.shape_cast %get3A_660 : vector<1x16xf32> to vector<16xf32>
      %max3A_662 = arith.maximumf %max3A_656, %get3A_661 : vector<16xf32>
      %get3A_663 = arith.constant 4 : i32
      %get3A_664 = arith.index_cast %get3A_663 : i32 to index
      %get3A_665 = arith.constant 48 : index
      %get3A_666 = tpu.vector_load %arg7[%get3A_664, %get3A_665] {strides = array<i32>} : memref<32x128xf32, #tpu.memory_space<vmem>>, vector<1x16xf32>,
      %get3A_667 = vector.shape_cast %get3A_666 : vector<1x16xf32> to vector<16xf32>
      %max3A_668 = arith.maximumf %max3A_662, %get3A_667 : vector<16xf32>
      %get3A_669 = arith.constant 5 : i32
      %get3A_670 = arith.index_cast %get3A_669 : i32 to index
      %get3A_671 = arith.constant 48 : index
      %get3A_672 = tpu.vector_load %arg7[%get3A_670, %get3A_671] {strides = array<i32>} : memref<32x128xf32, #tpu.memory_space<vmem>>, vector<1x16xf32>,
      %get3A_673 = vector.shape_cast %get3A_672 : vector<1x16xf32> to vector<16xf32>
      %max3A_674 = arith.maximumf %max3A_668, %get3A_673 : vector<16xf32>
      %get3A_675 = arith.constant 6 : i32
      %get3A_676 = arith.index_cast %get3A_675 : i32 to index
      %get3A_677 = arith.constant 48 : index
      %get3A_678 = tpu.vector_load %arg7[%get3A_676, %get3A_677] {strides = array<i32>} : memref<32x128xf32, #tpu.memory_space<vmem>>, vector<1x16xf32>,
      %get3A_679 = vector.shape_cast %get3A_678 : vector<1x16xf32> to vector<16xf32>
      %max3A_680 = arith.maximumf %max3A_674, %get3A_679 : vector<16xf32>
      %get3A_681 = arith.constant 7 : i32
      %get3A_682 = arith.index_cast %get3A_681 : i32 to index
      %get3A_683 = arith.constant 48 : index
      %get3A_684 = tpu.vector_load %arg7[%get3A_682, %get3A_683] {strides = array<i32>} : memref<32x128xf32, #tpu.memory_space<vmem>>, vector<1x16xf32>,
      %get3A_685 = vector.shape_cast %get3A_684 : vector<1x16xf32> to vector<16xf32>
      %max3A_686 = arith.maximumf %max3A_680, %get3A_685 : vector<16xf32>
      %get3A_687 = arith.constant 8 : i32
      %get3A_688 = arith.index_cast %get3A_687 : i32 to index
      %get3A_689 = arith.constant 48 : index
      %get3A_690 = tpu.vector_load %arg7[%get3A_688, %get3A_689] {strides = array<i32>} : memref<32x128xf32, #tpu.memory_space<vmem>>, vector<1x16xf32>,
      %get3A_691 = vector.shape_cast %get3A_690 : vector<1x16xf32> to vector<16xf32>
      %max3A_692 = arith.maximumf %max3A_686, %get3A_691 : vector<16xf32>
      %get3A_693 = arith.constant 9 : i32
      %get3A_694 = arith.index_cast %get3A_693 : i32 to index
      %get3A_695 = arith.constant 48 : index
      %get3A_696 = tpu.vector_load %arg7[%get3A_694, %get3A_695] {strides = array<i32>} : memref<32x128xf32, #tpu.memory_space<vmem>>, vector<1x16xf32>,
      %get3A_697 = vector.shape_cast %get3A_696 : vector<1x16xf32> to vector<16xf32>
      %max3A_698 = arith.maximumf %max3A_692, %get3A_697 : vector<16xf32>
      %get3A_699 = arith.constant 10 : i32
      %get3A_700 = arith.index_cast %get3A_699 : i32 to index
      %get3A_701 = arith.constant 48 : index
      %get3A_702 = tpu.vector_load %arg7[%get3A_700, %get3A_701] {strides = array<i32>} : memref<32x128xf32, #tpu.memory_space<vmem>>, vector<1x16xf32>,
      %get3A_703 = vector.shape_cast %get3A_702 : vector<1x16xf32> to vector<16xf32>
      %max3A_704 = arith.maximumf %max3A_698, %get3A_703 : vector<16xf32>
      %get3A_705 = arith.constant 11 : i32
      %get3A_706 = arith.index_cast %get3A_705 : i32 to index
      %get3A_707 = arith.constant 48 : index
      %get3A_708 = tpu.vector_load %arg7[%get3A_706, %get3A_707] {strides = array<i32>} : memref<32x128xf32, #tpu.memory_space<vmem>>, vector<1x16xf32>,
      %get3A_709 = vector.shape_cast %get3A_708 : vector<1x16xf32> to vector<16xf32>
      %max3A_710 = arith.maximumf %max3A_704, %get3A_709 : vector<16xf32>
      %get3A_711 = arith.constant 12 : i32
      %get3A_712 = arith.index_cast %get3A_711 : i32 to index
      %get3A_713 = arith.constant 48 : index
      %get3A_714 = tpu.vector_load %arg7[%get3A_712, %get3A_713] {strides = array<i32>} : memref<32x128xf32, #tpu.memory_space<vmem>>, vector<1x16xf32>,
      %get3A_715 = vector.shape_cast %get3A_714 : vector<1x16xf32> to vector<16xf32>
      %max3A_716 = arith.maximumf %max3A_710, %get3A_715 : vector<16xf32>
      %get3A_717 = arith.constant 13 : i32
      %get3A_718 = arith.index_cast %get3A_717 : i32 to index
      %get3A_719 = arith.constant 48 : index
      %get3A_720 = tpu.vector_load %arg7[%get3A_718, %get3A_719] {strides = array<i32>} : memref<32x128xf32, #tpu.memory_space<vmem>>, vector<1x16xf32>,
      %get3A_721 = vector.shape_cast %get3A_720 : vector<1x16xf32> to vector<16xf32>
      %max3A_722 = arith.maximumf %max3A_716, %get3A_721 : vector<16xf32>
      %get3A_723 = arith.constant 14 : i32
      %get3A_724 = arith.index_cast %get3A_723 : i32 to index
      %get3A_725 = arith.constant 48 : index
      %get3A_726 = tpu.vector_load %arg7[%get3A_724, %get3A_725] {strides = array<i32>} : memref<32x128xf32, #tpu.memory_space<vmem>>, vector<1x16xf32>,
      %get3A_727 = vector.shape_cast %get3A_726 : vector<1x16xf32> to vector<16xf32>
      %max3A_728 = arith.maximumf %max3A_722, %get3A_727 : vector<16xf32>
      %get3A_729 = arith.constant 15 : i32
      %get3A_730 = arith.index_cast %get3A_729 : i32 to index
      %get3A_731 = arith.constant 48 : index
      %get3A_732 = tpu.vector_load %arg7[%get3A_730, %get3A_731] {strides = array<i32>} : memref<32x128xf32, #tpu.memory_space<vmem>>, vector<1x16xf32>,
      %get3A_733 = vector.shape_cast %get3A_732 : vector<1x16xf32> to vector<16xf32>
      %max3A_734 = arith.maximumf %max3A_728, %get3A_733 : vector<16xf32>
      %get3A_735 = arith.constant 16 : i32
      %get3A_736 = arith.index_cast %get3A_735 : i32 to index
      %get3A_737 = arith.constant 48 : index
      %get3A_738 = tpu.vector_load %arg7[%get3A_736, %get3A_737] {strides = array<i32>} : memref<32x128xf32, #tpu.memory_space<vmem>>, vector<1x16xf32>,
      %get3A_739 = vector.shape_cast %get3A_738 : vector<1x16xf32> to vector<16xf32>
      %max3A_740 = arith.maximumf %max3A_734, %get3A_739 : vector<16xf32>
      %get3A_741 = arith.constant 17 : i32
      %get3A_742 = arith.index_cast %get3A_741 : i32 to index
      %get3A_743 = arith.constant 48 : index
      %get3A_744 = tpu.vector_load %arg7[%get3A_742, %get3A_743] {strides = array<i32>} : memref<32x128xf32, #tpu.memory_space<vmem>>, vector<1x16xf32>,
      %get3A_745 = vector.shape_cast %get3A_744 : vector<1x16xf32> to vector<16xf32>
      %max3A_746 = arith.maximumf %max3A_740, %get3A_745 : vector<16xf32>
      %get3A_747 = arith.constant 18 : i32
      %get3A_748 = arith.index_cast %get3A_747 : i32 to index
      %get3A_749 = arith.constant 48 : index
      %get3A_750 = tpu.vector_load %arg7[%get3A_748, %get3A_749] {strides = array<i32>} : memref<32x128xf32, #tpu.memory_space<vmem>>, vector<1x16xf32>,
      %get3A_751 = vector.shape_cast %get3A_750 : vector<1x16xf32> to vector<16xf32>
      %max3A_752 = arith.maximumf %max3A_746, %get3A_751 : vector<16xf32>
      %get3A_753 = arith.constant 19 : i32
      %get3A_754 = arith.index_cast %get3A_753 : i32 to index
      %get3A_755 = arith.constant 48 : index
      %get3A_756 = tpu.vector_load %arg7[%get3A_754, %get3A_755] {strides = array<i32>} : memref<32x128xf32, #tpu.memory_space<vmem>>, vector<1x16xf32>,
      %get3A_757 = vector.shape_cast %get3A_756 : vector<1x16xf32> to vector<16xf32>
      %max3A_758 = arith.maximumf %max3A_752, %get3A_757 : vector<16xf32>
      %get3A_759 = arith.constant 20 : i32
      %get3A_760 = arith.index_cast %get3A_759 : i32 to index
      %get3A_761 = arith.constant 48 : index
      %get3A_762 = tpu.vector_load %arg7[%get3A_760, %get3A_761] {strides = array<i32>} : memref<32x128xf32, #tpu.memory_space<vmem>>, vector<1x16xf32>,
      %get3A_763 = vector.shape_cast %get3A_762 : vector<1x16xf32> to vector<16xf32>
      %max3A_764 = arith.maximumf %max3A_758, %get3A_763 : vector<16xf32>
      %get3A_765 = arith.constant 21 : i32
      %get3A_766 = arith.index_cast %get3A_765 : i32 to index
      %get3A_767 = arith.constant 48 : index
      %get3A_768 = tpu.vector_load %arg7[%get3A_766, %get3A_767] {strides = array<i32>} : memref<32x128xf32, #tpu.memory_space<vmem>>, vector<1x16xf32>,
      %get3A_769 = vector.shape_cast %get3A_768 : vector<1x16xf32> to vector<16xf32>
      %max3A_770 = arith.maximumf %max3A_764, %get3A_769 : vector<16xf32>
      %get3A_771 = arith.constant 22 : i32
      %get3A_772 = arith.index_cast %get3A_771 : i32 to index
      %get3A_773 = arith.constant 48 : index
      %get3A_774 = tpu.vector_load %arg7[%get3A_772, %get3A_773] {strides = array<i32>} : memref<32x128xf32, #tpu.memory_space<vmem>>, vector<1x16xf32>,
      %get3A_775 = vector.shape_cast %get3A_774 : vector<1x16xf32> to vector<16xf32>
      %max3A_776 = arith.maximumf %max3A_770, %get3A_775 : vector<16xf32>
      %get3A_777 = arith.constant 23 : i32
      %get3A_778 = arith.index_cast %get3A_777 : i32 to index
      %get3A_779 = arith.constant 48 : index
      %get3A_780 = tpu.vector_load %arg7[%get3A_778, %get3A_779] {strides = array<i32>} : memref<32x128xf32, #tpu.memory_space<vmem>>, vector<1x16xf32>,
      %get3A_781 = vector.shape_cast %get3A_780 : vector<1x16xf32> to vector<16xf32>
      %max3A_782 = arith.maximumf %max3A_776, %get3A_781 : vector<16xf32>
      %get3A_783 = arith.constant 24 : i32
      %get3A_784 = arith.index_cast %get3A_783 : i32 to index
      %get3A_785 = arith.constant 48 : index
      %get3A_786 = tpu.vector_load %arg7[%get3A_784, %get3A_785] {strides = array<i32>} : memref<32x128xf32, #tpu.memory_space<vmem>>, vector<1x16xf32>,
      %get3A_787 = vector.shape_cast %get3A_786 : vector<1x16xf32> to vector<16xf32>
      %max3A_788 = arith.maximumf %max3A_782, %get3A_787 : vector<16xf32>
      %get3A_789 = arith.constant 25 : i32
      %get3A_790 = arith.index_cast %get3A_789 : i32 to index
      %get3A_791 = arith.constant 48 : index
      %get3A_792 = tpu.vector_load %arg7[%get3A_790, %get3A_791] {strides = array<i32>} : memref<32x128xf32, #tpu.memory_space<vmem>>, vector<1x16xf32>,
      %get3A_793 = vector.shape_cast %get3A_792 : vector<1x16xf32> to vector<16xf32>
      %max3A_794 = arith.maximumf %max3A_788, %get3A_793 : vector<16xf32>
      %get3A_795 = arith.constant 26 : i32
      %get3A_796 = arith.index_cast %get3A_795 : i32 to index
      %get3A_797 = arith.constant 48 : index
      %get3A_798 = tpu.vector_load %arg7[%get3A_796, %get3A_797] {strides = array<i32>} : memref<32x128xf32, #tpu.memory_space<vmem>>, vector<1x16xf32>,
      %get3A_799 = vector.shape_cast %get3A_798 : vector<1x16xf32> to vector<16xf32>
      %max3A_800 = arith.maximumf %max3A_794, %get3A_799 : vector<16xf32>
      %get3A_801 = arith.constant 27 : i32
      %get3A_802 = arith.index_cast %get3A_801 : i32 to index
      %get3A_803 = arith.constant 48 : index
      %get3A_804 = tpu.vector_load %arg7[%get3A_802, %get3A_803] {strides = array<i32>} : memref<32x128xf32, #tpu.memory_space<vmem>>, vector<1x16xf32>,
      %get3A_805 = vector.shape_cast %get3A_804 : vector<1x16xf32> to vector<16xf32>
      %max3A_806 = arith.maximumf %max3A_800, %get3A_805 : vector<16xf32>
      %get3A_807 = arith.constant 28 : i32
      %get3A_808 = arith.index_cast %get3A_807 : i32 to index
      %get3A_809 = arith.constant 48 : index
      %get3A_810 = tpu.vector_load %arg7[%get3A_808, %get3A_809] {strides = array<i32>} : memref<32x128xf32, #tpu.memory_space<vmem>>, vector<1x16xf32>,
      %get3A_811 = vector.shape_cast %get3A_810 : vector<1x16xf32> to vector<16xf32>
      %max3A_812 = arith.maximumf %max3A_806, %get3A_811 : vector<16xf32>
      %get3A_813 = arith.constant 29 : i32
      %get3A_814 = arith.index_cast %get3A_813 : i32 to index
      %get3A_815 = arith.constant 48 : index
      %get3A_816 = tpu.vector_load %arg7[%get3A_814, %get3A_815] {strides = array<i32>} : memref<32x128xf32, #tpu.memory_space<vmem>>, vector<1x16xf32>,
      %get3A_817 = vector.shape_cast %get3A_816 : vector<1x16xf32> to vector<16xf32>
      %max3A_818 = arith.maximumf %max3A_812, %get3A_817 : vector<16xf32>
      %get3A_819 = arith.constant 30 : i32
      %get3A_820 = arith.index_cast %get3A_819 : i32 to index
      %get3A_821 = arith.constant 48 : index
      %get3A_822 = tpu.vector_load %arg7[%get3A_820, %get3A_821] {strides = array<i32>} : memref<32x128xf32, #tpu.memory_space<vmem>>, vector<1x16xf32>,
      %get3A_823 = vector.shape_cast %get3A_822 : vector<1x16xf32> to vector<16xf32>
      %max3A_824 = arith.maximumf %max3A_818, %get3A_823 : vector<16xf32>
      %get3A_825 = arith.constant 31 : i32
      %get3A_826 = arith.index_cast %get3A_825 : i32 to index
      %get3A_827 = arith.constant 48 : index
      %get3A_828 = tpu.vector_load %arg7[%get3A_826, %get3A_827] {strides = array<i32>} : memref<32x128xf32, #tpu.memory_space<vmem>>, vector<1x16xf32>,
      %get3A_829 = vector.shape_cast %get3A_828 : vector<1x16xf32> to vector<16xf32>
      %max3A_830 = arith.maximumf %max3A_824, %get3A_829 : vector<16xf32>
      %swap3A_831 = arith.constant 48 : index
      %swap3A_832 = tpu.vector_load %arg9[%swap3A_831] {strides = array<i32>} : memref<128xf32, #tpu.memory_space<vmem>>, vector<16xf32>,
      %swap3A_833 = vector.shape_cast %swap3A_832 : vector<16xf32> to vector<16xf32>
      %swap3A_834 = vector.shape_cast %max3A_830 : vector<16xf32> to vector<16xf32>
      tpu.vector_store %arg9[%swap3A_831], %swap3A_834 {strides = array<i32>} : memref<128xf32, #tpu.memory_space<vmem>>, vector<16xf32>,
      %get3A_835 = arith.constant 0 : i32
      %get3A_836 = arith.index_cast %get3A_835 : i32 to index
      %get3A_837 = arith.constant 64 : index
      %get3A_838 = tpu.vector_load %arg7[%get3A_836, %get3A_837] {strides = array<i32>} : memref<32x128xf32, #tpu.memory_space<vmem>>, vector<1x16xf32>,
      %get3A_839 = vector.shape_cast %get3A_838 : vector<1x16xf32> to vector<16xf32>
      %get3A_840 = arith.constant 1 : i32
      %get3A_841 = arith.index_cast %get3A_840 : i32 to index
      %get3A_842 = arith.constant 64 : index
      %get3A_843 = tpu.vector_load %arg7[%get3A_841, %get3A_842] {strides = array<i32>} : memref<32x128xf32, #tpu.memory_space<vmem>>, vector<1x16xf32>,
      %get3A_844 = vector.shape_cast %get3A_843 : vector<1x16xf32> to vector<16xf32>
      %max3A_845 = arith.maximumf %get3A_839, %get3A_844 : vector<16xf32>
      %get3A_846 = arith.constant 2 : i32
      %get3A_847 = arith.index_cast %get3A_846 : i32 to index
      %get3A_848 = arith.constant 64 : index
      %get3A_849 = tpu.vector_load %arg7[%get3A_847, %get3A_848] {strides = array<i32>} : memref<32x128xf32, #tpu.memory_space<vmem>>, vector<1x16xf32>,
      %get3A_850 = vector.shape_cast %get3A_849 : vector<1x16xf32> to vector<16xf32>
      %max3A_851 = arith.maximumf %max3A_845, %get3A_850 : vector<16xf32>
      %get3A_852 = arith.constant 3 : i32
      %get3A_853 = arith.index_cast %get3A_852 : i32 to index
      %get3A_854 = arith.constant 64 : index
      %get3A_855 = tpu.vector_load %arg7[%get3A_853, %get3A_854] {strides = array<i32>} : memref<32x128xf32, #tpu.memory_space<vmem>>, vector<1x16xf32>,
      %get3A_856 = vector.shape_cast %get3A_855 : vector<1x16xf32> to vector<16xf32>
      %max3A_857 = arith.maximumf %max3A_851, %get3A_856 : vector<16xf32>
      %get3A_858 = arith.constant 4 : i32
      %get3A_859 = arith.index_cast %get3A_858 : i32 to index
      %get3A_860 = arith.constant 64 : index
      %get3A_861 = tpu.vector_load %arg7[%get3A_859, %get3A_860] {strides = array<i32>} : memref<32x128xf32, #tpu.memory_space<vmem>>, vector<1x16xf32>,
      %get3A_862 = vector.shape_cast %get3A_861 : vector<1x16xf32> to vector<16xf32>
      %max3A_863 = arith.maximumf %max3A_857, %get3A_862 : vector<16xf32>
      %get3A_864 = arith.constant 5 : i32
      %get3A_865 = arith.index_cast %get3A_864 : i32 to index
      %get3A_866 = arith.constant 64 : index
      %get3A_867 = tpu.vector_load %arg7[%get3A_865, %get3A_866] {strides = array<i32>} : memref<32x128xf32, #tpu.memory_space<vmem>>, vector<1x16xf32>,
      %get3A_868 = vector.shape_cast %get3A_867 : vector<1x16xf32> to vector<16xf32>
      %max3A_869 = arith.maximumf %max3A_863, %get3A_868 : vector<16xf32>
      %get3A_870 = arith.constant 6 : i32
      %get3A_871 = arith.index_cast %get3A_870 : i32 to index
      %get3A_872 = arith.constant 64 : index
      %get3A_873 = tpu.vector_load %arg7[%get3A_871, %get3A_872] {strides = array<i32>} : memref<32x128xf32, #tpu.memory_space<vmem>>, vector<1x16xf32>,
      %get3A_874 = vector.shape_cast %get3A_873 : vector<1x16xf32> to vector<16xf32>
      %max3A_875 = arith.maximumf %max3A_869, %get3A_874 : vector<16xf32>
      %get3A_876 = arith.constant 7 : i32
      %get3A_877 = arith.index_cast %get3A_876 : i32 to index
      %get3A_878 = arith.constant 64 : index
      %get3A_879 = tpu.vector_load %arg7[%get3A_877, %get3A_878] {strides = array<i32>} : memref<32x128xf32, #tpu.memory_space<vmem>>, vector<1x16xf32>,
      %get3A_880 = vector.shape_cast %get3A_879 : vector<1x16xf32> to vector<16xf32>
      %max3A_881 = arith.maximumf %max3A_875, %get3A_880 : vector<16xf32>
      %get3A_882 = arith.constant 8 : i32
      %get3A_883 = arith.index_cast %get3A_882 : i32 to index
      %get3A_884 = arith.constant 64 : index
      %get3A_885 = tpu.vector_load %arg7[%get3A_883, %get3A_884] {strides = array<i32>} : memref<32x128xf32, #tpu.memory_space<vmem>>, vector<1x16xf32>,
      %get3A_886 = vector.shape_cast %get3A_885 : vector<1x16xf32> to vector<16xf32>
      %max3A_887 = arith.maximumf %max3A_881, %get3A_886 : vector<16xf32>
      %get3A_888 = arith.constant 9 : i32
      %get3A_889 = arith.index_cast %get3A_888 : i32 to index
      %get3A_890 = arith.constant 64 : index
      %get3A_891 = tpu.vector_load %arg7[%get3A_889, %get3A_890] {strides = array<i32>} : memref<32x128xf32, #tpu.memory_space<vmem>>, vector<1x16xf32>,
      %get3A_892 = vector.shape_cast %get3A_891 : vector<1x16xf32> to vector<16xf32>
      %max3A_893 = arith.maximumf %max3A_887, %get3A_892 : vector<16xf32>
      %get3A_894 = arith.constant 10 : i32
      %get3A_895 = arith.index_cast %get3A_894 : i32 to index
      %get3A_896 = arith.constant 64 : index
      %get3A_897 = tpu.vector_load %arg7[%get3A_895, %get3A_896] {strides = array<i32>} : memref<32x128xf32, #tpu.memory_space<vmem>>, vector<1x16xf32>,
      %get3A_898 = vector.shape_cast %get3A_897 : vector<1x16xf32> to vector<16xf32>
      %max3A_899 = arith.maximumf %max3A_893, %get3A_898 : vector<16xf32>
      %get3A_900 = arith.constant 11 : i32
      %get3A_901 = arith.index_cast %get3A_900 : i32 to index
      %get3A_902 = arith.constant 64 : index
      %get3A_903 = tpu.vector_load %arg7[%get3A_901, %get3A_902] {strides = array<i32>} : memref<32x128xf32, #tpu.memory_space<vmem>>, vector<1x16xf32>,
      %get3A_904 = vector.shape_cast %get3A_903 : vector<1x16xf32> to vector<16xf32>
      %max3A_905 = arith.maximumf %max3A_899, %get3A_904 : vector<16xf32>
      %get3A_906 = arith.constant 12 : i32
      %get3A_907 = arith.index_cast %get3A_906 : i32 to index
      %get3A_908 = arith.constant 64 : index
      %get3A_909 = tpu.vector_load %arg7[%get3A_907, %get3A_908] {strides = array<i32>} : memref<32x128xf32, #tpu.memory_space<vmem>>, vector<1x16xf32>,
      %get3A_910 = vector.shape_cast %get3A_909 : vector<1x16xf32> to vector<16xf32>
      %max3A_911 = arith.maximumf %max3A_905, %get3A_910 : vector<16xf32>
      %get3A_912 = arith.constant 13 : i32
      %get3A_913 = arith.index_cast %get3A_912 : i32 to index
      %get3A_914 = arith.constant 64 : index
      %get3A_915 = tpu.vector_load %arg7[%get3A_913, %get3A_914] {strides = array<i32>} : memref<32x128xf32, #tpu.memory_space<vmem>>, vector<1x16xf32>,
      %get3A_916 = vector.shape_cast %get3A_915 : vector<1x16xf32> to vector<16xf32>
      %max3A_917 = arith.maximumf %max3A_911, %get3A_916 : vector<16xf32>
      %get3A_918 = arith.constant 14 : i32
      %get3A_919 = arith.index_cast %get3A_918 : i32 to index
      %get3A_920 = arith.constant 64 : index
      %get3A_921 = tpu.vector_load %arg7[%get3A_919, %get3A_920] {strides = array<i32>} : memref<32x128xf32, #tpu.memory_space<vmem>>, vector<1x16xf32>,
      %get3A_922 = vector.shape_cast %get3A_921 : vector<1x16xf32> to vector<16xf32>
      %max3A_923 = arith.maximumf %max3A_917, %get3A_922 : vector<16xf32>
      %get3A_924 = arith.constant 15 : i32
      %get3A_925 = arith.index_cast %get3A_924 : i32 to index
      %get3A_926 = arith.constant 64 : index
      %get3A_927 = tpu.vector_load %arg7[%get3A_925, %get3A_926] {strides = array<i32>} : memref<32x128xf32, #tpu.memory_space<vmem>>, vector<1x16xf32>,
      %get3A_928 = vector.shape_cast %get3A_927 : vector<1x16xf32> to vector<16xf32>
      %max3A_929 = arith.maximumf %max3A_923, %get3A_928 : vector<16xf32>
      %get3A_930 = arith.constant 16 : i32
      %get3A_931 = arith.index_cast %get3A_930 : i32 to index
      %get3A_932 = arith.constant 64 : index
      %get3A_933 = tpu.vector_load %arg7[%get3A_931, %get3A_932] {strides = array<i32>} : memref<32x128xf32, #tpu.memory_space<vmem>>, vector<1x16xf32>,
      %get3A_934 = vector.shape_cast %get3A_933 : vector<1x16xf32> to vector<16xf32>
      %max3A_935 = arith.maximumf %max3A_929, %get3A_934 : vector<16xf32>
      %get3A_936 = arith.constant 17 : i32
      %get3A_937 = arith.index_cast %get3A_936 : i32 to index
      %get3A_938 = arith.constant 64 : index
      %get3A_939 = tpu.vector_load %arg7[%get3A_937, %get3A_938] {strides = array<i32>} : memref<32x128xf32, #tpu.memory_space<vmem>>, vector<1x16xf32>,
      %get3A_940 = vector.shape_cast %get3A_939 : vector<1x16xf32> to vector<16xf32>
      %max3A_941 = arith.maximumf %max3A_935, %get3A_940 : vector<16xf32>
      %get3A_942 = arith.constant 18 : i32
      %get3A_943 = arith.index_cast %get3A_942 : i32 to index
      %get3A_944 = arith.constant 64 : index
      %get3A_945 = tpu.vector_load %arg7[%get3A_943, %get3A_944] {strides = array<i32>} : memref<32x128xf32, #tpu.memory_space<vmem>>, vector<1x16xf32>,
      %get3A_946 = vector.shape_cast %get3A_945 : vector<1x16xf32> to vector<16xf32>
      %max3A_947 = arith.maximumf %max3A_941, %get3A_946 : vector<16xf32>
      %get3A_948 = arith.constant 19 : i32
      %get3A_949 = arith.index_cast %get3A_948 : i32 to index
      %get3A_950 = arith.constant 64 : index
      %get3A_951 = tpu.vector_load %arg7[%get3A_949, %get3A_950] {strides = array<i32>} : memref<32x128xf32, #tpu.memory_space<vmem>>, vector<1x16xf32>,
      %get3A_952 = vector.shape_cast %get3A_951 : vector<1x16xf32> to vector<16xf32>
      %max3A_953 = arith.maximumf %max3A_947, %get3A_952 : vector<16xf32>
      %get3A_954 = arith.constant 20 : i32
      %get3A_955 = arith.index_cast %get3A_954 : i32 to index
      %get3A_956 = arith.constant 64 : index
      %get3A_957 = tpu.vector_load %arg7[%get3A_955, %get3A_956] {strides = array<i32>} : memref<32x128xf32, #tpu.memory_space<vmem>>, vector<1x16xf32>,
      %get3A_958 = vector.shape_cast %get3A_957 : vector<1x16xf32> to vector<16xf32>
      %max3A_959 = arith.maximumf %max3A_953, %get3A_958 : vector<16xf32>
      %get3A_960 = arith.constant 21 : i32
      %get3A_961 = arith.index_cast %get3A_960 : i32 to index
      %get3A_962 = arith.constant 64 : index
      %get3A_963 = tpu.vector_load %arg7[%get3A_961, %get3A_962] {strides = array<i32>} : memref<32x128xf32, #tpu.memory_space<vmem>>, vector<1x16xf32>,
      %get3A_964 = vector.shape_cast %get3A_963 : vector<1x16xf32> to vector<16xf32>
      %max3A_965 = arith.maximumf %max3A_959, %get3A_964 : vector<16xf32>
      %get3A_966 = arith.constant 22 : i32
      %get3A_967 = arith.index_cast %get3A_966 : i32 to index
      %get3A_968 = arith.constant 64 : index
      %get3A_969 = tpu.vector_load %arg7[%get3A_967, %get3A_968] {strides = array<i32>} : memref<32x128xf32, #tpu.memory_space<vmem>>, vector<1x16xf32>,
      %get3A_970 = vector.shape_cast %get3A_969 : vector<1x16xf32> to vector<16xf32>
      %max3A_971 = arith.maximumf %max3A_965, %get3A_970 : vector<16xf32>
      %get3A_972 = arith.constant 23 : i32
      %get3A_973 = arith.index_cast %get3A_972 : i32 to index
      %get3A_974 = arith.constant 64 : index
      %get3A_975 = tpu.vector_load %arg7[%get3A_973, %get3A_974] {strides = array<i32>} : memref<32x128xf32, #tpu.memory_space<vmem>>, vector<1x16xf32>,
      %get3A_976 = vector.shape_cast %get3A_975 : vector<1x16xf32> to vector<16xf32>
      %max3A_977 = arith.maximumf %max3A_971, %get3A_976 : vector<16xf32>
      %get3A_978 = arith.constant 24 : i32
      %get3A_979 = arith.index_cast %get3A_978 : i32 to index
      %get3A_980 = arith.constant 64 : index
      %get3A_981 = tpu.vector_load %arg7[%get3A_979, %get3A_980] {strides = array<i32>} : memref<32x128xf32, #tpu.memory_space<vmem>>, vector<1x16xf32>,
      %get3A_982 = vector.shape_cast %get3A_981 : vector<1x16xf32> to vector<16xf32>
      %max3A_983 = arith.maximumf %max3A_977, %get3A_982 : vector<16xf32>
      %get3A_984 = arith.constant 25 : i32
      %get3A_985 = arith.index_cast %get3A_984 : i32 to index
      %get3A_986 = arith.constant 64 : index
      %get3A_987 = tpu.vector_load %arg7[%get3A_985, %get3A_986] {strides = array<i32>} : memref<32x128xf32, #tpu.memory_space<vmem>>, vector<1x16xf32>,
      %get3A_988 = vector.shape_cast %get3A_987 : vector<1x16xf32> to vector<16xf32>
      %max3A_989 = arith.maximumf %max3A_983, %get3A_988 : vector<16xf32>
      %get3A_990 = arith.constant 26 : i32
      %get3A_991 = arith.index_cast %get3A_990 : i32 to index
      %get3A_992 = arith.constant 64 : index
      %get3A_993 = tpu.vector_load %arg7[%get3A_991, %get3A_992] {strides = array<i32>} : memref<32x128xf32, #tpu.memory_space<vmem>>, vector<1x16xf32>,
      %get3A_994 = vector.shape_cast %get3A_993 : vector<1x16xf32> to vector<16xf32>
      %max3A_995 = arith.maximumf %max3A_989, %get3A_994 : vector<16xf32>
      %get3A_996 = arith.constant 27 : i32
      %get3A_997 = arith.index_cast %get3A_996 : i32 to index
      %get3A_998 = arith.constant 64 : index
      %get3A_999 = tpu.vector_load %arg7[%get3A_997, %get3A_998] {strides = array<i32>} : memref<32x128xf32, #tpu.memory_space<vmem>>, vector<1x16xf32>,
      %get3A_1000 = vector.shape_cast %get3A_999 : vector<1x16xf32> to vector<16xf32>
      %max3A_1001 = arith.maximumf %max3A_995, %get3A_1000 : vector<16xf32>
      %get3A_1002 = arith.constant 28 : i32
      %get3A_1003 = arith.index_cast %get3A_1002 : i32 to index
      %get3A_1004 = arith.constant 64 : index
      %get3A_1005 = tpu.vector_load %arg7[%get3A_1003, %get3A_1004] {strides = array<i32>} : memref<32x128xf32, #tpu.memory_space<vmem>>, vector<1x16xf32>,
      %get3A_1006 = vector.shape_cast %get3A_1005 : vector<1x16xf32> to vector<16xf32>
      %max3A_1007 = arith.maximumf %max3A_1001, %get3A_1006 : vector<16xf32>
      %get3A_1008 = arith.constant 29 : i32
      %get3A_1009 = arith.index_cast %get3A_1008 : i32 to index
      %get3A_1010 = arith.constant 64 : index
      %get3A_1011 = tpu.vector_load %arg7[%get3A_1009, %get3A_1010] {strides = array<i32>} : memref<32x128xf32, #tpu.memory_space<vmem>>, vector<1x16xf32>,
      %get3A_1012 = vector.shape_cast %get3A_1011 : vector<1x16xf32> to vector<16xf32>
      %max3A_1013 = arith.maximumf %max3A_1007, %get3A_1012 : vector<16xf32>
      %get3A_1014 = arith.constant 30 : i32
      %get3A_1015 = arith.index_cast %get3A_1014 : i32 to index
      %get3A_1016 = arith.constant 64 : index
      %get3A_1017 = tpu.vector_load %arg7[%get3A_1015, %get3A_1016] {strides = array<i32>} : memref<32x128xf32, #tpu.memory_space<vmem>>, vector<1x16xf32>,
      %get3A_1018 = vector.shape_cast %get3A_1017 : vector<1x16xf32> to vector<16xf32>
      %max3A_1019 = arith.maximumf %max3A_1013, %get3A_1018 : vector<16xf32>
      %get3A_1020 = arith.constant 31 : i32
      %get3A_1021 = arith.index_cast %get3A_1020 : i32 to index
      %get3A_1022 = arith.constant 64 : index
      %get3A_1023 = tpu.vector_load %arg7[%get3A_1021, %get3A_1022] {strides = array<i32>} : memref<32x128xf32, #tpu.memory_space<vmem>>, vector<1x16xf32>,
      %get3A_1024 = vector.shape_cast %get3A_1023 : vector<1x16xf32> to vector<16xf32>
      %max3A_1025 = arith.maximumf %max3A_1019, %get3A_1024 : vector<16xf32>
      %swap3A_1026 = arith.constant 64 : index
      %swap3A_1027 = tpu.vector_load %arg9[%swap3A_1026] {strides = array<i32>} : memref<128xf32, #tpu.memory_space<vmem>>, vector<16xf32>,
      %swap3A_1028 = vector.shape_cast %swap3A_1027 : vector<16xf32> to vector<16xf32>
      %swap3A_1029 = vector.shape_cast %max3A_1025 : vector<16xf32> to vector<16xf32>
      tpu.vector_store %arg9[%swap3A_1026], %swap3A_1029 {strides = array<i32>} : memref<128xf32, #tpu.memory_space<vmem>>, vector<16xf32>,
      %get3A_1030 = arith.constant 0 : i32
      %get3A_1031 = arith.index_cast %get3A_1030 : i32 to index
      %get3A_1032 = arith.constant 80 : index
      %get3A_1033 = tpu.vector_load %arg7[%get3A_1031, %get3A_1032] {strides = array<i32>} : memref<32x128xf32, #tpu.memory_space<vmem>>, vector<1x16xf32>,
      %get3A_1034 = vector.shape_cast %get3A_1033 : vector<1x16xf32> to vector<16xf32>
      %get3A_1035 = arith.constant 1 : i32
      %get3A_1036 = arith.index_cast %get3A_1035 : i32 to index
      %get3A_1037 = arith.constant 80 : index
      %get3A_1038 = tpu.vector_load %arg7[%get3A_1036, %get3A_1037] {strides = array<i32>} : memref<32x128xf32, #tpu.memory_space<vmem>>, vector<1x16xf32>,
      %get3A_1039 = vector.shape_cast %get3A_1038 : vector<1x16xf32> to vector<16xf32>
      %max3A_1040 = arith.maximumf %get3A_1034, %get3A_1039 : vector<16xf32>
      %get3A_1041 = arith.constant 2 : i32
      %get3A_1042 = arith.index_cast %get3A_1041 : i32 to index
      %get3A_1043 = arith.constant 80 : index
      %get3A_1044 = tpu.vector_load %arg7[%get3A_1042, %get3A_1043] {strides = array<i32>} : memref<32x128xf32, #tpu.memory_space<vmem>>, vector<1x16xf32>,
      %get3A_1045 = vector.shape_cast %get3A_1044 : vector<1x16xf32> to vector<16xf32>
      %max3A_1046 = arith.maximumf %max3A_1040, %get3A_1045 : vector<16xf32>
      %get3A_1047 = arith.constant 3 : i32
      %get3A_1048 = arith.index_cast %get3A_1047 : i32 to index
      %get3A_1049 = arith.constant 80 : index
      %get3A_1050 = tpu.vector_load %arg7[%get3A_1048, %get3A_1049] {strides = array<i32>} : memref<32x128xf32, #tpu.memory_space<vmem>>, vector<1x16xf32>,
      %get3A_1051 = vector.shape_cast %get3A_1050 : vector<1x16xf32> to vector<16xf32>
      %max3A_1052 = arith.maximumf %max3A_1046, %get3A_1051 : vector<16xf32>
      %get3A_1053 = arith.constant 4 : i32
      %get3A_1054 = arith.index_cast %get3A_1053 : i32 to index
      %get3A_1055 = arith.constant 80 : index
      %get3A_1056 = tpu.vector_load %arg7[%get3A_1054, %get3A_1055] {strides = array<i32>} : memref<32x128xf32, #tpu.memory_space<vmem>>, vector<1x16xf32>,
      %get3A_1057 = vector.shape_cast %get3A_1056 : vector<1x16xf32> to vector<16xf32>
      %max3A_1058 = arith.maximumf %max3A_1052, %get3A_1057 : vector<16xf32>
      %get3A_1059 = arith.constant 5 : i32
      %get3A_1060 = arith.index_cast %get3A_1059 : i32 to index
      %get3A_1061 = arith.constant 80 : index
      %get3A_1062 = tpu.vector_load %arg7[%get3A_1060, %get3A_1061] {strides = array<i32>} : memref<32x128xf32, #tpu.memory_space<vmem>>, vector<1x16xf32>,
      %get3A_1063 = vector.shape_cast %get3A_1062 : vector<1x16xf32> to vector<16xf32>
      %max3A_1064 = arith.maximumf %max3A_1058, %get3A_1063 : vector<16xf32>
      %get3A_1065 = arith.constant 6 : i32
      %get3A_1066 = arith.index_cast %get3A_1065 : i32 to index
      %get3A_1067 = arith.constant 80 : index
      %get3A_1068 = tpu.vector_load %arg7[%get3A_1066, %get3A_1067] {strides = array<i32>} : memref<32x128xf32, #tpu.memory_space<vmem>>, vector<1x16xf32>,
      %get3A_1069 = vector.shape_cast %get3A_1068 : vector<1x16xf32> to vector<16xf32>
      %max3A_1070 = arith.maximumf %max3A_1064, %get3A_1069 : vector<16xf32>
      %get3A_1071 = arith.constant 7 : i32
      %get3A_1072 = arith.index_cast %get3A_1071 : i32 to index
      %get3A_1073 = arith.constant 80 : index
      %get3A_1074 = tpu.vector_load %arg7[%get3A_1072, %get3A_1073] {strides = array<i32>} : memref<32x128xf32, #tpu.memory_space<vmem>>, vector<1x16xf32>,
      %get3A_1075 = vector.shape_cast %get3A_1074 : vector<1x16xf32> to vector<16xf32>
      %max3A_1076 = arith.maximumf %max3A_1070, %get3A_1075 : vector<16xf32>
      %get3A_1077 = arith.constant 8 : i32
      %get3A_1078 = arith.index_cast %get3A_1077 : i32 to index
      %get3A_1079 = arith.constant 80 : index
      %get3A_1080 = tpu.vector_load %arg7[%get3A_1078, %get3A_1079] {strides = array<i32>} : memref<32x128xf32, #tpu.memory_space<vmem>>, vector<1x16xf32>,
      %get3A_1081 = vector.shape_cast %get3A_1080 : vector<1x16xf32> to vector<16xf32>
      %max3A_1082 = arith.maximumf %max3A_1076, %get3A_1081 : vector<16xf32>
      %get3A_1083 = arith.constant 9 : i32
      %get3A_1084 = arith.index_cast %get3A_1083 : i32 to index
      %get3A_1085 = arith.constant 80 : index
      %get3A_1086 = tpu.vector_load %arg7[%get3A_1084, %get3A_1085] {strides = array<i32>} : memref<32x128xf32, #tpu.memory_space<vmem>>, vector<1x16xf32>,
      %get3A_1087 = vector.shape_cast %get3A_1086 : vector<1x16xf32> to vector<16xf32>
      %max3A_1088 = arith.maximumf %max3A_1082, %get3A_1087 : vector<16xf32>
      %get3A_1089 = arith.constant 10 : i32
      %get3A_1090 = arith.index_cast %get3A_1089 : i32 to index
      %get3A_1091 = arith.constant 80 : index
      %get3A_1092 = tpu.vector_load %arg7[%get3A_1090, %get3A_1091] {strides = array<i32>} : memref<32x128xf32, #tpu.memory_space<vmem>>, vector<1x16xf32>,
      %get3A_1093 = vector.shape_cast %get3A_1092 : vector<1x16xf32> to vector<16xf32>
      %max3A_1094 = arith.maximumf %max3A_1088, %get3A_1093 : vector<16xf32>
      %get3A_1095 = arith.constant 11 : i32
      %get3A_1096 = arith.index_cast %get3A_1095 : i32 to index
      %get3A_1097 = arith.constant 80 : index
      %get3A_1098 = tpu.vector_load %arg7[%get3A_1096, %get3A_1097] {strides = array<i32>} : memref<32x128xf32, #tpu.memory_space<vmem>>, vector<1x16xf32>,
      %get3A_1099 = vector.shape_cast %get3A_1098 : vector<1x16xf32> to vector<16xf32>
      %max3A_1100 = arith.maximumf %max3A_1094, %get3A_1099 : vector<16xf32>
      %get3A_1101 = arith.constant 12 : i32
      %get3A_1102 = arith.index_cast %get3A_1101 : i32 to index
      %get3A_1103 = arith.constant 80 : index
      %get3A_1104 = tpu.vector_load %arg7[%get3A_1102, %get3A_1103] {strides = array<i32>} : memref<32x128xf32, #tpu.memory_space<vmem>>, vector<1x16xf32>,
      %get3A_1105 = vector.shape_cast %get3A_1104 : vector<1x16xf32> to vector<16xf32>
      %max3A_1106 = arith.maximumf %max3A_1100, %get3A_1105 : vector<16xf32>
      %get3A_1107 = arith.constant 13 : i32
      %get3A_1108 = arith.index_cast %get3A_1107 : i32 to index
      %get3A_1109 = arith.constant 80 : index
      %get3A_1110 = tpu.vector_load %arg7[%get3A_1108, %get3A_1109] {strides = array<i32>} : memref<32x128xf32, #tpu.memory_space<vmem>>, vector<1x16xf32>,
      %get3A_1111 = vector.shape_cast %get3A_1110 : vector<1x16xf32> to vector<16xf32>
      %max3A_1112 = arith.maximumf %max3A_1106, %get3A_1111 : vector<16xf32>
      %get3A_1113 = arith.constant 14 : i32
      %get3A_1114 = arith.index_cast %get3A_1113 : i32 to index
      %get3A_1115 = arith.constant 80 : index
      %get3A_1116 = tpu.vector_load %arg7[%get3A_1114, %get3A_1115] {strides = array<i32>} : memref<32x128xf32, #tpu.memory_space<vmem>>, vector<1x16xf32>,
      %get3A_1117 = vector.shape_cast %get3A_1116 : vector<1x16xf32> to vector<16xf32>
      %max3A_1118 = arith.maximumf %max3A_1112, %get3A_1117 : vector<16xf32>
      %get3A_1119 = arith.constant 15 : i32
      %get3A_1120 = arith.index_cast %get3A_1119 : i32 to index
      %get3A_1121 = arith.constant 80 : index
      %get3A_1122 = tpu.vector_load %arg7[%get3A_1120, %get3A_1121] {strides = array<i32>} : memref<32x128xf32, #tpu.memory_space<vmem>>, vector<1x16xf32>,
      %get3A_1123 = vector.shape_cast %get3A_1122 : vector<1x16xf32> to vector<16xf32>
      %max3A_1124 = arith.maximumf %max3A_1118, %get3A_1123 : vector<16xf32>
      %get3A_1125 = arith.constant 16 : i32
      %get3A_1126 = arith.index_cast %get3A_1125 : i32 to index
      %get3A_1127 = arith.constant 80 : index
      %get3A_1128 = tpu.vector_load %arg7[%get3A_1126, %get3A_1127] {strides = array<i32>} : memref<32x128xf32, #tpu.memory_space<vmem>>, vector<1x16xf32>,
      %get3A_1129 = vector.shape_cast %get3A_1128 : vector<1x16xf32> to vector<16xf32>
      %max3A_1130 = arith.maximumf %max3A_1124, %get3A_1129 : vector<16xf32>
      %get3A_1131 = arith.constant 17 : i32
      %get3A_1132 = arith.index_cast %get3A_1131 : i32 to index
      %get3A_1133 = arith.constant 80 : index
      %get3A_1134 = tpu.vector_load %arg7[%get3A_1132, %get3A_1133] {strides = array<i32>} : memref<32x128xf32, #tpu.memory_space<vmem>>, vector<1x16xf32>,
      %get3A_1135 = vector.shape_cast %get3A_1134 : vector<1x16xf32> to vector<16xf32>
      %max3A_1136 = arith.maximumf %max3A_1130, %get3A_1135 : vector<16xf32>
      %get3A_1137 = arith.constant 18 : i32
      %get3A_1138 = arith.index_cast %get3A_1137 : i32 to index
      %get3A_1139 = arith.constant 80 : index
      %get3A_1140 = tpu.vector_load %arg7[%get3A_1138, %get3A_1139] {strides = array<i32>} : memref<32x128xf32, #tpu.memory_space<vmem>>, vector<1x16xf32>,
      %get3A_1141 = vector.shape_cast %get3A_1140 : vector<1x16xf32> to vector<16xf32>
      %max3A_1142 = arith.maximumf %max3A_1136, %get3A_1141 : vector<16xf32>
      %get3A_1143 = arith.constant 19 : i32
      %get3A_1144 = arith.index_cast %get3A_1143 : i32 to index
      %get3A_1145 = arith.constant 80 : index
      %get3A_1146 = tpu.vector_load %arg7[%get3A_1144, %get3A_1145] {strides = array<i32>} : memref<32x128xf32, #tpu.memory_space<vmem>>, vector<1x16xf32>,
      %get3A_1147 = vector.shape_cast %get3A_1146 : vector<1x16xf32> to vector<16xf32>
      %max3A_1148 = arith.maximumf %max3A_1142, %get3A_1147 : vector<16xf32>
      %get3A_1149 = arith.constant 20 : i32
      %get3A_1150 = arith.index_cast %get3A_1149 : i32 to index
      %get3A_1151 = arith.constant 80 : index
      %get3A_1152 = tpu.vector_load %arg7[%get3A_1150, %get3A_1151] {strides = array<i32>} : memref<32x128xf32, #tpu.memory_space<vmem>>, vector<1x16xf32>,
      %get3A_1153 = vector.shape_cast %get3A_1152 : vector<1x16xf32> to vector<16xf32>
      %max3A_1154 = arith.maximumf %max3A_1148, %get3A_1153 : vector<16xf32>
      %get3A_1155 = arith.constant 21 : i32
      %get3A_1156 = arith.index_cast %get3A_1155 : i32 to index
      %get3A_1157 = arith.constant 80 : index
      %get3A_1158 = tpu.vector_load %arg7[%get3A_1156, %get3A_1157] {strides = array<i32>} : memref<32x128xf32, #tpu.memory_space<vmem>>, vector<1x16xf32>,
      %get3A_1159 = vector.shape_cast %get3A_1158 : vector<1x16xf32> to vector<16xf32>
      %max3A_1160 = arith.maximumf %max3A_1154, %get3A_1159 : vector<16xf32>
      %get3A_1161 = arith.constant 22 : i32
      %get3A_1162 = arith.index_cast %get3A_1161 : i32 to index
      %get3A_1163 = arith.constant 80 : index
      %get3A_1164 = tpu.vector_load %arg7[%get3A_1162, %get3A_1163] {strides = array<i32>} : memref<32x128xf32, #tpu.memory_space<vmem>>, vector<1x16xf32>,
      %get3A_1165 = vector.shape_cast %get3A_1164 : vector<1x16xf32> to vector<16xf32>
      %max3A_1166 = arith.maximumf %max3A_1160, %get3A_1165 : vector<16xf32>
      %get3A_1167 = arith.constant 23 : i32
      %get3A_1168 = arith.index_cast %get3A_1167 : i32 to index
      %get3A_1169 = arith.constant 80 : index
      %get3A_1170 = tpu.vector_load %arg7[%get3A_1168, %get3A_1169] {strides = array<i32>} : memref<32x128xf32, #tpu.memory_space<vmem>>, vector<1x16xf32>,
      %get3A_1171 = vector.shape_cast %get3A_1170 : vector<1x16xf32> to vector<16xf32>
      %max3A_1172 = arith.maximumf %max3A_1166, %get3A_1171 : vector<16xf32>
      %get3A_1173 = arith.constant 24 : i32
      %get3A_1174 = arith.index_cast %get3A_1173 : i32 to index
      %get3A_1175 = arith.constant 80 : index
      %get3A_1176 = tpu.vector_load %arg7[%get3A_1174, %get3A_1175] {strides = array<i32>} : memref<32x128xf32, #tpu.memory_space<vmem>>, vector<1x16xf32>,
      %get3A_1177 = vector.shape_cast %get3A_1176 : vector<1x16xf32> to vector<16xf32>
      %max3A_1178 = arith.maximumf %max3A_1172, %get3A_1177 : vector<16xf32>
      %get3A_1179 = arith.constant 25 : i32
      %get3A_1180 = arith.index_cast %get3A_1179 : i32 to index
      %get3A_1181 = arith.constant 80 : index
      %get3A_1182 = tpu.vector_load %arg7[%get3A_1180, %get3A_1181] {strides = array<i32>} : memref<32x128xf32, #tpu.memory_space<vmem>>, vector<1x16xf32>,
      %get3A_1183 = vector.shape_cast %get3A_1182 : vector<1x16xf32> to vector<16xf32>
      %max3A_1184 = arith.maximumf %max3A_1178, %get3A_1183 : vector<16xf32>
      %get3A_1185 = arith.constant 26 : i32
      %get3A_1186 = arith.index_cast %get3A_1185 : i32 to index
      %get3A_1187 = arith.constant 80 : index
      %get3A_1188 = tpu.vector_load %arg7[%get3A_1186, %get3A_1187] {strides = array<i32>} : memref<32x128xf32, #tpu.memory_space<vmem>>, vector<1x16xf32>,
      %get3A_1189 = vector.shape_cast %get3A_1188 : vector<1x16xf32> to vector<16xf32>
      %max3A_1190 = arith.maximumf %max3A_1184, %get3A_1189 : vector<16xf32>
      %get3A_1191 = arith.constant 27 : i32
      %get3A_1192 = arith.index_cast %get3A_1191 : i32 to index
      %get3A_1193 = arith.constant 80 : index
      %get3A_1194 = tpu.vector_load %arg7[%get3A_1192, %get3A_1193] {strides = array<i32>} : memref<32x128xf32, #tpu.memory_space<vmem>>, vector<1x16xf32>,
      %get3A_1195 = vector.shape_cast %get3A_1194 : vector<1x16xf32> to vector<16xf32>
      %max3A_1196 = arith.maximumf %max3A_1190, %get3A_1195 : vector<16xf32>
      %get3A_1197 = arith.constant 28 : i32
      %get3A_1198 = arith.index_cast %get3A_1197 : i32 to index
      %get3A_1199 = arith.constant 80 : index
      %get3A_1200 = tpu.vector_load %arg7[%get3A_1198, %get3A_1199] {strides = array<i32>} : memref<32x128xf32, #tpu.memory_space<vmem>>, vector<1x16xf32>,
      %get3A_1201 = vector.shape_cast %get3A_1200 : vector<1x16xf32> to vector<16xf32>
      %max3A_1202 = arith.maximumf %max3A_1196, %get3A_1201 : vector<16xf32>
      %get3A_1203 = arith.constant 29 : i32
      %get3A_1204 = arith.index_cast %get3A_1203 : i32 to index
      %get3A_1205 = arith.constant 80 : index
      %get3A_1206 = tpu.vector_load %arg7[%get3A_1204, %get3A_1205] {strides = array<i32>} : memref<32x128xf32, #tpu.memory_space<vmem>>, vector<1x16xf32>,
      %get3A_1207 = vector.shape_cast %get3A_1206 : vector<1x16xf32> to vector<16xf32>
      %max3A_1208 = arith.maximumf %max3A_1202, %get3A_1207 : vector<16xf32>
      %get3A_1209 = arith.constant 30 : i32
      %get3A_1210 = arith.index_cast %get3A_1209 : i32 to index
      %get3A_1211 = arith.constant 80 : index
      %get3A_1212 = tpu.vector_load %arg7[%get3A_1210, %get3A_1211] {strides = array<i32>} : memref<32x128xf32, #tpu.memory_space<vmem>>, vector<1x16xf32>,
      %get3A_1213 = vector.shape_cast %get3A_1212 : vector<1x16xf32> to vector<16xf32>
      %max3A_1214 = arith.maximumf %max3A_1208, %get3A_1213 : vector<16xf32>
      %get3A_1215 = arith.constant 31 : i32
      %get3A_1216 = arith.index_cast %get3A_1215 : i32 to index
      %get3A_1217 = arith.constant 80 : index
      %get3A_1218 = tpu.vector_load %arg7[%get3A_1216, %get3A_1217] {strides = array<i32>} : memref<32x128xf32, #tpu.memory_space<vmem>>, vector<1x16xf32>,
      %get3A_1219 = vector.shape_cast %get3A_1218 : vector<1x16xf32> to vector<16xf32>
      %max3A_1220 = arith.maximumf %max3A_1214, %get3A_1219 : vector<16xf32>
      %swap3A_1221 = arith.constant 80 : index
      %swap3A_1222 = tpu.vector_load %arg9[%swap3A_1221] {strides = array<i32>} : memref<128xf32, #tpu.memory_space<vmem>>, vector<16xf32>,
      %swap3A_1223 = vector.shape_cast %swap3A_1222 : vector<16xf32> to vector<16xf32>
      %swap3A_1224 = vector.shape_cast %max3A_1220 : vector<16xf32> to vector<16xf32>
      tpu.vector_store %arg9[%swap3A_1221], %swap3A_1224 {strides = array<i32>} : memref<128xf32, #tpu.memory_space<vmem>>, vector<16xf32>,
      %get3A_1225 = arith.constant 0 : i32
      %get3A_1226 = arith.index_cast %get3A_1225 : i32 to index
      %get3A_1227 = arith.constant 96 : index
      %get3A_1228 = tpu.vector_load %arg7[%get3A_1226, %get3A_1227] {strides = array<i32>} : memref<32x128xf32, #tpu.memory_space<vmem>>, vector<1x16xf32>,
      %get3A_1229 = vector.shape_cast %get3A_1228 : vector<1x16xf32> to vector<16xf32>
      %get3A_1230 = arith.constant 1 : i32
      %get3A_1231 = arith.index_cast %get3A_1230 : i32 to index
      %get3A_1232 = arith.constant 96 : index
      %get3A_1233 = tpu.vector_load %arg7[%get3A_1231, %get3A_1232] {strides = array<i32>} : memref<32x128xf32, #tpu.memory_space<vmem>>, vector<1x16xf32>,
      %get3A_1234 = vector.shape_cast %get3A_1233 : vector<1x16xf32> to vector<16xf32>
      %max3A_1235 = arith.maximumf %get3A_1229, %get3A_1234 : vector<16xf32>
      %get3A_1236 = arith.constant 2 : i32
      %get3A_1237 = arith.index_cast %get3A_1236 : i32 to index
      %get3A_1238 = arith.constant 96 : index
      %get3A_1239 = tpu.vector_load %arg7[%get3A_1237, %get3A_1238] {strides = array<i32>} : memref<32x128xf32, #tpu.memory_space<vmem>>, vector<1x16xf32>,
      %get3A_1240 = vector.shape_cast %get3A_1239 : vector<1x16xf32> to vector<16xf32>
      %max3A_1241 = arith.maximumf %max3A_1235, %get3A_1240 : vector<16xf32>
      %get3A_1242 = arith.constant 3 : i32
      %get3A_1243 = arith.index_cast %get3A_1242 : i32 to index
      %get3A_1244 = arith.constant 96 : index
      %get3A_1245 = tpu.vector_load %arg7[%get3A_1243, %get3A_1244] {strides = array<i32>} : memref<32x128xf32, #tpu.memory_space<vmem>>, vector<1x16xf32>,
      %get3A_1246 = vector.shape_cast %get3A_1245 : vector<1x16xf32> to vector<16xf32>
      %max3A_1247 = arith.maximumf %max3A_1241, %get3A_1246 : vector<16xf32>
      %get3A_1248 = arith.constant 4 : i32
      %get3A_1249 = arith.index_cast %get3A_1248 : i32 to index
      %get3A_1250 = arith.constant 96 : index
      %get3A_1251 = tpu.vector_load %arg7[%get3A_1249, %get3A_1250] {strides = array<i32>} : memref<32x128xf32, #tpu.memory_space<vmem>>, vector<1x16xf32>,
      %get3A_1252 = vector.shape_cast %get3A_1251 : vector<1x16xf32> to vector<16xf32>
      %max3A_1253 = arith.maximumf %max3A_1247, %get3A_1252 : vector<16xf32>
      %get3A_1254 = arith.constant 5 : i32
      %get3A_1255 = arith.index_cast %get3A_1254 : i32 to index
      %get3A_1256 = arith.constant 96 : index
      %get3A_1257 = tpu.vector_load %arg7[%get3A_1255, %get3A_1256] {strides = array<i32>} : memref<32x128xf32, #tpu.memory_space<vmem>>, vector<1x16xf32>,
      %get3A_1258 = vector.shape_cast %get3A_1257 : vector<1x16xf32> to vector<16xf32>
      %max3A_1259 = arith.maximumf %max3A_1253, %get3A_1258 : vector<16xf32>
      %get3A_1260 = arith.constant 6 : i32
      %get3A_1261 = arith.index_cast %get3A_1260 : i32 to index
      %get3A_1262 = arith.constant 96 : index
      %get3A_1263 = tpu.vector_load %arg7[%get3A_1261, %get3A_1262] {strides = array<i32>} : memref<32x128xf32, #tpu.memory_space<vmem>>, vector<1x16xf32>,
      %get3A_1264 = vector.shape_cast %get3A_1263 : vector<1x16xf32> to vector<16xf32>
      %max3A_1265 = arith.maximumf %max3A_1259, %get3A_1264 : vector<16xf32>
      %get3A_1266 = arith.constant 7 : i32
      %get3A_1267 = arith.index_cast %get3A_1266 : i32 to index
      %get3A_1268 = arith.constant 96 : index
      %get3A_1269 = tpu.vector_load %arg7[%get3A_1267, %get3A_1268] {strides = array<i32>} : memref<32x128xf32, #tpu.memory_space<vmem>>, vector<1x16xf32>,
      %get3A_1270 = vector.shape_cast %get3A_1269 : vector<1x16xf32> to vector<16xf32>
      %max3A_1271 = arith.maximumf %max3A_1265, %get3A_1270 : vector<16xf32>
      %get3A_1272 = arith.constant 8 : i32
      %get3A_1273 = arith.index_cast %get3A_1272 : i32 to index
      %get3A_1274 = arith.constant 96 : index
      %get3A_1275 = tpu.vector_load %arg7[%get3A_1273, %get3A_1274] {strides = array<i32>} : memref<32x128xf32, #tpu.memory_space<vmem>>, vector<1x16xf32>,
      %get3A_1276 = vector.shape_cast %get3A_1275 : vector<1x16xf32> to vector<16xf32>
      %max3A_1277 = arith.maximumf %max3A_1271, %get3A_1276 : vector<16xf32>
      %get3A_1278 = arith.constant 9 : i32
      %get3A_1279 = arith.index_cast %get3A_1278 : i32 to index
      %get3A_1280 = arith.constant 96 : index
      %get3A_1281 = tpu.vector_load %arg7[%get3A_1279, %get3A_1280] {strides = array<i32>} : memref<32x128xf32, #tpu.memory_space<vmem>>, vector<1x16xf32>,
      %get3A_1282 = vector.shape_cast %get3A_1281 : vector<1x16xf32> to vector<16xf32>
      %max3A_1283 = arith.maximumf %max3A_1277, %get3A_1282 : vector<16xf32>
      %get3A_1284 = arith.constant 10 : i32
      %get3A_1285 = arith.index_cast %get3A_1284 : i32 to index
      %get3A_1286 = arith.constant 96 : index
      %get3A_1287 = tpu.vector_load %arg7[%get3A_1285, %get3A_1286] {strides = array<i32>} : memref<32x128xf32, #tpu.memory_space<vmem>>, vector<1x16xf32>,
      %get3A_1288 = vector.shape_cast %get3A_1287 : vector<1x16xf32> to vector<16xf32>
      %max3A_1289 = arith.maximumf %max3A_1283, %get3A_1288 : vector<16xf32>
      %get3A_1290 = arith.constant 11 : i32
      %get3A_1291 = arith.index_cast %get3A_1290 : i32 to index
      %get3A_1292 = arith.constant 96 : index
      %get3A_1293 = tpu.vector_load %arg7[%get3A_1291, %get3A_1292] {strides = array<i32>} : memref<32x128xf32, #tpu.memory_space<vmem>>, vector<1x16xf32>,
      %get3A_1294 = vector.shape_cast %get3A_1293 : vector<1x16xf32> to vector<16xf32>
      %max3A_1295 = arith.maximumf %max3A_1289, %get3A_1294 : vector<16xf32>
      %get3A_1296 = arith.constant 12 : i32
      %get3A_1297 = arith.index_cast %get3A_1296 : i32 to index
      %get3A_1298 = arith.constant 96 : index
      %get3A_1299 = tpu.vector_load %arg7[%get3A_1297, %get3A_1298] {strides = array<i32>} : memref<32x128xf32, #tpu.memory_space<vmem>>, vector<1x16xf32>,
      %get3A_1300 = vector.shape_cast %get3A_1299 : vector<1x16xf32> to vector<16xf32>
      %max3A_1301 = arith.maximumf %max3A_1295, %get3A_1300 : vector<16xf32>
      %get3A_1302 = arith.constant 13 : i32
      %get3A_1303 = arith.index_cast %get3A_1302 : i32 to index
      %get3A_1304 = arith.constant 96 : index
      %get3A_1305 = tpu.vector_load %arg7[%get3A_1303, %get3A_1304] {strides = array<i32>} : memref<32x128xf32, #tpu.memory_space<vmem>>, vector<1x16xf32>,
      %get3A_1306 = vector.shape_cast %get3A_1305 : vector<1x16xf32> to vector<16xf32>
      %max3A_1307 = arith.maximumf %max3A_1301, %get3A_1306 : vector<16xf32>
      %get3A_1308 = arith.constant 14 : i32
      %get3A_1309 = arith.index_cast %get3A_1308 : i32 to index
      %get3A_1310 = arith.constant 96 : index
      %get3A_1311 = tpu.vector_load %arg7[%get3A_1309, %get3A_1310] {strides = array<i32>} : memref<32x128xf32, #tpu.memory_space<vmem>>, vector<1x16xf32>,
      %get3A_1312 = vector.shape_cast %get3A_1311 : vector<1x16xf32> to vector<16xf32>
      %max3A_1313 = arith.maximumf %max3A_1307, %get3A_1312 : vector<16xf32>
      %get3A_1314 = arith.constant 15 : i32
      %get3A_1315 = arith.index_cast %get3A_1314 : i32 to index
      %get3A_1316 = arith.constant 96 : index
      %get3A_1317 = tpu.vector_load %arg7[%get3A_1315, %get3A_1316] {strides = array<i32>} : memref<32x128xf32, #tpu.memory_space<vmem>>, vector<1x16xf32>,
      %get3A_1318 = vector.shape_cast %get3A_1317 : vector<1x16xf32> to vector<16xf32>
      %max3A_1319 = arith.maximumf %max3A_1313, %get3A_1318 : vector<16xf32>
      %get3A_1320 = arith.constant 16 : i32
      %get3A_1321 = arith.index_cast %get3A_1320 : i32 to index
      %get3A_1322 = arith.constant 96 : index
      %get3A_1323 = tpu.vector_load %arg7[%get3A_1321, %get3A_1322] {strides = array<i32>} : memref<32x128xf32, #tpu.memory_space<vmem>>, vector<1x16xf32>,
      %get3A_1324 = vector.shape_cast %get3A_1323 : vector<1x16xf32> to vector<16xf32>
      %max3A_1325 = arith.maximumf %max3A_1319, %get3A_1324 : vector<16xf32>
      %get3A_1326 = arith.constant 17 : i32
      %get3A_1327 = arith.index_cast %get3A_1326 : i32 to index
      %get3A_1328 = arith.constant 96 : index
      %get3A_1329 = tpu.vector_load %arg7[%get3A_1327, %get3A_1328] {strides = array<i32>} : memref<32x128xf32, #tpu.memory_space<vmem>>, vector<1x16xf32>,
      %get3A_1330 = vector.shape_cast %get3A_1329 : vector<1x16xf32> to vector<16xf32>
      %max3A_1331 = arith.maximumf %max3A_1325, %get3A_1330 : vector<16xf32>
      %get3A_1332 = arith.constant 18 : i32
      %get3A_1333 = arith.index_cast %get3A_1332 : i32 to index
      %get3A_1334 = arith.constant 96 : index
      %get3A_1335 = tpu.vector_load %arg7[%get3A_1333, %get3A_1334] {strides = array<i32>} : memref<32x128xf32, #tpu.memory_space<vmem>>, vector<1x16xf32>,
      %get3A_1336 = vector.shape_cast %get3A_1335 : vector<1x16xf32> to vector<16xf32>
      %max3A_1337 = arith.maximumf %max3A_1331, %get3A_1336 : vector<16xf32>
      %get3A_1338 = arith.constant 19 : i32
      %get3A_1339 = arith.index_cast %get3A_1338 : i32 to index
      %get3A_1340 = arith.constant 96 : index
      %get3A_1341 = tpu.vector_load %arg7[%get3A_1339, %get3A_1340] {strides = array<i32>} : memref<32x128xf32, #tpu.memory_space<vmem>>, vector<1x16xf32>,
      %get3A_1342 = vector.shape_cast %get3A_1341 : vector<1x16xf32> to vector<16xf32>
      %max3A_1343 = arith.maximumf %max3A_1337, %get3A_1342 : vector<16xf32>
      %get3A_1344 = arith.constant 20 : i32
      %get3A_1345 = arith.index_cast %get3A_1344 : i32 to index
      %get3A_1346 = arith.constant 96 : index
      %get3A_1347 = tpu.vector_load %arg7[%get3A_1345, %get3A_1346] {strides = array<i32>} : memref<32x128xf32, #tpu.memory_space<vmem>>, vector<1x16xf32>,
      %get3A_1348 = vector.shape_cast %get3A_1347 : vector<1x16xf32> to vector<16xf32>
      %max3A_1349 = arith.maximumf %max3A_1343, %get3A_1348 : vector<16xf32>
      %get3A_1350 = arith.constant 21 : i32
      %get3A_1351 = arith.index_cast %get3A_1350 : i32 to index
      %get3A_1352 = arith.constant 96 : index
      %get3A_1353 = tpu.vector_load %arg7[%get3A_1351, %get3A_1352] {strides = array<i32>} : memref<32x128xf32, #tpu.memory_space<vmem>>, vector<1x16xf32>,
      %get3A_1354 = vector.shape_cast %get3A_1353 : vector<1x16xf32> to vector<16xf32>
      %max3A_1355 = arith.maximumf %max3A_1349, %get3A_1354 : vector<16xf32>
      %get3A_1356 = arith.constant 22 : i32
      %get3A_1357 = arith.index_cast %get3A_1356 : i32 to index
      %get3A_1358 = arith.constant 96 : index
      %get3A_1359 = tpu.vector_load %arg7[%get3A_1357, %get3A_1358] {strides = array<i32>} : memref<32x128xf32, #tpu.memory_space<vmem>>, vector<1x16xf32>,
      %get3A_1360 = vector.shape_cast %get3A_1359 : vector<1x16xf32> to vector<16xf32>
      %max3A_1361 = arith.maximumf %max3A_1355, %get3A_1360 : vector<16xf32>
      %get3A_1362 = arith.constant 23 : i32
      %get3A_1363 = arith.index_cast %get3A_1362 : i32 to index
      %get3A_1364 = arith.constant 96 : index
      %get3A_1365 = tpu.vector_load %arg7[%get3A_1363, %get3A_1364] {strides = array<i32>} : memref<32x128xf32, #tpu.memory_space<vmem>>, vector<1x16xf32>,
      %get3A_1366 = vector.shape_cast %get3A_1365 : vector<1x16xf32> to vector<16xf32>
      %max3A_1367 = arith.maximumf %max3A_1361, %get3A_1366 : vector<16xf32>
      %get3A_1368 = arith.constant 24 : i32
      %get3A_1369 = arith.index_cast %get3A_1368 : i32 to index
      %get3A_1370 = arith.constant 96 : index
      %get3A_1371 = tpu.vector_load %arg7[%get3A_1369, %get3A_1370] {strides = array<i32>} : memref<32x128xf32, #tpu.memory_space<vmem>>, vector<1x16xf32>,
      %get3A_1372 = vector.shape_cast %get3A_1371 : vector<1x16xf32> to vector<16xf32>
      %max3A_1373 = arith.maximumf %max3A_1367, %get3A_1372 : vector<16xf32>
      %get3A_1374 = arith.constant 25 : i32
      %get3A_1375 = arith.index_cast %get3A_1374 : i32 to index
      %get3A_1376 = arith.constant 96 : index
      %get3A_1377 = tpu.vector_load %arg7[%get3A_1375, %get3A_1376] {strides = array<i32>} : memref<32x128xf32, #tpu.memory_space<vmem>>, vector<1x16xf32>,
      %get3A_1378 = vector.shape_cast %get3A_1377 : vector<1x16xf32> to vector<16xf32>
      %max3A_1379 = arith.maximumf %max3A_1373, %get3A_1378 : vector<16xf32>
      %get3A_1380 = arith.constant 26 : i32
      %get3A_1381 = arith.index_cast %get3A_1380 : i32 to index
      %get3A_1382 = arith.constant 96 : index
      %get3A_1383 = tpu.vector_load %arg7[%get3A_1381, %get3A_1382] {strides = array<i32>} : memref<32x128xf32, #tpu.memory_space<vmem>>, vector<1x16xf32>,
      %get3A_1384 = vector.shape_cast %get3A_1383 : vector<1x16xf32> to vector<16xf32>
      %max3A_1385 = arith.maximumf %max3A_1379, %get3A_1384 : vector<16xf32>
      %get3A_1386 = arith.constant 27 : i32
      %get3A_1387 = arith.index_cast %get3A_1386 : i32 to index
      %get3A_1388 = arith.constant 96 : index
      %get3A_1389 = tpu.vector_load %arg7[%get3A_1387, %get3A_1388] {strides = array<i32>} : memref<32x128xf32, #tpu.memory_space<vmem>>, vector<1x16xf32>,
      %get3A_1390 = vector.shape_cast %get3A_1389 : vector<1x16xf32> to vector<16xf32>
      %max3A_1391 = arith.maximumf %max3A_1385, %get3A_1390 : vector<16xf32>
      %get3A_1392 = arith.constant 28 : i32
      %get3A_1393 = arith.index_cast %get3A_1392 : i32 to index
      %get3A_1394 = arith.constant 96 : index
      %get3A_1395 = tpu.vector_load %arg7[%get3A_1393, %get3A_1394] {strides = array<i32>} : memref<32x128xf32, #tpu.memory_space<vmem>>, vector<1x16xf32>,
      %get3A_1396 = vector.shape_cast %get3A_1395 : vector<1x16xf32> to vector<16xf32>
      %max3A_1397 = arith.maximumf %max3A_1391, %get3A_1396 : vector<16xf32>
      %get3A_1398 = arith.constant 29 : i32
      %get3A_1399 = arith.index_cast %get3A_1398 : i32 to index
      %get3A_1400 = arith.constant 96 : index
      %get3A_1401 = tpu.vector_load %arg7[%get3A_1399, %get3A_1400] {strides = array<i32>} : memref<32x128xf32, #tpu.memory_space<vmem>>, vector<1x16xf32>,
      %get3A_1402 = vector.shape_cast %get3A_1401 : vector<1x16xf32> to vector<16xf32>
      %max3A_1403 = arith.maximumf %max3A_1397, %get3A_1402 : vector<16xf32>
      %get3A_1404 = arith.constant 30 : i32
      %get3A_1405 = arith.index_cast %get3A_1404 : i32 to index
      %get3A_1406 = arith.constant 96 : index
      %get3A_1407 = tpu.vector_load %arg7[%get3A_1405, %get3A_1406] {strides = array<i32>} : memref<32x128xf32, #tpu.memory_space<vmem>>, vector<1x16xf32>,
      %get3A_1408 = vector.shape_cast %get3A_1407 : vector<1x16xf32> to vector<16xf32>
      %max3A_1409 = arith.maximumf %max3A_1403, %get3A_1408 : vector<16xf32>
      %get3A_1410 = arith.constant 31 : i32
      %get3A_1411 = arith.index_cast %get3A_1410 : i32 to index
      %get3A_1412 = arith.constant 96 : index
      %get3A_1413 = tpu.vector_load %arg7[%get3A_1411, %get3A_1412] {strides = array<i32>} : memref<32x128xf32, #tpu.memory_space<vmem>>, vector<1x16xf32>,
      %get3A_1414 = vector.shape_cast %get3A_1413 : vector<1x16xf32> to vector<16xf32>
      %max3A_1415 = arith.maximumf %max3A_1409, %get3A_1414 : vector<16xf32>
      %swap3A_1416 = arith.constant 96 : index
      %swap3A_1417 = tpu.vector_load %arg9[%swap3A_1416] {strides = array<i32>} : memref<128xf32, #tpu.memory_space<vmem>>, vector<16xf32>,
      %swap3A_1418 = vector.shape_cast %swap3A_1417 : vector<16xf32> to vector<16xf32>
      %swap3A_1419 = vector.shape_cast %max3A_1415 : vector<16xf32> to vector<16xf32>
      tpu.vector_store %arg9[%swap3A_1416], %swap3A_1419 {strides = array<i32>} : memref<128xf32, #tpu.memory_space<vmem>>, vector<16xf32>,
      %get3A_1420 = arith.constant 0 : i32
      %get3A_1421 = arith.index_cast %get3A_1420 : i32 to index
      %get3A_1422 = arith.constant 112 : index
      %get3A_1423 = tpu.vector_load %arg7[%get3A_1421, %get3A_1422] {strides = array<i32>} : memref<32x128xf32, #tpu.memory_space<vmem>>, vector<1x16xf32>,
      %get3A_1424 = vector.shape_cast %get3A_1423 : vector<1x16xf32> to vector<16xf32>
      %get3A_1425 = arith.constant 1 : i32
      %get3A_1426 = arith.index_cast %get3A_1425 : i32 to index
      %get3A_1427 = arith.constant 112 : index
      %get3A_1428 = tpu.vector_load %arg7[%get3A_1426, %get3A_1427] {strides = array<i32>} : memref<32x128xf32, #tpu.memory_space<vmem>>, vector<1x16xf32>,
      %get3A_1429 = vector.shape_cast %get3A_1428 : vector<1x16xf32> to vector<16xf32>
      %max3A_1430 = arith.maximumf %get3A_1424, %get3A_1429 : vector<16xf32>
      %get3A_1431 = arith.constant 2 : i32
      %get3A_1432 = arith.index_cast %get3A_1431 : i32 to index
      %get3A_1433 = arith.constant 112 : index
      %get3A_1434 = tpu.vector_load %arg7[%get3A_1432, %get3A_1433] {strides = array<i32>} : memref<32x128xf32, #tpu.memory_space<vmem>>, vector<1x16xf32>,
      %get3A_1435 = vector.shape_cast %get3A_1434 : vector<1x16xf32> to vector<16xf32>
      %max3A_1436 = arith.maximumf %max3A_1430, %get3A_1435 : vector<16xf32>
      %get3A_1437 = arith.constant 3 : i32
      %get3A_1438 = arith.index_cast %get3A_1437 : i32 to index
      %get3A_1439 = arith.constant 112 : index
      %get3A_1440 = tpu.vector_load %arg7[%get3A_1438, %get3A_1439] {strides = array<i32>} : memref<32x128xf32, #tpu.memory_space<vmem>>, vector<1x16xf32>,
      %get3A_1441 = vector.shape_cast %get3A_1440 : vector<1x16xf32> to vector<16xf32>
      %max3A_1442 = arith.maximumf %max3A_1436, %get3A_1441 : vector<16xf32>
      %get3A_1443 = arith.constant 4 : i32
      %get3A_1444 = arith.index_cast %get3A_1443 : i32 to index
      %get3A_1445 = arith.constant 112 : index
      %get3A_1446 = tpu.vector_load %arg7[%get3A_1444, %get3A_1445] {strides = array<i32>} : memref<32x128xf32, #tpu.memory_space<vmem>>, vector<1x16xf32>,
      %get3A_1447 = vector.shape_cast %get3A_1446 : vector<1x16xf32> to vector<16xf32>
      %max3A_1448 = arith.maximumf %max3A_1442, %get3A_1447 : vector<16xf32>
      %get3A_1449 = arith.constant 5 : i32
      %get3A_1450 = arith.index_cast %get3A_1449 : i32 to index
      %get3A_1451 = arith.constant 112 : index
      %get3A_1452 = tpu.vector_load %arg7[%get3A_1450, %get3A_1451] {strides = array<i32>} : memref<32x128xf32, #tpu.memory_space<vmem>>, vector<1x16xf32>,
      %get3A_1453 = vector.shape_cast %get3A_1452 : vector<1x16xf32> to vector<16xf32>
      %max3A_1454 = arith.maximumf %max3A_1448, %get3A_1453 : vector<16xf32>
      %get3A_1455 = arith.constant 6 : i32
      %get3A_1456 = arith.index_cast %get3A_1455 : i32 to index
      %get3A_1457 = arith.constant 112 : index
      %get3A_1458 = tpu.vector_load %arg7[%get3A_1456, %get3A_1457] {strides = array<i32>} : memref<32x128xf32, #tpu.memory_space<vmem>>, vector<1x16xf32>,
      %get3A_1459 = vector.shape_cast %get3A_1458 : vector<1x16xf32> to vector<16xf32>
      %max3A_1460 = arith.maximumf %max3A_1454, %get3A_1459 : vector<16xf32>
      %get3A_1461 = arith.constant 7 : i32
      %get3A_1462 = arith.index_cast %get3A_1461 : i32 to index
      %get3A_1463 = arith.constant 112 : index
      %get3A_1464 = tpu.vector_load %arg7[%get3A_1462, %get3A_1463] {strides = array<i32>} : memref<32x128xf32, #tpu.memory_space<vmem>>, vector<1x16xf32>,
      %get3A_1465 = vector.shape_cast %get3A_1464 : vector<1x16xf32> to vector<16xf32>
      %max3A_1466 = arith.maximumf %max3A_1460, %get3A_1465 : vector<16xf32>
      %get3A_1467 = arith.constant 8 : i32
      %get3A_1468 = arith.index_cast %get3A_1467 : i32 to index
      %get3A_1469 = arith.constant 112 : index
      %get3A_1470 = tpu.vector_load %arg7[%get3A_1468, %get3A_1469] {strides = array<i32>} : memref<32x128xf32, #tpu.memory_space<vmem>>, vector<1x16xf32>,
      %get3A_1471 = vector.shape_cast %get3A_1470 : vector<1x16xf32> to vector<16xf32>
      %max3A_1472 = arith.maximumf %max3A_1466, %get3A_1471 : vector<16xf32>
      %get3A_1473 = arith.constant 9 : i32
      %get3A_1474 = arith.index_cast %get3A_1473 : i32 to index
      %get3A_1475 = arith.constant 112 : index
      %get3A_1476 = tpu.vector_load %arg7[%get3A_1474, %get3A_1475] {strides = array<i32>} : memref<32x128xf32, #tpu.memory_space<vmem>>, vector<1x16xf32>,
      %get3A_1477 = vector.shape_cast %get3A_1476 : vector<1x16xf32> to vector<16xf32>
      %max3A_1478 = arith.maximumf %max3A_1472, %get3A_1477 : vector<16xf32>
      %get3A_1479 = arith.constant 10 : i32
      %get3A_1480 = arith.index_cast %get3A_1479 : i32 to index
      %get3A_1481 = arith.constant 112 : index
      %get3A_1482 = tpu.vector_load %arg7[%get3A_1480, %get3A_1481] {strides = array<i32>} : memref<32x128xf32, #tpu.memory_space<vmem>>, vector<1x16xf32>,
      %get3A_1483 = vector.shape_cast %get3A_1482 : vector<1x16xf32> to vector<16xf32>
      %max3A_1484 = arith.maximumf %max3A_1478, %get3A_1483 : vector<16xf32>
      %get3A_1485 = arith.constant 11 : i32
      %get3A_1486 = arith.index_cast %get3A_1485 : i32 to index
      %get3A_1487 = arith.constant 112 : index
      %get3A_1488 = tpu.vector_load %arg7[%get3A_1486, %get3A_1487] {strides = array<i32>} : memref<32x128xf32, #tpu.memory_space<vmem>>, vector<1x16xf32>,
      %get3A_1489 = vector.shape_cast %get3A_1488 : vector<1x16xf32> to vector<16xf32>
      %max3A_1490 = arith.maximumf %max3A_1484, %get3A_1489 : vector<16xf32>
      %get3A_1491 = arith.constant 12 : i32
      %get3A_1492 = arith.index_cast %get3A_1491 : i32 to index
      %get3A_1493 = arith.constant 112 : index
      %get3A_1494 = tpu.vector_load %arg7[%get3A_1492, %get3A_1493] {strides = array<i32>} : memref<32x128xf32, #tpu.memory_space<vmem>>, vector<1x16xf32>,
      %get3A_1495 = vector.shape_cast %get3A_1494 : vector<1x16xf32> to vector<16xf32>
      %max3A_1496 = arith.maximumf %max3A_1490, %get3A_1495 : vector<16xf32>
      %get3A_1497 = arith.constant 13 : i32
      %get3A_1498 = arith.index_cast %get3A_1497 : i32 to index
      %get3A_1499 = arith.constant 112 : index
      %get3A_1500 = tpu.vector_load %arg7[%get3A_1498, %get3A_1499] {strides = array<i32>} : memref<32x128xf32, #tpu.memory_space<vmem>>, vector<1x16xf32>,
      %get3A_1501 = vector.shape_cast %get3A_1500 : vector<1x16xf32> to vector<16xf32>
      %max3A_1502 = arith.maximumf %max3A_1496, %get3A_1501 : vector<16xf32>
      %get3A_1503 = arith.constant 14 : i32
      %get3A_1504 = arith.index_cast %get3A_1503 : i32 to index
      %get3A_1505 = arith.constant 112 : index
      %get3A_1506 = tpu.vector_load %arg7[%get3A_1504, %get3A_1505] {strides = array<i32>} : memref<32x128xf32, #tpu.memory_space<vmem>>, vector<1x16xf32>,
      %get3A_1507 = vector.shape_cast %get3A_1506 : vector<1x16xf32> to vector<16xf32>
      %max3A_1508 = arith.maximumf %max3A_1502, %get3A_1507 : vector<16xf32>
      %get3A_1509 = arith.constant 15 : i32
      %get3A_1510 = arith.index_cast %get3A_1509 : i32 to index
      %get3A_1511 = arith.constant 112 : index
      %get3A_1512 = tpu.vector_load %arg7[%get3A_1510, %get3A_1511] {strides = array<i32>} : memref<32x128xf32, #tpu.memory_space<vmem>>, vector<1x16xf32>,
      %get3A_1513 = vector.shape_cast %get3A_1512 : vector<1x16xf32> to vector<16xf32>
      %max3A_1514 = arith.maximumf %max3A_1508, %get3A_1513 : vector<16xf32>
      %get3A_1515 = arith.constant 16 : i32
      %get3A_1516 = arith.index_cast %get3A_1515 : i32 to index
      %get3A_1517 = arith.constant 112 : index
      %get3A_1518 = tpu.vector_load %arg7[%get3A_1516, %get3A_1517] {strides = array<i32>} : memref<32x128xf32, #tpu.memory_space<vmem>>, vector<1x16xf32>,
      %get3A_1519 = vector.shape_cast %get3A_1518 : vector<1x16xf32> to vector<16xf32>
      %max3A_1520 = arith.maximumf %max3A_1514, %get3A_1519 : vector<16xf32>
      %get3A_1521 = arith.constant 17 : i32
      %get3A_1522 = arith.index_cast %get3A_1521 : i32 to index
      %get3A_1523 = arith.constant 112 : index
      %get3A_1524 = tpu.vector_load %arg7[%get3A_1522, %get3A_1523] {strides = array<i32>} : memref<32x128xf32, #tpu.memory_space<vmem>>, vector<1x16xf32>,
      %get3A_1525 = vector.shape_cast %get3A_1524 : vector<1x16xf32> to vector<16xf32>
      %max3A_1526 = arith.maximumf %max3A_1520, %get3A_1525 : vector<16xf32>
      %get3A_1527 = arith.constant 18 : i32
      %get3A_1528 = arith.index_cast %get3A_1527 : i32 to index
      %get3A_1529 = arith.constant 112 : index
      %get3A_1530 = tpu.vector_load %arg7[%get3A_1528, %get3A_1529] {strides = array<i32>} : memref<32x128xf32, #tpu.memory_space<vmem>>, vector<1x16xf32>,
      %get3A_1531 = vector.shape_cast %get3A_1530 : vector<1x16xf32> to vector<16xf32>
      %max3A_1532 = arith.maximumf %max3A_1526, %get3A_1531 : vector<16xf32>
      %get3A_1533 = arith.constant 19 : i32
      %get3A_1534 = arith.index_cast %get3A_1533 : i32 to index
      %get3A_1535 = arith.constant 112 : index
      %get3A_1536 = tpu.vector_load %arg7[%get3A_1534, %get3A_1535] {strides = array<i32>} : memref<32x128xf32, #tpu.memory_space<vmem>>, vector<1x16xf32>,
      %get3A_1537 = vector.shape_cast %get3A_1536 : vector<1x16xf32> to vector<16xf32>
      %max3A_1538 = arith.maximumf %max3A_1532, %get3A_1537 : vector<16xf32>
      %get3A_1539 = arith.constant 20 : i32
      %get3A_1540 = arith.index_cast %get3A_1539 : i32 to index
      %get3A_1541 = arith.constant 112 : index
      %get3A_1542 = tpu.vector_load %arg7[%get3A_1540, %get3A_1541] {strides = array<i32>} : memref<32x128xf32, #tpu.memory_space<vmem>>, vector<1x16xf32>,
      %get3A_1543 = vector.shape_cast %get3A_1542 : vector<1x16xf32> to vector<16xf32>
      %max3A_1544 = arith.maximumf %max3A_1538, %get3A_1543 : vector<16xf32>
      %get3A_1545 = arith.constant 21 : i32
      %get3A_1546 = arith.index_cast %get3A_1545 : i32 to index
      %get3A_1547 = arith.constant 112 : index
      %get3A_1548 = tpu.vector_load %arg7[%get3A_1546, %get3A_1547] {strides = array<i32>} : memref<32x128xf32, #tpu.memory_space<vmem>>, vector<1x16xf32>,
      %get3A_1549 = vector.shape_cast %get3A_1548 : vector<1x16xf32> to vector<16xf32>
      %max3A_1550 = arith.maximumf %max3A_1544, %get3A_1549 : vector<16xf32>
      %get3A_1551 = arith.constant 22 : i32
      %get3A_1552 = arith.index_cast %get3A_1551 : i32 to index
      %get3A_1553 = arith.constant 112 : index
      %get3A_1554 = tpu.vector_load %arg7[%get3A_1552, %get3A_1553] {strides = array<i32>} : memref<32x128xf32, #tpu.memory_space<vmem>>, vector<1x16xf32>,
      %get3A_1555 = vector.shape_cast %get3A_1554 : vector<1x16xf32> to vector<16xf32>
      %max3A_1556 = arith.maximumf %max3A_1550, %get3A_1555 : vector<16xf32>
      %get3A_1557 = arith.constant 23 : i32
      %get3A_1558 = arith.index_cast %get3A_1557 : i32 to index
      %get3A_1559 = arith.constant 112 : index
      %get3A_1560 = tpu.vector_load %arg7[%get3A_1558, %get3A_1559] {strides = array<i32>} : memref<32x128xf32, #tpu.memory_space<vmem>>, vector<1x16xf32>,
      %get3A_1561 = vector.shape_cast %get3A_1560 : vector<1x16xf32> to vector<16xf32>
      %max3A_1562 = arith.maximumf %max3A_1556, %get3A_1561 : vector<16xf32>
      %get3A_1563 = arith.constant 24 : i32
      %get3A_1564 = arith.index_cast %get3A_1563 : i32 to index
      %get3A_1565 = arith.constant 112 : index
      %get3A_1566 = tpu.vector_load %arg7[%get3A_1564, %get3A_1565] {strides = array<i32>} : memref<32x128xf32, #tpu.memory_space<vmem>>, vector<1x16xf32>,
      %get3A_1567 = vector.shape_cast %get3A_1566 : vector<1x16xf32> to vector<16xf32>
      %max3A_1568 = arith.maximumf %max3A_1562, %get3A_1567 : vector<16xf32>
      %get3A_1569 = arith.constant 25 : i32
      %get3A_1570 = arith.index_cast %get3A_1569 : i32 to index
      %get3A_1571 = arith.constant 112 : index
      %get3A_1572 = tpu.vector_load %arg7[%get3A_1570, %get3A_1571] {strides = array<i32>} : memref<32x128xf32, #tpu.memory_space<vmem>>, vector<1x16xf32>,
      %get3A_1573 = vector.shape_cast %get3A_1572 : vector<1x16xf32> to vector<16xf32>
      %max3A_1574 = arith.maximumf %max3A_1568, %get3A_1573 : vector<16xf32>
      %get3A_1575 = arith.constant 26 : i32
      %get3A_1576 = arith.index_cast %get3A_1575 : i32 to index
      %get3A_1577 = arith.constant 112 : index
      %get3A_1578 = tpu.vector_load %arg7[%get3A_1576, %get3A_1577] {strides = array<i32>} : memref<32x128xf32, #tpu.memory_space<vmem>>, vector<1x16xf32>,
      %get3A_1579 = vector.shape_cast %get3A_1578 : vector<1x16xf32> to vector<16xf32>
      %max3A_1580 = arith.maximumf %max3A_1574, %get3A_1579 : vector<16xf32>
      %get3A_1581 = arith.constant 27 : i32
      %get3A_1582 = arith.index_cast %get3A_1581 : i32 to index
      %get3A_1583 = arith.constant 112 : index
      %get3A_1584 = tpu.vector_load %arg7[%get3A_1582, %get3A_1583] {strides = array<i32>} : memref<32x128xf32, #tpu.memory_space<vmem>>, vector<1x16xf32>,
      %get3A_1585 = vector.shape_cast %get3A_1584 : vector<1x16xf32> to vector<16xf32>
      %max3A_1586 = arith.maximumf %max3A_1580, %get3A_1585 : vector<16xf32>
      %get3A_1587 = arith.constant 28 : i32
      %get3A_1588 = arith.index_cast %get3A_1587 : i32 to index
      %get3A_1589 = arith.constant 112 : index
      %get3A_1590 = tpu.vector_load %arg7[%get3A_1588, %get3A_1589] {strides = array<i32>} : memref<32x128xf32, #tpu.memory_space<vmem>>, vector<1x16xf32>,
      %get3A_1591 = vector.shape_cast %get3A_1590 : vector<1x16xf32> to vector<16xf32>
      %max3A_1592 = arith.maximumf %max3A_1586, %get3A_1591 : vector<16xf32>
      %get3A_1593 = arith.constant 29 : i32
      %get3A_1594 = arith.index_cast %get3A_1593 : i32 to index
      %get3A_1595 = arith.constant 112 : index
      %get3A_1596 = tpu.vector_load %arg7[%get3A_1594, %get3A_1595] {strides = array<i32>} : memref<32x128xf32, #tpu.memory_space<vmem>>, vector<1x16xf32>,
      %get3A_1597 = vector.shape_cast %get3A_1596 : vector<1x16xf32> to vector<16xf32>
      %max3A_1598 = arith.maximumf %max3A_1592, %get3A_1597 : vector<16xf32>
      %get3A_1599 = arith.constant 30 : i32
      %get3A_1600 = arith.index_cast %get3A_1599 : i32 to index
      %get3A_1601 = arith.constant 112 : index
      %get3A_1602 = tpu.vector_load %arg7[%get3A_1600, %get3A_1601] {strides = array<i32>} : memref<32x128xf32, #tpu.memory_space<vmem>>, vector<1x16xf32>,
      %get3A_1603 = vector.shape_cast %get3A_1602 : vector<1x16xf32> to vector<16xf32>
      %max3A_1604 = arith.maximumf %max3A_1598, %get3A_1603 : vector<16xf32>
      %get3A_1605 = arith.constant 31 : i32
      %get3A_1606 = arith.index_cast %get3A_1605 : i32 to index
      %get3A_1607 = arith.constant 112 : index
      %get3A_1608 = tpu.vector_load %arg7[%get3A_1606, %get3A_1607] {strides = array<i32>} : memref<32x128xf32, #tpu.memory_space<vmem>>, vector<1x16xf32>,
      %get3A_1609 = vector.shape_cast %get3A_1608 : vector<1x16xf32> to vector<16xf32>
      %max3A_1610 = arith.maximumf %max3A_1604, %get3A_1609 : vector<16xf32>
      %swap3A_1611 = arith.constant 112 : index
      %swap3A_1612 = tpu.vector_load %arg9[%swap3A_1611] {strides = array<i32>} : memref<128xf32, #tpu.memory_space<vmem>>, vector<16xf32>,
      %swap3A_1613 = vector.shape_cast %swap3A_1612 : vector<16xf32> to vector<16xf32>
      %swap3A_1614 = vector.shape_cast %max3A_1610 : vector<16xf32> to vector<16xf32>
      tpu.vector_store %arg9[%swap3A_1611], %swap3A_1614 {strides = array<i32>} : memref<128xf32, #tpu.memory_space<vmem>>, vector<16xf32>,
      %dma_start3A_1615 = arith.constant 0 : i32
      %dma_start3A_1616 = tpu.memref_slice %arg4[%add3A_43, %dma_start3A_1615] : memref<24576x128xf32, #tpu.memory_space<hbm>> -> memref<1x128xf32, #tpu.memory_space<hbm>>
      %dma_start3A_1617 = tpu.memref_squeeze %dma_start3A_1616 : memref<1x128xf32, #tpu.memory_space<hbm>> -> memref<128xf32, #tpu.memory_space<hbm>>
      %dma_start3A_1618 = arith.constant 0 : i32
      %dma_start3A_1619 = tpu.memref_slice %arg4[%add3A_43, %dma_start3A_1618] : memref<24576x128xf32, #tpu.memory_space<hbm>> -> memref<1x128xf32, #tpu.memory_space<hbm>>
      %dma_start3A_1620 = tpu.memref_squeeze %dma_start3A_1619 : memref<1x128xf32, #tpu.memory_space<hbm>> -> memref<128xf32, #tpu.memory_space<hbm>>
      tpu.enqueue_dma source(%arg9 : memref<128xf32, #tpu.memory_space<vmem>>) target(%dma_start3A_1620 : memref<128xf32, #tpu.memory_space<hbm>>) target_semaphore(%arg13 : memref<!tpu.dma_semaphore, #tpu.memory_space<semaphore_mem>>)
      %add3A_1621 = arith.constant 2 : i32
      %add3A_1622 = arith.addi %add3A_43, %add3A_1621 : i32
      %min3A = arith.constant 24575 : i32
      %min3A_1623 = arith.minsi %add3A_1622, %min3A : i32
      "tpu.region"() ({
        %run_scoped3A = tpu.sem_alloc : memref<!tpu.dma_semaphore, #tpu.memory_space<semaphore_mem>>
        %dma_start3A_3207 = arith.constant 0 : i32
        %dma_start3A_3208 = tpu.memref_slice %arg2[%min3A_1623, %dma_start3A_3207] : memref<24576x32xi32, #tpu.memory_space<hbm>> -> memref<1x32xi32, #tpu.memory_space<hbm>>
        %dma_start3A_3209 = tpu.memref_squeeze %dma_start3A_3208 : memref<1x32xi32, #tpu.memory_space<hbm>> -> memref<32xi32, #tpu.memory_space<hbm>>
        %dma_start3A_3210 = arith.constant 0 : i32
        %dma_start3A_3211 = tpu.memref_slice %arg2[%min3A_1623, %dma_start3A_3210] : memref<24576x32xi32, #tpu.memory_space<hbm>> -> memref<1x32xi32, #tpu.memory_space<hbm>>
        %dma_start3A_3212 = tpu.memref_squeeze %dma_start3A_3211 : memref<1x32xi32, #tpu.memory_space<hbm>> -> memref<32xi32, #tpu.memory_space<hbm>>
        tpu.enqueue_dma source(%dma_start3A_3212 : memref<32xi32, #tpu.memory_space<hbm>>) target(%arg5 : memref<32xi32, #tpu.memory_space<vmem>>) target_semaphore(%run_scoped3A : memref<!tpu.dma_semaphore, #tpu.memory_space<semaphore_mem>>)
        %dma_wait3A_3213 = arith.constant 0 : i32
        %dma_wait3A_3214 = tpu.memref_slice %arg2[%min3A_1623, %dma_wait3A_3213] : memref<24576x32xi32, #tpu.memory_space<hbm>> -> memref<1x32xi32, #tpu.memory_space<hbm>>
        %dma_wait3A_3215 = tpu.memref_squeeze %dma_wait3A_3214 : memref<1x32xi32, #tpu.memory_space<hbm>> -> memref<32xi32, #tpu.memory_space<hbm>>
        %dma_wait3A_3216 = arith.constant 0 : i32
        %dma_wait3A_3217 = tpu.memref_slice %arg2[%min3A_1623, %dma_wait3A_3216] : memref<24576x32xi32, #tpu.memory_space<hbm>> -> memref<1x32xi32, #tpu.memory_space<hbm>>
        %dma_wait3A_3218 = tpu.memref_squeeze %dma_wait3A_3217 : memref<1x32xi32, #tpu.memory_space<hbm>> -> memref<32xi32, #tpu.memory_space<hbm>>
        tpu.wait_dma2 semaphore(%run_scoped3A : memref<!tpu.dma_semaphore, #tpu.memory_space<semaphore_mem>>) src(%dma_wait3A_3218 : memref<32xi32, #tpu.memory_space<hbm>>) dst(%arg5 : memref<32xi32, #tpu.memory_space<vmem>>)
        tpu.yield
      }) : () -> ()
      %dma_wait3A_1624 = arith.constant 0 : i32
      %dma_wait3A_1625 = arith.constant 0 : i32
      %dma_wait3A_1626 = tpu.memref_slice %arg3[%dma_wait3A_1624, %dma_wait3A_1625] : memref<196608x128xf32, #tpu.memory_space<hbm>> -> memref<196608x128xf32, #tpu.memory_space<hbm>>
      tpu.wait_indirect_dma semaphore(%arg12 : memref<!tpu.dma_semaphore, #tpu.memory_space<semaphore_mem>>) src(%dma_wait3A_1626 : memref<196608x128xf32, #tpu.memory_space<hbm>>) dst(%arg8 : memref<32x128xf32, #tpu.memory_space<vmem>>)
      %dma_start3A_1627 = arith.constant 0 : i32
      %dma_start3A_1628 = arith.constant 0 : i32
      %dma_start3A_1629 = tpu.memref_slice %arg3[%dma_start3A_1627, %dma_start3A_1628] : memref<196608x128xf32, #tpu.memory_space<hbm>> -> memref<196608x128xf32, #tpu.memory_space<hbm>>
      tpu.enqueue_indirect_dma source(%dma_start3A_1629 : memref<196608x128xf32, #tpu.memory_space<hbm>>) target(%arg7 : memref<32x128xf32, #tpu.memory_space<vmem>>) offsets(%arg5 : memref<32xi32, #tpu.memory_space<vmem>>) semaphore(%arg11 : memref<!tpu.dma_semaphore, #tpu.memory_space<semaphore_mem>>)
      %add3A_1630 = arith.constant 1 : i32
      %add3A_1631 = arith.addi %add3A_43, %add3A_1630 : i32
      %dma_wait3A_1632 = arith.constant 0 : i32
      %dma_wait3A_1633 = tpu.memref_slice %arg4[%add3A_1631, %dma_wait3A_1632] : memref<24576x128xf32, #tpu.memory_space<hbm>> -> memref<1x128xf32, #tpu.memory_space<hbm>>
      %dma_wait3A_1634 = tpu.memref_squeeze %dma_wait3A_1633 : memref<1x128xf32, #tpu.memory_space<hbm>> -> memref<128xf32, #tpu.memory_space<hbm>>
      %dma_wait3A_1635 = arith.constant 0 : i32
      %dma_wait3A_1636 = tpu.memref_slice %arg4[%add3A_1631, %dma_wait3A_1635] : memref<24576x128xf32, #tpu.memory_space<hbm>> -> memref<1x128xf32, #tpu.memory_space<hbm>>
      %dma_wait3A_1637 = tpu.memref_squeeze %dma_wait3A_1636 : memref<1x128xf32, #tpu.memory_space<hbm>> -> memref<128xf32, #tpu.memory_space<hbm>>
      tpu.wait_dma2 semaphore(%arg14 : memref<!tpu.dma_semaphore, #tpu.memory_space<semaphore_mem>>) src(%arg10 : memref<128xf32, #tpu.memory_space<vmem>>) dst(%dma_wait3A_1637 : memref<128xf32, #tpu.memory_space<hbm>>)
      %get3A_1638 = arith.constant 0 : i32
      %get3A_1639 = arith.index_cast %get3A_1638 : i32 to index
      %get3A_1640 = arith.constant 0 : index
      %get3A_1641 = tpu.vector_load %arg8[%get3A_1639, %get3A_1640] {strides = array<i32>} : memref<32x128xf32, #tpu.memory_space<vmem>>, vector<1x16xf32>,
      %get3A_1642 = vector.shape_cast %get3A_1641 : vector<1x16xf32> to vector<16xf32>
      %get3A_1643 = arith.constant 1 : i32
      %get3A_1644 = arith.index_cast %get3A_1643 : i32 to index
      %get3A_1645 = arith.constant 0 : index
      %get3A_1646 = tpu.vector_load %arg8[%get3A_1644, %get3A_1645] {strides = array<i32>} : memref<32x128xf32, #tpu.memory_space<vmem>>, vector<1x16xf32>,
      %get3A_1647 = vector.shape_cast %get3A_1646 : vector<1x16xf32> to vector<16xf32>
      %max3A_1648 = arith.maximumf %get3A_1642, %get3A_1647 : vector<16xf32>
      %get3A_1649 = arith.constant 2 : i32
      %get3A_1650 = arith.index_cast %get3A_1649 : i32 to index
      %get3A_1651 = arith.constant 0 : index
      %get3A_1652 = tpu.vector_load %arg8[%get3A_1650, %get3A_1651] {strides = array<i32>} : memref<32x128xf32, #tpu.memory_space<vmem>>, vector<1x16xf32>,
      %get3A_1653 = vector.shape_cast %get3A_1652 : vector<1x16xf32> to vector<16xf32>
      %max3A_1654 = arith.maximumf %max3A_1648, %get3A_1653 : vector<16xf32>
      %get3A_1655 = arith.constant 3 : i32
      %get3A_1656 = arith.index_cast %get3A_1655 : i32 to index
      %get3A_1657 = arith.constant 0 : index
      %get3A_1658 = tpu.vector_load %arg8[%get3A_1656, %get3A_1657] {strides = array<i32>} : memref<32x128xf32, #tpu.memory_space<vmem>>, vector<1x16xf32>,
      %get3A_1659 = vector.shape_cast %get3A_1658 : vector<1x16xf32> to vector<16xf32>
      %max3A_1660 = arith.maximumf %max3A_1654, %get3A_1659 : vector<16xf32>
      %get3A_1661 = arith.constant 4 : i32
      %get3A_1662 = arith.index_cast %get3A_1661 : i32 to index
      %get3A_1663 = arith.constant 0 : index
      %get3A_1664 = tpu.vector_load %arg8[%get3A_1662, %get3A_1663] {strides = array<i32>} : memref<32x128xf32, #tpu.memory_space<vmem>>, vector<1x16xf32>,
      %get3A_1665 = vector.shape_cast %get3A_1664 : vector<1x16xf32> to vector<16xf32>
      %max3A_1666 = arith.maximumf %max3A_1660, %get3A_1665 : vector<16xf32>
      %get3A_1667 = arith.constant 5 : i32
      %get3A_1668 = arith.index_cast %get3A_1667 : i32 to index
      %get3A_1669 = arith.constant 0 : index
      %get3A_1670 = tpu.vector_load %arg8[%get3A_1668, %get3A_1669] {strides = array<i32>} : memref<32x128xf32, #tpu.memory_space<vmem>>, vector<1x16xf32>,
      %get3A_1671 = vector.shape_cast %get3A_1670 : vector<1x16xf32> to vector<16xf32>
      %max3A_1672 = arith.maximumf %max3A_1666, %get3A_1671 : vector<16xf32>
      %get3A_1673 = arith.constant 6 : i32
      %get3A_1674 = arith.index_cast %get3A_1673 : i32 to index
      %get3A_1675 = arith.constant 0 : index
      %get3A_1676 = tpu.vector_load %arg8[%get3A_1674, %get3A_1675] {strides = array<i32>} : memref<32x128xf32, #tpu.memory_space<vmem>>, vector<1x16xf32>,
      %get3A_1677 = vector.shape_cast %get3A_1676 : vector<1x16xf32> to vector<16xf32>
      %max3A_1678 = arith.maximumf %max3A_1672, %get3A_1677 : vector<16xf32>
      %get3A_1679 = arith.constant 7 : i32
      %get3A_1680 = arith.index_cast %get3A_1679 : i32 to index
      %get3A_1681 = arith.constant 0 : index
      %get3A_1682 = tpu.vector_load %arg8[%get3A_1680, %get3A_1681] {strides = array<i32>} : memref<32x128xf32, #tpu.memory_space<vmem>>, vector<1x16xf32>,
      %get3A_1683 = vector.shape_cast %get3A_1682 : vector<1x16xf32> to vector<16xf32>
      %max3A_1684 = arith.maximumf %max3A_1678, %get3A_1683 : vector<16xf32>
      %get3A_1685 = arith.constant 8 : i32
      %get3A_1686 = arith.index_cast %get3A_1685 : i32 to index
      %get3A_1687 = arith.constant 0 : index
      %get3A_1688 = tpu.vector_load %arg8[%get3A_1686, %get3A_1687] {strides = array<i32>} : memref<32x128xf32, #tpu.memory_space<vmem>>, vector<1x16xf32>,
      %get3A_1689 = vector.shape_cast %get3A_1688 : vector<1x16xf32> to vector<16xf32>
      %max3A_1690 = arith.maximumf %max3A_1684, %get3A_1689 : vector<16xf32>
      %get3A_1691 = arith.constant 9 : i32
      %get3A_1692 = arith.index_cast %get3A_1691 : i32 to index
      %get3A_1693 = arith.constant 0 : index
      %get3A_1694 = tpu.vector_load %arg8[%get3A_1692, %get3A_1693] {strides = array<i32>} : memref<32x128xf32, #tpu.memory_space<vmem>>, vector<1x16xf32>,
      %get3A_1695 = vector.shape_cast %get3A_1694 : vector<1x16xf32> to vector<16xf32>
      %max3A_1696 = arith.maximumf %max3A_1690, %get3A_1695 : vector<16xf32>
      %get3A_1697 = arith.constant 10 : i32
      %get3A_1698 = arith.index_cast %get3A_1697 : i32 to index
      %get3A_1699 = arith.constant 0 : index
      %get3A_1700 = tpu.vector_load %arg8[%get3A_1698, %get3A_1699] {strides = array<i32>} : memref<32x128xf32, #tpu.memory_space<vmem>>, vector<1x16xf32>,
      %get3A_1701 = vector.shape_cast %get3A_1700 : vector<1x16xf32> to vector<16xf32>
      %max3A_1702 = arith.maximumf %max3A_1696, %get3A_1701 : vector<16xf32>
      %get3A_1703 = arith.constant 11 : i32
      %get3A_1704 = arith.index_cast %get3A_1703 : i32 to index
      %get3A_1705 = arith.constant 0 : index
      %get3A_1706 = tpu.vector_load %arg8[%get3A_1704, %get3A_1705] {strides = array<i32>} : memref<32x128xf32, #tpu.memory_space<vmem>>, vector<1x16xf32>,
      %get3A_1707 = vector.shape_cast %get3A_1706 : vector<1x16xf32> to vector<16xf32>
      %max3A_1708 = arith.maximumf %max3A_1702, %get3A_1707 : vector<16xf32>
      %get3A_1709 = arith.constant 12 : i32
      %get3A_1710 = arith.index_cast %get3A_1709 : i32 to index
      %get3A_1711 = arith.constant 0 : index
      %get3A_1712 = tpu.vector_load %arg8[%get3A_1710, %get3A_1711] {strides = array<i32>} : memref<32x128xf32, #tpu.memory_space<vmem>>, vector<1x16xf32>,
      %get3A_1713 = vector.shape_cast %get3A_1712 : vector<1x16xf32> to vector<16xf32>
      %max3A_1714 = arith.maximumf %max3A_1708, %get3A_1713 : vector<16xf32>
      %get3A_1715 = arith.constant 13 : i32
      %get3A_1716 = arith.index_cast %get3A_1715 : i32 to index
      %get3A_1717 = arith.constant 0 : index
      %get3A_1718 = tpu.vector_load %arg8[%get3A_1716, %get3A_1717] {strides = array<i32>} : memref<32x128xf32, #tpu.memory_space<vmem>>, vector<1x16xf32>,
      %get3A_1719 = vector.shape_cast %get3A_1718 : vector<1x16xf32> to vector<16xf32>
      %max3A_1720 = arith.maximumf %max3A_1714, %get3A_1719 : vector<16xf32>
      %get3A_1721 = arith.constant 14 : i32
      %get3A_1722 = arith.index_cast %get3A_1721 : i32 to index
      %get3A_1723 = arith.constant 0 : index
      %get3A_1724 = tpu.vector_load %arg8[%get3A_1722, %get3A_1723] {strides = array<i32>} : memref<32x128xf32, #tpu.memory_space<vmem>>, vector<1x16xf32>,
      %get3A_1725 = vector.shape_cast %get3A_1724 : vector<1x16xf32> to vector<16xf32>
      %max3A_1726 = arith.maximumf %max3A_1720, %get3A_1725 : vector<16xf32>
      %get3A_1727 = arith.constant 15 : i32
      %get3A_1728 = arith.index_cast %get3A_1727 : i32 to index
      %get3A_1729 = arith.constant 0 : index
      %get3A_1730 = tpu.vector_load %arg8[%get3A_1728, %get3A_1729] {strides = array<i32>} : memref<32x128xf32, #tpu.memory_space<vmem>>, vector<1x16xf32>,
      %get3A_1731 = vector.shape_cast %get3A_1730 : vector<1x16xf32> to vector<16xf32>
      %max3A_1732 = arith.maximumf %max3A_1726, %get3A_1731 : vector<16xf32>
      %get3A_1733 = arith.constant 16 : i32
      %get3A_1734 = arith.index_cast %get3A_1733 : i32 to index
      %get3A_1735 = arith.constant 0 : index
      %get3A_1736 = tpu.vector_load %arg8[%get3A_1734, %get3A_1735] {strides = array<i32>} : memref<32x128xf32, #tpu.memory_space<vmem>>, vector<1x16xf32>,
      %get3A_1737 = vector.shape_cast %get3A_1736 : vector<1x16xf32> to vector<16xf32>
      %max3A_1738 = arith.maximumf %max3A_1732, %get3A_1737 : vector<16xf32>
      %get3A_1739 = arith.constant 17 : i32
      %get3A_1740 = arith.index_cast %get3A_1739 : i32 to index
      %get3A_1741 = arith.constant 0 : index
      %get3A_1742 = tpu.vector_load %arg8[%get3A_1740, %get3A_1741] {strides = array<i32>} : memref<32x128xf32, #tpu.memory_space<vmem>>, vector<1x16xf32>,
      %get3A_1743 = vector.shape_cast %get3A_1742 : vector<1x16xf32> to vector<16xf32>
      %max3A_1744 = arith.maximumf %max3A_1738, %get3A_1743 : vector<16xf32>
      %get3A_1745 = arith.constant 18 : i32
      %get3A_1746 = arith.index_cast %get3A_1745 : i32 to index
      %get3A_1747 = arith.constant 0 : index
      %get3A_1748 = tpu.vector_load %arg8[%get3A_1746, %get3A_1747] {strides = array<i32>} : memref<32x128xf32, #tpu.memory_space<vmem>>, vector<1x16xf32>,
      %get3A_1749 = vector.shape_cast %get3A_1748 : vector<1x16xf32> to vector<16xf32>
      %max3A_1750 = arith.maximumf %max3A_1744, %get3A_1749 : vector<16xf32>
      %get3A_1751 = arith.constant 19 : i32
      %get3A_1752 = arith.index_cast %get3A_1751 : i32 to index
      %get3A_1753 = arith.constant 0 : index
      %get3A_1754 = tpu.vector_load %arg8[%get3A_1752, %get3A_1753] {strides = array<i32>} : memref<32x128xf32, #tpu.memory_space<vmem>>, vector<1x16xf32>,
      %get3A_1755 = vector.shape_cast %get3A_1754 : vector<1x16xf32> to vector<16xf32>
      %max3A_1756 = arith.maximumf %max3A_1750, %get3A_1755 : vector<16xf32>
      %get3A_1757 = arith.constant 20 : i32
      %get3A_1758 = arith.index_cast %get3A_1757 : i32 to index
      %get3A_1759 = arith.constant 0 : index
      %get3A_1760 = tpu.vector_load %arg8[%get3A_1758, %get3A_1759] {strides = array<i32>} : memref<32x128xf32, #tpu.memory_space<vmem>>, vector<1x16xf32>,
      %get3A_1761 = vector.shape_cast %get3A_1760 : vector<1x16xf32> to vector<16xf32>
      %max3A_1762 = arith.maximumf %max3A_1756, %get3A_1761 : vector<16xf32>
      %get3A_1763 = arith.constant 21 : i32
      %get3A_1764 = arith.index_cast %get3A_1763 : i32 to index
      %get3A_1765 = arith.constant 0 : index
      %get3A_1766 = tpu.vector_load %arg8[%get3A_1764, %get3A_1765] {strides = array<i32>} : memref<32x128xf32, #tpu.memory_space<vmem>>, vector<1x16xf32>,
      %get3A_1767 = vector.shape_cast %get3A_1766 : vector<1x16xf32> to vector<16xf32>
      %max3A_1768 = arith.maximumf %max3A_1762, %get3A_1767 : vector<16xf32>
      %get3A_1769 = arith.constant 22 : i32
      %get3A_1770 = arith.index_cast %get3A_1769 : i32 to index
      %get3A_1771 = arith.constant 0 : index
      %get3A_1772 = tpu.vector_load %arg8[%get3A_1770, %get3A_1771] {strides = array<i32>} : memref<32x128xf32, #tpu.memory_space<vmem>>, vector<1x16xf32>,
      %get3A_1773 = vector.shape_cast %get3A_1772 : vector<1x16xf32> to vector<16xf32>
      %max3A_1774 = arith.maximumf %max3A_1768, %get3A_1773 : vector<16xf32>
      %get3A_1775 = arith.constant 23 : i32
      %get3A_1776 = arith.index_cast %get3A_1775 : i32 to index
      %get3A_1777 = arith.constant 0 : index
      %get3A_1778 = tpu.vector_load %arg8[%get3A_1776, %get3A_1777] {strides = array<i32>} : memref<32x128xf32, #tpu.memory_space<vmem>>, vector<1x16xf32>,
      %get3A_1779 = vector.shape_cast %get3A_1778 : vector<1x16xf32> to vector<16xf32>
      %max3A_1780 = arith.maximumf %max3A_1774, %get3A_1779 : vector<16xf32>
      %get3A_1781 = arith.constant 24 : i32
      %get3A_1782 = arith.index_cast %get3A_1781 : i32 to index
      %get3A_1783 = arith.constant 0 : index
      %get3A_1784 = tpu.vector_load %arg8[%get3A_1782, %get3A_1783] {strides = array<i32>} : memref<32x128xf32, #tpu.memory_space<vmem>>, vector<1x16xf32>,
      %get3A_1785 = vector.shape_cast %get3A_1784 : vector<1x16xf32> to vector<16xf32>
      %max3A_1786 = arith.maximumf %max3A_1780, %get3A_1785 : vector<16xf32>
      %get3A_1787 = arith.constant 25 : i32
      %get3A_1788 = arith.index_cast %get3A_1787 : i32 to index
      %get3A_1789 = arith.constant 0 : index
      %get3A_1790 = tpu.vector_load %arg8[%get3A_1788, %get3A_1789] {strides = array<i32>} : memref<32x128xf32, #tpu.memory_space<vmem>>, vector<1x16xf32>,
      %get3A_1791 = vector.shape_cast %get3A_1790 : vector<1x16xf32> to vector<16xf32>
      %max3A_1792 = arith.maximumf %max3A_1786, %get3A_1791 : vector<16xf32>
      %get3A_1793 = arith.constant 26 : i32
      %get3A_1794 = arith.index_cast %get3A_1793 : i32 to index
      %get3A_1795 = arith.constant 0 : index
      %get3A_1796 = tpu.vector_load %arg8[%get3A_1794, %get3A_1795] {strides = array<i32>} : memref<32x128xf32, #tpu.memory_space<vmem>>, vector<1x16xf32>,
      %get3A_1797 = vector.shape_cast %get3A_1796 : vector<1x16xf32> to vector<16xf32>
      %max3A_1798 = arith.maximumf %max3A_1792, %get3A_1797 : vector<16xf32>
      %get3A_1799 = arith.constant 27 : i32
      %get3A_1800 = arith.index_cast %get3A_1799 : i32 to index
      %get3A_1801 = arith.constant 0 : index
      %get3A_1802 = tpu.vector_load %arg8[%get3A_1800, %get3A_1801] {strides = array<i32>} : memref<32x128xf32, #tpu.memory_space<vmem>>, vector<1x16xf32>,
      %get3A_1803 = vector.shape_cast %get3A_1802 : vector<1x16xf32> to vector<16xf32>
      %max3A_1804 = arith.maximumf %max3A_1798, %get3A_1803 : vector<16xf32>
      %get3A_1805 = arith.constant 28 : i32
      %get3A_1806 = arith.index_cast %get3A_1805 : i32 to index
      %get3A_1807 = arith.constant 0 : index
      %get3A_1808 = tpu.vector_load %arg8[%get3A_1806, %get3A_1807] {strides = array<i32>} : memref<32x128xf32, #tpu.memory_space<vmem>>, vector<1x16xf32>,
      %get3A_1809 = vector.shape_cast %get3A_1808 : vector<1x16xf32> to vector<16xf32>
      %max3A_1810 = arith.maximumf %max3A_1804, %get3A_1809 : vector<16xf32>
      %get3A_1811 = arith.constant 29 : i32
      %get3A_1812 = arith.index_cast %get3A_1811 : i32 to index
      %get3A_1813 = arith.constant 0 : index
      %get3A_1814 = tpu.vector_load %arg8[%get3A_1812, %get3A_1813] {strides = array<i32>} : memref<32x128xf32, #tpu.memory_space<vmem>>, vector<1x16xf32>,
      %get3A_1815 = vector.shape_cast %get3A_1814 : vector<1x16xf32> to vector<16xf32>
      %max3A_1816 = arith.maximumf %max3A_1810, %get3A_1815 : vector<16xf32>
      %get3A_1817 = arith.constant 30 : i32
      %get3A_1818 = arith.index_cast %get3A_1817 : i32 to index
      %get3A_1819 = arith.constant 0 : index
      %get3A_1820 = tpu.vector_load %arg8[%get3A_1818, %get3A_1819] {strides = array<i32>} : memref<32x128xf32, #tpu.memory_space<vmem>>, vector<1x16xf32>,
      %get3A_1821 = vector.shape_cast %get3A_1820 : vector<1x16xf32> to vector<16xf32>
      %max3A_1822 = arith.maximumf %max3A_1816, %get3A_1821 : vector<16xf32>
      %get3A_1823 = arith.constant 31 : i32
      %get3A_1824 = arith.index_cast %get3A_1823 : i32 to index
      %get3A_1825 = arith.constant 0 : index
      %get3A_1826 = tpu.vector_load %arg8[%get3A_1824, %get3A_1825] {strides = array<i32>} : memref<32x128xf32, #tpu.memory_space<vmem>>, vector<1x16xf32>,
      %get3A_1827 = vector.shape_cast %get3A_1826 : vector<1x16xf32> to vector<16xf32>
      %max3A_1828 = arith.maximumf %max3A_1822, %get3A_1827 : vector<16xf32>
      %swap3A_1829 = arith.constant 0 : index
      %swap3A_1830 = tpu.vector_load %arg10[%swap3A_1829] {strides = array<i32>} : memref<128xf32, #tpu.memory_space<vmem>>, vector<16xf32>,
      %swap3A_1831 = vector.shape_cast %swap3A_1830 : vector<16xf32> to vector<16xf32>
      %swap3A_1832 = vector.shape_cast %max3A_1828 : vector<16xf32> to vector<16xf32>
      tpu.vector_store %arg10[%swap3A_1829], %swap3A_1832 {strides = array<i32>} : memref<128xf32, #tpu.memory_space<vmem>>, vector<16xf32>,
      %get3A_1833 = arith.constant 0 : i32
      %get3A_1834 = arith.index_cast %get3A_1833 : i32 to index
      %get3A_1835 = arith.constant 16 : index
      %get3A_1836 = tpu.vector_load %arg8[%get3A_1834, %get3A_1835] {strides = array<i32>} : memref<32x128xf32, #tpu.memory_space<vmem>>, vector<1x16xf32>,
      %get3A_1837 = vector.shape_cast %get3A_1836 : vector<1x16xf32> to vector<16xf32>
      %get3A_1838 = arith.constant 1 : i32
      %get3A_1839 = arith.index_cast %get3A_1838 : i32 to index
      %get3A_1840 = arith.constant 16 : index
      %get3A_1841 = tpu.vector_load %arg8[%get3A_1839, %get3A_1840] {strides = array<i32>} : memref<32x128xf32, #tpu.memory_space<vmem>>, vector<1x16xf32>,
      %get3A_1842 = vector.shape_cast %get3A_1841 : vector<1x16xf32> to vector<16xf32>
      %max3A_1843 = arith.maximumf %get3A_1837, %get3A_1842 : vector<16xf32>
      %get3A_1844 = arith.constant 2 : i32
      %get3A_1845 = arith.index_cast %get3A_1844 : i32 to index
      %get3A_1846 = arith.constant 16 : index
      %get3A_1847 = tpu.vector_load %arg8[%get3A_1845, %get3A_1846] {strides = array<i32>} : memref<32x128xf32, #tpu.memory_space<vmem>>, vector<1x16xf32>,
      %get3A_1848 = vector.shape_cast %get3A_1847 : vector<1x16xf32> to vector<16xf32>
      %max3A_1849 = arith.maximumf %max3A_1843, %get3A_1848 : vector<16xf32>
      %get3A_1850 = arith.constant 3 : i32
      %get3A_1851 = arith.index_cast %get3A_1850 : i32 to index
      %get3A_1852 = arith.constant 16 : index
      %get3A_1853 = tpu.vector_load %arg8[%get3A_1851, %get3A_1852] {strides = array<i32>} : memref<32x128xf32, #tpu.memory_space<vmem>>, vector<1x16xf32>,
      %get3A_1854 = vector.shape_cast %get3A_1853 : vector<1x16xf32> to vector<16xf32>
      %max3A_1855 = arith.maximumf %max3A_1849, %get3A_1854 : vector<16xf32>
      %get3A_1856 = arith.constant 4 : i32
      %get3A_1857 = arith.index_cast %get3A_1856 : i32 to index
      %get3A_1858 = arith.constant 16 : index
      %get3A_1859 = tpu.vector_load %arg8[%get3A_1857, %get3A_1858] {strides = array<i32>} : memref<32x128xf32, #tpu.memory_space<vmem>>, vector<1x16xf32>,
      %get3A_1860 = vector.shape_cast %get3A_1859 : vector<1x16xf32> to vector<16xf32>
      %max3A_1861 = arith.maximumf %max3A_1855, %get3A_1860 : vector<16xf32>
      %get3A_1862 = arith.constant 5 : i32
      %get3A_1863 = arith.index_cast %get3A_1862 : i32 to index
      %get3A_1864 = arith.constant 16 : index
      %get3A_1865 = tpu.vector_load %arg8[%get3A_1863, %get3A_1864] {strides = array<i32>} : memref<32x128xf32, #tpu.memory_space<vmem>>, vector<1x16xf32>,
      %get3A_1866 = vector.shape_cast %get3A_1865 : vector<1x16xf32> to vector<16xf32>
      %max3A_1867 = arith.maximumf %max3A_1861, %get3A_1866 : vector<16xf32>
      %get3A_1868 = arith.constant 6 : i32
      %get3A_1869 = arith.index_cast %get3A_1868 : i32 to index
      %get3A_1870 = arith.constant 16 : index
      %get3A_1871 = tpu.vector_load %arg8[%get3A_1869, %get3A_1870] {strides = array<i32>} : memref<32x128xf32, #tpu.memory_space<vmem>>, vector<1x16xf32>,
      %get3A_1872 = vector.shape_cast %get3A_1871 : vector<1x16xf32> to vector<16xf32>
      %max3A_1873 = arith.maximumf %max3A_1867, %get3A_1872 : vector<16xf32>
      %get3A_1874 = arith.constant 7 : i32
      %get3A_1875 = arith.index_cast %get3A_1874 : i32 to index
      %get3A_1876 = arith.constant 16 : index
      %get3A_1877 = tpu.vector_load %arg8[%get3A_1875, %get3A_1876] {strides = array<i32>} : memref<32x128xf32, #tpu.memory_space<vmem>>, vector<1x16xf32>,
      %get3A_1878 = vector.shape_cast %get3A_1877 : vector<1x16xf32> to vector<16xf32>
      %max3A_1879 = arith.maximumf %max3A_1873, %get3A_1878 : vector<16xf32>
      %get3A_1880 = arith.constant 8 : i32
      %get3A_1881 = arith.index_cast %get3A_1880 : i32 to index
      %get3A_1882 = arith.constant 16 : index
      %get3A_1883 = tpu.vector_load %arg8[%get3A_1881, %get3A_1882] {strides = array<i32>} : memref<32x128xf32, #tpu.memory_space<vmem>>, vector<1x16xf32>,
      %get3A_1884 = vector.shape_cast %get3A_1883 : vector<1x16xf32> to vector<16xf32>
      %max3A_1885 = arith.maximumf %max3A_1879, %get3A_1884 : vector<16xf32>
      %get3A_1886 = arith.constant 9 : i32
      %get3A_1887 = arith.index_cast %get3A_1886 : i32 to index
      %get3A_1888 = arith.constant 16 : index
      %get3A_1889 = tpu.vector_load %arg8[%get3A_1887, %get3A_1888] {strides = array<i32>} : memref<32x128xf32, #tpu.memory_space<vmem>>, vector<1x16xf32>,
      %get3A_1890 = vector.shape_cast %get3A_1889 : vector<1x16xf32> to vector<16xf32>
      %max3A_1891 = arith.maximumf %max3A_1885, %get3A_1890 : vector<16xf32>
      %get3A_1892 = arith.constant 10 : i32
      %get3A_1893 = arith.index_cast %get3A_1892 : i32 to index
      %get3A_1894 = arith.constant 16 : index
      %get3A_1895 = tpu.vector_load %arg8[%get3A_1893, %get3A_1894] {strides = array<i32>} : memref<32x128xf32, #tpu.memory_space<vmem>>, vector<1x16xf32>,
      %get3A_1896 = vector.shape_cast %get3A_1895 : vector<1x16xf32> to vector<16xf32>
      %max3A_1897 = arith.maximumf %max3A_1891, %get3A_1896 : vector<16xf32>
      %get3A_1898 = arith.constant 11 : i32
      %get3A_1899 = arith.index_cast %get3A_1898 : i32 to index
      %get3A_1900 = arith.constant 16 : index
      %get3A_1901 = tpu.vector_load %arg8[%get3A_1899, %get3A_1900] {strides = array<i32>} : memref<32x128xf32, #tpu.memory_space<vmem>>, vector<1x16xf32>,
      %get3A_1902 = vector.shape_cast %get3A_1901 : vector<1x16xf32> to vector<16xf32>
      %max3A_1903 = arith.maximumf %max3A_1897, %get3A_1902 : vector<16xf32>
      %get3A_1904 = arith.constant 12 : i32
      %get3A_1905 = arith.index_cast %get3A_1904 : i32 to index
      %get3A_1906 = arith.constant 16 : index
      %get3A_1907 = tpu.vector_load %arg8[%get3A_1905, %get3A_1906] {strides = array<i32>} : memref<32x128xf32, #tpu.memory_space<vmem>>, vector<1x16xf32>,
      %get3A_1908 = vector.shape_cast %get3A_1907 : vector<1x16xf32> to vector<16xf32>
      %max3A_1909 = arith.maximumf %max3A_1903, %get3A_1908 : vector<16xf32>
      %get3A_1910 = arith.constant 13 : i32
      %get3A_1911 = arith.index_cast %get3A_1910 : i32 to index
      %get3A_1912 = arith.constant 16 : index
      %get3A_1913 = tpu.vector_load %arg8[%get3A_1911, %get3A_1912] {strides = array<i32>} : memref<32x128xf32, #tpu.memory_space<vmem>>, vector<1x16xf32>,
      %get3A_1914 = vector.shape_cast %get3A_1913 : vector<1x16xf32> to vector<16xf32>
      %max3A_1915 = arith.maximumf %max3A_1909, %get3A_1914 : vector<16xf32>
      %get3A_1916 = arith.constant 14 : i32
      %get3A_1917 = arith.index_cast %get3A_1916 : i32 to index
      %get3A_1918 = arith.constant 16 : index
      %get3A_1919 = tpu.vector_load %arg8[%get3A_1917, %get3A_1918] {strides = array<i32>} : memref<32x128xf32, #tpu.memory_space<vmem>>, vector<1x16xf32>,
      %get3A_1920 = vector.shape_cast %get3A_1919 : vector<1x16xf32> to vector<16xf32>
      %max3A_1921 = arith.maximumf %max3A_1915, %get3A_1920 : vector<16xf32>
      %get3A_1922 = arith.constant 15 : i32
      %get3A_1923 = arith.index_cast %get3A_1922 : i32 to index
      %get3A_1924 = arith.constant 16 : index
      %get3A_1925 = tpu.vector_load %arg8[%get3A_1923, %get3A_1924] {strides = array<i32>} : memref<32x128xf32, #tpu.memory_space<vmem>>, vector<1x16xf32>,
      %get3A_1926 = vector.shape_cast %get3A_1925 : vector<1x16xf32> to vector<16xf32>
      %max3A_1927 = arith.maximumf %max3A_1921, %get3A_1926 : vector<16xf32>
      %get3A_1928 = arith.constant 16 : i32
      %get3A_1929 = arith.index_cast %get3A_1928 : i32 to index
      %get3A_1930 = arith.constant 16 : index
      %get3A_1931 = tpu.vector_load %arg8[%get3A_1929, %get3A_1930] {strides = array<i32>} : memref<32x128xf32, #tpu.memory_space<vmem>>, vector<1x16xf32>,
      %get3A_1932 = vector.shape_cast %get3A_1931 : vector<1x16xf32> to vector<16xf32>
      %max3A_1933 = arith.maximumf %max3A_1927, %get3A_1932 : vector<16xf32>
      %get3A_1934 = arith.constant 17 : i32
      %get3A_1935 = arith.index_cast %get3A_1934 : i32 to index
      %get3A_1936 = arith.constant 16 : index
      %get3A_1937 = tpu.vector_load %arg8[%get3A_1935, %get3A_1936] {strides = array<i32>} : memref<32x128xf32, #tpu.memory_space<vmem>>, vector<1x16xf32>,
      %get3A_1938 = vector.shape_cast %get3A_1937 : vector<1x16xf32> to vector<16xf32>
      %max3A_1939 = arith.maximumf %max3A_1933, %get3A_1938 : vector<16xf32>
      %get3A_1940 = arith.constant 18 : i32
      %get3A_1941 = arith.index_cast %get3A_1940 : i32 to index
      %get3A_1942 = arith.constant 16 : index
      %get3A_1943 = tpu.vector_load %arg8[%get3A_1941, %get3A_1942] {strides = array<i32>} : memref<32x128xf32, #tpu.memory_space<vmem>>, vector<1x16xf32>,
      %get3A_1944 = vector.shape_cast %get3A_1943 : vector<1x16xf32> to vector<16xf32>
      %max3A_1945 = arith.maximumf %max3A_1939, %get3A_1944 : vector<16xf32>
      %get3A_1946 = arith.constant 19 : i32
      %get3A_1947 = arith.index_cast %get3A_1946 : i32 to index
      %get3A_1948 = arith.constant 16 : index
      %get3A_1949 = tpu.vector_load %arg8[%get3A_1947, %get3A_1948] {strides = array<i32>} : memref<32x128xf32, #tpu.memory_space<vmem>>, vector<1x16xf32>,
      %get3A_1950 = vector.shape_cast %get3A_1949 : vector<1x16xf32> to vector<16xf32>
      %max3A_1951 = arith.maximumf %max3A_1945, %get3A_1950 : vector<16xf32>
      %get3A_1952 = arith.constant 20 : i32
      %get3A_1953 = arith.index_cast %get3A_1952 : i32 to index
      %get3A_1954 = arith.constant 16 : index
      %get3A_1955 = tpu.vector_load %arg8[%get3A_1953, %get3A_1954] {strides = array<i32>} : memref<32x128xf32, #tpu.memory_space<vmem>>, vector<1x16xf32>,
      %get3A_1956 = vector.shape_cast %get3A_1955 : vector<1x16xf32> to vector<16xf32>
      %max3A_1957 = arith.maximumf %max3A_1951, %get3A_1956 : vector<16xf32>
      %get3A_1958 = arith.constant 21 : i32
      %get3A_1959 = arith.index_cast %get3A_1958 : i32 to index
      %get3A_1960 = arith.constant 16 : index
      %get3A_1961 = tpu.vector_load %arg8[%get3A_1959, %get3A_1960] {strides = array<i32>} : memref<32x128xf32, #tpu.memory_space<vmem>>, vector<1x16xf32>,
      %get3A_1962 = vector.shape_cast %get3A_1961 : vector<1x16xf32> to vector<16xf32>
      %max3A_1963 = arith.maximumf %max3A_1957, %get3A_1962 : vector<16xf32>
      %get3A_1964 = arith.constant 22 : i32
      %get3A_1965 = arith.index_cast %get3A_1964 : i32 to index
      %get3A_1966 = arith.constant 16 : index
      %get3A_1967 = tpu.vector_load %arg8[%get3A_1965, %get3A_1966] {strides = array<i32>} : memref<32x128xf32, #tpu.memory_space<vmem>>, vector<1x16xf32>,
      %get3A_1968 = vector.shape_cast %get3A_1967 : vector<1x16xf32> to vector<16xf32>
      %max3A_1969 = arith.maximumf %max3A_1963, %get3A_1968 : vector<16xf32>
      %get3A_1970 = arith.constant 23 : i32
      %get3A_1971 = arith.index_cast %get3A_1970 : i32 to index
      %get3A_1972 = arith.constant 16 : index
      %get3A_1973 = tpu.vector_load %arg8[%get3A_1971, %get3A_1972] {strides = array<i32>} : memref<32x128xf32, #tpu.memory_space<vmem>>, vector<1x16xf32>,
      %get3A_1974 = vector.shape_cast %get3A_1973 : vector<1x16xf32> to vector<16xf32>
      %max3A_1975 = arith.maximumf %max3A_1969, %get3A_1974 : vector<16xf32>
      %get3A_1976 = arith.constant 24 : i32
      %get3A_1977 = arith.index_cast %get3A_1976 : i32 to index
      %get3A_1978 = arith.constant 16 : index
      %get3A_1979 = tpu.vector_load %arg8[%get3A_1977, %get3A_1978] {strides = array<i32>} : memref<32x128xf32, #tpu.memory_space<vmem>>, vector<1x16xf32>,
      %get3A_1980 = vector.shape_cast %get3A_1979 : vector<1x16xf32> to vector<16xf32>
      %max3A_1981 = arith.maximumf %max3A_1975, %get3A_1980 : vector<16xf32>
      %get3A_1982 = arith.constant 25 : i32
      %get3A_1983 = arith.index_cast %get3A_1982 : i32 to index
      %get3A_1984 = arith.constant 16 : index
      %get3A_1985 = tpu.vector_load %arg8[%get3A_1983, %get3A_1984] {strides = array<i32>} : memref<32x128xf32, #tpu.memory_space<vmem>>, vector<1x16xf32>,
      %get3A_1986 = vector.shape_cast %get3A_1985 : vector<1x16xf32> to vector<16xf32>
      %max3A_1987 = arith.maximumf %max3A_1981, %get3A_1986 : vector<16xf32>
      %get3A_1988 = arith.constant 26 : i32
      %get3A_1989 = arith.index_cast %get3A_1988 : i32 to index
      %get3A_1990 = arith.constant 16 : index
      %get3A_1991 = tpu.vector_load %arg8[%get3A_1989, %get3A_1990] {strides = array<i32>} : memref<32x128xf32, #tpu.memory_space<vmem>>, vector<1x16xf32>,
      %get3A_1992 = vector.shape_cast %get3A_1991 : vector<1x16xf32> to vector<16xf32>
      %max3A_1993 = arith.maximumf %max3A_1987, %get3A_1992 : vector<16xf32>
      %get3A_1994 = arith.constant 27 : i32
      %get3A_1995 = arith.index_cast %get3A_1994 : i32 to index
      %get3A_1996 = arith.constant 16 : index
      %get3A_1997 = tpu.vector_load %arg8[%get3A_1995, %get3A_1996] {strides = array<i32>} : memref<32x128xf32, #tpu.memory_space<vmem>>, vector<1x16xf32>,
      %get3A_1998 = vector.shape_cast %get3A_1997 : vector<1x16xf32> to vector<16xf32>
      %max3A_1999 = arith.maximumf %max3A_1993, %get3A_1998 : vector<16xf32>
      %get3A_2000 = arith.constant 28 : i32
      %get3A_2001 = arith.index_cast %get3A_2000 : i32 to index
      %get3A_2002 = arith.constant 16 : index
      %get3A_2003 = tpu.vector_load %arg8[%get3A_2001, %get3A_2002] {strides = array<i32>} : memref<32x128xf32, #tpu.memory_space<vmem>>, vector<1x16xf32>,
      %get3A_2004 = vector.shape_cast %get3A_2003 : vector<1x16xf32> to vector<16xf32>
      %max3A_2005 = arith.maximumf %max3A_1999, %get3A_2004 : vector<16xf32>
      %get3A_2006 = arith.constant 29 : i32
      %get3A_2007 = arith.index_cast %get3A_2006 : i32 to index
      %get3A_2008 = arith.constant 16 : index
      %get3A_2009 = tpu.vector_load %arg8[%get3A_2007, %get3A_2008] {strides = array<i32>} : memref<32x128xf32, #tpu.memory_space<vmem>>, vector<1x16xf32>,
      %get3A_2010 = vector.shape_cast %get3A_2009 : vector<1x16xf32> to vector<16xf32>
      %max3A_2011 = arith.maximumf %max3A_2005, %get3A_2010 : vector<16xf32>
      %get3A_2012 = arith.constant 30 : i32
      %get3A_2013 = arith.index_cast %get3A_2012 : i32 to index
      %get3A_2014 = arith.constant 16 : index
      %get3A_2015 = tpu.vector_load %arg8[%get3A_2013, %get3A_2014] {strides = array<i32>} : memref<32x128xf32, #tpu.memory_space<vmem>>, vector<1x16xf32>,
      %get3A_2016 = vector.shape_cast %get3A_2015 : vector<1x16xf32> to vector<16xf32>
      %max3A_2017 = arith.maximumf %max3A_2011, %get3A_2016 : vector<16xf32>
      %get3A_2018 = arith.constant 31 : i32
      %get3A_2019 = arith.index_cast %get3A_2018 : i32 to index
      %get3A_2020 = arith.constant 16 : index
      %get3A_2021 = tpu.vector_load %arg8[%get3A_2019, %get3A_2020] {strides = array<i32>} : memref<32x128xf32, #tpu.memory_space<vmem>>, vector<1x16xf32>,
      %get3A_2022 = vector.shape_cast %get3A_2021 : vector<1x16xf32> to vector<16xf32>
      %max3A_2023 = arith.maximumf %max3A_2017, %get3A_2022 : vector<16xf32>
      %swap3A_2024 = arith.constant 16 : index
      %swap3A_2025 = tpu.vector_load %arg10[%swap3A_2024] {strides = array<i32>} : memref<128xf32, #tpu.memory_space<vmem>>, vector<16xf32>,
      %swap3A_2026 = vector.shape_cast %swap3A_2025 : vector<16xf32> to vector<16xf32>
      %swap3A_2027 = vector.shape_cast %max3A_2023 : vector<16xf32> to vector<16xf32>
      tpu.vector_store %arg10[%swap3A_2024], %swap3A_2027 {strides = array<i32>} : memref<128xf32, #tpu.memory_space<vmem>>, vector<16xf32>,
      %get3A_2028 = arith.constant 0 : i32
      %get3A_2029 = arith.index_cast %get3A_2028 : i32 to index
      %get3A_2030 = arith.constant 32 : index
      %get3A_2031 = tpu.vector_load %arg8[%get3A_2029, %get3A_2030] {strides = array<i32>} : memref<32x128xf32, #tpu.memory_space<vmem>>, vector<1x16xf32>,
      %get3A_2032 = vector.shape_cast %get3A_2031 : vector<1x16xf32> to vector<16xf32>
      %get3A_2033 = arith.constant 1 : i32
      %get3A_2034 = arith.index_cast %get3A_2033 : i32 to index
      %get3A_2035 = arith.constant 32 : index
      %get3A_2036 = tpu.vector_load %arg8[%get3A_2034, %get3A_2035] {strides = array<i32>} : memref<32x128xf32, #tpu.memory_space<vmem>>, vector<1x16xf32>,
      %get3A_2037 = vector.shape_cast %get3A_2036 : vector<1x16xf32> to vector<16xf32>
      %max3A_2038 = arith.maximumf %get3A_2032, %get3A_2037 : vector<16xf32>
      %get3A_2039 = arith.constant 2 : i32
      %get3A_2040 = arith.index_cast %get3A_2039 : i32 to index
      %get3A_2041 = arith.constant 32 : index
      %get3A_2042 = tpu.vector_load %arg8[%get3A_2040, %get3A_2041] {strides = array<i32>} : memref<32x128xf32, #tpu.memory_space<vmem>>, vector<1x16xf32>,
      %get3A_2043 = vector.shape_cast %get3A_2042 : vector<1x16xf32> to vector<16xf32>
      %max3A_2044 = arith.maximumf %max3A_2038, %get3A_2043 : vector<16xf32>
      %get3A_2045 = arith.constant 3 : i32
      %get3A_2046 = arith.index_cast %get3A_2045 : i32 to index
      %get3A_2047 = arith.constant 32 : index
      %get3A_2048 = tpu.vector_load %arg8[%get3A_2046, %get3A_2047] {strides = array<i32>} : memref<32x128xf32, #tpu.memory_space<vmem>>, vector<1x16xf32>,
      %get3A_2049 = vector.shape_cast %get3A_2048 : vector<1x16xf32> to vector<16xf32>
      %max3A_2050 = arith.maximumf %max3A_2044, %get3A_2049 : vector<16xf32>
      %get3A_2051 = arith.constant 4 : i32
      %get3A_2052 = arith.index_cast %get3A_2051 : i32 to index
      %get3A_2053 = arith.constant 32 : index
      %get3A_2054 = tpu.vector_load %arg8[%get3A_2052, %get3A_2053] {strides = array<i32>} : memref<32x128xf32, #tpu.memory_space<vmem>>, vector<1x16xf32>,
      %get3A_2055 = vector.shape_cast %get3A_2054 : vector<1x16xf32> to vector<16xf32>
      %max3A_2056 = arith.maximumf %max3A_2050, %get3A_2055 : vector<16xf32>
      %get3A_2057 = arith.constant 5 : i32
      %get3A_2058 = arith.index_cast %get3A_2057 : i32 to index
      %get3A_2059 = arith.constant 32 : index
      %get3A_2060 = tpu.vector_load %arg8[%get3A_2058, %get3A_2059] {strides = array<i32>} : memref<32x128xf32, #tpu.memory_space<vmem>>, vector<1x16xf32>,
      %get3A_2061 = vector.shape_cast %get3A_2060 : vector<1x16xf32> to vector<16xf32>
      %max3A_2062 = arith.maximumf %max3A_2056, %get3A_2061 : vector<16xf32>
      %get3A_2063 = arith.constant 6 : i32
      %get3A_2064 = arith.index_cast %get3A_2063 : i32 to index
      %get3A_2065 = arith.constant 32 : index
      %get3A_2066 = tpu.vector_load %arg8[%get3A_2064, %get3A_2065] {strides = array<i32>} : memref<32x128xf32, #tpu.memory_space<vmem>>, vector<1x16xf32>,
      %get3A_2067 = vector.shape_cast %get3A_2066 : vector<1x16xf32> to vector<16xf32>
      %max3A_2068 = arith.maximumf %max3A_2062, %get3A_2067 : vector<16xf32>
      %get3A_2069 = arith.constant 7 : i32
      %get3A_2070 = arith.index_cast %get3A_2069 : i32 to index
      %get3A_2071 = arith.constant 32 : index
      %get3A_2072 = tpu.vector_load %arg8[%get3A_2070, %get3A_2071] {strides = array<i32>} : memref<32x128xf32, #tpu.memory_space<vmem>>, vector<1x16xf32>,
      %get3A_2073 = vector.shape_cast %get3A_2072 : vector<1x16xf32> to vector<16xf32>
      %max3A_2074 = arith.maximumf %max3A_2068, %get3A_2073 : vector<16xf32>
      %get3A_2075 = arith.constant 8 : i32
      %get3A_2076 = arith.index_cast %get3A_2075 : i32 to index
      %get3A_2077 = arith.constant 32 : index
      %get3A_2078 = tpu.vector_load %arg8[%get3A_2076, %get3A_2077] {strides = array<i32>} : memref<32x128xf32, #tpu.memory_space<vmem>>, vector<1x16xf32>,
      %get3A_2079 = vector.shape_cast %get3A_2078 : vector<1x16xf32> to vector<16xf32>
      %max3A_2080 = arith.maximumf %max3A_2074, %get3A_2079 : vector<16xf32>
      %get3A_2081 = arith.constant 9 : i32
      %get3A_2082 = arith.index_cast %get3A_2081 : i32 to index
      %get3A_2083 = arith.constant 32 : index
      %get3A_2084 = tpu.vector_load %arg8[%get3A_2082, %get3A_2083] {strides = array<i32>} : memref<32x128xf32, #tpu.memory_space<vmem>>, vector<1x16xf32>,
      %get3A_2085 = vector.shape_cast %get3A_2084 : vector<1x16xf32> to vector<16xf32>
      %max3A_2086 = arith.maximumf %max3A_2080, %get3A_2085 : vector<16xf32>
      %get3A_2087 = arith.constant 10 : i32
      %get3A_2088 = arith.index_cast %get3A_2087 : i32 to index
      %get3A_2089 = arith.constant 32 : index
      %get3A_2090 = tpu.vector_load %arg8[%get3A_2088, %get3A_2089] {strides = array<i32>} : memref<32x128xf32, #tpu.memory_space<vmem>>, vector<1x16xf32>,
      %get3A_2091 = vector.shape_cast %get3A_2090 : vector<1x16xf32> to vector<16xf32>
      %max3A_2092 = arith.maximumf %max3A_2086, %get3A_2091 : vector<16xf32>
      %get3A_2093 = arith.constant 11 : i32
      %get3A_2094 = arith.index_cast %get3A_2093 : i32 to index
      %get3A_2095 = arith.constant 32 : index
      %get3A_2096 = tpu.vector_load %arg8[%get3A_2094, %get3A_2095] {strides = array<i32>} : memref<32x128xf32, #tpu.memory_space<vmem>>, vector<1x16xf32>,
      %get3A_2097 = vector.shape_cast %get3A_2096 : vector<1x16xf32> to vector<16xf32>
      %max3A_2098 = arith.maximumf %max3A_2092, %get3A_2097 : vector<16xf32>
      %get3A_2099 = arith.constant 12 : i32
      %get3A_2100 = arith.index_cast %get3A_2099 : i32 to index
      %get3A_2101 = arith.constant 32 : index
      %get3A_2102 = tpu.vector_load %arg8[%get3A_2100, %get3A_2101] {strides = array<i32>} : memref<32x128xf32, #tpu.memory_space<vmem>>, vector<1x16xf32>,
      %get3A_2103 = vector.shape_cast %get3A_2102 : vector<1x16xf32> to vector<16xf32>
      %max3A_2104 = arith.maximumf %max3A_2098, %get3A_2103 : vector<16xf32>
      %get3A_2105 = arith.constant 13 : i32
      %get3A_2106 = arith.index_cast %get3A_2105 : i32 to index
      %get3A_2107 = arith.constant 32 : index
      %get3A_2108 = tpu.vector_load %arg8[%get3A_2106, %get3A_2107] {strides = array<i32>} : memref<32x128xf32, #tpu.memory_space<vmem>>, vector<1x16xf32>,
      %get3A_2109 = vector.shape_cast %get3A_2108 : vector<1x16xf32> to vector<16xf32>
      %max3A_2110 = arith.maximumf %max3A_2104, %get3A_2109 : vector<16xf32>
      %get3A_2111 = arith.constant 14 : i32
      %get3A_2112 = arith.index_cast %get3A_2111 : i32 to index
      %get3A_2113 = arith.constant 32 : index
      %get3A_2114 = tpu.vector_load %arg8[%get3A_2112, %get3A_2113] {strides = array<i32>} : memref<32x128xf32, #tpu.memory_space<vmem>>, vector<1x16xf32>,
      %get3A_2115 = vector.shape_cast %get3A_2114 : vector<1x16xf32> to vector<16xf32>
      %max3A_2116 = arith.maximumf %max3A_2110, %get3A_2115 : vector<16xf32>
      %get3A_2117 = arith.constant 15 : i32
      %get3A_2118 = arith.index_cast %get3A_2117 : i32 to index
      %get3A_2119 = arith.constant 32 : index
      %get3A_2120 = tpu.vector_load %arg8[%get3A_2118, %get3A_2119] {strides = array<i32>} : memref<32x128xf32, #tpu.memory_space<vmem>>, vector<1x16xf32>,
      %get3A_2121 = vector.shape_cast %get3A_2120 : vector<1x16xf32> to vector<16xf32>
      %max3A_2122 = arith.maximumf %max3A_2116, %get3A_2121 : vector<16xf32>
      %get3A_2123 = arith.constant 16 : i32
      %get3A_2124 = arith.index_cast %get3A_2123 : i32 to index
      %get3A_2125 = arith.constant 32 : index
      %get3A_2126 = tpu.vector_load %arg8[%get3A_2124, %get3A_2125] {strides = array<i32>} : memref<32x128xf32, #tpu.memory_space<vmem>>, vector<1x16xf32>,
      %get3A_2127 = vector.shape_cast %get3A_2126 : vector<1x16xf32> to vector<16xf32>
      %max3A_2128 = arith.maximumf %max3A_2122, %get3A_2127 : vector<16xf32>
      %get3A_2129 = arith.constant 17 : i32
      %get3A_2130 = arith.index_cast %get3A_2129 : i32 to index
      %get3A_2131 = arith.constant 32 : index
      %get3A_2132 = tpu.vector_load %arg8[%get3A_2130, %get3A_2131] {strides = array<i32>} : memref<32x128xf32, #tpu.memory_space<vmem>>, vector<1x16xf32>,
      %get3A_2133 = vector.shape_cast %get3A_2132 : vector<1x16xf32> to vector<16xf32>
      %max3A_2134 = arith.maximumf %max3A_2128, %get3A_2133 : vector<16xf32>
      %get3A_2135 = arith.constant 18 : i32
      %get3A_2136 = arith.index_cast %get3A_2135 : i32 to index
      %get3A_2137 = arith.constant 32 : index
      %get3A_2138 = tpu.vector_load %arg8[%get3A_2136, %get3A_2137] {strides = array<i32>} : memref<32x128xf32, #tpu.memory_space<vmem>>, vector<1x16xf32>,
      %get3A_2139 = vector.shape_cast %get3A_2138 : vector<1x16xf32> to vector<16xf32>
      %max3A_2140 = arith.maximumf %max3A_2134, %get3A_2139 : vector<16xf32>
      %get3A_2141 = arith.constant 19 : i32
      %get3A_2142 = arith.index_cast %get3A_2141 : i32 to index
      %get3A_2143 = arith.constant 32 : index
      %get3A_2144 = tpu.vector_load %arg8[%get3A_2142, %get3A_2143] {strides = array<i32>} : memref<32x128xf32, #tpu.memory_space<vmem>>, vector<1x16xf32>,
      %get3A_2145 = vector.shape_cast %get3A_2144 : vector<1x16xf32> to vector<16xf32>
      %max3A_2146 = arith.maximumf %max3A_2140, %get3A_2145 : vector<16xf32>
      %get3A_2147 = arith.constant 20 : i32
      %get3A_2148 = arith.index_cast %get3A_2147 : i32 to index
      %get3A_2149 = arith.constant 32 : index
      %get3A_2150 = tpu.vector_load %arg8[%get3A_2148, %get3A_2149] {strides = array<i32>} : memref<32x128xf32, #tpu.memory_space<vmem>>, vector<1x16xf32>,
      %get3A_2151 = vector.shape_cast %get3A_2150 : vector<1x16xf32> to vector<16xf32>
      %max3A_2152 = arith.maximumf %max3A_2146, %get3A_2151 : vector<16xf32>
      %get3A_2153 = arith.constant 21 : i32
      %get3A_2154 = arith.index_cast %get3A_2153 : i32 to index
      %get3A_2155 = arith.constant 32 : index
      %get3A_2156 = tpu.vector_load %arg8[%get3A_2154, %get3A_2155] {strides = array<i32>} : memref<32x128xf32, #tpu.memory_space<vmem>>, vector<1x16xf32>,
      %get3A_2157 = vector.shape_cast %get3A_2156 : vector<1x16xf32> to vector<16xf32>
      %max3A_2158 = arith.maximumf %max3A_2152, %get3A_2157 : vector<16xf32>
      %get3A_2159 = arith.constant 22 : i32
      %get3A_2160 = arith.index_cast %get3A_2159 : i32 to index
      %get3A_2161 = arith.constant 32 : index
      %get3A_2162 = tpu.vector_load %arg8[%get3A_2160, %get3A_2161] {strides = array<i32>} : memref<32x128xf32, #tpu.memory_space<vmem>>, vector<1x16xf32>,
      %get3A_2163 = vector.shape_cast %get3A_2162 : vector<1x16xf32> to vector<16xf32>
      %max3A_2164 = arith.maximumf %max3A_2158, %get3A_2163 : vector<16xf32>
      %get3A_2165 = arith.constant 23 : i32
      %get3A_2166 = arith.index_cast %get3A_2165 : i32 to index
      %get3A_2167 = arith.constant 32 : index
      %get3A_2168 = tpu.vector_load %arg8[%get3A_2166, %get3A_2167] {strides = array<i32>} : memref<32x128xf32, #tpu.memory_space<vmem>>, vector<1x16xf32>,
      %get3A_2169 = vector.shape_cast %get3A_2168 : vector<1x16xf32> to vector<16xf32>
      %max3A_2170 = arith.maximumf %max3A_2164, %get3A_2169 : vector<16xf32>
      %get3A_2171 = arith.constant 24 : i32
      %get3A_2172 = arith.index_cast %get3A_2171 : i32 to index
      %get3A_2173 = arith.constant 32 : index
      %get3A_2174 = tpu.vector_load %arg8[%get3A_2172, %get3A_2173] {strides = array<i32>} : memref<32x128xf32, #tpu.memory_space<vmem>>, vector<1x16xf32>,
      %get3A_2175 = vector.shape_cast %get3A_2174 : vector<1x16xf32> to vector<16xf32>
      %max3A_2176 = arith.maximumf %max3A_2170, %get3A_2175 : vector<16xf32>
      %get3A_2177 = arith.constant 25 : i32
      %get3A_2178 = arith.index_cast %get3A_2177 : i32 to index
      %get3A_2179 = arith.constant 32 : index
      %get3A_2180 = tpu.vector_load %arg8[%get3A_2178, %get3A_2179] {strides = array<i32>} : memref<32x128xf32, #tpu.memory_space<vmem>>, vector<1x16xf32>,
      %get3A_2181 = vector.shape_cast %get3A_2180 : vector<1x16xf32> to vector<16xf32>
      %max3A_2182 = arith.maximumf %max3A_2176, %get3A_2181 : vector<16xf32>
      %get3A_2183 = arith.constant 26 : i32
      %get3A_2184 = arith.index_cast %get3A_2183 : i32 to index
      %get3A_2185 = arith.constant 32 : index
      %get3A_2186 = tpu.vector_load %arg8[%get3A_2184, %get3A_2185] {strides = array<i32>} : memref<32x128xf32, #tpu.memory_space<vmem>>, vector<1x16xf32>,
      %get3A_2187 = vector.shape_cast %get3A_2186 : vector<1x16xf32> to vector<16xf32>
      %max3A_2188 = arith.maximumf %max3A_2182, %get3A_2187 : vector<16xf32>
      %get3A_2189 = arith.constant 27 : i32
      %get3A_2190 = arith.index_cast %get3A_2189 : i32 to index
      %get3A_2191 = arith.constant 32 : index
      %get3A_2192 = tpu.vector_load %arg8[%get3A_2190, %get3A_2191] {strides = array<i32>} : memref<32x128xf32, #tpu.memory_space<vmem>>, vector<1x16xf32>,
      %get3A_2193 = vector.shape_cast %get3A_2192 : vector<1x16xf32> to vector<16xf32>
      %max3A_2194 = arith.maximumf %max3A_2188, %get3A_2193 : vector<16xf32>
      %get3A_2195 = arith.constant 28 : i32
      %get3A_2196 = arith.index_cast %get3A_2195 : i32 to index
      %get3A_2197 = arith.constant 32 : index
      %get3A_2198 = tpu.vector_load %arg8[%get3A_2196, %get3A_2197] {strides = array<i32>} : memref<32x128xf32, #tpu.memory_space<vmem>>, vector<1x16xf32>,
      %get3A_2199 = vector.shape_cast %get3A_2198 : vector<1x16xf32> to vector<16xf32>
      %max3A_2200 = arith.maximumf %max3A_2194, %get3A_2199 : vector<16xf32>
      %get3A_2201 = arith.constant 29 : i32
      %get3A_2202 = arith.index_cast %get3A_2201 : i32 to index
      %get3A_2203 = arith.constant 32 : index
      %get3A_2204 = tpu.vector_load %arg8[%get3A_2202, %get3A_2203] {strides = array<i32>} : memref<32x128xf32, #tpu.memory_space<vmem>>, vector<1x16xf32>,
      %get3A_2205 = vector.shape_cast %get3A_2204 : vector<1x16xf32> to vector<16xf32>
      %max3A_2206 = arith.maximumf %max3A_2200, %get3A_2205 : vector<16xf32>
      %get3A_2207 = arith.constant 30 : i32
      %get3A_2208 = arith.index_cast %get3A_2207 : i32 to index
      %get3A_2209 = arith.constant 32 : index
      %get3A_2210 = tpu.vector_load %arg8[%get3A_2208, %get3A_2209] {strides = array<i32>} : memref<32x128xf32, #tpu.memory_space<vmem>>, vector<1x16xf32>,
      %get3A_2211 = vector.shape_cast %get3A_2210 : vector<1x16xf32> to vector<16xf32>
      %max3A_2212 = arith.maximumf %max3A_2206, %get3A_2211 : vector<16xf32>
      %get3A_2213 = arith.constant 31 : i32
      %get3A_2214 = arith.index_cast %get3A_2213 : i32 to index
      %get3A_2215 = arith.constant 32 : index
      %get3A_2216 = tpu.vector_load %arg8[%get3A_2214, %get3A_2215] {strides = array<i32>} : memref<32x128xf32, #tpu.memory_space<vmem>>, vector<1x16xf32>,
      %get3A_2217 = vector.shape_cast %get3A_2216 : vector<1x16xf32> to vector<16xf32>
      %max3A_2218 = arith.maximumf %max3A_2212, %get3A_2217 : vector<16xf32>
      %swap3A_2219 = arith.constant 32 : index
      %swap3A_2220 = tpu.vector_load %arg10[%swap3A_2219] {strides = array<i32>} : memref<128xf32, #tpu.memory_space<vmem>>, vector<16xf32>,
      %swap3A_2221 = vector.shape_cast %swap3A_2220 : vector<16xf32> to vector<16xf32>
      %swap3A_2222 = vector.shape_cast %max3A_2218 : vector<16xf32> to vector<16xf32>
      tpu.vector_store %arg10[%swap3A_2219], %swap3A_2222 {strides = array<i32>} : memref<128xf32, #tpu.memory_space<vmem>>, vector<16xf32>,
      %get3A_2223 = arith.constant 0 : i32
      %get3A_2224 = arith.index_cast %get3A_2223 : i32 to index
      %get3A_2225 = arith.constant 48 : index
      %get3A_2226 = tpu.vector_load %arg8[%get3A_2224, %get3A_2225] {strides = array<i32>} : memref<32x128xf32, #tpu.memory_space<vmem>>, vector<1x16xf32>,
      %get3A_2227 = vector.shape_cast %get3A_2226 : vector<1x16xf32> to vector<16xf32>
      %get3A_2228 = arith.constant 1 : i32
      %get3A_2229 = arith.index_cast %get3A_2228 : i32 to index
      %get3A_2230 = arith.constant 48 : index
      %get3A_2231 = tpu.vector_load %arg8[%get3A_2229, %get3A_2230] {strides = array<i32>} : memref<32x128xf32, #tpu.memory_space<vmem>>, vector<1x16xf32>,
      %get3A_2232 = vector.shape_cast %get3A_2231 : vector<1x16xf32> to vector<16xf32>
      %max3A_2233 = arith.maximumf %get3A_2227, %get3A_2232 : vector<16xf32>
      %get3A_2234 = arith.constant 2 : i32
      %get3A_2235 = arith.index_cast %get3A_2234 : i32 to index
      %get3A_2236 = arith.constant 48 : index
      %get3A_2237 = tpu.vector_load %arg8[%get3A_2235, %get3A_2236] {strides = array<i32>} : memref<32x128xf32, #tpu.memory_space<vmem>>, vector<1x16xf32>,
      %get3A_2238 = vector.shape_cast %get3A_2237 : vector<1x16xf32> to vector<16xf32>
      %max3A_2239 = arith.maximumf %max3A_2233, %get3A_2238 : vector<16xf32>
      %get3A_2240 = arith.constant 3 : i32
      %get3A_2241 = arith.index_cast %get3A_2240 : i32 to index
      %get3A_2242 = arith.constant 48 : index
      %get3A_2243 = tpu.vector_load %arg8[%get3A_2241, %get3A_2242] {strides = array<i32>} : memref<32x128xf32, #tpu.memory_space<vmem>>, vector<1x16xf32>,
      %get3A_2244 = vector.shape_cast %get3A_2243 : vector<1x16xf32> to vector<16xf32>
      %max3A_2245 = arith.maximumf %max3A_2239, %get3A_2244 : vector<16xf32>
      %get3A_2246 = arith.constant 4 : i32
      %get3A_2247 = arith.index_cast %get3A_2246 : i32 to index
      %get3A_2248 = arith.constant 48 : index
      %get3A_2249 = tpu.vector_load %arg8[%get3A_2247, %get3A_2248] {strides = array<i32>} : memref<32x128xf32, #tpu.memory_space<vmem>>, vector<1x16xf32>,
      %get3A_2250 = vector.shape_cast %get3A_2249 : vector<1x16xf32> to vector<16xf32>
      %max3A_2251 = arith.maximumf %max3A_2245, %get3A_2250 : vector<16xf32>
      %get3A_2252 = arith.constant 5 : i32
      %get3A_2253 = arith.index_cast %get3A_2252 : i32 to index
      %get3A_2254 = arith.constant 48 : index
      %get3A_2255 = tpu.vector_load %arg8[%get3A_2253, %get3A_2254] {strides = array<i32>} : memref<32x128xf32, #tpu.memory_space<vmem>>, vector<1x16xf32>,
      %get3A_2256 = vector.shape_cast %get3A_2255 : vector<1x16xf32> to vector<16xf32>
      %max3A_2257 = arith.maximumf %max3A_2251, %get3A_2256 : vector<16xf32>
      %get3A_2258 = arith.constant 6 : i32
      %get3A_2259 = arith.index_cast %get3A_2258 : i32 to index
      %get3A_2260 = arith.constant 48 : index
      %get3A_2261 = tpu.vector_load %arg8[%get3A_2259, %get3A_2260] {strides = array<i32>} : memref<32x128xf32, #tpu.memory_space<vmem>>, vector<1x16xf32>,
      %get3A_2262 = vector.shape_cast %get3A_2261 : vector<1x16xf32> to vector<16xf32>
      %max3A_2263 = arith.maximumf %max3A_2257, %get3A_2262 : vector<16xf32>
      %get3A_2264 = arith.constant 7 : i32
      %get3A_2265 = arith.index_cast %get3A_2264 : i32 to index
      %get3A_2266 = arith.constant 48 : index
      %get3A_2267 = tpu.vector_load %arg8[%get3A_2265, %get3A_2266] {strides = array<i32>} : memref<32x128xf32, #tpu.memory_space<vmem>>, vector<1x16xf32>,
      %get3A_2268 = vector.shape_cast %get3A_2267 : vector<1x16xf32> to vector<16xf32>
      %max3A_2269 = arith.maximumf %max3A_2263, %get3A_2268 : vector<16xf32>
      %get3A_2270 = arith.constant 8 : i32
      %get3A_2271 = arith.index_cast %get3A_2270 : i32 to index
      %get3A_2272 = arith.constant 48 : index
      %get3A_2273 = tpu.vector_load %arg8[%get3A_2271, %get3A_2272] {strides = array<i32>} : memref<32x128xf32, #tpu.memory_space<vmem>>, vector<1x16xf32>,
      %get3A_2274 = vector.shape_cast %get3A_2273 : vector<1x16xf32> to vector<16xf32>
      %max3A_2275 = arith.maximumf %max3A_2269, %get3A_2274 : vector<16xf32>
      %get3A_2276 = arith.constant 9 : i32
      %get3A_2277 = arith.index_cast %get3A_2276 : i32 to index
      %get3A_2278 = arith.constant 48 : index
      %get3A_2279 = tpu.vector_load %arg8[%get3A_2277, %get3A_2278] {strides = array<i32>} : memref<32x128xf32, #tpu.memory_space<vmem>>, vector<1x16xf32>,
      %get3A_2280 = vector.shape_cast %get3A_2279 : vector<1x16xf32> to vector<16xf32>
      %max3A_2281 = arith.maximumf %max3A_2275, %get3A_2280 : vector<16xf32>
      %get3A_2282 = arith.constant 10 : i32
      %get3A_2283 = arith.index_cast %get3A_2282 : i32 to index
      %get3A_2284 = arith.constant 48 : index
      %get3A_2285 = tpu.vector_load %arg8[%get3A_2283, %get3A_2284] {strides = array<i32>} : memref<32x128xf32, #tpu.memory_space<vmem>>, vector<1x16xf32>,
      %get3A_2286 = vector.shape_cast %get3A_2285 : vector<1x16xf32> to vector<16xf32>
      %max3A_2287 = arith.maximumf %max3A_2281, %get3A_2286 : vector<16xf32>
      %get3A_2288 = arith.constant 11 : i32
      %get3A_2289 = arith.index_cast %get3A_2288 : i32 to index
      %get3A_2290 = arith.constant 48 : index
      %get3A_2291 = tpu.vector_load %arg8[%get3A_2289, %get3A_2290] {strides = array<i32>} : memref<32x128xf32, #tpu.memory_space<vmem>>, vector<1x16xf32>,
      %get3A_2292 = vector.shape_cast %get3A_2291 : vector<1x16xf32> to vector<16xf32>
      %max3A_2293 = arith.maximumf %max3A_2287, %get3A_2292 : vector<16xf32>
      %get3A_2294 = arith.constant 12 : i32
      %get3A_2295 = arith.index_cast %get3A_2294 : i32 to index
      %get3A_2296 = arith.constant 48 : index
      %get3A_2297 = tpu.vector_load %arg8[%get3A_2295, %get3A_2296] {strides = array<i32>} : memref<32x128xf32, #tpu.memory_space<vmem>>, vector<1x16xf32>,
      %get3A_2298 = vector.shape_cast %get3A_2297 : vector<1x16xf32> to vector<16xf32>
      %max3A_2299 = arith.maximumf %max3A_2293, %get3A_2298 : vector<16xf32>
      %get3A_2300 = arith.constant 13 : i32
      %get3A_2301 = arith.index_cast %get3A_2300 : i32 to index
      %get3A_2302 = arith.constant 48 : index
      %get3A_2303 = tpu.vector_load %arg8[%get3A_2301, %get3A_2302] {strides = array<i32>} : memref<32x128xf32, #tpu.memory_space<vmem>>, vector<1x16xf32>,
      %get3A_2304 = vector.shape_cast %get3A_2303 : vector<1x16xf32> to vector<16xf32>
      %max3A_2305 = arith.maximumf %max3A_2299, %get3A_2304 : vector<16xf32>
      %get3A_2306 = arith.constant 14 : i32
      %get3A_2307 = arith.index_cast %get3A_2306 : i32 to index
      %get3A_2308 = arith.constant 48 : index
      %get3A_2309 = tpu.vector_load %arg8[%get3A_2307, %get3A_2308] {strides = array<i32>} : memref<32x128xf32, #tpu.memory_space<vmem>>, vector<1x16xf32>,
      %get3A_2310 = vector.shape_cast %get3A_2309 : vector<1x16xf32> to vector<16xf32>
      %max3A_2311 = arith.maximumf %max3A_2305, %get3A_2310 : vector<16xf32>
      %get3A_2312 = arith.constant 15 : i32
      %get3A_2313 = arith.index_cast %get3A_2312 : i32 to index
      %get3A_2314 = arith.constant 48 : index
      %get3A_2315 = tpu.vector_load %arg8[%get3A_2313, %get3A_2314] {strides = array<i32>} : memref<32x128xf32, #tpu.memory_space<vmem>>, vector<1x16xf32>,
      %get3A_2316 = vector.shape_cast %get3A_2315 : vector<1x16xf32> to vector<16xf32>
      %max3A_2317 = arith.maximumf %max3A_2311, %get3A_2316 : vector<16xf32>
      %get3A_2318 = arith.constant 16 : i32
      %get3A_2319 = arith.index_cast %get3A_2318 : i32 to index
      %get3A_2320 = arith.constant 48 : index
      %get3A_2321 = tpu.vector_load %arg8[%get3A_2319, %get3A_2320] {strides = array<i32>} : memref<32x128xf32, #tpu.memory_space<vmem>>, vector<1x16xf32>,
      %get3A_2322 = vector.shape_cast %get3A_2321 : vector<1x16xf32> to vector<16xf32>
      %max3A_2323 = arith.maximumf %max3A_2317, %get3A_2322 : vector<16xf32>
      %get3A_2324 = arith.constant 17 : i32
      %get3A_2325 = arith.index_cast %get3A_2324 : i32 to index
      %get3A_2326 = arith.constant 48 : index
      %get3A_2327 = tpu.vector_load %arg8[%get3A_2325, %get3A_2326] {strides = array<i32>} : memref<32x128xf32, #tpu.memory_space<vmem>>, vector<1x16xf32>,
      %get3A_2328 = vector.shape_cast %get3A_2327 : vector<1x16xf32> to vector<16xf32>
      %max3A_2329 = arith.maximumf %max3A_2323, %get3A_2328 : vector<16xf32>
      %get3A_2330 = arith.constant 18 : i32
      %get3A_2331 = arith.index_cast %get3A_2330 : i32 to index
      %get3A_2332 = arith.constant 48 : index
      %get3A_2333 = tpu.vector_load %arg8[%get3A_2331, %get3A_2332] {strides = array<i32>} : memref<32x128xf32, #tpu.memory_space<vmem>>, vector<1x16xf32>,
      %get3A_2334 = vector.shape_cast %get3A_2333 : vector<1x16xf32> to vector<16xf32>
      %max3A_2335 = arith.maximumf %max3A_2329, %get3A_2334 : vector<16xf32>
      %get3A_2336 = arith.constant 19 : i32
      %get3A_2337 = arith.index_cast %get3A_2336 : i32 to index
      %get3A_2338 = arith.constant 48 : index
      %get3A_2339 = tpu.vector_load %arg8[%get3A_2337, %get3A_2338] {strides = array<i32>} : memref<32x128xf32, #tpu.memory_space<vmem>>, vector<1x16xf32>,
      %get3A_2340 = vector.shape_cast %get3A_2339 : vector<1x16xf32> to vector<16xf32>
      %max3A_2341 = arith.maximumf %max3A_2335, %get3A_2340 : vector<16xf32>
      %get3A_2342 = arith.constant 20 : i32
      %get3A_2343 = arith.index_cast %get3A_2342 : i32 to index
      %get3A_2344 = arith.constant 48 : index
      %get3A_2345 = tpu.vector_load %arg8[%get3A_2343, %get3A_2344] {strides = array<i32>} : memref<32x128xf32, #tpu.memory_space<vmem>>, vector<1x16xf32>,
      %get3A_2346 = vector.shape_cast %get3A_2345 : vector<1x16xf32> to vector<16xf32>
      %max3A_2347 = arith.maximumf %max3A_2341, %get3A_2346 : vector<16xf32>
      %get3A_2348 = arith.constant 21 : i32
      %get3A_2349 = arith.index_cast %get3A_2348 : i32 to index
      %get3A_2350 = arith.constant 48 : index
      %get3A_2351 = tpu.vector_load %arg8[%get3A_2349, %get3A_2350] {strides = array<i32>} : memref<32x128xf32, #tpu.memory_space<vmem>>, vector<1x16xf32>,
      %get3A_2352 = vector.shape_cast %get3A_2351 : vector<1x16xf32> to vector<16xf32>
      %max3A_2353 = arith.maximumf %max3A_2347, %get3A_2352 : vector<16xf32>
      %get3A_2354 = arith.constant 22 : i32
      %get3A_2355 = arith.index_cast %get3A_2354 : i32 to index
      %get3A_2356 = arith.constant 48 : index
      %get3A_2357 = tpu.vector_load %arg8[%get3A_2355, %get3A_2356] {strides = array<i32>} : memref<32x128xf32, #tpu.memory_space<vmem>>, vector<1x16xf32>,
      %get3A_2358 = vector.shape_cast %get3A_2357 : vector<1x16xf32> to vector<16xf32>
      %max3A_2359 = arith.maximumf %max3A_2353, %get3A_2358 : vector<16xf32>
      %get3A_2360 = arith.constant 23 : i32
      %get3A_2361 = arith.index_cast %get3A_2360 : i32 to index
      %get3A_2362 = arith.constant 48 : index
      %get3A_2363 = tpu.vector_load %arg8[%get3A_2361, %get3A_2362] {strides = array<i32>} : memref<32x128xf32, #tpu.memory_space<vmem>>, vector<1x16xf32>,
      %get3A_2364 = vector.shape_cast %get3A_2363 : vector<1x16xf32> to vector<16xf32>
      %max3A_2365 = arith.maximumf %max3A_2359, %get3A_2364 : vector<16xf32>
      %get3A_2366 = arith.constant 24 : i32
      %get3A_2367 = arith.index_cast %get3A_2366 : i32 to index
      %get3A_2368 = arith.constant 48 : index
      %get3A_2369 = tpu.vector_load %arg8[%get3A_2367, %get3A_2368] {strides = array<i32>} : memref<32x128xf32, #tpu.memory_space<vmem>>, vector<1x16xf32>,
      %get3A_2370 = vector.shape_cast %get3A_2369 : vector<1x16xf32> to vector<16xf32>
      %max3A_2371 = arith.maximumf %max3A_2365, %get3A_2370 : vector<16xf32>
      %get3A_2372 = arith.constant 25 : i32
      %get3A_2373 = arith.index_cast %get3A_2372 : i32 to index
      %get3A_2374 = arith.constant 48 : index
      %get3A_2375 = tpu.vector_load %arg8[%get3A_2373, %get3A_2374] {strides = array<i32>} : memref<32x128xf32, #tpu.memory_space<vmem>>, vector<1x16xf32>,
      %get3A_2376 = vector.shape_cast %get3A_2375 : vector<1x16xf32> to vector<16xf32>
      %max3A_2377 = arith.maximumf %max3A_2371, %get3A_2376 : vector<16xf32>
      %get3A_2378 = arith.constant 26 : i32
      %get3A_2379 = arith.index_cast %get3A_2378 : i32 to index
      %get3A_2380 = arith.constant 48 : index
      %get3A_2381 = tpu.vector_load %arg8[%get3A_2379, %get3A_2380] {strides = array<i32>} : memref<32x128xf32, #tpu.memory_space<vmem>>, vector<1x16xf32>,
      %get3A_2382 = vector.shape_cast %get3A_2381 : vector<1x16xf32> to vector<16xf32>
      %max3A_2383 = arith.maximumf %max3A_2377, %get3A_2382 : vector<16xf32>
      %get3A_2384 = arith.constant 27 : i32
      %get3A_2385 = arith.index_cast %get3A_2384 : i32 to index
      %get3A_2386 = arith.constant 48 : index
      %get3A_2387 = tpu.vector_load %arg8[%get3A_2385, %get3A_2386] {strides = array<i32>} : memref<32x128xf32, #tpu.memory_space<vmem>>, vector<1x16xf32>,
      %get3A_2388 = vector.shape_cast %get3A_2387 : vector<1x16xf32> to vector<16xf32>
      %max3A_2389 = arith.maximumf %max3A_2383, %get3A_2388 : vector<16xf32>
      %get3A_2390 = arith.constant 28 : i32
      %get3A_2391 = arith.index_cast %get3A_2390 : i32 to index
      %get3A_2392 = arith.constant 48 : index
      %get3A_2393 = tpu.vector_load %arg8[%get3A_2391, %get3A_2392] {strides = array<i32>} : memref<32x128xf32, #tpu.memory_space<vmem>>, vector<1x16xf32>,
      %get3A_2394 = vector.shape_cast %get3A_2393 : vector<1x16xf32> to vector<16xf32>
      %max3A_2395 = arith.maximumf %max3A_2389, %get3A_2394 : vector<16xf32>
      %get3A_2396 = arith.constant 29 : i32
      %get3A_2397 = arith.index_cast %get3A_2396 : i32 to index
      %get3A_2398 = arith.constant 48 : index
      %get3A_2399 = tpu.vector_load %arg8[%get3A_2397, %get3A_2398] {strides = array<i32>} : memref<32x128xf32, #tpu.memory_space<vmem>>, vector<1x16xf32>,
      %get3A_2400 = vector.shape_cast %get3A_2399 : vector<1x16xf32> to vector<16xf32>
      %max3A_2401 = arith.maximumf %max3A_2395, %get3A_2400 : vector<16xf32>
      %get3A_2402 = arith.constant 30 : i32
      %get3A_2403 = arith.index_cast %get3A_2402 : i32 to index
      %get3A_2404 = arith.constant 48 : index
      %get3A_2405 = tpu.vector_load %arg8[%get3A_2403, %get3A_2404] {strides = array<i32>} : memref<32x128xf32, #tpu.memory_space<vmem>>, vector<1x16xf32>,
      %get3A_2406 = vector.shape_cast %get3A_2405 : vector<1x16xf32> to vector<16xf32>
      %max3A_2407 = arith.maximumf %max3A_2401, %get3A_2406 : vector<16xf32>
      %get3A_2408 = arith.constant 31 : i32
      %get3A_2409 = arith.index_cast %get3A_2408 : i32 to index
      %get3A_2410 = arith.constant 48 : index
      %get3A_2411 = tpu.vector_load %arg8[%get3A_2409, %get3A_2410] {strides = array<i32>} : memref<32x128xf32, #tpu.memory_space<vmem>>, vector<1x16xf32>,
      %get3A_2412 = vector.shape_cast %get3A_2411 : vector<1x16xf32> to vector<16xf32>
      %max3A_2413 = arith.maximumf %max3A_2407, %get3A_2412 : vector<16xf32>
      %swap3A_2414 = arith.constant 48 : index
      %swap3A_2415 = tpu.vector_load %arg10[%swap3A_2414] {strides = array<i32>} : memref<128xf32, #tpu.memory_space<vmem>>, vector<16xf32>,
      %swap3A_2416 = vector.shape_cast %swap3A_2415 : vector<16xf32> to vector<16xf32>
      %swap3A_2417 = vector.shape_cast %max3A_2413 : vector<16xf32> to vector<16xf32>
      tpu.vector_store %arg10[%swap3A_2414], %swap3A_2417 {strides = array<i32>} : memref<128xf32, #tpu.memory_space<vmem>>, vector<16xf32>,
      %get3A_2418 = arith.constant 0 : i32
      %get3A_2419 = arith.index_cast %get3A_2418 : i32 to index
      %get3A_2420 = arith.constant 64 : index
      %get3A_2421 = tpu.vector_load %arg8[%get3A_2419, %get3A_2420] {strides = array<i32>} : memref<32x128xf32, #tpu.memory_space<vmem>>, vector<1x16xf32>,
      %get3A_2422 = vector.shape_cast %get3A_2421 : vector<1x16xf32> to vector<16xf32>
      %get3A_2423 = arith.constant 1 : i32
      %get3A_2424 = arith.index_cast %get3A_2423 : i32 to index
      %get3A_2425 = arith.constant 64 : index
      %get3A_2426 = tpu.vector_load %arg8[%get3A_2424, %get3A_2425] {strides = array<i32>} : memref<32x128xf32, #tpu.memory_space<vmem>>, vector<1x16xf32>,
      %get3A_2427 = vector.shape_cast %get3A_2426 : vector<1x16xf32> to vector<16xf32>
      %max3A_2428 = arith.maximumf %get3A_2422, %get3A_2427 : vector<16xf32>
      %get3A_2429 = arith.constant 2 : i32
      %get3A_2430 = arith.index_cast %get3A_2429 : i32 to index
      %get3A_2431 = arith.constant 64 : index
      %get3A_2432 = tpu.vector_load %arg8[%get3A_2430, %get3A_2431] {strides = array<i32>} : memref<32x128xf32, #tpu.memory_space<vmem>>, vector<1x16xf32>,
      %get3A_2433 = vector.shape_cast %get3A_2432 : vector<1x16xf32> to vector<16xf32>
      %max3A_2434 = arith.maximumf %max3A_2428, %get3A_2433 : vector<16xf32>
      %get3A_2435 = arith.constant 3 : i32
      %get3A_2436 = arith.index_cast %get3A_2435 : i32 to index
      %get3A_2437 = arith.constant 64 : index
      %get3A_2438 = tpu.vector_load %arg8[%get3A_2436, %get3A_2437] {strides = array<i32>} : memref<32x128xf32, #tpu.memory_space<vmem>>, vector<1x16xf32>,
      %get3A_2439 = vector.shape_cast %get3A_2438 : vector<1x16xf32> to vector<16xf32>
      %max3A_2440 = arith.maximumf %max3A_2434, %get3A_2439 : vector<16xf32>
      %get3A_2441 = arith.constant 4 : i32
      %get3A_2442 = arith.index_cast %get3A_2441 : i32 to index
      %get3A_2443 = arith.constant 64 : index
      %get3A_2444 = tpu.vector_load %arg8[%get3A_2442, %get3A_2443] {strides = array<i32>} : memref<32x128xf32, #tpu.memory_space<vmem>>, vector<1x16xf32>,
      %get3A_2445 = vector.shape_cast %get3A_2444 : vector<1x16xf32> to vector<16xf32>
      %max3A_2446 = arith.maximumf %max3A_2440, %get3A_2445 : vector<16xf32>
      %get3A_2447 = arith.constant 5 : i32
      %get3A_2448 = arith.index_cast %get3A_2447 : i32 to index
      %get3A_2449 = arith.constant 64 : index
      %get3A_2450 = tpu.vector_load %arg8[%get3A_2448, %get3A_2449] {strides = array<i32>} : memref<32x128xf32, #tpu.memory_space<vmem>>, vector<1x16xf32>,
      %get3A_2451 = vector.shape_cast %get3A_2450 : vector<1x16xf32> to vector<16xf32>
      %max3A_2452 = arith.maximumf %max3A_2446, %get3A_2451 : vector<16xf32>
      %get3A_2453 = arith.constant 6 : i32
      %get3A_2454 = arith.index_cast %get3A_2453 : i32 to index
      %get3A_2455 = arith.constant 64 : index
      %get3A_2456 = tpu.vector_load %arg8[%get3A_2454, %get3A_2455] {strides = array<i32>} : memref<32x128xf32, #tpu.memory_space<vmem>>, vector<1x16xf32>,
      %get3A_2457 = vector.shape_cast %get3A_2456 : vector<1x16xf32> to vector<16xf32>
      %max3A_2458 = arith.maximumf %max3A_2452, %get3A_2457 : vector<16xf32>
      %get3A_2459 = arith.constant 7 : i32
      %get3A_2460 = arith.index_cast %get3A_2459 : i32 to index
      %get3A_2461 = arith.constant 64 : index
      %get3A_2462 = tpu.vector_load %arg8[%get3A_2460, %get3A_2461] {strides = array<i32>} : memref<32x128xf32, #tpu.memory_space<vmem>>, vector<1x16xf32>,
      %get3A_2463 = vector.shape_cast %get3A_2462 : vector<1x16xf32> to vector<16xf32>
      %max3A_2464 = arith.maximumf %max3A_2458, %get3A_2463 : vector<16xf32>
      %get3A_2465 = arith.constant 8 : i32
      %get3A_2466 = arith.index_cast %get3A_2465 : i32 to index
      %get3A_2467 = arith.constant 64 : index
      %get3A_2468 = tpu.vector_load %arg8[%get3A_2466, %get3A_2467] {strides = array<i32>} : memref<32x128xf32, #tpu.memory_space<vmem>>, vector<1x16xf32>,
      %get3A_2469 = vector.shape_cast %get3A_2468 : vector<1x16xf32> to vector<16xf32>
      %max3A_2470 = arith.maximumf %max3A_2464, %get3A_2469 : vector<16xf32>
      %get3A_2471 = arith.constant 9 : i32
      %get3A_2472 = arith.index_cast %get3A_2471 : i32 to index
      %get3A_2473 = arith.constant 64 : index
      %get3A_2474 = tpu.vector_load %arg8[%get3A_2472, %get3A_2473] {strides = array<i32>} : memref<32x128xf32, #tpu.memory_space<vmem>>, vector<1x16xf32>,
      %get3A_2475 = vector.shape_cast %get3A_2474 : vector<1x16xf32> to vector<16xf32>
      %max3A_2476 = arith.maximumf %max3A_2470, %get3A_2475 : vector<16xf32>
      %get3A_2477 = arith.constant 10 : i32
      %get3A_2478 = arith.index_cast %get3A_2477 : i32 to index
      %get3A_2479 = arith.constant 64 : index
      %get3A_2480 = tpu.vector_load %arg8[%get3A_2478, %get3A_2479] {strides = array<i32>} : memref<32x128xf32, #tpu.memory_space<vmem>>, vector<1x16xf32>,
      %get3A_2481 = vector.shape_cast %get3A_2480 : vector<1x16xf32> to vector<16xf32>
      %max3A_2482 = arith.maximumf %max3A_2476, %get3A_2481 : vector<16xf32>
      %get3A_2483 = arith.constant 11 : i32
      %get3A_2484 = arith.index_cast %get3A_2483 : i32 to index
      %get3A_2485 = arith.constant 64 : index
      %get3A_2486 = tpu.vector_load %arg8[%get3A_2484, %get3A_2485] {strides = array<i32>} : memref<32x128xf32, #tpu.memory_space<vmem>>, vector<1x16xf32>,
      %get3A_2487 = vector.shape_cast %get3A_2486 : vector<1x16xf32> to vector<16xf32>
      %max3A_2488 = arith.maximumf %max3A_2482, %get3A_2487 : vector<16xf32>
      %get3A_2489 = arith.constant 12 : i32
      %get3A_2490 = arith.index_cast %get3A_2489 : i32 to index
      %get3A_2491 = arith.constant 64 : index
      %get3A_2492 = tpu.vector_load %arg8[%get3A_2490, %get3A_2491] {strides = array<i32>} : memref<32x128xf32, #tpu.memory_space<vmem>>, vector<1x16xf32>,
      %get3A_2493 = vector.shape_cast %get3A_2492 : vector<1x16xf32> to vector<16xf32>
      %max3A_2494 = arith.maximumf %max3A_2488, %get3A_2493 : vector<16xf32>
      %get3A_2495 = arith.constant 13 : i32
      %get3A_2496 = arith.index_cast %get3A_2495 : i32 to index
      %get3A_2497 = arith.constant 64 : index
      %get3A_2498 = tpu.vector_load %arg8[%get3A_2496, %get3A_2497] {strides = array<i32>} : memref<32x128xf32, #tpu.memory_space<vmem>>, vector<1x16xf32>,
      %get3A_2499 = vector.shape_cast %get3A_2498 : vector<1x16xf32> to vector<16xf32>
      %max3A_2500 = arith.maximumf %max3A_2494, %get3A_2499 : vector<16xf32>
      %get3A_2501 = arith.constant 14 : i32
      %get3A_2502 = arith.index_cast %get3A_2501 : i32 to index
      %get3A_2503 = arith.constant 64 : index
      %get3A_2504 = tpu.vector_load %arg8[%get3A_2502, %get3A_2503] {strides = array<i32>} : memref<32x128xf32, #tpu.memory_space<vmem>>, vector<1x16xf32>,
      %get3A_2505 = vector.shape_cast %get3A_2504 : vector<1x16xf32> to vector<16xf32>
      %max3A_2506 = arith.maximumf %max3A_2500, %get3A_2505 : vector<16xf32>
      %get3A_2507 = arith.constant 15 : i32
      %get3A_2508 = arith.index_cast %get3A_2507 : i32 to index
      %get3A_2509 = arith.constant 64 : index
      %get3A_2510 = tpu.vector_load %arg8[%get3A_2508, %get3A_2509] {strides = array<i32>} : memref<32x128xf32, #tpu.memory_space<vmem>>, vector<1x16xf32>,
      %get3A_2511 = vector.shape_cast %get3A_2510 : vector<1x16xf32> to vector<16xf32>
      %max3A_2512 = arith.maximumf %max3A_2506, %get3A_2511 : vector<16xf32>
      %get3A_2513 = arith.constant 16 : i32
      %get3A_2514 = arith.index_cast %get3A_2513 : i32 to index
      %get3A_2515 = arith.constant 64 : index
      %get3A_2516 = tpu.vector_load %arg8[%get3A_2514, %get3A_2515] {strides = array<i32>} : memref<32x128xf32, #tpu.memory_space<vmem>>, vector<1x16xf32>,
      %get3A_2517 = vector.shape_cast %get3A_2516 : vector<1x16xf32> to vector<16xf32>
      %max3A_2518 = arith.maximumf %max3A_2512, %get3A_2517 : vector<16xf32>
      %get3A_2519 = arith.constant 17 : i32
      %get3A_2520 = arith.index_cast %get3A_2519 : i32 to index
      %get3A_2521 = arith.constant 64 : index
      %get3A_2522 = tpu.vector_load %arg8[%get3A_2520, %get3A_2521] {strides = array<i32>} : memref<32x128xf32, #tpu.memory_space<vmem>>, vector<1x16xf32>,
      %get3A_2523 = vector.shape_cast %get3A_2522 : vector<1x16xf32> to vector<16xf32>
      %max3A_2524 = arith.maximumf %max3A_2518, %get3A_2523 : vector<16xf32>
      %get3A_2525 = arith.constant 18 : i32
      %get3A_2526 = arith.index_cast %get3A_2525 : i32 to index
      %get3A_2527 = arith.constant 64 : index
      %get3A_2528 = tpu.vector_load %arg8[%get3A_2526, %get3A_2527] {strides = array<i32>} : memref<32x128xf32, #tpu.memory_space<vmem>>, vector<1x16xf32>,
      %get3A_2529 = vector.shape_cast %get3A_2528 : vector<1x16xf32> to vector<16xf32>
      %max3A_2530 = arith.maximumf %max3A_2524, %get3A_2529 : vector<16xf32>
      %get3A_2531 = arith.constant 19 : i32
      %get3A_2532 = arith.index_cast %get3A_2531 : i32 to index
      %get3A_2533 = arith.constant 64 : index
      %get3A_2534 = tpu.vector_load %arg8[%get3A_2532, %get3A_2533] {strides = array<i32>} : memref<32x128xf32, #tpu.memory_space<vmem>>, vector<1x16xf32>,
      %get3A_2535 = vector.shape_cast %get3A_2534 : vector<1x16xf32> to vector<16xf32>
      %max3A_2536 = arith.maximumf %max3A_2530, %get3A_2535 : vector<16xf32>
      %get3A_2537 = arith.constant 20 : i32
      %get3A_2538 = arith.index_cast %get3A_2537 : i32 to index
      %get3A_2539 = arith.constant 64 : index
      %get3A_2540 = tpu.vector_load %arg8[%get3A_2538, %get3A_2539] {strides = array<i32>} : memref<32x128xf32, #tpu.memory_space<vmem>>, vector<1x16xf32>,
      %get3A_2541 = vector.shape_cast %get3A_2540 : vector<1x16xf32> to vector<16xf32>
      %max3A_2542 = arith.maximumf %max3A_2536, %get3A_2541 : vector<16xf32>
      %get3A_2543 = arith.constant 21 : i32
      %get3A_2544 = arith.index_cast %get3A_2543 : i32 to index
      %get3A_2545 = arith.constant 64 : index
      %get3A_2546 = tpu.vector_load %arg8[%get3A_2544, %get3A_2545] {strides = array<i32>} : memref<32x128xf32, #tpu.memory_space<vmem>>, vector<1x16xf32>,
      %get3A_2547 = vector.shape_cast %get3A_2546 : vector<1x16xf32> to vector<16xf32>
      %max3A_2548 = arith.maximumf %max3A_2542, %get3A_2547 : vector<16xf32>
      %get3A_2549 = arith.constant 22 : i32
      %get3A_2550 = arith.index_cast %get3A_2549 : i32 to index
      %get3A_2551 = arith.constant 64 : index
      %get3A_2552 = tpu.vector_load %arg8[%get3A_2550, %get3A_2551] {strides = array<i32>} : memref<32x128xf32, #tpu.memory_space<vmem>>, vector<1x16xf32>,
      %get3A_2553 = vector.shape_cast %get3A_2552 : vector<1x16xf32> to vector<16xf32>
      %max3A_2554 = arith.maximumf %max3A_2548, %get3A_2553 : vector<16xf32>
      %get3A_2555 = arith.constant 23 : i32
      %get3A_2556 = arith.index_cast %get3A_2555 : i32 to index
      %get3A_2557 = arith.constant 64 : index
      %get3A_2558 = tpu.vector_load %arg8[%get3A_2556, %get3A_2557] {strides = array<i32>} : memref<32x128xf32, #tpu.memory_space<vmem>>, vector<1x16xf32>,
      %get3A_2559 = vector.shape_cast %get3A_2558 : vector<1x16xf32> to vector<16xf32>
      %max3A_2560 = arith.maximumf %max3A_2554, %get3A_2559 : vector<16xf32>
      %get3A_2561 = arith.constant 24 : i32
      %get3A_2562 = arith.index_cast %get3A_2561 : i32 to index
      %get3A_2563 = arith.constant 64 : index
      %get3A_2564 = tpu.vector_load %arg8[%get3A_2562, %get3A_2563] {strides = array<i32>} : memref<32x128xf32, #tpu.memory_space<vmem>>, vector<1x16xf32>,
      %get3A_2565 = vector.shape_cast %get3A_2564 : vector<1x16xf32> to vector<16xf32>
      %max3A_2566 = arith.maximumf %max3A_2560, %get3A_2565 : vector<16xf32>
      %get3A_2567 = arith.constant 25 : i32
      %get3A_2568 = arith.index_cast %get3A_2567 : i32 to index
      %get3A_2569 = arith.constant 64 : index
      %get3A_2570 = tpu.vector_load %arg8[%get3A_2568, %get3A_2569] {strides = array<i32>} : memref<32x128xf32, #tpu.memory_space<vmem>>, vector<1x16xf32>,
      %get3A_2571 = vector.shape_cast %get3A_2570 : vector<1x16xf32> to vector<16xf32>
      %max3A_2572 = arith.maximumf %max3A_2566, %get3A_2571 : vector<16xf32>
      %get3A_2573 = arith.constant 26 : i32
      %get3A_2574 = arith.index_cast %get3A_2573 : i32 to index
      %get3A_2575 = arith.constant 64 : index
      %get3A_2576 = tpu.vector_load %arg8[%get3A_2574, %get3A_2575] {strides = array<i32>} : memref<32x128xf32, #tpu.memory_space<vmem>>, vector<1x16xf32>,
      %get3A_2577 = vector.shape_cast %get3A_2576 : vector<1x16xf32> to vector<16xf32>
      %max3A_2578 = arith.maximumf %max3A_2572, %get3A_2577 : vector<16xf32>
      %get3A_2579 = arith.constant 27 : i32
      %get3A_2580 = arith.index_cast %get3A_2579 : i32 to index
      %get3A_2581 = arith.constant 64 : index
      %get3A_2582 = tpu.vector_load %arg8[%get3A_2580, %get3A_2581] {strides = array<i32>} : memref<32x128xf32, #tpu.memory_space<vmem>>, vector<1x16xf32>,
      %get3A_2583 = vector.shape_cast %get3A_2582 : vector<1x16xf32> to vector<16xf32>
      %max3A_2584 = arith.maximumf %max3A_2578, %get3A_2583 : vector<16xf32>
      %get3A_2585 = arith.constant 28 : i32
      %get3A_2586 = arith.index_cast %get3A_2585 : i32 to index
      %get3A_2587 = arith.constant 64 : index
      %get3A_2588 = tpu.vector_load %arg8[%get3A_2586, %get3A_2587] {strides = array<i32>} : memref<32x128xf32, #tpu.memory_space<vmem>>, vector<1x16xf32>,
      %get3A_2589 = vector.shape_cast %get3A_2588 : vector<1x16xf32> to vector<16xf32>
      %max3A_2590 = arith.maximumf %max3A_2584, %get3A_2589 : vector<16xf32>
      %get3A_2591 = arith.constant 29 : i32
      %get3A_2592 = arith.index_cast %get3A_2591 : i32 to index
      %get3A_2593 = arith.constant 64 : index
      %get3A_2594 = tpu.vector_load %arg8[%get3A_2592, %get3A_2593] {strides = array<i32>} : memref<32x128xf32, #tpu.memory_space<vmem>>, vector<1x16xf32>,
      %get3A_2595 = vector.shape_cast %get3A_2594 : vector<1x16xf32> to vector<16xf32>
      %max3A_2596 = arith.maximumf %max3A_2590, %get3A_2595 : vector<16xf32>
      %get3A_2597 = arith.constant 30 : i32
      %get3A_2598 = arith.index_cast %get3A_2597 : i32 to index
      %get3A_2599 = arith.constant 64 : index
      %get3A_2600 = tpu.vector_load %arg8[%get3A_2598, %get3A_2599] {strides = array<i32>} : memref<32x128xf32, #tpu.memory_space<vmem>>, vector<1x16xf32>,
      %get3A_2601 = vector.shape_cast %get3A_2600 : vector<1x16xf32> to vector<16xf32>
      %max3A_2602 = arith.maximumf %max3A_2596, %get3A_2601 : vector<16xf32>
      %get3A_2603 = arith.constant 31 : i32
      %get3A_2604 = arith.index_cast %get3A_2603 : i32 to index
      %get3A_2605 = arith.constant 64 : index
      %get3A_2606 = tpu.vector_load %arg8[%get3A_2604, %get3A_2605] {strides = array<i32>} : memref<32x128xf32, #tpu.memory_space<vmem>>, vector<1x16xf32>,
      %get3A_2607 = vector.shape_cast %get3A_2606 : vector<1x16xf32> to vector<16xf32>
      %max3A_2608 = arith.maximumf %max3A_2602, %get3A_2607 : vector<16xf32>
      %swap3A_2609 = arith.constant 64 : index
      %swap3A_2610 = tpu.vector_load %arg10[%swap3A_2609] {strides = array<i32>} : memref<128xf32, #tpu.memory_space<vmem>>, vector<16xf32>,
      %swap3A_2611 = vector.shape_cast %swap3A_2610 : vector<16xf32> to vector<16xf32>
      %swap3A_2612 = vector.shape_cast %max3A_2608 : vector<16xf32> to vector<16xf32>
      tpu.vector_store %arg10[%swap3A_2609], %swap3A_2612 {strides = array<i32>} : memref<128xf32, #tpu.memory_space<vmem>>, vector<16xf32>,
      %get3A_2613 = arith.constant 0 : i32
      %get3A_2614 = arith.index_cast %get3A_2613 : i32 to index
      %get3A_2615 = arith.constant 80 : index
      %get3A_2616 = tpu.vector_load %arg8[%get3A_2614, %get3A_2615] {strides = array<i32>} : memref<32x128xf32, #tpu.memory_space<vmem>>, vector<1x16xf32>,
      %get3A_2617 = vector.shape_cast %get3A_2616 : vector<1x16xf32> to vector<16xf32>
      %get3A_2618 = arith.constant 1 : i32
      %get3A_2619 = arith.index_cast %get3A_2618 : i32 to index
      %get3A_2620 = arith.constant 80 : index
      %get3A_2621 = tpu.vector_load %arg8[%get3A_2619, %get3A_2620] {strides = array<i32>} : memref<32x128xf32, #tpu.memory_space<vmem>>, vector<1x16xf32>,
      %get3A_2622 = vector.shape_cast %get3A_2621 : vector<1x16xf32> to vector<16xf32>
      %max3A_2623 = arith.maximumf %get3A_2617, %get3A_2622 : vector<16xf32>
      %get3A_2624 = arith.constant 2 : i32
      %get3A_2625 = arith.index_cast %get3A_2624 : i32 to index
      %get3A_2626 = arith.constant 80 : index
      %get3A_2627 = tpu.vector_load %arg8[%get3A_2625, %get3A_2626] {strides = array<i32>} : memref<32x128xf32, #tpu.memory_space<vmem>>, vector<1x16xf32>,
      %get3A_2628 = vector.shape_cast %get3A_2627 : vector<1x16xf32> to vector<16xf32>
      %max3A_2629 = arith.maximumf %max3A_2623, %get3A_2628 : vector<16xf32>
      %get3A_2630 = arith.constant 3 : i32
      %get3A_2631 = arith.index_cast %get3A_2630 : i32 to index
      %get3A_2632 = arith.constant 80 : index
      %get3A_2633 = tpu.vector_load %arg8[%get3A_2631, %get3A_2632] {strides = array<i32>} : memref<32x128xf32, #tpu.memory_space<vmem>>, vector<1x16xf32>,
      %get3A_2634 = vector.shape_cast %get3A_2633 : vector<1x16xf32> to vector<16xf32>
      %max3A_2635 = arith.maximumf %max3A_2629, %get3A_2634 : vector<16xf32>
      %get3A_2636 = arith.constant 4 : i32
      %get3A_2637 = arith.index_cast %get3A_2636 : i32 to index
      %get3A_2638 = arith.constant 80 : index
      %get3A_2639 = tpu.vector_load %arg8[%get3A_2637, %get3A_2638] {strides = array<i32>} : memref<32x128xf32, #tpu.memory_space<vmem>>, vector<1x16xf32>,
      %get3A_2640 = vector.shape_cast %get3A_2639 : vector<1x16xf32> to vector<16xf32>
      %max3A_2641 = arith.maximumf %max3A_2635, %get3A_2640 : vector<16xf32>
      %get3A_2642 = arith.constant 5 : i32
      %get3A_2643 = arith.index_cast %get3A_2642 : i32 to index
      %get3A_2644 = arith.constant 80 : index
      %get3A_2645 = tpu.vector_load %arg8[%get3A_2643, %get3A_2644] {strides = array<i32>} : memref<32x128xf32, #tpu.memory_space<vmem>>, vector<1x16xf32>,
      %get3A_2646 = vector.shape_cast %get3A_2645 : vector<1x16xf32> to vector<16xf32>
      %max3A_2647 = arith.maximumf %max3A_2641, %get3A_2646 : vector<16xf32>
      %get3A_2648 = arith.constant 6 : i32
      %get3A_2649 = arith.index_cast %get3A_2648 : i32 to index
      %get3A_2650 = arith.constant 80 : index
      %get3A_2651 = tpu.vector_load %arg8[%get3A_2649, %get3A_2650] {strides = array<i32>} : memref<32x128xf32, #tpu.memory_space<vmem>>, vector<1x16xf32>,
      %get3A_2652 = vector.shape_cast %get3A_2651 : vector<1x16xf32> to vector<16xf32>
      %max3A_2653 = arith.maximumf %max3A_2647, %get3A_2652 : vector<16xf32>
      %get3A_2654 = arith.constant 7 : i32
      %get3A_2655 = arith.index_cast %get3A_2654 : i32 to index
      %get3A_2656 = arith.constant 80 : index
      %get3A_2657 = tpu.vector_load %arg8[%get3A_2655, %get3A_2656] {strides = array<i32>} : memref<32x128xf32, #tpu.memory_space<vmem>>, vector<1x16xf32>,
      %get3A_2658 = vector.shape_cast %get3A_2657 : vector<1x16xf32> to vector<16xf32>
      %max3A_2659 = arith.maximumf %max3A_2653, %get3A_2658 : vector<16xf32>
      %get3A_2660 = arith.constant 8 : i32
      %get3A_2661 = arith.index_cast %get3A_2660 : i32 to index
      %get3A_2662 = arith.constant 80 : index
      %get3A_2663 = tpu.vector_load %arg8[%get3A_2661, %get3A_2662] {strides = array<i32>} : memref<32x128xf32, #tpu.memory_space<vmem>>, vector<1x16xf32>,
      %get3A_2664 = vector.shape_cast %get3A_2663 : vector<1x16xf32> to vector<16xf32>
      %max3A_2665 = arith.maximumf %max3A_2659, %get3A_2664 : vector<16xf32>
      %get3A_2666 = arith.constant 9 : i32
      %get3A_2667 = arith.index_cast %get3A_2666 : i32 to index
      %get3A_2668 = arith.constant 80 : index
      %get3A_2669 = tpu.vector_load %arg8[%get3A_2667, %get3A_2668] {strides = array<i32>} : memref<32x128xf32, #tpu.memory_space<vmem>>, vector<1x16xf32>,
      %get3A_2670 = vector.shape_cast %get3A_2669 : vector<1x16xf32> to vector<16xf32>
      %max3A_2671 = arith.maximumf %max3A_2665, %get3A_2670 : vector<16xf32>
      %get3A_2672 = arith.constant 10 : i32
      %get3A_2673 = arith.index_cast %get3A_2672 : i32 to index
      %get3A_2674 = arith.constant 80 : index
      %get3A_2675 = tpu.vector_load %arg8[%get3A_2673, %get3A_2674] {strides = array<i32>} : memref<32x128xf32, #tpu.memory_space<vmem>>, vector<1x16xf32>,
      %get3A_2676 = vector.shape_cast %get3A_2675 : vector<1x16xf32> to vector<16xf32>
      %max3A_2677 = arith.maximumf %max3A_2671, %get3A_2676 : vector<16xf32>
      %get3A_2678 = arith.constant 11 : i32
      %get3A_2679 = arith.index_cast %get3A_2678 : i32 to index
      %get3A_2680 = arith.constant 80 : index
      %get3A_2681 = tpu.vector_load %arg8[%get3A_2679, %get3A_2680] {strides = array<i32>} : memref<32x128xf32, #tpu.memory_space<vmem>>, vector<1x16xf32>,
      %get3A_2682 = vector.shape_cast %get3A_2681 : vector<1x16xf32> to vector<16xf32>
      %max3A_2683 = arith.maximumf %max3A_2677, %get3A_2682 : vector<16xf32>
      %get3A_2684 = arith.constant 12 : i32
      %get3A_2685 = arith.index_cast %get3A_2684 : i32 to index
      %get3A_2686 = arith.constant 80 : index
      %get3A_2687 = tpu.vector_load %arg8[%get3A_2685, %get3A_2686] {strides = array<i32>} : memref<32x128xf32, #tpu.memory_space<vmem>>, vector<1x16xf32>,
      %get3A_2688 = vector.shape_cast %get3A_2687 : vector<1x16xf32> to vector<16xf32>
      %max3A_2689 = arith.maximumf %max3A_2683, %get3A_2688 : vector<16xf32>
      %get3A_2690 = arith.constant 13 : i32
      %get3A_2691 = arith.index_cast %get3A_2690 : i32 to index
      %get3A_2692 = arith.constant 80 : index
      %get3A_2693 = tpu.vector_load %arg8[%get3A_2691, %get3A_2692] {strides = array<i32>} : memref<32x128xf32, #tpu.memory_space<vmem>>, vector<1x16xf32>,
      %get3A_2694 = vector.shape_cast %get3A_2693 : vector<1x16xf32> to vector<16xf32>
      %max3A_2695 = arith.maximumf %max3A_2689, %get3A_2694 : vector<16xf32>
      %get3A_2696 = arith.constant 14 : i32
      %get3A_2697 = arith.index_cast %get3A_2696 : i32 to index
      %get3A_2698 = arith.constant 80 : index
      %get3A_2699 = tpu.vector_load %arg8[%get3A_2697, %get3A_2698] {strides = array<i32>} : memref<32x128xf32, #tpu.memory_space<vmem>>, vector<1x16xf32>,
      %get3A_2700 = vector.shape_cast %get3A_2699 : vector<1x16xf32> to vector<16xf32>
      %max3A_2701 = arith.maximumf %max3A_2695, %get3A_2700 : vector<16xf32>
      %get3A_2702 = arith.constant 15 : i32
      %get3A_2703 = arith.index_cast %get3A_2702 : i32 to index
      %get3A_2704 = arith.constant 80 : index
      %get3A_2705 = tpu.vector_load %arg8[%get3A_2703, %get3A_2704] {strides = array<i32>} : memref<32x128xf32, #tpu.memory_space<vmem>>, vector<1x16xf32>,
      %get3A_2706 = vector.shape_cast %get3A_2705 : vector<1x16xf32> to vector<16xf32>
      %max3A_2707 = arith.maximumf %max3A_2701, %get3A_2706 : vector<16xf32>
      %get3A_2708 = arith.constant 16 : i32
      %get3A_2709 = arith.index_cast %get3A_2708 : i32 to index
      %get3A_2710 = arith.constant 80 : index
      %get3A_2711 = tpu.vector_load %arg8[%get3A_2709, %get3A_2710] {strides = array<i32>} : memref<32x128xf32, #tpu.memory_space<vmem>>, vector<1x16xf32>,
      %get3A_2712 = vector.shape_cast %get3A_2711 : vector<1x16xf32> to vector<16xf32>
      %max3A_2713 = arith.maximumf %max3A_2707, %get3A_2712 : vector<16xf32>
      %get3A_2714 = arith.constant 17 : i32
      %get3A_2715 = arith.index_cast %get3A_2714 : i32 to index
      %get3A_2716 = arith.constant 80 : index
      %get3A_2717 = tpu.vector_load %arg8[%get3A_2715, %get3A_2716] {strides = array<i32>} : memref<32x128xf32, #tpu.memory_space<vmem>>, vector<1x16xf32>,
      %get3A_2718 = vector.shape_cast %get3A_2717 : vector<1x16xf32> to vector<16xf32>
      %max3A_2719 = arith.maximumf %max3A_2713, %get3A_2718 : vector<16xf32>
      %get3A_2720 = arith.constant 18 : i32
      %get3A_2721 = arith.index_cast %get3A_2720 : i32 to index
      %get3A_2722 = arith.constant 80 : index
      %get3A_2723 = tpu.vector_load %arg8[%get3A_2721, %get3A_2722] {strides = array<i32>} : memref<32x128xf32, #tpu.memory_space<vmem>>, vector<1x16xf32>,
      %get3A_2724 = vector.shape_cast %get3A_2723 : vector<1x16xf32> to vector<16xf32>
      %max3A_2725 = arith.maximumf %max3A_2719, %get3A_2724 : vector<16xf32>
      %get3A_2726 = arith.constant 19 : i32
      %get3A_2727 = arith.index_cast %get3A_2726 : i32 to index
      %get3A_2728 = arith.constant 80 : index
      %get3A_2729 = tpu.vector_load %arg8[%get3A_2727, %get3A_2728] {strides = array<i32>} : memref<32x128xf32, #tpu.memory_space<vmem>>, vector<1x16xf32>,
      %get3A_2730 = vector.shape_cast %get3A_2729 : vector<1x16xf32> to vector<16xf32>
      %max3A_2731 = arith.maximumf %max3A_2725, %get3A_2730 : vector<16xf32>
      %get3A_2732 = arith.constant 20 : i32
      %get3A_2733 = arith.index_cast %get3A_2732 : i32 to index
      %get3A_2734 = arith.constant 80 : index
      %get3A_2735 = tpu.vector_load %arg8[%get3A_2733, %get3A_2734] {strides = array<i32>} : memref<32x128xf32, #tpu.memory_space<vmem>>, vector<1x16xf32>,
      %get3A_2736 = vector.shape_cast %get3A_2735 : vector<1x16xf32> to vector<16xf32>
      %max3A_2737 = arith.maximumf %max3A_2731, %get3A_2736 : vector<16xf32>
      %get3A_2738 = arith.constant 21 : i32
      %get3A_2739 = arith.index_cast %get3A_2738 : i32 to index
      %get3A_2740 = arith.constant 80 : index
      %get3A_2741 = tpu.vector_load %arg8[%get3A_2739, %get3A_2740] {strides = array<i32>} : memref<32x128xf32, #tpu.memory_space<vmem>>, vector<1x16xf32>,
      %get3A_2742 = vector.shape_cast %get3A_2741 : vector<1x16xf32> to vector<16xf32>
      %max3A_2743 = arith.maximumf %max3A_2737, %get3A_2742 : vector<16xf32>
      %get3A_2744 = arith.constant 22 : i32
      %get3A_2745 = arith.index_cast %get3A_2744 : i32 to index
      %get3A_2746 = arith.constant 80 : index
      %get3A_2747 = tpu.vector_load %arg8[%get3A_2745, %get3A_2746] {strides = array<i32>} : memref<32x128xf32, #tpu.memory_space<vmem>>, vector<1x16xf32>,
      %get3A_2748 = vector.shape_cast %get3A_2747 : vector<1x16xf32> to vector<16xf32>
      %max3A_2749 = arith.maximumf %max3A_2743, %get3A_2748 : vector<16xf32>
      %get3A_2750 = arith.constant 23 : i32
      %get3A_2751 = arith.index_cast %get3A_2750 : i32 to index
      %get3A_2752 = arith.constant 80 : index
      %get3A_2753 = tpu.vector_load %arg8[%get3A_2751, %get3A_2752] {strides = array<i32>} : memref<32x128xf32, #tpu.memory_space<vmem>>, vector<1x16xf32>,
      %get3A_2754 = vector.shape_cast %get3A_2753 : vector<1x16xf32> to vector<16xf32>
      %max3A_2755 = arith.maximumf %max3A_2749, %get3A_2754 : vector<16xf32>
      %get3A_2756 = arith.constant 24 : i32
      %get3A_2757 = arith.index_cast %get3A_2756 : i32 to index
      %get3A_2758 = arith.constant 80 : index
      %get3A_2759 = tpu.vector_load %arg8[%get3A_2757, %get3A_2758] {strides = array<i32>} : memref<32x128xf32, #tpu.memory_space<vmem>>, vector<1x16xf32>,
      %get3A_2760 = vector.shape_cast %get3A_2759 : vector<1x16xf32> to vector<16xf32>
      %max3A_2761 = arith.maximumf %max3A_2755, %get3A_2760 : vector<16xf32>
      %get3A_2762 = arith.constant 25 : i32
      %get3A_2763 = arith.index_cast %get3A_2762 : i32 to index
      %get3A_2764 = arith.constant 80 : index
      %get3A_2765 = tpu.vector_load %arg8[%get3A_2763, %get3A_2764] {strides = array<i32>} : memref<32x128xf32, #tpu.memory_space<vmem>>, vector<1x16xf32>,
      %get3A_2766 = vector.shape_cast %get3A_2765 : vector<1x16xf32> to vector<16xf32>
      %max3A_2767 = arith.maximumf %max3A_2761, %get3A_2766 : vector<16xf32>
      %get3A_2768 = arith.constant 26 : i32
      %get3A_2769 = arith.index_cast %get3A_2768 : i32 to index
      %get3A_2770 = arith.constant 80 : index
      %get3A_2771 = tpu.vector_load %arg8[%get3A_2769, %get3A_2770] {strides = array<i32>} : memref<32x128xf32, #tpu.memory_space<vmem>>, vector<1x16xf32>,
      %get3A_2772 = vector.shape_cast %get3A_2771 : vector<1x16xf32> to vector<16xf32>
      %max3A_2773 = arith.maximumf %max3A_2767, %get3A_2772 : vector<16xf32>
      %get3A_2774 = arith.constant 27 : i32
      %get3A_2775 = arith.index_cast %get3A_2774 : i32 to index
      %get3A_2776 = arith.constant 80 : index
      %get3A_2777 = tpu.vector_load %arg8[%get3A_2775, %get3A_2776] {strides = array<i32>} : memref<32x128xf32, #tpu.memory_space<vmem>>, vector<1x16xf32>,
      %get3A_2778 = vector.shape_cast %get3A_2777 : vector<1x16xf32> to vector<16xf32>
      %max3A_2779 = arith.maximumf %max3A_2773, %get3A_2778 : vector<16xf32>
      %get3A_2780 = arith.constant 28 : i32
      %get3A_2781 = arith.index_cast %get3A_2780 : i32 to index
      %get3A_2782 = arith.constant 80 : index
      %get3A_2783 = tpu.vector_load %arg8[%get3A_2781, %get3A_2782] {strides = array<i32>} : memref<32x128xf32, #tpu.memory_space<vmem>>, vector<1x16xf32>,
      %get3A_2784 = vector.shape_cast %get3A_2783 : vector<1x16xf32> to vector<16xf32>
      %max3A_2785 = arith.maximumf %max3A_2779, %get3A_2784 : vector<16xf32>
      %get3A_2786 = arith.constant 29 : i32
      %get3A_2787 = arith.index_cast %get3A_2786 : i32 to index
      %get3A_2788 = arith.constant 80 : index
      %get3A_2789 = tpu.vector_load %arg8[%get3A_2787, %get3A_2788] {strides = array<i32>} : memref<32x128xf32, #tpu.memory_space<vmem>>, vector<1x16xf32>,
      %get3A_2790 = vector.shape_cast %get3A_2789 : vector<1x16xf32> to vector<16xf32>
      %max3A_2791 = arith.maximumf %max3A_2785, %get3A_2790 : vector<16xf32>
      %get3A_2792 = arith.constant 30 : i32
      %get3A_2793 = arith.index_cast %get3A_2792 : i32 to index
      %get3A_2794 = arith.constant 80 : index
      %get3A_2795 = tpu.vector_load %arg8[%get3A_2793, %get3A_2794] {strides = array<i32>} : memref<32x128xf32, #tpu.memory_space<vmem>>, vector<1x16xf32>,
      %get3A_2796 = vector.shape_cast %get3A_2795 : vector<1x16xf32> to vector<16xf32>
      %max3A_2797 = arith.maximumf %max3A_2791, %get3A_2796 : vector<16xf32>
      %get3A_2798 = arith.constant 31 : i32
      %get3A_2799 = arith.index_cast %get3A_2798 : i32 to index
      %get3A_2800 = arith.constant 80 : index
      %get3A_2801 = tpu.vector_load %arg8[%get3A_2799, %get3A_2800] {strides = array<i32>} : memref<32x128xf32, #tpu.memory_space<vmem>>, vector<1x16xf32>,
      %get3A_2802 = vector.shape_cast %get3A_2801 : vector<1x16xf32> to vector<16xf32>
      %max3A_2803 = arith.maximumf %max3A_2797, %get3A_2802 : vector<16xf32>
      %swap3A_2804 = arith.constant 80 : index
      %swap3A_2805 = tpu.vector_load %arg10[%swap3A_2804] {strides = array<i32>} : memref<128xf32, #tpu.memory_space<vmem>>, vector<16xf32>,
      %swap3A_2806 = vector.shape_cast %swap3A_2805 : vector<16xf32> to vector<16xf32>
      %swap3A_2807 = vector.shape_cast %max3A_2803 : vector<16xf32> to vector<16xf32>
      tpu.vector_store %arg10[%swap3A_2804], %swap3A_2807 {strides = array<i32>} : memref<128xf32, #tpu.memory_space<vmem>>, vector<16xf32>,
      %get3A_2808 = arith.constant 0 : i32
      %get3A_2809 = arith.index_cast %get3A_2808 : i32 to index
      %get3A_2810 = arith.constant 96 : index
      %get3A_2811 = tpu.vector_load %arg8[%get3A_2809, %get3A_2810] {strides = array<i32>} : memref<32x128xf32, #tpu.memory_space<vmem>>, vector<1x16xf32>,
      %get3A_2812 = vector.shape_cast %get3A_2811 : vector<1x16xf32> to vector<16xf32>
      %get3A_2813 = arith.constant 1 : i32
      %get3A_2814 = arith.index_cast %get3A_2813 : i32 to index
      %get3A_2815 = arith.constant 96 : index
      %get3A_2816 = tpu.vector_load %arg8[%get3A_2814, %get3A_2815] {strides = array<i32>} : memref<32x128xf32, #tpu.memory_space<vmem>>, vector<1x16xf32>,
      %get3A_2817 = vector.shape_cast %get3A_2816 : vector<1x16xf32> to vector<16xf32>
      %max3A_2818 = arith.maximumf %get3A_2812, %get3A_2817 : vector<16xf32>
      %get3A_2819 = arith.constant 2 : i32
      %get3A_2820 = arith.index_cast %get3A_2819 : i32 to index
      %get3A_2821 = arith.constant 96 : index
      %get3A_2822 = tpu.vector_load %arg8[%get3A_2820, %get3A_2821] {strides = array<i32>} : memref<32x128xf32, #tpu.memory_space<vmem>>, vector<1x16xf32>,
      %get3A_2823 = vector.shape_cast %get3A_2822 : vector<1x16xf32> to vector<16xf32>
      %max3A_2824 = arith.maximumf %max3A_2818, %get3A_2823 : vector<16xf32>
      %get3A_2825 = arith.constant 3 : i32
      %get3A_2826 = arith.index_cast %get3A_2825 : i32 to index
      %get3A_2827 = arith.constant 96 : index
      %get3A_2828 = tpu.vector_load %arg8[%get3A_2826, %get3A_2827] {strides = array<i32>} : memref<32x128xf32, #tpu.memory_space<vmem>>, vector<1x16xf32>,
      %get3A_2829 = vector.shape_cast %get3A_2828 : vector<1x16xf32> to vector<16xf32>
      %max3A_2830 = arith.maximumf %max3A_2824, %get3A_2829 : vector<16xf32>
      %get3A_2831 = arith.constant 4 : i32
      %get3A_2832 = arith.index_cast %get3A_2831 : i32 to index
      %get3A_2833 = arith.constant 96 : index
      %get3A_2834 = tpu.vector_load %arg8[%get3A_2832, %get3A_2833] {strides = array<i32>} : memref<32x128xf32, #tpu.memory_space<vmem>>, vector<1x16xf32>,
      %get3A_2835 = vector.shape_cast %get3A_2834 : vector<1x16xf32> to vector<16xf32>
      %max3A_2836 = arith.maximumf %max3A_2830, %get3A_2835 : vector<16xf32>
      %get3A_2837 = arith.constant 5 : i32
      %get3A_2838 = arith.index_cast %get3A_2837 : i32 to index
      %get3A_2839 = arith.constant 96 : index
      %get3A_2840 = tpu.vector_load %arg8[%get3A_2838, %get3A_2839] {strides = array<i32>} : memref<32x128xf32, #tpu.memory_space<vmem>>, vector<1x16xf32>,
      %get3A_2841 = vector.shape_cast %get3A_2840 : vector<1x16xf32> to vector<16xf32>
      %max3A_2842 = arith.maximumf %max3A_2836, %get3A_2841 : vector<16xf32>
      %get3A_2843 = arith.constant 6 : i32
      %get3A_2844 = arith.index_cast %get3A_2843 : i32 to index
      %get3A_2845 = arith.constant 96 : index
      %get3A_2846 = tpu.vector_load %arg8[%get3A_2844, %get3A_2845] {strides = array<i32>} : memref<32x128xf32, #tpu.memory_space<vmem>>, vector<1x16xf32>,
      %get3A_2847 = vector.shape_cast %get3A_2846 : vector<1x16xf32> to vector<16xf32>
      %max3A_2848 = arith.maximumf %max3A_2842, %get3A_2847 : vector<16xf32>
      %get3A_2849 = arith.constant 7 : i32
      %get3A_2850 = arith.index_cast %get3A_2849 : i32 to index
      %get3A_2851 = arith.constant 96 : index
      %get3A_2852 = tpu.vector_load %arg8[%get3A_2850, %get3A_2851] {strides = array<i32>} : memref<32x128xf32, #tpu.memory_space<vmem>>, vector<1x16xf32>,
      %get3A_2853 = vector.shape_cast %get3A_2852 : vector<1x16xf32> to vector<16xf32>
      %max3A_2854 = arith.maximumf %max3A_2848, %get3A_2853 : vector<16xf32>
      %get3A_2855 = arith.constant 8 : i32
      %get3A_2856 = arith.index_cast %get3A_2855 : i32 to index
      %get3A_2857 = arith.constant 96 : index
      %get3A_2858 = tpu.vector_load %arg8[%get3A_2856, %get3A_2857] {strides = array<i32>} : memref<32x128xf32, #tpu.memory_space<vmem>>, vector<1x16xf32>,
      %get3A_2859 = vector.shape_cast %get3A_2858 : vector<1x16xf32> to vector<16xf32>
      %max3A_2860 = arith.maximumf %max3A_2854, %get3A_2859 : vector<16xf32>
      %get3A_2861 = arith.constant 9 : i32
      %get3A_2862 = arith.index_cast %get3A_2861 : i32 to index
      %get3A_2863 = arith.constant 96 : index
      %get3A_2864 = tpu.vector_load %arg8[%get3A_2862, %get3A_2863] {strides = array<i32>} : memref<32x128xf32, #tpu.memory_space<vmem>>, vector<1x16xf32>,
      %get3A_2865 = vector.shape_cast %get3A_2864 : vector<1x16xf32> to vector<16xf32>
      %max3A_2866 = arith.maximumf %max3A_2860, %get3A_2865 : vector<16xf32>
      %get3A_2867 = arith.constant 10 : i32
      %get3A_2868 = arith.index_cast %get3A_2867 : i32 to index
      %get3A_2869 = arith.constant 96 : index
      %get3A_2870 = tpu.vector_load %arg8[%get3A_2868, %get3A_2869] {strides = array<i32>} : memref<32x128xf32, #tpu.memory_space<vmem>>, vector<1x16xf32>,
      %get3A_2871 = vector.shape_cast %get3A_2870 : vector<1x16xf32> to vector<16xf32>
      %max3A_2872 = arith.maximumf %max3A_2866, %get3A_2871 : vector<16xf32>
      %get3A_2873 = arith.constant 11 : i32
      %get3A_2874 = arith.index_cast %get3A_2873 : i32 to index
      %get3A_2875 = arith.constant 96 : index
      %get3A_2876 = tpu.vector_load %arg8[%get3A_2874, %get3A_2875] {strides = array<i32>} : memref<32x128xf32, #tpu.memory_space<vmem>>, vector<1x16xf32>,
      %get3A_2877 = vector.shape_cast %get3A_2876 : vector<1x16xf32> to vector<16xf32>
      %max3A_2878 = arith.maximumf %max3A_2872, %get3A_2877 : vector<16xf32>
      %get3A_2879 = arith.constant 12 : i32
      %get3A_2880 = arith.index_cast %get3A_2879 : i32 to index
      %get3A_2881 = arith.constant 96 : index
      %get3A_2882 = tpu.vector_load %arg8[%get3A_2880, %get3A_2881] {strides = array<i32>} : memref<32x128xf32, #tpu.memory_space<vmem>>, vector<1x16xf32>,
      %get3A_2883 = vector.shape_cast %get3A_2882 : vector<1x16xf32> to vector<16xf32>
      %max3A_2884 = arith.maximumf %max3A_2878, %get3A_2883 : vector<16xf32>
      %get3A_2885 = arith.constant 13 : i32
      %get3A_2886 = arith.index_cast %get3A_2885 : i32 to index
      %get3A_2887 = arith.constant 96 : index
      %get3A_2888 = tpu.vector_load %arg8[%get3A_2886, %get3A_2887] {strides = array<i32>} : memref<32x128xf32, #tpu.memory_space<vmem>>, vector<1x16xf32>,
      %get3A_2889 = vector.shape_cast %get3A_2888 : vector<1x16xf32> to vector<16xf32>
      %max3A_2890 = arith.maximumf %max3A_2884, %get3A_2889 : vector<16xf32>
      %get3A_2891 = arith.constant 14 : i32
      %get3A_2892 = arith.index_cast %get3A_2891 : i32 to index
      %get3A_2893 = arith.constant 96 : index
      %get3A_2894 = tpu.vector_load %arg8[%get3A_2892, %get3A_2893] {strides = array<i32>} : memref<32x128xf32, #tpu.memory_space<vmem>>, vector<1x16xf32>,
      %get3A_2895 = vector.shape_cast %get3A_2894 : vector<1x16xf32> to vector<16xf32>
      %max3A_2896 = arith.maximumf %max3A_2890, %get3A_2895 : vector<16xf32>
      %get3A_2897 = arith.constant 15 : i32
      %get3A_2898 = arith.index_cast %get3A_2897 : i32 to index
      %get3A_2899 = arith.constant 96 : index
      %get3A_2900 = tpu.vector_load %arg8[%get3A_2898, %get3A_2899] {strides = array<i32>} : memref<32x128xf32, #tpu.memory_space<vmem>>, vector<1x16xf32>,
      %get3A_2901 = vector.shape_cast %get3A_2900 : vector<1x16xf32> to vector<16xf32>
      %max3A_2902 = arith.maximumf %max3A_2896, %get3A_2901 : vector<16xf32>
      %get3A_2903 = arith.constant 16 : i32
      %get3A_2904 = arith.index_cast %get3A_2903 : i32 to index
      %get3A_2905 = arith.constant 96 : index
      %get3A_2906 = tpu.vector_load %arg8[%get3A_2904, %get3A_2905] {strides = array<i32>} : memref<32x128xf32, #tpu.memory_space<vmem>>, vector<1x16xf32>,
      %get3A_2907 = vector.shape_cast %get3A_2906 : vector<1x16xf32> to vector<16xf32>
      %max3A_2908 = arith.maximumf %max3A_2902, %get3A_2907 : vector<16xf32>
      %get3A_2909 = arith.constant 17 : i32
      %get3A_2910 = arith.index_cast %get3A_2909 : i32 to index
      %get3A_2911 = arith.constant 96 : index
      %get3A_2912 = tpu.vector_load %arg8[%get3A_2910, %get3A_2911] {strides = array<i32>} : memref<32x128xf32, #tpu.memory_space<vmem>>, vector<1x16xf32>,
      %get3A_2913 = vector.shape_cast %get3A_2912 : vector<1x16xf32> to vector<16xf32>
      %max3A_2914 = arith.maximumf %max3A_2908, %get3A_2913 : vector<16xf32>
      %get3A_2915 = arith.constant 18 : i32
      %get3A_2916 = arith.index_cast %get3A_2915 : i32 to index
      %get3A_2917 = arith.constant 96 : index
      %get3A_2918 = tpu.vector_load %arg8[%get3A_2916, %get3A_2917] {strides = array<i32>} : memref<32x128xf32, #tpu.memory_space<vmem>>, vector<1x16xf32>,
      %get3A_2919 = vector.shape_cast %get3A_2918 : vector<1x16xf32> to vector<16xf32>
      %max3A_2920 = arith.maximumf %max3A_2914, %get3A_2919 : vector<16xf32>
      %get3A_2921 = arith.constant 19 : i32
      %get3A_2922 = arith.index_cast %get3A_2921 : i32 to index
      %get3A_2923 = arith.constant 96 : index
      %get3A_2924 = tpu.vector_load %arg8[%get3A_2922, %get3A_2923] {strides = array<i32>} : memref<32x128xf32, #tpu.memory_space<vmem>>, vector<1x16xf32>,
      %get3A_2925 = vector.shape_cast %get3A_2924 : vector<1x16xf32> to vector<16xf32>
      %max3A_2926 = arith.maximumf %max3A_2920, %get3A_2925 : vector<16xf32>
      %get3A_2927 = arith.constant 20 : i32
      %get3A_2928 = arith.index_cast %get3A_2927 : i32 to index
      %get3A_2929 = arith.constant 96 : index
      %get3A_2930 = tpu.vector_load %arg8[%get3A_2928, %get3A_2929] {strides = array<i32>} : memref<32x128xf32, #tpu.memory_space<vmem>>, vector<1x16xf32>,
      %get3A_2931 = vector.shape_cast %get3A_2930 : vector<1x16xf32> to vector<16xf32>
      %max3A_2932 = arith.maximumf %max3A_2926, %get3A_2931 : vector<16xf32>
      %get3A_2933 = arith.constant 21 : i32
      %get3A_2934 = arith.index_cast %get3A_2933 : i32 to index
      %get3A_2935 = arith.constant 96 : index
      %get3A_2936 = tpu.vector_load %arg8[%get3A_2934, %get3A_2935] {strides = array<i32>} : memref<32x128xf32, #tpu.memory_space<vmem>>, vector<1x16xf32>,
      %get3A_2937 = vector.shape_cast %get3A_2936 : vector<1x16xf32> to vector<16xf32>
      %max3A_2938 = arith.maximumf %max3A_2932, %get3A_2937 : vector<16xf32>
      %get3A_2939 = arith.constant 22 : i32
      %get3A_2940 = arith.index_cast %get3A_2939 : i32 to index
      %get3A_2941 = arith.constant 96 : index
      %get3A_2942 = tpu.vector_load %arg8[%get3A_2940, %get3A_2941] {strides = array<i32>} : memref<32x128xf32, #tpu.memory_space<vmem>>, vector<1x16xf32>,
      %get3A_2943 = vector.shape_cast %get3A_2942 : vector<1x16xf32> to vector<16xf32>
      %max3A_2944 = arith.maximumf %max3A_2938, %get3A_2943 : vector<16xf32>
      %get3A_2945 = arith.constant 23 : i32
      %get3A_2946 = arith.index_cast %get3A_2945 : i32 to index
      %get3A_2947 = arith.constant 96 : index
      %get3A_2948 = tpu.vector_load %arg8[%get3A_2946, %get3A_2947] {strides = array<i32>} : memref<32x128xf32, #tpu.memory_space<vmem>>, vector<1x16xf32>,
      %get3A_2949 = vector.shape_cast %get3A_2948 : vector<1x16xf32> to vector<16xf32>
      %max3A_2950 = arith.maximumf %max3A_2944, %get3A_2949 : vector<16xf32>
      %get3A_2951 = arith.constant 24 : i32
      %get3A_2952 = arith.index_cast %get3A_2951 : i32 to index
      %get3A_2953 = arith.constant 96 : index
      %get3A_2954 = tpu.vector_load %arg8[%get3A_2952, %get3A_2953] {strides = array<i32>} : memref<32x128xf32, #tpu.memory_space<vmem>>, vector<1x16xf32>,
      %get3A_2955 = vector.shape_cast %get3A_2954 : vector<1x16xf32> to vector<16xf32>
      %max3A_2956 = arith.maximumf %max3A_2950, %get3A_2955 : vector<16xf32>
      %get3A_2957 = arith.constant 25 : i32
      %get3A_2958 = arith.index_cast %get3A_2957 : i32 to index
      %get3A_2959 = arith.constant 96 : index
      %get3A_2960 = tpu.vector_load %arg8[%get3A_2958, %get3A_2959] {strides = array<i32>} : memref<32x128xf32, #tpu.memory_space<vmem>>, vector<1x16xf32>,
      %get3A_2961 = vector.shape_cast %get3A_2960 : vector<1x16xf32> to vector<16xf32>
      %max3A_2962 = arith.maximumf %max3A_2956, %get3A_2961 : vector<16xf32>
      %get3A_2963 = arith.constant 26 : i32
      %get3A_2964 = arith.index_cast %get3A_2963 : i32 to index
      %get3A_2965 = arith.constant 96 : index
      %get3A_2966 = tpu.vector_load %arg8[%get3A_2964, %get3A_2965] {strides = array<i32>} : memref<32x128xf32, #tpu.memory_space<vmem>>, vector<1x16xf32>,
      %get3A_2967 = vector.shape_cast %get3A_2966 : vector<1x16xf32> to vector<16xf32>
      %max3A_2968 = arith.maximumf %max3A_2962, %get3A_2967 : vector<16xf32>
      %get3A_2969 = arith.constant 27 : i32
      %get3A_2970 = arith.index_cast %get3A_2969 : i32 to index
      %get3A_2971 = arith.constant 96 : index
      %get3A_2972 = tpu.vector_load %arg8[%get3A_2970, %get3A_2971] {strides = array<i32>} : memref<32x128xf32, #tpu.memory_space<vmem>>, vector<1x16xf32>,
      %get3A_2973 = vector.shape_cast %get3A_2972 : vector<1x16xf32> to vector<16xf32>
      %max3A_2974 = arith.maximumf %max3A_2968, %get3A_2973 : vector<16xf32>
      %get3A_2975 = arith.constant 28 : i32
      %get3A_2976 = arith.index_cast %get3A_2975 : i32 to index
      %get3A_2977 = arith.constant 96 : index
      %get3A_2978 = tpu.vector_load %arg8[%get3A_2976, %get3A_2977] {strides = array<i32>} : memref<32x128xf32, #tpu.memory_space<vmem>>, vector<1x16xf32>,
      %get3A_2979 = vector.shape_cast %get3A_2978 : vector<1x16xf32> to vector<16xf32>
      %max3A_2980 = arith.maximumf %max3A_2974, %get3A_2979 : vector<16xf32>
      %get3A_2981 = arith.constant 29 : i32
      %get3A_2982 = arith.index_cast %get3A_2981 : i32 to index
      %get3A_2983 = arith.constant 96 : index
      %get3A_2984 = tpu.vector_load %arg8[%get3A_2982, %get3A_2983] {strides = array<i32>} : memref<32x128xf32, #tpu.memory_space<vmem>>, vector<1x16xf32>,
      %get3A_2985 = vector.shape_cast %get3A_2984 : vector<1x16xf32> to vector<16xf32>
      %max3A_2986 = arith.maximumf %max3A_2980, %get3A_2985 : vector<16xf32>
      %get3A_2987 = arith.constant 30 : i32
      %get3A_2988 = arith.index_cast %get3A_2987 : i32 to index
      %get3A_2989 = arith.constant 96 : index
      %get3A_2990 = tpu.vector_load %arg8[%get3A_2988, %get3A_2989] {strides = array<i32>} : memref<32x128xf32, #tpu.memory_space<vmem>>, vector<1x16xf32>,
      %get3A_2991 = vector.shape_cast %get3A_2990 : vector<1x16xf32> to vector<16xf32>
      %max3A_2992 = arith.maximumf %max3A_2986, %get3A_2991 : vector<16xf32>
      %get3A_2993 = arith.constant 31 : i32
      %get3A_2994 = arith.index_cast %get3A_2993 : i32 to index
      %get3A_2995 = arith.constant 96 : index
      %get3A_2996 = tpu.vector_load %arg8[%get3A_2994, %get3A_2995] {strides = array<i32>} : memref<32x128xf32, #tpu.memory_space<vmem>>, vector<1x16xf32>,
      %get3A_2997 = vector.shape_cast %get3A_2996 : vector<1x16xf32> to vector<16xf32>
      %max3A_2998 = arith.maximumf %max3A_2992, %get3A_2997 : vector<16xf32>
      %swap3A_2999 = arith.constant 96 : index
      %swap3A_3000 = tpu.vector_load %arg10[%swap3A_2999] {strides = array<i32>} : memref<128xf32, #tpu.memory_space<vmem>>, vector<16xf32>,
      %swap3A_3001 = vector.shape_cast %swap3A_3000 : vector<16xf32> to vector<16xf32>
      %swap3A_3002 = vector.shape_cast %max3A_2998 : vector<16xf32> to vector<16xf32>
      tpu.vector_store %arg10[%swap3A_2999], %swap3A_3002 {strides = array<i32>} : memref<128xf32, #tpu.memory_space<vmem>>, vector<16xf32>,
      %get3A_3003 = arith.constant 0 : i32
      %get3A_3004 = arith.index_cast %get3A_3003 : i32 to index
      %get3A_3005 = arith.constant 112 : index
      %get3A_3006 = tpu.vector_load %arg8[%get3A_3004, %get3A_3005] {strides = array<i32>} : memref<32x128xf32, #tpu.memory_space<vmem>>, vector<1x16xf32>,
      %get3A_3007 = vector.shape_cast %get3A_3006 : vector<1x16xf32> to vector<16xf32>
      %get3A_3008 = arith.constant 1 : i32
      %get3A_3009 = arith.index_cast %get3A_3008 : i32 to index
      %get3A_3010 = arith.constant 112 : index
      %get3A_3011 = tpu.vector_load %arg8[%get3A_3009, %get3A_3010] {strides = array<i32>} : memref<32x128xf32, #tpu.memory_space<vmem>>, vector<1x16xf32>,
      %get3A_3012 = vector.shape_cast %get3A_3011 : vector<1x16xf32> to vector<16xf32>
      %max3A_3013 = arith.maximumf %get3A_3007, %get3A_3012 : vector<16xf32>
      %get3A_3014 = arith.constant 2 : i32
      %get3A_3015 = arith.index_cast %get3A_3014 : i32 to index
      %get3A_3016 = arith.constant 112 : index
      %get3A_3017 = tpu.vector_load %arg8[%get3A_3015, %get3A_3016] {strides = array<i32>} : memref<32x128xf32, #tpu.memory_space<vmem>>, vector<1x16xf32>,
      %get3A_3018 = vector.shape_cast %get3A_3017 : vector<1x16xf32> to vector<16xf32>
      %max3A_3019 = arith.maximumf %max3A_3013, %get3A_3018 : vector<16xf32>
      %get3A_3020 = arith.constant 3 : i32
      %get3A_3021 = arith.index_cast %get3A_3020 : i32 to index
      %get3A_3022 = arith.constant 112 : index
      %get3A_3023 = tpu.vector_load %arg8[%get3A_3021, %get3A_3022] {strides = array<i32>} : memref<32x128xf32, #tpu.memory_space<vmem>>, vector<1x16xf32>,
      %get3A_3024 = vector.shape_cast %get3A_3023 : vector<1x16xf32> to vector<16xf32>
      %max3A_3025 = arith.maximumf %max3A_3019, %get3A_3024 : vector<16xf32>
      %get3A_3026 = arith.constant 4 : i32
      %get3A_3027 = arith.index_cast %get3A_3026 : i32 to index
      %get3A_3028 = arith.constant 112 : index
      %get3A_3029 = tpu.vector_load %arg8[%get3A_3027, %get3A_3028] {strides = array<i32>} : memref<32x128xf32, #tpu.memory_space<vmem>>, vector<1x16xf32>,
      %get3A_3030 = vector.shape_cast %get3A_3029 : vector<1x16xf32> to vector<16xf32>
      %max3A_3031 = arith.maximumf %max3A_3025, %get3A_3030 : vector<16xf32>
      %get3A_3032 = arith.constant 5 : i32
      %get3A_3033 = arith.index_cast %get3A_3032 : i32 to index
      %get3A_3034 = arith.constant 112 : index
      %get3A_3035 = tpu.vector_load %arg8[%get3A_3033, %get3A_3034] {strides = array<i32>} : memref<32x128xf32, #tpu.memory_space<vmem>>, vector<1x16xf32>,
      %get3A_3036 = vector.shape_cast %get3A_3035 : vector<1x16xf32> to vector<16xf32>
      %max3A_3037 = arith.maximumf %max3A_3031, %get3A_3036 : vector<16xf32>
      %get3A_3038 = arith.constant 6 : i32
      %get3A_3039 = arith.index_cast %get3A_3038 : i32 to index
      %get3A_3040 = arith.constant 112 : index
      %get3A_3041 = tpu.vector_load %arg8[%get3A_3039, %get3A_3040] {strides = array<i32>} : memref<32x128xf32, #tpu.memory_space<vmem>>, vector<1x16xf32>,
      %get3A_3042 = vector.shape_cast %get3A_3041 : vector<1x16xf32> to vector<16xf32>
      %max3A_3043 = arith.maximumf %max3A_3037, %get3A_3042 : vector<16xf32>
      %get3A_3044 = arith.constant 7 : i32
      %get3A_3045 = arith.index_cast %get3A_3044 : i32 to index
      %get3A_3046 = arith.constant 112 : index
      %get3A_3047 = tpu.vector_load %arg8[%get3A_3045, %get3A_3046] {strides = array<i32>} : memref<32x128xf32, #tpu.memory_space<vmem>>, vector<1x16xf32>,
      %get3A_3048 = vector.shape_cast %get3A_3047 : vector<1x16xf32> to vector<16xf32>
      %max3A_3049 = arith.maximumf %max3A_3043, %get3A_3048 : vector<16xf32>
      %get3A_3050 = arith.constant 8 : i32
      %get3A_3051 = arith.index_cast %get3A_3050 : i32 to index
      %get3A_3052 = arith.constant 112 : index
      %get3A_3053 = tpu.vector_load %arg8[%get3A_3051, %get3A_3052] {strides = array<i32>} : memref<32x128xf32, #tpu.memory_space<vmem>>, vector<1x16xf32>,
      %get3A_3054 = vector.shape_cast %get3A_3053 : vector<1x16xf32> to vector<16xf32>
      %max3A_3055 = arith.maximumf %max3A_3049, %get3A_3054 : vector<16xf32>
      %get3A_3056 = arith.constant 9 : i32
      %get3A_3057 = arith.index_cast %get3A_3056 : i32 to index
      %get3A_3058 = arith.constant 112 : index
      %get3A_3059 = tpu.vector_load %arg8[%get3A_3057, %get3A_3058] {strides = array<i32>} : memref<32x128xf32, #tpu.memory_space<vmem>>, vector<1x16xf32>,
      %get3A_3060 = vector.shape_cast %get3A_3059 : vector<1x16xf32> to vector<16xf32>
      %max3A_3061 = arith.maximumf %max3A_3055, %get3A_3060 : vector<16xf32>
      %get3A_3062 = arith.constant 10 : i32
      %get3A_3063 = arith.index_cast %get3A_3062 : i32 to index
      %get3A_3064 = arith.constant 112 : index
      %get3A_3065 = tpu.vector_load %arg8[%get3A_3063, %get3A_3064] {strides = array<i32>} : memref<32x128xf32, #tpu.memory_space<vmem>>, vector<1x16xf32>,
      %get3A_3066 = vector.shape_cast %get3A_3065 : vector<1x16xf32> to vector<16xf32>
      %max3A_3067 = arith.maximumf %max3A_3061, %get3A_3066 : vector<16xf32>
      %get3A_3068 = arith.constant 11 : i32
      %get3A_3069 = arith.index_cast %get3A_3068 : i32 to index
      %get3A_3070 = arith.constant 112 : index
      %get3A_3071 = tpu.vector_load %arg8[%get3A_3069, %get3A_3070] {strides = array<i32>} : memref<32x128xf32, #tpu.memory_space<vmem>>, vector<1x16xf32>,
      %get3A_3072 = vector.shape_cast %get3A_3071 : vector<1x16xf32> to vector<16xf32>
      %max3A_3073 = arith.maximumf %max3A_3067, %get3A_3072 : vector<16xf32>
      %get3A_3074 = arith.constant 12 : i32
      %get3A_3075 = arith.index_cast %get3A_3074 : i32 to index
      %get3A_3076 = arith.constant 112 : index
      %get3A_3077 = tpu.vector_load %arg8[%get3A_3075, %get3A_3076] {strides = array<i32>} : memref<32x128xf32, #tpu.memory_space<vmem>>, vector<1x16xf32>,
      %get3A_3078 = vector.shape_cast %get3A_3077 : vector<1x16xf32> to vector<16xf32>
      %max3A_3079 = arith.maximumf %max3A_3073, %get3A_3078 : vector<16xf32>
      %get3A_3080 = arith.constant 13 : i32
      %get3A_3081 = arith.index_cast %get3A_3080 : i32 to index
      %get3A_3082 = arith.constant 112 : index
      %get3A_3083 = tpu.vector_load %arg8[%get3A_3081, %get3A_3082] {strides = array<i32>} : memref<32x128xf32, #tpu.memory_space<vmem>>, vector<1x16xf32>,
      %get3A_3084 = vector.shape_cast %get3A_3083 : vector<1x16xf32> to vector<16xf32>
      %max3A_3085 = arith.maximumf %max3A_3079, %get3A_3084 : vector<16xf32>
      %get3A_3086 = arith.constant 14 : i32
      %get3A_3087 = arith.index_cast %get3A_3086 : i32 to index
      %get3A_3088 = arith.constant 112 : index
      %get3A_3089 = tpu.vector_load %arg8[%get3A_3087, %get3A_3088] {strides = array<i32>} : memref<32x128xf32, #tpu.memory_space<vmem>>, vector<1x16xf32>,
      %get3A_3090 = vector.shape_cast %get3A_3089 : vector<1x16xf32> to vector<16xf32>
      %max3A_3091 = arith.maximumf %max3A_3085, %get3A_3090 : vector<16xf32>
      %get3A_3092 = arith.constant 15 : i32
      %get3A_3093 = arith.index_cast %get3A_3092 : i32 to index
      %get3A_3094 = arith.constant 112 : index
      %get3A_3095 = tpu.vector_load %arg8[%get3A_3093, %get3A_3094] {strides = array<i32>} : memref<32x128xf32, #tpu.memory_space<vmem>>, vector<1x16xf32>,
      %get3A_3096 = vector.shape_cast %get3A_3095 : vector<1x16xf32> to vector<16xf32>
      %max3A_3097 = arith.maximumf %max3A_3091, %get3A_3096 : vector<16xf32>
      %get3A_3098 = arith.constant 16 : i32
      %get3A_3099 = arith.index_cast %get3A_3098 : i32 to index
      %get3A_3100 = arith.constant 112 : index
      %get3A_3101 = tpu.vector_load %arg8[%get3A_3099, %get3A_3100] {strides = array<i32>} : memref<32x128xf32, #tpu.memory_space<vmem>>, vector<1x16xf32>,
      %get3A_3102 = vector.shape_cast %get3A_3101 : vector<1x16xf32> to vector<16xf32>
      %max3A_3103 = arith.maximumf %max3A_3097, %get3A_3102 : vector<16xf32>
      %get3A_3104 = arith.constant 17 : i32
      %get3A_3105 = arith.index_cast %get3A_3104 : i32 to index
      %get3A_3106 = arith.constant 112 : index
      %get3A_3107 = tpu.vector_load %arg8[%get3A_3105, %get3A_3106] {strides = array<i32>} : memref<32x128xf32, #tpu.memory_space<vmem>>, vector<1x16xf32>,
      %get3A_3108 = vector.shape_cast %get3A_3107 : vector<1x16xf32> to vector<16xf32>
      %max3A_3109 = arith.maximumf %max3A_3103, %get3A_3108 : vector<16xf32>
      %get3A_3110 = arith.constant 18 : i32
      %get3A_3111 = arith.index_cast %get3A_3110 : i32 to index
      %get3A_3112 = arith.constant 112 : index
      %get3A_3113 = tpu.vector_load %arg8[%get3A_3111, %get3A_3112] {strides = array<i32>} : memref<32x128xf32, #tpu.memory_space<vmem>>, vector<1x16xf32>,
      %get3A_3114 = vector.shape_cast %get3A_3113 : vector<1x16xf32> to vector<16xf32>
      %max3A_3115 = arith.maximumf %max3A_3109, %get3A_3114 : vector<16xf32>
      %get3A_3116 = arith.constant 19 : i32
      %get3A_3117 = arith.index_cast %get3A_3116 : i32 to index
      %get3A_3118 = arith.constant 112 : index
      %get3A_3119 = tpu.vector_load %arg8[%get3A_3117, %get3A_3118] {strides = array<i32>} : memref<32x128xf32, #tpu.memory_space<vmem>>, vector<1x16xf32>,
      %get3A_3120 = vector.shape_cast %get3A_3119 : vector<1x16xf32> to vector<16xf32>
      %max3A_3121 = arith.maximumf %max3A_3115, %get3A_3120 : vector<16xf32>
      %get3A_3122 = arith.constant 20 : i32
      %get3A_3123 = arith.index_cast %get3A_3122 : i32 to index
      %get3A_3124 = arith.constant 112 : index
      %get3A_3125 = tpu.vector_load %arg8[%get3A_3123, %get3A_3124] {strides = array<i32>} : memref<32x128xf32, #tpu.memory_space<vmem>>, vector<1x16xf32>,
      %get3A_3126 = vector.shape_cast %get3A_3125 : vector<1x16xf32> to vector<16xf32>
      %max3A_3127 = arith.maximumf %max3A_3121, %get3A_3126 : vector<16xf32>
      %get3A_3128 = arith.constant 21 : i32
      %get3A_3129 = arith.index_cast %get3A_3128 : i32 to index
      %get3A_3130 = arith.constant 112 : index
      %get3A_3131 = tpu.vector_load %arg8[%get3A_3129, %get3A_3130] {strides = array<i32>} : memref<32x128xf32, #tpu.memory_space<vmem>>, vector<1x16xf32>,
      %get3A_3132 = vector.shape_cast %get3A_3131 : vector<1x16xf32> to vector<16xf32>
      %max3A_3133 = arith.maximumf %max3A_3127, %get3A_3132 : vector<16xf32>
      %get3A_3134 = arith.constant 22 : i32
      %get3A_3135 = arith.index_cast %get3A_3134 : i32 to index
      %get3A_3136 = arith.constant 112 : index
      %get3A_3137 = tpu.vector_load %arg8[%get3A_3135, %get3A_3136] {strides = array<i32>} : memref<32x128xf32, #tpu.memory_space<vmem>>, vector<1x16xf32>,
      %get3A_3138 = vector.shape_cast %get3A_3137 : vector<1x16xf32> to vector<16xf32>
      %max3A_3139 = arith.maximumf %max3A_3133, %get3A_3138 : vector<16xf32>
      %get3A_3140 = arith.constant 23 : i32
      %get3A_3141 = arith.index_cast %get3A_3140 : i32 to index
      %get3A_3142 = arith.constant 112 : index
      %get3A_3143 = tpu.vector_load %arg8[%get3A_3141, %get3A_3142] {strides = array<i32>} : memref<32x128xf32, #tpu.memory_space<vmem>>, vector<1x16xf32>,
      %get3A_3144 = vector.shape_cast %get3A_3143 : vector<1x16xf32> to vector<16xf32>
      %max3A_3145 = arith.maximumf %max3A_3139, %get3A_3144 : vector<16xf32>
      %get3A_3146 = arith.constant 24 : i32
      %get3A_3147 = arith.index_cast %get3A_3146 : i32 to index
      %get3A_3148 = arith.constant 112 : index
      %get3A_3149 = tpu.vector_load %arg8[%get3A_3147, %get3A_3148] {strides = array<i32>} : memref<32x128xf32, #tpu.memory_space<vmem>>, vector<1x16xf32>,
      %get3A_3150 = vector.shape_cast %get3A_3149 : vector<1x16xf32> to vector<16xf32>
      %max3A_3151 = arith.maximumf %max3A_3145, %get3A_3150 : vector<16xf32>
      %get3A_3152 = arith.constant 25 : i32
      %get3A_3153 = arith.index_cast %get3A_3152 : i32 to index
      %get3A_3154 = arith.constant 112 : index
      %get3A_3155 = tpu.vector_load %arg8[%get3A_3153, %get3A_3154] {strides = array<i32>} : memref<32x128xf32, #tpu.memory_space<vmem>>, vector<1x16xf32>,
      %get3A_3156 = vector.shape_cast %get3A_3155 : vector<1x16xf32> to vector<16xf32>
      %max3A_3157 = arith.maximumf %max3A_3151, %get3A_3156 : vector<16xf32>
      %get3A_3158 = arith.constant 26 : i32
      %get3A_3159 = arith.index_cast %get3A_3158 : i32 to index
      %get3A_3160 = arith.constant 112 : index
      %get3A_3161 = tpu.vector_load %arg8[%get3A_3159, %get3A_3160] {strides = array<i32>} : memref<32x128xf32, #tpu.memory_space<vmem>>, vector<1x16xf32>,
      %get3A_3162 = vector.shape_cast %get3A_3161 : vector<1x16xf32> to vector<16xf32>
      %max3A_3163 = arith.maximumf %max3A_3157, %get3A_3162 : vector<16xf32>
      %get3A_3164 = arith.constant 27 : i32
      %get3A_3165 = arith.index_cast %get3A_3164 : i32 to index
      %get3A_3166 = arith.constant 112 : index
      %get3A_3167 = tpu.vector_load %arg8[%get3A_3165, %get3A_3166] {strides = array<i32>} : memref<32x128xf32, #tpu.memory_space<vmem>>, vector<1x16xf32>,
      %get3A_3168 = vector.shape_cast %get3A_3167 : vector<1x16xf32> to vector<16xf32>
      %max3A_3169 = arith.maximumf %max3A_3163, %get3A_3168 : vector<16xf32>
      %get3A_3170 = arith.constant 28 : i32
      %get3A_3171 = arith.index_cast %get3A_3170 : i32 to index
      %get3A_3172 = arith.constant 112 : index
      %get3A_3173 = tpu.vector_load %arg8[%get3A_3171, %get3A_3172] {strides = array<i32>} : memref<32x128xf32, #tpu.memory_space<vmem>>, vector<1x16xf32>,
      %get3A_3174 = vector.shape_cast %get3A_3173 : vector<1x16xf32> to vector<16xf32>
      %max3A_3175 = arith.maximumf %max3A_3169, %get3A_3174 : vector<16xf32>
      %get3A_3176 = arith.constant 29 : i32
      %get3A_3177 = arith.index_cast %get3A_3176 : i32 to index
      %get3A_3178 = arith.constant 112 : index
      %get3A_3179 = tpu.vector_load %arg8[%get3A_3177, %get3A_3178] {strides = array<i32>} : memref<32x128xf32, #tpu.memory_space<vmem>>, vector<1x16xf32>,
      %get3A_3180 = vector.shape_cast %get3A_3179 : vector<1x16xf32> to vector<16xf32>
      %max3A_3181 = arith.maximumf %max3A_3175, %get3A_3180 : vector<16xf32>
      %get3A_3182 = arith.constant 30 : i32
      %get3A_3183 = arith.index_cast %get3A_3182 : i32 to index
      %get3A_3184 = arith.constant 112 : index
      %get3A_3185 = tpu.vector_load %arg8[%get3A_3183, %get3A_3184] {strides = array<i32>} : memref<32x128xf32, #tpu.memory_space<vmem>>, vector<1x16xf32>,
      %get3A_3186 = vector.shape_cast %get3A_3185 : vector<1x16xf32> to vector<16xf32>
      %max3A_3187 = arith.maximumf %max3A_3181, %get3A_3186 : vector<16xf32>
      %get3A_3188 = arith.constant 31 : i32
      %get3A_3189 = arith.index_cast %get3A_3188 : i32 to index
      %get3A_3190 = arith.constant 112 : index
      %get3A_3191 = tpu.vector_load %arg8[%get3A_3189, %get3A_3190] {strides = array<i32>} : memref<32x128xf32, #tpu.memory_space<vmem>>, vector<1x16xf32>,
      %get3A_3192 = vector.shape_cast %get3A_3191 : vector<1x16xf32> to vector<16xf32>
      %max3A_3193 = arith.maximumf %max3A_3187, %get3A_3192 : vector<16xf32>
      %swap3A_3194 = arith.constant 112 : index
      %swap3A_3195 = tpu.vector_load %arg10[%swap3A_3194] {strides = array<i32>} : memref<128xf32, #tpu.memory_space<vmem>>, vector<16xf32>,
      %swap3A_3196 = vector.shape_cast %swap3A_3195 : vector<16xf32> to vector<16xf32>
      %swap3A_3197 = vector.shape_cast %max3A_3193 : vector<16xf32> to vector<16xf32>
      tpu.vector_store %arg10[%swap3A_3194], %swap3A_3197 {strides = array<i32>} : memref<128xf32, #tpu.memory_space<vmem>>, vector<16xf32>,
      %add3A_3198 = arith.constant 1 : i32
      %add3A_3199 = arith.addi %add3A_43, %add3A_3198 : i32
      %dma_start3A_3200 = arith.constant 0 : i32
      %dma_start3A_3201 = tpu.memref_slice %arg4[%add3A_3199, %dma_start3A_3200] : memref<24576x128xf32, #tpu.memory_space<hbm>> -> memref<1x128xf32, #tpu.memory_space<hbm>>
      %dma_start3A_3202 = tpu.memref_squeeze %dma_start3A_3201 : memref<1x128xf32, #tpu.memory_space<hbm>> -> memref<128xf32, #tpu.memory_space<hbm>>
      %dma_start3A_3203 = arith.constant 0 : i32
      %dma_start3A_3204 = tpu.memref_slice %arg4[%add3A_3199, %dma_start3A_3203] : memref<24576x128xf32, #tpu.memory_space<hbm>> -> memref<1x128xf32, #tpu.memory_space<hbm>>
      %dma_start3A_3205 = tpu.memref_squeeze %dma_start3A_3204 : memref<1x128xf32, #tpu.memory_space<hbm>> -> memref<128xf32, #tpu.memory_space<hbm>>
      tpu.enqueue_dma source(%arg10 : memref<128xf32, #tpu.memory_space<vmem>>) target(%dma_start3A_3205 : memref<128xf32, #tpu.memory_space<hbm>>) target_semaphore(%arg14 : memref<!tpu.dma_semaphore, #tpu.memory_space<semaphore_mem>>)
      %scan3A_3206 = arith.constant 0 : i32
      scf.yield %scan3A_3206 : i32
    }
    %scan3A_24 = arith.constant 384 : i32
    %dma_wait3A = arith.constant 0 : i32
    %dma_wait3A_25 = arith.constant 0 : i32
    %dma_wait3A_26 = tpu.memref_slice %arg3[%dma_wait3A, %dma_wait3A_25] : memref<196608x128xf32, #tpu.memory_space<hbm>> -> memref<196608x128xf32, #tpu.memory_space<hbm>>
    tpu.wait_indirect_dma semaphore(%arg11 : memref<!tpu.dma_semaphore, #tpu.memory_space<semaphore_mem>>) src(%dma_wait3A_26 : memref<196608x128xf32, #tpu.memory_space<hbm>>) dst(%arg7 : memref<32x128xf32, #tpu.memory_space<vmem>>)
    %dma_wait3A_27 = arith.constant 0 : i32
    %dma_wait3A_28 = tpu.memref_slice %arg4[%mul3A_2, %dma_wait3A_27] : memref<24576x128xf32, #tpu.memory_space<hbm>> -> memref<1x128xf32, #tpu.memory_space<hbm>>
    %dma_wait3A_29 = tpu.memref_squeeze %dma_wait3A_28 : memref<1x128xf32, #tpu.memory_space<hbm>> -> memref<128xf32, #tpu.memory_space<hbm>>
    %dma_wait3A_30 = arith.constant 0 : i32
    %dma_wait3A_31 = tpu.memref_slice %arg4[%mul3A_2, %dma_wait3A_30] : memref<24576x128xf32, #tpu.memory_space<hbm>> -> memref<1x128xf32, #tpu.memory_space<hbm>>
    %dma_wait3A_32 = tpu.memref_squeeze %dma_wait3A_31 : memref<1x128xf32, #tpu.memory_space<hbm>> -> memref<128xf32, #tpu.memory_space<hbm>>
    tpu.wait_dma2 semaphore(%arg13 : memref<!tpu.dma_semaphore, #tpu.memory_space<semaphore_mem>>) src(%arg9 : memref<128xf32, #tpu.memory_space<vmem>>) dst(%dma_wait3A_32 : memref<128xf32, #tpu.memory_space<hbm>>)
    %dma_wait3A_33 = arith.constant 0 : i32
    %dma_wait3A_34 = tpu.memref_slice %arg4[%mul3A_2, %dma_wait3A_33] : memref<24576x128xf32, #tpu.memory_space<hbm>> -> memref<1x128xf32, #tpu.memory_space<hbm>>
    %dma_wait3A_35 = tpu.memref_squeeze %dma_wait3A_34 : memref<1x128xf32, #tpu.memory_space<hbm>> -> memref<128xf32, #tpu.memory_space<hbm>>
    %dma_wait3A_36 = arith.constant 0 : i32
    %dma_wait3A_37 = tpu.memref_slice %arg4[%mul3A_2, %dma_wait3A_36] : memref<24576x128xf32, #tpu.memory_space<hbm>> -> memref<1x128xf32, #tpu.memory_space<hbm>>
    %dma_wait3A_38 = tpu.memref_squeeze %dma_wait3A_37 : memref<1x128xf32, #tpu.memory_space<hbm>> -> memref<128xf32, #tpu.memory_space<hbm>>
    tpu.wait_dma2 semaphore(%arg14 : memref<!tpu.dma_semaphore, #tpu.memory_space<semaphore_mem>>) src(%arg10 : memref<128xf32, #tpu.memory_space<vmem>>) dst(%dma_wait3A_38 : memref<128xf32, #tpu.memory_space<hbm>>)
    return
  }
}

module attributes {stable_mosaic.version = 14 : i64} {
  func.func @_fps_body(%arg0: memref<3x32x2048xf32, #tpu.memory_space<vmem>>, %arg1: memref<3x32x256xf32, #tpu.memory_space<vmem>>) attributes {dimension_semantics = [], scalar_prefetch = 0 : i64, scratch_operands = 0 : i64, tpu.core_type = #tpu.core_type<tc>} {
    %get3A = arith.constant 0 : index
    %get3A_0 = arith.constant 0 : index
    %get3A_1 = arith.constant 0 : index
    %get3A_2 = vector.load %arg0[%get3A, %get3A_0, %get3A_1] : memref<3x32x2048xf32, #tpu.memory_space<vmem>>, vector<1x32x2048xf32>
    %get3A_3 = vector.shape_cast %get3A_2 : vector<1x32x2048xf32> to vector<32x2048xf32>
    %get3A_4 = arith.constant 1 : index
    %get3A_5 = arith.constant 0 : index
    %get3A_6 = arith.constant 0 : index
    %get3A_7 = vector.load %arg0[%get3A_4, %get3A_5, %get3A_6] : memref<3x32x2048xf32, #tpu.memory_space<vmem>>, vector<1x32x2048xf32>
    %get3A_8 = vector.shape_cast %get3A_7 : vector<1x32x2048xf32> to vector<32x2048xf32>
    %get3A_9 = arith.constant 2 : index
    %get3A_10 = arith.constant 0 : index
    %get3A_11 = arith.constant 0 : index
    %get3A_12 = vector.load %arg0[%get3A_9, %get3A_10, %get3A_11] : memref<3x32x2048xf32, #tpu.memory_space<vmem>>, vector<1x32x2048xf32>
    %get3A_13 = vector.shape_cast %get3A_12 : vector<1x32x2048xf32> to vector<32x2048xf32>
    %iota3A = tpu.iota {dimensions = array<i32: 1>} : vector<32x2048xi32>
    %iota3A_14 = tpu.iota {dimensions = array<i32: 1>} : vector<32x256xi32>
    %broadcast_in_dim3A = arith.constant 1.000000e+10 : f32
    %broadcast_in_dim3A_15 = vector.broadcast %broadcast_in_dim3A : f32 to vector<32x2048xf32>
    %broadcast_in_dim3A_16 = arith.constant 0 : i32
    %broadcast_in_dim3A_17 = vector.broadcast %broadcast_in_dim3A_16 : i32 to vector<32x1xi32>
    %broadcast_in_dim3A_18 = arith.constant 0.000000e+00 : f32
    %broadcast_in_dim3A_19 = vector.broadcast %broadcast_in_dim3A_18 : f32 to vector<32x256xf32>
    %scan3A = arith.constant 1 : i32
    %scan3A_20 = arith.constant 255 : i32
    %scan3A_21 = arith.addi %scan3A, %scan3A_20 : i32
    %scan3A_22 = arith.constant 1 : i32
    %scan3A_23:5 = scf.for %scan3A_70 = %scan3A to %scan3A_21 step %scan3A_22 iter_args(%scan3A_71 = %broadcast_in_dim3A_15, %scan3A_72 = %broadcast_in_dim3A_17, %scan3A_73 = %broadcast_in_dim3A_19, %scan3A_74 = %broadcast_in_dim3A_19, %scan3A_75 = %broadcast_in_dim3A_19) -> (vector<32x2048xf32>, vector<32x1xi32>, vector<32x256xf32>, vector<32x256xf32>, vector<32x256xf32>)  : i32 {
      %eq3A_76 = vector.broadcast %scan3A_72 : vector<32x1xi32> to vector<32x2048xi32>
      %eq3A_77 = arith.cmpi eq, %iota3A, %eq3A_76 : vector<32x2048xi32>
      %jit3A_78 = arith.constant 0.000000e+00 : f32
      %broadcast_in_dim3A_79 = vector.broadcast %jit3A_78 : f32 to vector<32x2048xf32>
      %select_n3A_80 = arith.select %eq3A_77, %get3A_3, %broadcast_in_dim3A_79 : vector<32x2048xi1>, vector<32x2048xf32>
      %reduce_sum3A_81 = arith.constant dense<0.000000e+00> : vector<32xf32>
      %reduce_sum3A_82 = vector.multi_reduction <add>, %select_n3A_80, %reduce_sum3A_81 [1] : vector<32x2048xf32> to vector<32xf32>
      %broadcast_in_dim3A_83 = vector.shape_cast %reduce_sum3A_82 : vector<32xf32> to vector<32x1xf32>
      %jit3A_84 = arith.constant 0.000000e+00 : f32
      %broadcast_in_dim3A_85 = vector.broadcast %jit3A_84 : f32 to vector<32x2048xf32>
      %select_n3A_86 = arith.select %eq3A_77, %get3A_8, %broadcast_in_dim3A_85 : vector<32x2048xi1>, vector<32x2048xf32>
      %reduce_sum3A_87 = arith.constant dense<0.000000e+00> : vector<32xf32>
      %reduce_sum3A_88 = vector.multi_reduction <add>, %select_n3A_86, %reduce_sum3A_87 [1] : vector<32x2048xf32> to vector<32xf32>
      %broadcast_in_dim3A_89 = vector.shape_cast %reduce_sum3A_88 : vector<32xf32> to vector<32x1xf32>
      %jit3A_90 = arith.constant 0.000000e+00 : f32
      %broadcast_in_dim3A_91 = vector.broadcast %jit3A_90 : f32 to vector<32x2048xf32>
      %select_n3A_92 = arith.select %eq3A_77, %get3A_13, %broadcast_in_dim3A_91 : vector<32x2048xi1>, vector<32x2048xf32>
      %reduce_sum3A_93 = arith.constant dense<0.000000e+00> : vector<32xf32>
      %reduce_sum3A_94 = vector.multi_reduction <add>, %select_n3A_92, %reduce_sum3A_93 [1] : vector<32x2048xf32> to vector<32xf32>
      %broadcast_in_dim3A_95 = vector.shape_cast %reduce_sum3A_94 : vector<32xf32> to vector<32x1xf32>
      %sub3A = arith.constant 1 : i32
      %sub3A_96 = arith.subi %scan3A_70, %sub3A : i32
      %eq3A_97 = vector.broadcast %sub3A_96 : i32 to vector<32x256xi32>
      %eq3A_98 = arith.cmpi eq, %iota3A_14, %eq3A_97 : vector<32x256xi32>
      %broadcast_in_dim3A_99 = vector.shape_cast %broadcast_in_dim3A_83 : vector<32x1xf32> to vector<32x1xf32>
      %broadcast_in_dim3A_100 = vector.broadcast %broadcast_in_dim3A_99 : vector<32x1xf32> to vector<32x256xf32>
      %select_n3A_101 = arith.select %eq3A_98, %broadcast_in_dim3A_100, %scan3A_73 : vector<32x256xi1>, vector<32x256xf32>
      %broadcast_in_dim3A_102 = vector.shape_cast %broadcast_in_dim3A_89 : vector<32x1xf32> to vector<32x1xf32>
      %broadcast_in_dim3A_103 = vector.broadcast %broadcast_in_dim3A_102 : vector<32x1xf32> to vector<32x256xf32>
      %select_n3A_104 = arith.select %eq3A_98, %broadcast_in_dim3A_103, %scan3A_74 : vector<32x256xi1>, vector<32x256xf32>
      %broadcast_in_dim3A_105 = vector.shape_cast %broadcast_in_dim3A_95 : vector<32x1xf32> to vector<32x1xf32>
      %broadcast_in_dim3A_106 = vector.broadcast %broadcast_in_dim3A_105 : vector<32x1xf32> to vector<32x256xf32>
      %select_n3A_107 = arith.select %eq3A_98, %broadcast_in_dim3A_106, %scan3A_75 : vector<32x256xi1>, vector<32x256xf32>
      %sub3A_108 = vector.broadcast %broadcast_in_dim3A_83 : vector<32x1xf32> to vector<32x2048xf32>
      %sub3A_109 = arith.subf %get3A_3, %sub3A_108 : vector<32x2048xf32>
      %sub3A_110 = vector.broadcast %broadcast_in_dim3A_89 : vector<32x1xf32> to vector<32x2048xf32>
      %sub3A_111 = arith.subf %get3A_8, %sub3A_110 : vector<32x2048xf32>
      %sub3A_112 = vector.broadcast %broadcast_in_dim3A_95 : vector<32x1xf32> to vector<32x2048xf32>
      %sub3A_113 = arith.subf %get3A_13, %sub3A_112 : vector<32x2048xf32>
      %mul3A = arith.mulf %sub3A_109, %sub3A_109 : vector<32x2048xf32>
      %mul3A_114 = arith.mulf %sub3A_111, %sub3A_111 : vector<32x2048xf32>
      %add3A = arith.addf %mul3A, %mul3A_114 : vector<32x2048xf32>
      %mul3A_115 = arith.mulf %sub3A_113, %sub3A_113 : vector<32x2048xf32>
      %add3A_116 = arith.addf %add3A, %mul3A_115 : vector<32x2048xf32>
      %min3A = arith.minimumf %scan3A_71, %add3A_116 : vector<32x2048xf32>
      %reduce_max3A = arith.constant dense<0xFF800000> : vector<32xf32>
      %reduce_max3A_117 = vector.multi_reduction <maximumf>, %min3A, %reduce_max3A [1] : vector<32x2048xf32> to vector<32xf32>
      %broadcast_in_dim3A_118 = vector.shape_cast %reduce_max3A_117 : vector<32xf32> to vector<32x1xf32>
      %eq3A_119 = vector.broadcast %broadcast_in_dim3A_118 : vector<32x1xf32> to vector<32x2048xf32>
      %eq3A_120 = arith.cmpf oeq, %min3A, %eq3A_119 : vector<32x2048xf32>
      %jit3A_121 = arith.constant 2048 : i32
      %broadcast_in_dim3A_122 = vector.broadcast %jit3A_121 : i32 to vector<32x2048xi32>
      %select_n3A_123 = arith.select %eq3A_120, %iota3A, %broadcast_in_dim3A_122 : vector<32x2048xi1>, vector<32x2048xi32>
      %reduce_min3A = arith.constant dense<2147483647> : vector<32xi32>
      %reduce_min3A_124 = vector.multi_reduction <minsi>, %select_n3A_123, %reduce_min3A [1] : vector<32x2048xi32> to vector<32xi32>
      %broadcast_in_dim3A_125 = vector.shape_cast %reduce_min3A_124 : vector<32xi32> to vector<32x1xi32>
      scf.yield %min3A, %broadcast_in_dim3A_125, %select_n3A_101, %select_n3A_104, %select_n3A_107 : vector<32x2048xf32>, vector<32x1xi32>, vector<32x256xf32>, vector<32x256xf32>, vector<32x256xf32>
    }
    %scan3A_24 = arith.constant 255 : i32
    %eq3A = vector.broadcast %scan3A_23#1 : vector<32x1xi32> to vector<32x2048xi32>
    %eq3A_25 = arith.cmpi eq, %iota3A, %eq3A : vector<32x2048xi32>
    %jit3A = arith.constant 0.000000e+00 : f32
    %broadcast_in_dim3A_26 = vector.broadcast %jit3A : f32 to vector<32x2048xf32>
    %select_n3A = arith.select %eq3A_25, %get3A_3, %broadcast_in_dim3A_26 : vector<32x2048xi1>, vector<32x2048xf32>
    %reduce_sum3A = arith.constant dense<0.000000e+00> : vector<32xf32>
    %reduce_sum3A_27 = vector.multi_reduction <add>, %select_n3A, %reduce_sum3A [1] : vector<32x2048xf32> to vector<32xf32>
    %broadcast_in_dim3A_28 = vector.shape_cast %reduce_sum3A_27 : vector<32xf32> to vector<32x1xf32>
    %jit3A_29 = arith.constant 0.000000e+00 : f32
    %broadcast_in_dim3A_30 = vector.broadcast %jit3A_29 : f32 to vector<32x2048xf32>
    %select_n3A_31 = arith.select %eq3A_25, %get3A_8, %broadcast_in_dim3A_30 : vector<32x2048xi1>, vector<32x2048xf32>
    %reduce_sum3A_32 = arith.constant dense<0.000000e+00> : vector<32xf32>
    %reduce_sum3A_33 = vector.multi_reduction <add>, %select_n3A_31, %reduce_sum3A_32 [1] : vector<32x2048xf32> to vector<32xf32>
    %broadcast_in_dim3A_34 = vector.shape_cast %reduce_sum3A_33 : vector<32xf32> to vector<32x1xf32>
    %jit3A_35 = arith.constant 0.000000e+00 : f32
    %broadcast_in_dim3A_36 = vector.broadcast %jit3A_35 : f32 to vector<32x2048xf32>
    %select_n3A_37 = arith.select %eq3A_25, %get3A_13, %broadcast_in_dim3A_36 : vector<32x2048xi1>, vector<32x2048xf32>
    %reduce_sum3A_38 = arith.constant dense<0.000000e+00> : vector<32xf32>
    %reduce_sum3A_39 = vector.multi_reduction <add>, %select_n3A_37, %reduce_sum3A_38 [1] : vector<32x2048xf32> to vector<32xf32>
    %broadcast_in_dim3A_40 = vector.shape_cast %reduce_sum3A_39 : vector<32xf32> to vector<32x1xf32>
    %eq3A_41 = arith.constant 255 : i32
    %eq3A_42 = vector.broadcast %eq3A_41 : i32 to vector<32x256xi32>
    %eq3A_43 = arith.cmpi eq, %iota3A_14, %eq3A_42 : vector<32x256xi32>
    %broadcast_in_dim3A_44 = vector.shape_cast %broadcast_in_dim3A_28 : vector<32x1xf32> to vector<32x1xf32>
    %broadcast_in_dim3A_45 = vector.broadcast %broadcast_in_dim3A_44 : vector<32x1xf32> to vector<32x256xf32>
    %select_n3A_46 = arith.select %eq3A_43, %broadcast_in_dim3A_45, %scan3A_23#2 : vector<32x256xi1>, vector<32x256xf32>
    %swap3A = arith.constant 0 : index
    %swap3A_47 = arith.constant 0 : index
    %swap3A_48 = arith.constant 0 : index
    %swap3A_49 = vector.load %arg1[%swap3A, %swap3A_47, %swap3A_48] : memref<3x32x256xf32, #tpu.memory_space<vmem>>, vector<1x32x256xf32>
    %swap3A_50 = vector.shape_cast %swap3A_49 : vector<1x32x256xf32> to vector<32x256xf32>
    %swap3A_51 = vector.shape_cast %select_n3A_46 : vector<32x256xf32> to vector<1x32x256xf32>
    tpu.vector_store %arg1[%swap3A, %swap3A_47, %swap3A_48], %swap3A_51 {strides = array<i32>} : memref<3x32x256xf32, #tpu.memory_space<vmem>>, vector<1x32x256xf32>,
    %broadcast_in_dim3A_52 = vector.shape_cast %broadcast_in_dim3A_34 : vector<32x1xf32> to vector<32x1xf32>
    %broadcast_in_dim3A_53 = vector.broadcast %broadcast_in_dim3A_52 : vector<32x1xf32> to vector<32x256xf32>
    %select_n3A_54 = arith.select %eq3A_43, %broadcast_in_dim3A_53, %scan3A_23#3 : vector<32x256xi1>, vector<32x256xf32>
    %swap3A_55 = arith.constant 1 : index
    %swap3A_56 = arith.constant 0 : index
    %swap3A_57 = arith.constant 0 : index
    %swap3A_58 = vector.load %arg1[%swap3A_55, %swap3A_56, %swap3A_57] : memref<3x32x256xf32, #tpu.memory_space<vmem>>, vector<1x32x256xf32>
    %swap3A_59 = vector.shape_cast %swap3A_58 : vector<1x32x256xf32> to vector<32x256xf32>
    %swap3A_60 = vector.shape_cast %select_n3A_54 : vector<32x256xf32> to vector<1x32x256xf32>
    tpu.vector_store %arg1[%swap3A_55, %swap3A_56, %swap3A_57], %swap3A_60 {strides = array<i32>} : memref<3x32x256xf32, #tpu.memory_space<vmem>>, vector<1x32x256xf32>,
    %broadcast_in_dim3A_61 = vector.shape_cast %broadcast_in_dim3A_40 : vector<32x1xf32> to vector<32x1xf32>
    %broadcast_in_dim3A_62 = vector.broadcast %broadcast_in_dim3A_61 : vector<32x1xf32> to vector<32x256xf32>
    %select_n3A_63 = arith.select %eq3A_43, %broadcast_in_dim3A_62, %scan3A_23#4 : vector<32x256xi1>, vector<32x256xf32>
    %swap3A_64 = arith.constant 2 : index
    %swap3A_65 = arith.constant 0 : index
    %swap3A_66 = arith.constant 0 : index
    %swap3A_67 = vector.load %arg1[%swap3A_64, %swap3A_65, %swap3A_66] : memref<3x32x256xf32, #tpu.memory_space<vmem>>, vector<1x32x256xf32>
    %swap3A_68 = vector.shape_cast %swap3A_67 : vector<1x32x256xf32> to vector<32x256xf32>
    %swap3A_69 = vector.shape_cast %select_n3A_63 : vector<32x256xf32> to vector<1x32x256xf32>
    tpu.vector_store %arg1[%swap3A_64, %swap3A_65, %swap3A_66], %swap3A_69 {strides = array<i32>} : memref<3x32x256xf32, #tpu.memory_space<vmem>>, vector<1x32x256xf32>,
    return
  }
}

module attributes {stable_mosaic.version = 14 : i64} {
  func.func @_stage2_body(%arg0: i32, %arg1: i32, %arg2: memref<1x1x2048x3xf32, #tpu.memory_space<vmem>>, %arg3: memref<1x1x256xf32, #tpu.memory_space<vmem>>, %arg4: memref<1x1x256xf32, #tpu.memory_space<vmem>>, %arg5: memref<1x1x256xf32, #tpu.memory_space<vmem>>, %arg6: memref<4x128xf32, #tpu.memory_space<vmem>>, %arg7: memref<4x128xf32, #tpu.memory_space<vmem>>, %arg8: memref<1x1x2048x128xf32, #tpu.memory_space<vmem>>, %arg9: memref<1x1x256x32xi32, #tpu.memory_space<vmem>>) attributes {dimension_semantics = [#tpu.dimension_semantics<arbitrary>, #tpu.dimension_semantics<arbitrary>], iteration_bounds = array<i64: 24, 4>, scalar_prefetch = 0 : i64, scratch_operands = 0 : i64, tpu.core_type = #tpu.core_type<tc>, window_params = [{transform_indices = @transform_0, window_bounds = array<i64: 1, 1, 2048, 3>}, {transform_indices = @transform_1, window_bounds = array<i64: 1, 1, 256>}, {transform_indices = @transform_2, window_bounds = array<i64: 1, 1, 256>}, {transform_indices = @transform_3, window_bounds = array<i64: 1, 1, 256>}, {pipeline_mode = #tpu.pipeline_mode<synchronous>, transform_indices = @transform_4, window_bounds = array<i64: 4, 128>}, {pipeline_mode = #tpu.pipeline_mode<synchronous>, transform_indices = @transform_5, window_bounds = array<i64: 4, 128>}, {transform_indices = @transform_6, window_bounds = array<i64: 1, 1, 2048, 128>}, {transform_indices = @transform_7, window_bounds = array<i64: 1, 1, 256, 32>}]} {
    %jit3A = arith.constant 3 : i32
    %eq3A = arith.constant 0 : i32
    %eq3A_0 = arith.cmpi eq, %jit3A, %eq3A : i32
    %jit3A_1 = arith.constant 1 : i32
    %select_n3A = arith.select %eq3A_0, %jit3A_1, %jit3A : i32
    %rem3A = arith.remsi %arg0, %select_n3A : i32
    %ne3A = arith.constant 0 : i32
    %ne3A_2 = arith.cmpi ne, %rem3A, %ne3A : i32
    %lt3A = arith.constant 0 : i32
    %lt3A_3 = arith.cmpi slt, %rem3A, %lt3A : i32
    %lt3A_4 = arith.constant 0 : i32
    %lt3A_5 = arith.cmpi slt, %select_n3A, %lt3A_4 : i32
    %ne3A_6 = arith.xori %lt3A_3, %lt3A_5 : i1
    %and3A = arith.andi %ne3A_6, %ne3A_2 : i1
    %add3A = arith.addi %rem3A, %select_n3A : i32
    %select_n3A_7 = arith.select %and3A, %add3A, %rem3A : i32
    %sub3A = arith.constant 1 : i32
    %sub3A_8 = arith.subi %select_n3A_7, %sub3A : i32
    %convert_element_type3A = arith.sitofp %sub3A_8 : i32 to f32
    %mul3A = arith.constant 4 : i32
    %mul3A_9 = arith.muli %arg0, %mul3A : i32
    %add3A_10 = arith.addi %mul3A_9, %arg1 : i32
    %mul3A_11 = arith.constant 2048 : i32
    %mul3A_12 = arith.muli %add3A_10, %mul3A_11 : i32
    %convert_element_type3A_13 = arith.sitofp %mul3A_12 : i32 to f32
    %get3A = arith.constant 0 : index
    %get3A_14 = arith.constant 0 : index
    %get3A_15 = arith.constant 0 : index
    %get3A_16 = vector.load %arg3[%get3A, %get3A_14, %get3A_15] : memref<1x1x256xf32, #tpu.memory_space<vmem>>, vector<1x1x256xf32>
    %get3A_17 = vector.shape_cast %get3A_16 : vector<1x1x256xf32> to vector<256xf32>
    %broadcast_in_dim3A = vector.shape_cast %get3A_17 : vector<256xf32> to vector<256x1xf32>
    %get3A_18 = arith.constant 0 : index
    %get3A_19 = arith.constant 0 : index
    %get3A_20 = arith.constant 0 : index
    %get3A_21 = vector.load %arg4[%get3A_18, %get3A_19, %get3A_20] : memref<1x1x256xf32, #tpu.memory_space<vmem>>, vector<1x1x256xf32>
    %get3A_22 = vector.shape_cast %get3A_21 : vector<1x1x256xf32> to vector<256xf32>
    %broadcast_in_dim3A_23 = vector.shape_cast %get3A_22 : vector<256xf32> to vector<256x1xf32>
    %get3A_24 = arith.constant 0 : index
    %get3A_25 = arith.constant 0 : index
    %get3A_26 = arith.constant 0 : index
    %get3A_27 = vector.load %arg5[%get3A_24, %get3A_25, %get3A_26] : memref<1x1x256xf32, #tpu.memory_space<vmem>>, vector<1x1x256xf32>
    %get3A_28 = vector.shape_cast %get3A_27 : vector<1x1x256xf32> to vector<256xf32>
    %broadcast_in_dim3A_29 = vector.shape_cast %get3A_28 : vector<256xf32> to vector<256x1xf32>
    %get3A_30 = arith.constant 0 : index
    %get3A_31 = arith.constant 0 : index
    %get3A_32 = arith.constant 0 : index
    %get3A_33 = arith.constant 0 : index
    %get3A_34 = vector.load %arg2[%get3A_30, %get3A_31, %get3A_32, %get3A_33] : memref<1x1x2048x3xf32, #tpu.memory_space<vmem>>, vector<1x1x2048x3xf32>
    %get3A_35 = vector.shape_cast %get3A_34 : vector<1x1x2048x3xf32> to vector<2048x3xf32>
    %slice3A = vector.extract_strided_slice %get3A_35 {offsets = [0, 0], sizes = [2048, 1], strides = [1, 1]} : vector<2048x3xf32> to vector<2048x1xf32>
    %squeeze3A = vector.shape_cast %slice3A : vector<2048x1xf32> to vector<2048xf32>
    %broadcast_in_dim3A_36 = vector.shape_cast %squeeze3A : vector<2048xf32> to vector<1x2048xf32>
    %slice3A_37 = vector.extract_strided_slice %get3A_35 {offsets = [0, 1], sizes = [2048, 1], strides = [1, 1]} : vector<2048x3xf32> to vector<2048x1xf32>
    %squeeze3A_38 = vector.shape_cast %slice3A_37 : vector<2048x1xf32> to vector<2048xf32>
    %broadcast_in_dim3A_39 = vector.shape_cast %squeeze3A_38 : vector<2048xf32> to vector<1x2048xf32>
    %slice3A_40 = vector.extract_strided_slice %get3A_35 {offsets = [0, 2], sizes = [2048, 1], strides = [1, 1]} : vector<2048x3xf32> to vector<2048x1xf32>
    %squeeze3A_41 = vector.shape_cast %slice3A_40 : vector<2048x1xf32> to vector<2048xf32>
    %broadcast_in_dim3A_42 = vector.shape_cast %squeeze3A_41 : vector<2048xf32> to vector<1x2048xf32>
    %get3A_43 = arith.constant 0 : index
    %get3A_44 = arith.constant 0 : index
    %get3A_45 = vector.load %arg6[%get3A_43, %get3A_44] : memref<4x128xf32, #tpu.memory_space<vmem>>, vector<3x128xf32>
    %dot_general3A = arith.constant dense<0.000000e+00> : vector<2048x128xf32>
    %dot_general3A_46 = tpu.matmul %get3A_35, %get3A_45, %dot_general3A {dimension_numbers = #tpu.dot_dimension_numbers<[1], [0], [0], [1], [0, 0, 1, 1], [], []>, transpose_lhs_hint = false} : vector<2048x3xf32>, vector<3x128xf32>, vector<2048x128xf32> -> vector<2048x128xf32>
    %slice3A_47 = vector.extract_strided_slice %get3A_35 {offsets = [0, 2], sizes = [2048, 1], strides = [1, 1]} : vector<2048x3xf32> to vector<2048x1xf32>
    %squeeze3A_48 = vector.shape_cast %slice3A_47 : vector<2048x1xf32> to vector<2048xf32>
    %broadcast_in_dim3A_49 = vector.shape_cast %squeeze3A_48 : vector<2048xf32> to vector<2048x1xf32>
    %get3A_50 = arith.constant 3 : index
    %get3A_51 = arith.constant 0 : index
    %get3A_52 = vector.load %arg6[%get3A_50, %get3A_51] : memref<4x128xf32, #tpu.memory_space<vmem>>, vector<1x128xf32>
    %get3A_53 = vector.shape_cast %get3A_52 : vector<1x128xf32> to vector<128xf32>
    %broadcast_in_dim3A_54 = vector.shape_cast %get3A_53 : vector<128xf32> to vector<1x128xf32>
    %mul3A_55 = vector.broadcast %broadcast_in_dim3A_49 : vector<2048x1xf32> to vector<2048x128xf32>
    %mul3A_56 = vector.broadcast %broadcast_in_dim3A_54 : vector<1x128xf32> to vector<2048x128xf32>
    %mul3A_57 = arith.mulf %mul3A_55, %mul3A_56 : vector<2048x128xf32>
    %add3A_58 = arith.addf %dot_general3A_46, %mul3A_57 : vector<2048x128xf32>
    %get3A_59 = arith.constant 0 : index
    %get3A_60 = arith.constant 0 : index
    %get3A_61 = vector.load %arg7[%get3A_59, %get3A_60] : memref<4x128xf32, #tpu.memory_space<vmem>>, vector<1x128xf32>
    %get3A_62 = vector.shape_cast %get3A_61 : vector<1x128xf32> to vector<128xf32>
    %broadcast_in_dim3A_63 = vector.shape_cast %get3A_62 : vector<128xf32> to vector<1x128xf32>
    %mul3A_64 = vector.broadcast %convert_element_type3A : f32 to vector<1x128xf32>
    %mul3A_65 = arith.mulf %mul3A_64, %broadcast_in_dim3A_63 : vector<1x128xf32>
    %add3A_66 = vector.broadcast %mul3A_65 : vector<1x128xf32> to vector<2048x128xf32>
    %add3A_67 = arith.addf %add3A_58, %add3A_66 : vector<2048x128xf32>
    %swap3A = arith.constant 0 : index
    %swap3A_68 = arith.constant 0 : index
    %swap3A_69 = arith.constant 0 : index
    %swap3A_70 = arith.constant 0 : index
    %swap3A_71 = vector.load %arg8[%swap3A, %swap3A_68, %swap3A_69, %swap3A_70] : memref<1x1x2048x128xf32, #tpu.memory_space<vmem>>, vector<1x1x2048x128xf32>
    %swap3A_72 = vector.shape_cast %swap3A_71 : vector<1x1x2048x128xf32> to vector<2048x128xf32>
    %swap3A_73 = vector.shape_cast %add3A_67 : vector<2048x128xf32> to vector<1x1x2048x128xf32>
    tpu.vector_store %arg8[%swap3A, %swap3A_68, %swap3A_69, %swap3A_70], %swap3A_73 {strides = array<i32>} : memref<1x1x2048x128xf32, #tpu.memory_space<vmem>>, vector<1x1x2048x128xf32>,
    %sub3A_74 = vector.broadcast %broadcast_in_dim3A : vector<256x1xf32> to vector<256x2048xf32>
    %sub3A_75 = vector.broadcast %broadcast_in_dim3A_36 : vector<1x2048xf32> to vector<256x2048xf32>
    %sub3A_76 = arith.subf %sub3A_74, %sub3A_75 : vector<256x2048xf32>
    %sub3A_77 = vector.broadcast %broadcast_in_dim3A_23 : vector<256x1xf32> to vector<256x2048xf32>
    %sub3A_78 = vector.broadcast %broadcast_in_dim3A_39 : vector<1x2048xf32> to vector<256x2048xf32>
    %sub3A_79 = arith.subf %sub3A_77, %sub3A_78 : vector<256x2048xf32>
    %sub3A_80 = vector.broadcast %broadcast_in_dim3A_29 : vector<256x1xf32> to vector<256x2048xf32>
    %sub3A_81 = vector.broadcast %broadcast_in_dim3A_42 : vector<1x2048xf32> to vector<256x2048xf32>
    %sub3A_82 = arith.subf %sub3A_80, %sub3A_81 : vector<256x2048xf32>
    %mul3A_83 = arith.mulf %sub3A_76, %sub3A_76 : vector<256x2048xf32>
    %mul3A_84 = arith.mulf %sub3A_79, %sub3A_79 : vector<256x2048xf32>
    %add3A_85 = arith.addf %mul3A_83, %mul3A_84 : vector<256x2048xf32>
    %mul3A_86 = arith.mulf %sub3A_82, %sub3A_82 : vector<256x2048xf32>
    %add3A_87 = arith.addf %add3A_85, %mul3A_86 : vector<256x2048xf32>
    %lt3A_88 = arith.constant 2.500000e-01 : f32
    %lt3A_89 = vector.broadcast %lt3A_88 : f32 to vector<256x2048xf32>
    %lt3A_90 = arith.cmpf olt, %add3A_87, %lt3A_89 : vector<256x2048xf32>
    %convert_element_type3A_91 = arith.extui %lt3A_90 : vector<256x2048xi1> to vector<256x2048xi32>
    %convert_element_type3A_92 = arith.sitofp %convert_element_type3A_91 : vector<256x2048xi32> to vector<256x2048xf32>
    %iota3A = tpu.iota {dimensions = array<i32: 0>} : vector<128x128xi32>
    %iota3A_93 = tpu.iota {dimensions = array<i32: 1>} : vector<128x128xi32>
    %le3A = arith.cmpi sle, %iota3A, %iota3A_93 : vector<128x128xi32>
    %convert_element_type3A_94 = arith.extui %le3A : vector<128x128xi1> to vector<128x128xi32>
    %convert_element_type3A_95 = arith.sitofp %convert_element_type3A_94 : vector<128x128xi32> to vector<128x128xf32>
    %iota3A_96 = tpu.iota {dimensions = array<i32: 0>} : vector<16x16xi32>
    %iota3A_97 = tpu.iota {dimensions = array<i32: 1>} : vector<16x16xi32>
    %lt3A_98 = arith.cmpi slt, %iota3A_96, %iota3A_97 : vector<16x16xi32>
    %convert_element_type3A_99 = arith.extui %lt3A_98 : vector<16x16xi1> to vector<16x16xi32>
    %convert_element_type3A_100 = arith.sitofp %convert_element_type3A_99 : vector<16x16xi32> to vector<16x16xf32>
    %reshape3A = vector.shape_cast %convert_element_type3A_92 : vector<256x2048xf32> to vector<4096x128xf32>
    %dot_general3A_101 = arith.constant dense<0.000000e+00> : vector<4096x128xf32>
    %dot_general3A_102 = tpu.matmul %reshape3A, %convert_element_type3A_95, %dot_general3A_101 {dimension_numbers = #tpu.dot_dimension_numbers<[1], [0], [0], [1], [0, 0, 1, 1], [], []>, transpose_lhs_hint = false} : vector<4096x128xf32>, vector<128x128xf32>, vector<4096x128xf32> -> vector<4096x128xf32>
    %reshape3A_103 = vector.shape_cast %dot_general3A_102 : vector<4096x128xf32> to vector<256x16x128xf32>
    %slice3A_104 = vector.extract_strided_slice %reshape3A_103 {offsets = [0, 0, 127], sizes = [256, 16, 1], strides = [1, 1, 1]} : vector<256x16x128xf32> to vector<256x16x1xf32>
    %squeeze3A_105 = vector.shape_cast %slice3A_104 : vector<256x16x1xf32> to vector<256x16xf32>
    %dot_general3A_106 = arith.constant dense<0.000000e+00> : vector<256x16xf32>
    %dot_general3A_107 = tpu.matmul %squeeze3A_105, %convert_element_type3A_100, %dot_general3A_106 {dimension_numbers = #tpu.dot_dimension_numbers<[1], [0], [0], [1], [0, 0, 1, 1], [], []>, transpose_lhs_hint = false} : vector<256x16xf32>, vector<16x16xf32>, vector<256x16xf32> -> vector<256x16xf32>
    %broadcast_in_dim3A_108 = vector.shape_cast %dot_general3A_107 : vector<256x16xf32> to vector<256x16x1xf32>
    %add3A_109 = vector.broadcast %broadcast_in_dim3A_108 : vector<256x16x1xf32> to vector<256x16x128xf32>
    %add3A_110 = arith.addf %reshape3A_103, %add3A_109 : vector<256x16x128xf32>
    %reshape3A_111 = vector.shape_cast %convert_element_type3A_92 : vector<256x2048xf32> to vector<256x16x128xf32>
    %gt3A = arith.constant 0.000000e+00 : f32
    %gt3A_112 = vector.broadcast %gt3A : f32 to vector<256x16x128xf32>
    %gt3A_113 = arith.cmpf ogt, %reshape3A_111, %gt3A_112 : vector<256x16x128xf32>
    %le3A_114 = arith.constant 3.200000e+01 : f32
    %le3A_115 = vector.broadcast %le3A_114 : f32 to vector<256x16x128xf32>
    %le3A_116 = arith.cmpf ole, %add3A_110, %le3A_115 : vector<256x16x128xf32>
    %and3A_117 = arith.andi %gt3A_113, %le3A_116 : vector<256x16x128xi1>
    %iota3A_118 = tpu.iota {dimensions = array<i32: 1>} : vector<256x16x128xi32>
    %iota3A_119 = tpu.iota {dimensions = array<i32: 2>} : vector<256x16x128xi32>
    %mul3A_120 = arith.constant 128 : i32
    %mul3A_121 = vector.broadcast %mul3A_120 : i32 to vector<256x16x128xi32>
    %mul3A_122 = arith.muli %iota3A_118, %mul3A_121 : vector<256x16x128xi32>
    %add3A_123 = arith.addi %mul3A_122, %iota3A_119 : vector<256x16x128xi32>
    %convert_element_type3A_124 = arith.sitofp %add3A_123 : vector<256x16x128xi32> to vector<256x16x128xf32>
    %jit3A_125 = arith.constant 0.000000e+00 : f32
    %broadcast_in_dim3A_126 = vector.broadcast %jit3A_125 : f32 to vector<256x16x128xf32>
    %select_n3A_127 = arith.select %and3A_117, %convert_element_type3A_124, %broadcast_in_dim3A_126 : vector<256x16x128xi1>, vector<256x16x128xf32>
    %jit3A_128 = arith.constant 0.000000e+00 : f32
    %broadcast_in_dim3A_129 = vector.broadcast %jit3A_128 : f32 to vector<256x16x128xf32>
    %select_n3A_130 = arith.select %and3A_117, %add3A_110, %broadcast_in_dim3A_129 : vector<256x16x128xi1>, vector<256x16x128xf32>
    %eq3A_131 = arith.constant 1.000000e+00 : f32
    %eq3A_132 = vector.broadcast %eq3A_131 : f32 to vector<256x16x128xf32>
    %eq3A_133 = arith.cmpf oeq, %select_n3A_130, %eq3A_132 : vector<256x16x128xf32>
    %jit3A_134 = arith.constant 0.000000e+00 : f32
    %broadcast_in_dim3A_135 = vector.broadcast %jit3A_134 : f32 to vector<256x16x128xf32>
    %select_n3A_136 = arith.select %eq3A_133, %select_n3A_127, %broadcast_in_dim3A_135 : vector<256x16x128xi1>, vector<256x16x128xf32>
    %reduce_sum3A = arith.constant dense<0.000000e+00> : vector<256xf32>
    %reduce_sum3A_137 = vector.multi_reduction <add>, %select_n3A_136, %reduce_sum3A [1, 2] : vector<256x16x128xf32> to vector<256xf32>
    %broadcast_in_dim3A_138 = vector.shape_cast %reduce_sum3A_137 : vector<256xf32> to vector<256x1xf32>
    %eq3A_139 = arith.constant 2.000000e+00 : f32
    %eq3A_140 = vector.broadcast %eq3A_139 : f32 to vector<256x16x128xf32>
    %eq3A_141 = arith.cmpf oeq, %select_n3A_130, %eq3A_140 : vector<256x16x128xf32>
    %jit3A_142 = arith.constant 0.000000e+00 : f32
    %broadcast_in_dim3A_143 = vector.broadcast %jit3A_142 : f32 to vector<256x16x128xf32>
    %select_n3A_144 = arith.select %eq3A_141, %select_n3A_127, %broadcast_in_dim3A_143 : vector<256x16x128xi1>, vector<256x16x128xf32>
    %reduce_sum3A_145 = arith.constant dense<0.000000e+00> : vector<256xf32>
    %reduce_sum3A_146 = vector.multi_reduction <add>, %select_n3A_144, %reduce_sum3A_145 [1, 2] : vector<256x16x128xf32> to vector<256xf32>
    %broadcast_in_dim3A_147 = vector.shape_cast %reduce_sum3A_146 : vector<256xf32> to vector<256x1xf32>
    %eq3A_148 = arith.constant 3.000000e+00 : f32
    %eq3A_149 = vector.broadcast %eq3A_148 : f32 to vector<256x16x128xf32>
    %eq3A_150 = arith.cmpf oeq, %select_n3A_130, %eq3A_149 : vector<256x16x128xf32>
    %jit3A_151 = arith.constant 0.000000e+00 : f32
    %broadcast_in_dim3A_152 = vector.broadcast %jit3A_151 : f32 to vector<256x16x128xf32>
    %select_n3A_153 = arith.select %eq3A_150, %select_n3A_127, %broadcast_in_dim3A_152 : vector<256x16x128xi1>, vector<256x16x128xf32>
    %reduce_sum3A_154 = arith.constant dense<0.000000e+00> : vector<256xf32>
    %reduce_sum3A_155 = vector.multi_reduction <add>, %select_n3A_153, %reduce_sum3A_154 [1, 2] : vector<256x16x128xf32> to vector<256xf32>
    %broadcast_in_dim3A_156 = vector.shape_cast %reduce_sum3A_155 : vector<256xf32> to vector<256x1xf32>
    %eq3A_157 = arith.constant 4.000000e+00 : f32
    %eq3A_158 = vector.broadcast %eq3A_157 : f32 to vector<256x16x128xf32>
    %eq3A_159 = arith.cmpf oeq, %select_n3A_130, %eq3A_158 : vector<256x16x128xf32>
    %jit3A_160 = arith.constant 0.000000e+00 : f32
    %broadcast_in_dim3A_161 = vector.broadcast %jit3A_160 : f32 to vector<256x16x128xf32>
    %select_n3A_162 = arith.select %eq3A_159, %select_n3A_127, %broadcast_in_dim3A_161 : vector<256x16x128xi1>, vector<256x16x128xf32>
    %reduce_sum3A_163 = arith.constant dense<0.000000e+00> : vector<256xf32>
    %reduce_sum3A_164 = vector.multi_reduction <add>, %select_n3A_162, %reduce_sum3A_163 [1, 2] : vector<256x16x128xf32> to vector<256xf32>
    %broadcast_in_dim3A_165 = vector.shape_cast %reduce_sum3A_164 : vector<256xf32> to vector<256x1xf32>
    %eq3A_166 = arith.constant 5.000000e+00 : f32
    %eq3A_167 = vector.broadcast %eq3A_166 : f32 to vector<256x16x128xf32>
    %eq3A_168 = arith.cmpf oeq, %select_n3A_130, %eq3A_167 : vector<256x16x128xf32>
    %jit3A_169 = arith.constant 0.000000e+00 : f32
    %broadcast_in_dim3A_170 = vector.broadcast %jit3A_169 : f32 to vector<256x16x128xf32>
    %select_n3A_171 = arith.select %eq3A_168, %select_n3A_127, %broadcast_in_dim3A_170 : vector<256x16x128xi1>, vector<256x16x128xf32>
    %reduce_sum3A_172 = arith.constant dense<0.000000e+00> : vector<256xf32>
    %reduce_sum3A_173 = vector.multi_reduction <add>, %select_n3A_171, %reduce_sum3A_172 [1, 2] : vector<256x16x128xf32> to vector<256xf32>
    %broadcast_in_dim3A_174 = vector.shape_cast %reduce_sum3A_173 : vector<256xf32> to vector<256x1xf32>
    %eq3A_175 = arith.constant 6.000000e+00 : f32
    %eq3A_176 = vector.broadcast %eq3A_175 : f32 to vector<256x16x128xf32>
    %eq3A_177 = arith.cmpf oeq, %select_n3A_130, %eq3A_176 : vector<256x16x128xf32>
    %jit3A_178 = arith.constant 0.000000e+00 : f32
    %broadcast_in_dim3A_179 = vector.broadcast %jit3A_178 : f32 to vector<256x16x128xf32>
    %select_n3A_180 = arith.select %eq3A_177, %select_n3A_127, %broadcast_in_dim3A_179 : vector<256x16x128xi1>, vector<256x16x128xf32>
    %reduce_sum3A_181 = arith.constant dense<0.000000e+00> : vector<256xf32>
    %reduce_sum3A_182 = vector.multi_reduction <add>, %select_n3A_180, %reduce_sum3A_181 [1, 2] : vector<256x16x128xf32> to vector<256xf32>
    %broadcast_in_dim3A_183 = vector.shape_cast %reduce_sum3A_182 : vector<256xf32> to vector<256x1xf32>
    %eq3A_184 = arith.constant 7.000000e+00 : f32
    %eq3A_185 = vector.broadcast %eq3A_184 : f32 to vector<256x16x128xf32>
    %eq3A_186 = arith.cmpf oeq, %select_n3A_130, %eq3A_185 : vector<256x16x128xf32>
    %jit3A_187 = arith.constant 0.000000e+00 : f32
    %broadcast_in_dim3A_188 = vector.broadcast %jit3A_187 : f32 to vector<256x16x128xf32>
    %select_n3A_189 = arith.select %eq3A_186, %select_n3A_127, %broadcast_in_dim3A_188 : vector<256x16x128xi1>, vector<256x16x128xf32>
    %reduce_sum3A_190 = arith.constant dense<0.000000e+00> : vector<256xf32>
    %reduce_sum3A_191 = vector.multi_reduction <add>, %select_n3A_189, %reduce_sum3A_190 [1, 2] : vector<256x16x128xf32> to vector<256xf32>
    %broadcast_in_dim3A_192 = vector.shape_cast %reduce_sum3A_191 : vector<256xf32> to vector<256x1xf32>
    %eq3A_193 = arith.constant 8.000000e+00 : f32
    %eq3A_194 = vector.broadcast %eq3A_193 : f32 to vector<256x16x128xf32>
    %eq3A_195 = arith.cmpf oeq, %select_n3A_130, %eq3A_194 : vector<256x16x128xf32>
    %jit3A_196 = arith.constant 0.000000e+00 : f32
    %broadcast_in_dim3A_197 = vector.broadcast %jit3A_196 : f32 to vector<256x16x128xf32>
    %select_n3A_198 = arith.select %eq3A_195, %select_n3A_127, %broadcast_in_dim3A_197 : vector<256x16x128xi1>, vector<256x16x128xf32>
    %reduce_sum3A_199 = arith.constant dense<0.000000e+00> : vector<256xf32>
    %reduce_sum3A_200 = vector.multi_reduction <add>, %select_n3A_198, %reduce_sum3A_199 [1, 2] : vector<256x16x128xf32> to vector<256xf32>
    %broadcast_in_dim3A_201 = vector.shape_cast %reduce_sum3A_200 : vector<256xf32> to vector<256x1xf32>
    %eq3A_202 = arith.constant 9.000000e+00 : f32
    %eq3A_203 = vector.broadcast %eq3A_202 : f32 to vector<256x16x128xf32>
    %eq3A_204 = arith.cmpf oeq, %select_n3A_130, %eq3A_203 : vector<256x16x128xf32>
    %jit3A_205 = arith.constant 0.000000e+00 : f32
    %broadcast_in_dim3A_206 = vector.broadcast %jit3A_205 : f32 to vector<256x16x128xf32>
    %select_n3A_207 = arith.select %eq3A_204, %select_n3A_127, %broadcast_in_dim3A_206 : vector<256x16x128xi1>, vector<256x16x128xf32>
    %reduce_sum3A_208 = arith.constant dense<0.000000e+00> : vector<256xf32>
    %reduce_sum3A_209 = vector.multi_reduction <add>, %select_n3A_207, %reduce_sum3A_208 [1, 2] : vector<256x16x128xf32> to vector<256xf32>
    %broadcast_in_dim3A_210 = vector.shape_cast %reduce_sum3A_209 : vector<256xf32> to vector<256x1xf32>
    %eq3A_211 = arith.constant 1.000000e+01 : f32
    %eq3A_212 = vector.broadcast %eq3A_211 : f32 to vector<256x16x128xf32>
    %eq3A_213 = arith.cmpf oeq, %select_n3A_130, %eq3A_212 : vector<256x16x128xf32>
    %jit3A_214 = arith.constant 0.000000e+00 : f32
    %broadcast_in_dim3A_215 = vector.broadcast %jit3A_214 : f32 to vector<256x16x128xf32>
    %select_n3A_216 = arith.select %eq3A_213, %select_n3A_127, %broadcast_in_dim3A_215 : vector<256x16x128xi1>, vector<256x16x128xf32>
    %reduce_sum3A_217 = arith.constant dense<0.000000e+00> : vector<256xf32>
    %reduce_sum3A_218 = vector.multi_reduction <add>, %select_n3A_216, %reduce_sum3A_217 [1, 2] : vector<256x16x128xf32> to vector<256xf32>
    %broadcast_in_dim3A_219 = vector.shape_cast %reduce_sum3A_218 : vector<256xf32> to vector<256x1xf32>
    %eq3A_220 = arith.constant 1.100000e+01 : f32
    %eq3A_221 = vector.broadcast %eq3A_220 : f32 to vector<256x16x128xf32>
    %eq3A_222 = arith.cmpf oeq, %select_n3A_130, %eq3A_221 : vector<256x16x128xf32>
    %jit3A_223 = arith.constant 0.000000e+00 : f32
    %broadcast_in_dim3A_224 = vector.broadcast %jit3A_223 : f32 to vector<256x16x128xf32>
    %select_n3A_225 = arith.select %eq3A_222, %select_n3A_127, %broadcast_in_dim3A_224 : vector<256x16x128xi1>, vector<256x16x128xf32>
    %reduce_sum3A_226 = arith.constant dense<0.000000e+00> : vector<256xf32>
    %reduce_sum3A_227 = vector.multi_reduction <add>, %select_n3A_225, %reduce_sum3A_226 [1, 2] : vector<256x16x128xf32> to vector<256xf32>
    %broadcast_in_dim3A_228 = vector.shape_cast %reduce_sum3A_227 : vector<256xf32> to vector<256x1xf32>
    %eq3A_229 = arith.constant 1.200000e+01 : f32
    %eq3A_230 = vector.broadcast %eq3A_229 : f32 to vector<256x16x128xf32>
    %eq3A_231 = arith.cmpf oeq, %select_n3A_130, %eq3A_230 : vector<256x16x128xf32>
    %jit3A_232 = arith.constant 0.000000e+00 : f32
    %broadcast_in_dim3A_233 = vector.broadcast %jit3A_232 : f32 to vector<256x16x128xf32>
    %select_n3A_234 = arith.select %eq3A_231, %select_n3A_127, %broadcast_in_dim3A_233 : vector<256x16x128xi1>, vector<256x16x128xf32>
    %reduce_sum3A_235 = arith.constant dense<0.000000e+00> : vector<256xf32>
    %reduce_sum3A_236 = vector.multi_reduction <add>, %select_n3A_234, %reduce_sum3A_235 [1, 2] : vector<256x16x128xf32> to vector<256xf32>
    %broadcast_in_dim3A_237 = vector.shape_cast %reduce_sum3A_236 : vector<256xf32> to vector<256x1xf32>
    %eq3A_238 = arith.constant 1.300000e+01 : f32
    %eq3A_239 = vector.broadcast %eq3A_238 : f32 to vector<256x16x128xf32>
    %eq3A_240 = arith.cmpf oeq, %select_n3A_130, %eq3A_239 : vector<256x16x128xf32>
    %jit3A_241 = arith.constant 0.000000e+00 : f32
    %broadcast_in_dim3A_242 = vector.broadcast %jit3A_241 : f32 to vector<256x16x128xf32>
    %select_n3A_243 = arith.select %eq3A_240, %select_n3A_127, %broadcast_in_dim3A_242 : vector<256x16x128xi1>, vector<256x16x128xf32>
    %reduce_sum3A_244 = arith.constant dense<0.000000e+00> : vector<256xf32>
    %reduce_sum3A_245 = vector.multi_reduction <add>, %select_n3A_243, %reduce_sum3A_244 [1, 2] : vector<256x16x128xf32> to vector<256xf32>
    %broadcast_in_dim3A_246 = vector.shape_cast %reduce_sum3A_245 : vector<256xf32> to vector<256x1xf32>
    %eq3A_247 = arith.constant 1.400000e+01 : f32
    %eq3A_248 = vector.broadcast %eq3A_247 : f32 to vector<256x16x128xf32>
    %eq3A_249 = arith.cmpf oeq, %select_n3A_130, %eq3A_248 : vector<256x16x128xf32>
    %jit3A_250 = arith.constant 0.000000e+00 : f32
    %broadcast_in_dim3A_251 = vector.broadcast %jit3A_250 : f32 to vector<256x16x128xf32>
    %select_n3A_252 = arith.select %eq3A_249, %select_n3A_127, %broadcast_in_dim3A_251 : vector<256x16x128xi1>, vector<256x16x128xf32>
    %reduce_sum3A_253 = arith.constant dense<0.000000e+00> : vector<256xf32>
    %reduce_sum3A_254 = vector.multi_reduction <add>, %select_n3A_252, %reduce_sum3A_253 [1, 2] : vector<256x16x128xf32> to vector<256xf32>
    %broadcast_in_dim3A_255 = vector.shape_cast %reduce_sum3A_254 : vector<256xf32> to vector<256x1xf32>
    %eq3A_256 = arith.constant 1.500000e+01 : f32
    %eq3A_257 = vector.broadcast %eq3A_256 : f32 to vector<256x16x128xf32>
    %eq3A_258 = arith.cmpf oeq, %select_n3A_130, %eq3A_257 : vector<256x16x128xf32>
    %jit3A_259 = arith.constant 0.000000e+00 : f32
    %broadcast_in_dim3A_260 = vector.broadcast %jit3A_259 : f32 to vector<256x16x128xf32>
    %select_n3A_261 = arith.select %eq3A_258, %select_n3A_127, %broadcast_in_dim3A_260 : vector<256x16x128xi1>, vector<256x16x128xf32>
    %reduce_sum3A_262 = arith.constant dense<0.000000e+00> : vector<256xf32>
    %reduce_sum3A_263 = vector.multi_reduction <add>, %select_n3A_261, %reduce_sum3A_262 [1, 2] : vector<256x16x128xf32> to vector<256xf32>
    %broadcast_in_dim3A_264 = vector.shape_cast %reduce_sum3A_263 : vector<256xf32> to vector<256x1xf32>
    %eq3A_265 = arith.constant 1.600000e+01 : f32
    %eq3A_266 = vector.broadcast %eq3A_265 : f32 to vector<256x16x128xf32>
    %eq3A_267 = arith.cmpf oeq, %select_n3A_130, %eq3A_266 : vector<256x16x128xf32>
    %jit3A_268 = arith.constant 0.000000e+00 : f32
    %broadcast_in_dim3A_269 = vector.broadcast %jit3A_268 : f32 to vector<256x16x128xf32>
    %select_n3A_270 = arith.select %eq3A_267, %select_n3A_127, %broadcast_in_dim3A_269 : vector<256x16x128xi1>, vector<256x16x128xf32>
    %reduce_sum3A_271 = arith.constant dense<0.000000e+00> : vector<256xf32>
    %reduce_sum3A_272 = vector.multi_reduction <add>, %select_n3A_270, %reduce_sum3A_271 [1, 2] : vector<256x16x128xf32> to vector<256xf32>
    %broadcast_in_dim3A_273 = vector.shape_cast %reduce_sum3A_272 : vector<256xf32> to vector<256x1xf32>
    %eq3A_274 = arith.constant 1.700000e+01 : f32
    %eq3A_275 = vector.broadcast %eq3A_274 : f32 to vector<256x16x128xf32>
    %eq3A_276 = arith.cmpf oeq, %select_n3A_130, %eq3A_275 : vector<256x16x128xf32>
    %jit3A_277 = arith.constant 0.000000e+00 : f32
    %broadcast_in_dim3A_278 = vector.broadcast %jit3A_277 : f32 to vector<256x16x128xf32>
    %select_n3A_279 = arith.select %eq3A_276, %select_n3A_127, %broadcast_in_dim3A_278 : vector<256x16x128xi1>, vector<256x16x128xf32>
    %reduce_sum3A_280 = arith.constant dense<0.000000e+00> : vector<256xf32>
    %reduce_sum3A_281 = vector.multi_reduction <add>, %select_n3A_279, %reduce_sum3A_280 [1, 2] : vector<256x16x128xf32> to vector<256xf32>
    %broadcast_in_dim3A_282 = vector.shape_cast %reduce_sum3A_281 : vector<256xf32> to vector<256x1xf32>
    %eq3A_283 = arith.constant 1.800000e+01 : f32
    %eq3A_284 = vector.broadcast %eq3A_283 : f32 to vector<256x16x128xf32>
    %eq3A_285 = arith.cmpf oeq, %select_n3A_130, %eq3A_284 : vector<256x16x128xf32>
    %jit3A_286 = arith.constant 0.000000e+00 : f32
    %broadcast_in_dim3A_287 = vector.broadcast %jit3A_286 : f32 to vector<256x16x128xf32>
    %select_n3A_288 = arith.select %eq3A_285, %select_n3A_127, %broadcast_in_dim3A_287 : vector<256x16x128xi1>, vector<256x16x128xf32>
    %reduce_sum3A_289 = arith.constant dense<0.000000e+00> : vector<256xf32>
    %reduce_sum3A_290 = vector.multi_reduction <add>, %select_n3A_288, %reduce_sum3A_289 [1, 2] : vector<256x16x128xf32> to vector<256xf32>
    %broadcast_in_dim3A_291 = vector.shape_cast %reduce_sum3A_290 : vector<256xf32> to vector<256x1xf32>
    %eq3A_292 = arith.constant 1.900000e+01 : f32
    %eq3A_293 = vector.broadcast %eq3A_292 : f32 to vector<256x16x128xf32>
    %eq3A_294 = arith.cmpf oeq, %select_n3A_130, %eq3A_293 : vector<256x16x128xf32>
    %jit3A_295 = arith.constant 0.000000e+00 : f32
    %broadcast_in_dim3A_296 = vector.broadcast %jit3A_295 : f32 to vector<256x16x128xf32>
    %select_n3A_297 = arith.select %eq3A_294, %select_n3A_127, %broadcast_in_dim3A_296 : vector<256x16x128xi1>, vector<256x16x128xf32>
    %reduce_sum3A_298 = arith.constant dense<0.000000e+00> : vector<256xf32>
    %reduce_sum3A_299 = vector.multi_reduction <add>, %select_n3A_297, %reduce_sum3A_298 [1, 2] : vector<256x16x128xf32> to vector<256xf32>
    %broadcast_in_dim3A_300 = vector.shape_cast %reduce_sum3A_299 : vector<256xf32> to vector<256x1xf32>
    %eq3A_301 = arith.constant 2.000000e+01 : f32
    %eq3A_302 = vector.broadcast %eq3A_301 : f32 to vector<256x16x128xf32>
    %eq3A_303 = arith.cmpf oeq, %select_n3A_130, %eq3A_302 : vector<256x16x128xf32>
    %jit3A_304 = arith.constant 0.000000e+00 : f32
    %broadcast_in_dim3A_305 = vector.broadcast %jit3A_304 : f32 to vector<256x16x128xf32>
    %select_n3A_306 = arith.select %eq3A_303, %select_n3A_127, %broadcast_in_dim3A_305 : vector<256x16x128xi1>, vector<256x16x128xf32>
    %reduce_sum3A_307 = arith.constant dense<0.000000e+00> : vector<256xf32>
    %reduce_sum3A_308 = vector.multi_reduction <add>, %select_n3A_306, %reduce_sum3A_307 [1, 2] : vector<256x16x128xf32> to vector<256xf32>
    %broadcast_in_dim3A_309 = vector.shape_cast %reduce_sum3A_308 : vector<256xf32> to vector<256x1xf32>
    %eq3A_310 = arith.constant 2.100000e+01 : f32
    %eq3A_311 = vector.broadcast %eq3A_310 : f32 to vector<256x16x128xf32>
    %eq3A_312 = arith.cmpf oeq, %select_n3A_130, %eq3A_311 : vector<256x16x128xf32>
    %jit3A_313 = arith.constant 0.000000e+00 : f32
    %broadcast_in_dim3A_314 = vector.broadcast %jit3A_313 : f32 to vector<256x16x128xf32>
    %select_n3A_315 = arith.select %eq3A_312, %select_n3A_127, %broadcast_in_dim3A_314 : vector<256x16x128xi1>, vector<256x16x128xf32>
    %reduce_sum3A_316 = arith.constant dense<0.000000e+00> : vector<256xf32>
    %reduce_sum3A_317 = vector.multi_reduction <add>, %select_n3A_315, %reduce_sum3A_316 [1, 2] : vector<256x16x128xf32> to vector<256xf32>
    %broadcast_in_dim3A_318 = vector.shape_cast %reduce_sum3A_317 : vector<256xf32> to vector<256x1xf32>
    %eq3A_319 = arith.constant 2.200000e+01 : f32
    %eq3A_320 = vector.broadcast %eq3A_319 : f32 to vector<256x16x128xf32>
    %eq3A_321 = arith.cmpf oeq, %select_n3A_130, %eq3A_320 : vector<256x16x128xf32>
    %jit3A_322 = arith.constant 0.000000e+00 : f32
    %broadcast_in_dim3A_323 = vector.broadcast %jit3A_322 : f32 to vector<256x16x128xf32>
    %select_n3A_324 = arith.select %eq3A_321, %select_n3A_127, %broadcast_in_dim3A_323 : vector<256x16x128xi1>, vector<256x16x128xf32>
    %reduce_sum3A_325 = arith.constant dense<0.000000e+00> : vector<256xf32>
    %reduce_sum3A_326 = vector.multi_reduction <add>, %select_n3A_324, %reduce_sum3A_325 [1, 2] : vector<256x16x128xf32> to vector<256xf32>
    %broadcast_in_dim3A_327 = vector.shape_cast %reduce_sum3A_326 : vector<256xf32> to vector<256x1xf32>
    %eq3A_328 = arith.constant 2.300000e+01 : f32
    %eq3A_329 = vector.broadcast %eq3A_328 : f32 to vector<256x16x128xf32>
    %eq3A_330 = arith.cmpf oeq, %select_n3A_130, %eq3A_329 : vector<256x16x128xf32>
    %jit3A_331 = arith.constant 0.000000e+00 : f32
    %broadcast_in_dim3A_332 = vector.broadcast %jit3A_331 : f32 to vector<256x16x128xf32>
    %select_n3A_333 = arith.select %eq3A_330, %select_n3A_127, %broadcast_in_dim3A_332 : vector<256x16x128xi1>, vector<256x16x128xf32>
    %reduce_sum3A_334 = arith.constant dense<0.000000e+00> : vector<256xf32>
    %reduce_sum3A_335 = vector.multi_reduction <add>, %select_n3A_333, %reduce_sum3A_334 [1, 2] : vector<256x16x128xf32> to vector<256xf32>
    %broadcast_in_dim3A_336 = vector.shape_cast %reduce_sum3A_335 : vector<256xf32> to vector<256x1xf32>
    %eq3A_337 = arith.constant 2.400000e+01 : f32
    %eq3A_338 = vector.broadcast %eq3A_337 : f32 to vector<256x16x128xf32>
    %eq3A_339 = arith.cmpf oeq, %select_n3A_130, %eq3A_338 : vector<256x16x128xf32>
    %jit3A_340 = arith.constant 0.000000e+00 : f32
    %broadcast_in_dim3A_341 = vector.broadcast %jit3A_340 : f32 to vector<256x16x128xf32>
    %select_n3A_342 = arith.select %eq3A_339, %select_n3A_127, %broadcast_in_dim3A_341 : vector<256x16x128xi1>, vector<256x16x128xf32>
    %reduce_sum3A_343 = arith.constant dense<0.000000e+00> : vector<256xf32>
    %reduce_sum3A_344 = vector.multi_reduction <add>, %select_n3A_342, %reduce_sum3A_343 [1, 2] : vector<256x16x128xf32> to vector<256xf32>
    %broadcast_in_dim3A_345 = vector.shape_cast %reduce_sum3A_344 : vector<256xf32> to vector<256x1xf32>
    %eq3A_346 = arith.constant 2.500000e+01 : f32
    %eq3A_347 = vector.broadcast %eq3A_346 : f32 to vector<256x16x128xf32>
    %eq3A_348 = arith.cmpf oeq, %select_n3A_130, %eq3A_347 : vector<256x16x128xf32>
    %jit3A_349 = arith.constant 0.000000e+00 : f32
    %broadcast_in_dim3A_350 = vector.broadcast %jit3A_349 : f32 to vector<256x16x128xf32>
    %select_n3A_351 = arith.select %eq3A_348, %select_n3A_127, %broadcast_in_dim3A_350 : vector<256x16x128xi1>, vector<256x16x128xf32>
    %reduce_sum3A_352 = arith.constant dense<0.000000e+00> : vector<256xf32>
    %reduce_sum3A_353 = vector.multi_reduction <add>, %select_n3A_351, %reduce_sum3A_352 [1, 2] : vector<256x16x128xf32> to vector<256xf32>
    %broadcast_in_dim3A_354 = vector.shape_cast %reduce_sum3A_353 : vector<256xf32> to vector<256x1xf32>
    %eq3A_355 = arith.constant 2.600000e+01 : f32
    %eq3A_356 = vector.broadcast %eq3A_355 : f32 to vector<256x16x128xf32>
    %eq3A_357 = arith.cmpf oeq, %select_n3A_130, %eq3A_356 : vector<256x16x128xf32>
    %jit3A_358 = arith.constant 0.000000e+00 : f32
    %broadcast_in_dim3A_359 = vector.broadcast %jit3A_358 : f32 to vector<256x16x128xf32>
    %select_n3A_360 = arith.select %eq3A_357, %select_n3A_127, %broadcast_in_dim3A_359 : vector<256x16x128xi1>, vector<256x16x128xf32>
    %reduce_sum3A_361 = arith.constant dense<0.000000e+00> : vector<256xf32>
    %reduce_sum3A_362 = vector.multi_reduction <add>, %select_n3A_360, %reduce_sum3A_361 [1, 2] : vector<256x16x128xf32> to vector<256xf32>
    %broadcast_in_dim3A_363 = vector.shape_cast %reduce_sum3A_362 : vector<256xf32> to vector<256x1xf32>
    %eq3A_364 = arith.constant 2.700000e+01 : f32
    %eq3A_365 = vector.broadcast %eq3A_364 : f32 to vector<256x16x128xf32>
    %eq3A_366 = arith.cmpf oeq, %select_n3A_130, %eq3A_365 : vector<256x16x128xf32>
    %jit3A_367 = arith.constant 0.000000e+00 : f32
    %broadcast_in_dim3A_368 = vector.broadcast %jit3A_367 : f32 to vector<256x16x128xf32>
    %select_n3A_369 = arith.select %eq3A_366, %select_n3A_127, %broadcast_in_dim3A_368 : vector<256x16x128xi1>, vector<256x16x128xf32>
    %reduce_sum3A_370 = arith.constant dense<0.000000e+00> : vector<256xf32>
    %reduce_sum3A_371 = vector.multi_reduction <add>, %select_n3A_369, %reduce_sum3A_370 [1, 2] : vector<256x16x128xf32> to vector<256xf32>
    %broadcast_in_dim3A_372 = vector.shape_cast %reduce_sum3A_371 : vector<256xf32> to vector<256x1xf32>
    %eq3A_373 = arith.constant 2.800000e+01 : f32
    %eq3A_374 = vector.broadcast %eq3A_373 : f32 to vector<256x16x128xf32>
    %eq3A_375 = arith.cmpf oeq, %select_n3A_130, %eq3A_374 : vector<256x16x128xf32>
    %jit3A_376 = arith.constant 0.000000e+00 : f32
    %broadcast_in_dim3A_377 = vector.broadcast %jit3A_376 : f32 to vector<256x16x128xf32>
    %select_n3A_378 = arith.select %eq3A_375, %select_n3A_127, %broadcast_in_dim3A_377 : vector<256x16x128xi1>, vector<256x16x128xf32>
    %reduce_sum3A_379 = arith.constant dense<0.000000e+00> : vector<256xf32>
    %reduce_sum3A_380 = vector.multi_reduction <add>, %select_n3A_378, %reduce_sum3A_379 [1, 2] : vector<256x16x128xf32> to vector<256xf32>
    %broadcast_in_dim3A_381 = vector.shape_cast %reduce_sum3A_380 : vector<256xf32> to vector<256x1xf32>
    %eq3A_382 = arith.constant 2.900000e+01 : f32
    %eq3A_383 = vector.broadcast %eq3A_382 : f32 to vector<256x16x128xf32>
    %eq3A_384 = arith.cmpf oeq, %select_n3A_130, %eq3A_383 : vector<256x16x128xf32>
    %jit3A_385 = arith.constant 0.000000e+00 : f32
    %broadcast_in_dim3A_386 = vector.broadcast %jit3A_385 : f32 to vector<256x16x128xf32>
    %select_n3A_387 = arith.select %eq3A_384, %select_n3A_127, %broadcast_in_dim3A_386 : vector<256x16x128xi1>, vector<256x16x128xf32>
    %reduce_sum3A_388 = arith.constant dense<0.000000e+00> : vector<256xf32>
    %reduce_sum3A_389 = vector.multi_reduction <add>, %select_n3A_387, %reduce_sum3A_388 [1, 2] : vector<256x16x128xf32> to vector<256xf32>
    %broadcast_in_dim3A_390 = vector.shape_cast %reduce_sum3A_389 : vector<256xf32> to vector<256x1xf32>
    %eq3A_391 = arith.constant 3.000000e+01 : f32
    %eq3A_392 = vector.broadcast %eq3A_391 : f32 to vector<256x16x128xf32>
    %eq3A_393 = arith.cmpf oeq, %select_n3A_130, %eq3A_392 : vector<256x16x128xf32>
    %jit3A_394 = arith.constant 0.000000e+00 : f32
    %broadcast_in_dim3A_395 = vector.broadcast %jit3A_394 : f32 to vector<256x16x128xf32>
    %select_n3A_396 = arith.select %eq3A_393, %select_n3A_127, %broadcast_in_dim3A_395 : vector<256x16x128xi1>, vector<256x16x128xf32>
    %reduce_sum3A_397 = arith.constant dense<0.000000e+00> : vector<256xf32>
    %reduce_sum3A_398 = vector.multi_reduction <add>, %select_n3A_396, %reduce_sum3A_397 [1, 2] : vector<256x16x128xf32> to vector<256xf32>
    %broadcast_in_dim3A_399 = vector.shape_cast %reduce_sum3A_398 : vector<256xf32> to vector<256x1xf32>
    %eq3A_400 = arith.constant 3.100000e+01 : f32
    %eq3A_401 = vector.broadcast %eq3A_400 : f32 to vector<256x16x128xf32>
    %eq3A_402 = arith.cmpf oeq, %select_n3A_130, %eq3A_401 : vector<256x16x128xf32>
    %jit3A_403 = arith.constant 0.000000e+00 : f32
    %broadcast_in_dim3A_404 = vector.broadcast %jit3A_403 : f32 to vector<256x16x128xf32>
    %select_n3A_405 = arith.select %eq3A_402, %select_n3A_127, %broadcast_in_dim3A_404 : vector<256x16x128xi1>, vector<256x16x128xf32>
    %reduce_sum3A_406 = arith.constant dense<0.000000e+00> : vector<256xf32>
    %reduce_sum3A_407 = vector.multi_reduction <add>, %select_n3A_405, %reduce_sum3A_406 [1, 2] : vector<256x16x128xf32> to vector<256xf32>
    %broadcast_in_dim3A_408 = vector.shape_cast %reduce_sum3A_407 : vector<256xf32> to vector<256x1xf32>
    %eq3A_409 = arith.constant 3.200000e+01 : f32
    %eq3A_410 = vector.broadcast %eq3A_409 : f32 to vector<256x16x128xf32>
    %eq3A_411 = arith.cmpf oeq, %select_n3A_130, %eq3A_410 : vector<256x16x128xf32>
    %jit3A_412 = arith.constant 0.000000e+00 : f32
    %broadcast_in_dim3A_413 = vector.broadcast %jit3A_412 : f32 to vector<256x16x128xf32>
    %select_n3A_414 = arith.select %eq3A_411, %select_n3A_127, %broadcast_in_dim3A_413 : vector<256x16x128xi1>, vector<256x16x128xf32>
    %reduce_sum3A_415 = arith.constant dense<0.000000e+00> : vector<256xf32>
    %reduce_sum3A_416 = vector.multi_reduction <add>, %select_n3A_414, %reduce_sum3A_415 [1, 2] : vector<256x16x128xf32> to vector<256xf32>
    %broadcast_in_dim3A_417 = vector.shape_cast %reduce_sum3A_416 : vector<256xf32> to vector<256x1xf32>
    %concatenate3A = tpu.concatenate %broadcast_in_dim3A_138, %broadcast_in_dim3A_147, %broadcast_in_dim3A_156, %broadcast_in_dim3A_165, %broadcast_in_dim3A_174, %broadcast_in_dim3A_183, %broadcast_in_dim3A_192, %broadcast_in_dim3A_201, %broadcast_in_dim3A_210, %broadcast_in_dim3A_219, %broadcast_in_dim3A_228, %broadcast_in_dim3A_237, %broadcast_in_dim3A_246, %broadcast_in_dim3A_255, %broadcast_in_dim3A_264, %broadcast_in_dim3A_273, %broadcast_in_dim3A_282, %broadcast_in_dim3A_291, %broadcast_in_dim3A_300, %broadcast_in_dim3A_309, %broadcast_in_dim3A_318, %broadcast_in_dim3A_327, %broadcast_in_dim3A_336, %broadcast_in_dim3A_345, %broadcast_in_dim3A_354, %broadcast_in_dim3A_363, %broadcast_in_dim3A_372, %broadcast_in_dim3A_381, %broadcast_in_dim3A_390, %broadcast_in_dim3A_399, %broadcast_in_dim3A_408, %broadcast_in_dim3A_417 in 1 : vector<256x1xf32>, vector<256x1xf32>, vector<256x1xf32>, vector<256x1xf32>, vector<256x1xf32>, vector<256x1xf32>, vector<256x1xf32>, vector<256x1xf32>, vector<256x1xf32>, vector<256x1xf32>, vector<256x1xf32>, vector<256x1xf32>, vector<256x1xf32>, vector<256x1xf32>, vector<256x1xf32>, vector<256x1xf32>, vector<256x1xf32>, vector<256x1xf32>, vector<256x1xf32>, vector<256x1xf32>, vector<256x1xf32>, vector<256x1xf32>, vector<256x1xf32>, vector<256x1xf32>, vector<256x1xf32>, vector<256x1xf32>, vector<256x1xf32>, vector<256x1xf32>, vector<256x1xf32>, vector<256x1xf32>, vector<256x1xf32>, vector<256x1xf32> -> vector<256x32xf32>
    %slice3A_418 = vector.extract_strided_slice %dot_general3A_107 {offsets = [0, 15], sizes = [256, 1], strides = [1, 1]} : vector<256x16xf32> to vector<256x1xf32>
    %squeeze3A_419 = vector.shape_cast %slice3A_418 : vector<256x1xf32> to vector<256xf32>
    %slice3A_420 = vector.extract_strided_slice %squeeze3A_105 {offsets = [0, 15], sizes = [256, 1], strides = [1, 1]} : vector<256x16xf32> to vector<256x1xf32>
    %squeeze3A_421 = vector.shape_cast %slice3A_420 : vector<256x1xf32> to vector<256xf32>
    %add3A_422 = arith.addf %squeeze3A_419, %squeeze3A_421 : vector<256xf32>
    %min3A = arith.constant 3.200000e+01 : f32
    %min3A_423 = vector.broadcast %min3A : f32 to vector<256xf32>
    %min3A_424 = arith.minimumf %add3A_422, %min3A_423 : vector<256xf32>
    %broadcast_in_dim3A_425 = vector.shape_cast %min3A_424 : vector<256xf32> to vector<256x1xf32>
    %iota3A_426 = tpu.iota {dimensions = array<i32: 1>} : vector<256x32xi32>
    %convert_element_type3A_427 = arith.sitofp %iota3A_426 : vector<256x32xi32> to vector<256x32xf32>
    %lt3A_428 = vector.broadcast %broadcast_in_dim3A_425 : vector<256x1xf32> to vector<256x32xf32>
    %lt3A_429 = arith.cmpf olt, %convert_element_type3A_427, %lt3A_428 : vector<256x32xf32>
    %slice3A_430 = vector.extract_strided_slice %concatenate3A {offsets = [0, 0], sizes = [256, 1], strides = [1, 1]} : vector<256x32xf32> to vector<256x1xf32>
    %broadcast_in_dim3A_431 = vector.shape_cast %slice3A_430 : vector<256x1xf32> to vector<256x1xf32>
    %broadcast_in_dim3A_432 = vector.broadcast %broadcast_in_dim3A_431 : vector<256x1xf32> to vector<256x32xf32>
    %select_n3A_433 = arith.select %lt3A_429, %concatenate3A, %broadcast_in_dim3A_432 : vector<256x32xi1>, vector<256x32xf32>
    %add3A_434 = vector.broadcast %convert_element_type3A_13 : f32 to vector<256x32xf32>
    %add3A_435 = arith.addf %select_n3A_433, %add3A_434 : vector<256x32xf32>
    %convert_element_type3A_436 = arith.fptosi %add3A_435 : vector<256x32xf32> to vector<256x32xi32>
    %swap3A_437 = arith.constant 0 : index
    %swap3A_438 = arith.constant 0 : index
    %swap3A_439 = arith.constant 0 : index
    %swap3A_440 = arith.constant 0 : index
    %swap3A_441 = vector.load %arg9[%swap3A_437, %swap3A_438, %swap3A_439, %swap3A_440] : memref<1x1x256x32xi32, #tpu.memory_space<vmem>>, vector<1x1x256x32xi32>
    %swap3A_442 = vector.shape_cast %swap3A_441 : vector<1x1x256x32xi32> to vector<256x32xi32>
    %swap3A_443 = vector.shape_cast %convert_element_type3A_436 : vector<256x32xi32> to vector<1x1x256x32xi32>
    tpu.vector_store %arg9[%swap3A_437, %swap3A_438, %swap3A_439, %swap3A_440], %swap3A_443 {strides = array<i32>} : memref<1x1x256x32xi32, #tpu.memory_space<vmem>>, vector<1x1x256x32xi32>,
    return
  }
  func.func @transform_0(%arg0: i32, %arg1: i32) -> (i32, i32, i32, i32) {
    %c0_i32 = arith.constant 0 : i32
    %c0_i32_0 = arith.constant 0 : i32
    %c0_i32_1 = arith.constant 0 : i32
    return %arg0, %arg1, %c0_i32, %c0_i32_0 : i32, i32, i32, i32
  }
  func.func @transform_1(%arg0: i32, %arg1: i32) -> (i32, i32, i32) {
    %jit3A = arith.constant 3 : i32
    %div3A = arith.divsi %arg0, %jit3A : i32
    %sign3A = arith.constant 0 : i32
    %sign3A_0 = arith.cmpi sgt, %arg0, %sign3A : i32
    %sign3A_1 = arith.extui %sign3A_0 : i1 to i32
    %sign3A_2 = arith.constant 0 : i32
    %sign3A_3 = arith.cmpi slt, %arg0, %sign3A_2 : i32
    %sign3A_4 = arith.extui %sign3A_3 : i1 to i32
    %sign3A_5 = arith.subi %sign3A_1, %sign3A_4 : i32
    %sign3A_6 = arith.constant 0 : i32
    %sign3A_7 = arith.cmpi sgt, %jit3A, %sign3A_6 : i32
    %sign3A_8 = arith.extui %sign3A_7 : i1 to i32
    %sign3A_9 = arith.constant 0 : i32
    %sign3A_10 = arith.cmpi slt, %jit3A, %sign3A_9 : i32
    %sign3A_11 = arith.extui %sign3A_10 : i1 to i32
    %sign3A_12 = arith.subi %sign3A_8, %sign3A_11 : i32
    %ne3A = arith.cmpi ne, %sign3A_5, %sign3A_12 : i32
    %rem3A = arith.remsi %arg0, %jit3A : i32
    %ne3A_13 = arith.constant 0 : i32
    %ne3A_14 = arith.cmpi ne, %rem3A, %ne3A_13 : i32
    %and3A = arith.andi %ne3A, %ne3A_14 : i1
    %sub3A = arith.constant 1 : i32
    %sub3A_15 = arith.subi %div3A, %sub3A : i32
    %select_n3A = arith.select %and3A, %sub3A_15, %div3A : i32
    %mul3A = arith.constant 4 : i32
    %mul3A_16 = arith.muli %select_n3A, %mul3A : i32
    %add3A = arith.addi %mul3A_16, %arg1 : i32
    %c0_i32 = arith.constant 0 : i32
    %c0_i32_17 = arith.constant 0 : i32
    %c0_i32_18 = arith.constant 0 : i32
    return %add3A, %c0_i32, %c0_i32_17 : i32, i32, i32
  }
  func.func @transform_2(%arg0: i32, %arg1: i32) -> (i32, i32, i32) {
    %jit3A = arith.constant 3 : i32
    %div3A = arith.divsi %arg0, %jit3A : i32
    %sign3A = arith.constant 0 : i32
    %sign3A_0 = arith.cmpi sgt, %arg0, %sign3A : i32
    %sign3A_1 = arith.extui %sign3A_0 : i1 to i32
    %sign3A_2 = arith.constant 0 : i32
    %sign3A_3 = arith.cmpi slt, %arg0, %sign3A_2 : i32
    %sign3A_4 = arith.extui %sign3A_3 : i1 to i32
    %sign3A_5 = arith.subi %sign3A_1, %sign3A_4 : i32
    %sign3A_6 = arith.constant 0 : i32
    %sign3A_7 = arith.cmpi sgt, %jit3A, %sign3A_6 : i32
    %sign3A_8 = arith.extui %sign3A_7 : i1 to i32
    %sign3A_9 = arith.constant 0 : i32
    %sign3A_10 = arith.cmpi slt, %jit3A, %sign3A_9 : i32
    %sign3A_11 = arith.extui %sign3A_10 : i1 to i32
    %sign3A_12 = arith.subi %sign3A_8, %sign3A_11 : i32
    %ne3A = arith.cmpi ne, %sign3A_5, %sign3A_12 : i32
    %rem3A = arith.remsi %arg0, %jit3A : i32
    %ne3A_13 = arith.constant 0 : i32
    %ne3A_14 = arith.cmpi ne, %rem3A, %ne3A_13 : i32
    %and3A = arith.andi %ne3A, %ne3A_14 : i1
    %sub3A = arith.constant 1 : i32
    %sub3A_15 = arith.subi %div3A, %sub3A : i32
    %select_n3A = arith.select %and3A, %sub3A_15, %div3A : i32
    %mul3A = arith.constant 4 : i32
    %mul3A_16 = arith.muli %select_n3A, %mul3A : i32
    %add3A = arith.addi %mul3A_16, %arg1 : i32
    %c0_i32 = arith.constant 0 : i32
    %c0_i32_17 = arith.constant 0 : i32
    %c0_i32_18 = arith.constant 0 : i32
    return %add3A, %c0_i32, %c0_i32_17 : i32, i32, i32
  }
  func.func @transform_3(%arg0: i32, %arg1: i32) -> (i32, i32, i32) {
    %jit3A = arith.constant 3 : i32
    %div3A = arith.divsi %arg0, %jit3A : i32
    %sign3A = arith.constant 0 : i32
    %sign3A_0 = arith.cmpi sgt, %arg0, %sign3A : i32
    %sign3A_1 = arith.extui %sign3A_0 : i1 to i32
    %sign3A_2 = arith.constant 0 : i32
    %sign3A_3 = arith.cmpi slt, %arg0, %sign3A_2 : i32
    %sign3A_4 = arith.extui %sign3A_3 : i1 to i32
    %sign3A_5 = arith.subi %sign3A_1, %sign3A_4 : i32
    %sign3A_6 = arith.constant 0 : i32
    %sign3A_7 = arith.cmpi sgt, %jit3A, %sign3A_6 : i32
    %sign3A_8 = arith.extui %sign3A_7 : i1 to i32
    %sign3A_9 = arith.constant 0 : i32
    %sign3A_10 = arith.cmpi slt, %jit3A, %sign3A_9 : i32
    %sign3A_11 = arith.extui %sign3A_10 : i1 to i32
    %sign3A_12 = arith.subi %sign3A_8, %sign3A_11 : i32
    %ne3A = arith.cmpi ne, %sign3A_5, %sign3A_12 : i32
    %rem3A = arith.remsi %arg0, %jit3A : i32
    %ne3A_13 = arith.constant 0 : i32
    %ne3A_14 = arith.cmpi ne, %rem3A, %ne3A_13 : i32
    %and3A = arith.andi %ne3A, %ne3A_14 : i1
    %sub3A = arith.constant 1 : i32
    %sub3A_15 = arith.subi %div3A, %sub3A : i32
    %select_n3A = arith.select %and3A, %sub3A_15, %div3A : i32
    %mul3A = arith.constant 4 : i32
    %mul3A_16 = arith.muli %select_n3A, %mul3A : i32
    %add3A = arith.addi %mul3A_16, %arg1 : i32
    %c0_i32 = arith.constant 0 : i32
    %c0_i32_17 = arith.constant 0 : i32
    %c0_i32_18 = arith.constant 0 : i32
    return %add3A, %c0_i32, %c0_i32_17 : i32, i32, i32
  }
  func.func @transform_4(%arg0: i32, %arg1: i32) -> (i32, i32) {
    %c0_i32 = arith.constant 0 : i32
    %c0_i32_0 = arith.constant 0 : i32
    %c0_i32_1 = arith.constant 0 : i32
    return %c0_i32, %c0_i32_0 : i32, i32
  }
  func.func @transform_5(%arg0: i32, %arg1: i32) -> (i32, i32) {
    %c0_i32 = arith.constant 0 : i32
    %c0_i32_0 = arith.constant 0 : i32
    %c0_i32_1 = arith.constant 0 : i32
    return %c0_i32, %c0_i32_0 : i32, i32
  }
  func.func @transform_6(%arg0: i32, %arg1: i32) -> (i32, i32, i32, i32) {
    %c0_i32 = arith.constant 0 : i32
    %c0_i32_0 = arith.constant 0 : i32
    %c0_i32_1 = arith.constant 0 : i32
    return %arg0, %arg1, %c0_i32, %c0_i32_0 : i32, i32, i32, i32
  }
  func.func @transform_7(%arg0: i32, %arg1: i32) -> (i32, i32, i32, i32) {
    %c0_i32 = arith.constant 0 : i32
    %c0_i32_0 = arith.constant 0 : i32
    %c0_i32_1 = arith.constant 0 : i32
    return %arg0, %arg1, %c0_i32, %c0_i32_0 : i32, i32, i32, i32
  }
}

module attributes {stable_mosaic.version = 14 : i64} {
  func.func @_epi_body(%arg0: i32, %arg1: i32, %arg2: memref<1x3x1x256x128xf32, #tpu.memory_space<vmem>>, %arg3: memref<1x1x256xf32, #tpu.memory_space<vmem>>, %arg4: memref<1x1x256xf32, #tpu.memory_space<vmem>>, %arg5: memref<1x1x256xf32, #tpu.memory_space<vmem>>, %arg6: memref<3x128xf32, #tpu.memory_space<vmem>>, %arg7: memref<4x128xf32, #tpu.memory_space<vmem>>, %arg8: memref<1x1x256x128xf32, #tpu.memory_space<vmem>>) attributes {dimension_semantics = [#tpu.dimension_semantics<arbitrary>, #tpu.dimension_semantics<arbitrary>], iteration_bounds = array<i64: 8, 4>, scalar_prefetch = 0 : i64, scratch_operands = 0 : i64, tpu.core_type = #tpu.core_type<tc>, window_params = [{transform_indices = @transform_0, window_bounds = array<i64: 1, 3, 1, 256, 128>}, {transform_indices = @transform_1, window_bounds = array<i64: 1, 1, 256>}, {transform_indices = @transform_2, window_bounds = array<i64: 1, 1, 256>}, {transform_indices = @transform_3, window_bounds = array<i64: 1, 1, 256>}, {pipeline_mode = #tpu.pipeline_mode<synchronous>, transform_indices = @transform_4, window_bounds = array<i64: 3, 128>}, {pipeline_mode = #tpu.pipeline_mode<synchronous>, transform_indices = @transform_5, window_bounds = array<i64: 4, 128>}, {transform_indices = @transform_6, window_bounds = array<i64: 1, 1, 256, 128>}]} {
    %get3A = arith.constant 0 : index
    %get3A_0 = arith.constant 0 : index
    %get3A_1 = arith.constant 0 : index
    %get3A_2 = arith.constant 0 : index
    %get3A_3 = arith.constant 0 : index
    %get3A_4 = vector.load %arg2[%get3A, %get3A_0, %get3A_1, %get3A_2, %get3A_3] : memref<1x3x1x256x128xf32, #tpu.memory_space<vmem>>, vector<1x1x1x256x128xf32>
    %get3A_5 = vector.shape_cast %get3A_4 : vector<1x1x1x256x128xf32> to vector<256x128xf32>
    %get3A_6 = arith.constant 0 : index
    %get3A_7 = arith.constant 1 : index
    %get3A_8 = arith.constant 0 : index
    %get3A_9 = arith.constant 0 : index
    %get3A_10 = arith.constant 0 : index
    %get3A_11 = vector.load %arg2[%get3A_6, %get3A_7, %get3A_8, %get3A_9, %get3A_10] : memref<1x3x1x256x128xf32, #tpu.memory_space<vmem>>, vector<1x1x1x256x128xf32>
    %get3A_12 = vector.shape_cast %get3A_11 : vector<1x1x1x256x128xf32> to vector<256x128xf32>
    %max3A = arith.maximumf %get3A_5, %get3A_12 : vector<256x128xf32>
    %get3A_13 = arith.constant 0 : index
    %get3A_14 = arith.constant 2 : index
    %get3A_15 = arith.constant 0 : index
    %get3A_16 = arith.constant 0 : index
    %get3A_17 = arith.constant 0 : index
    %get3A_18 = vector.load %arg2[%get3A_13, %get3A_14, %get3A_15, %get3A_16, %get3A_17] : memref<1x3x1x256x128xf32, #tpu.memory_space<vmem>>, vector<1x1x1x256x128xf32>
    %get3A_19 = vector.shape_cast %get3A_18 : vector<1x1x1x256x128xf32> to vector<256x128xf32>
    %max3A_20 = arith.maximumf %max3A, %get3A_19 : vector<256x128xf32>
    %get3A_21 = arith.constant 0 : index
    %get3A_22 = arith.constant 0 : index
    %get3A_23 = arith.constant 0 : index
    %get3A_24 = vector.load %arg3[%get3A_21, %get3A_22, %get3A_23] : memref<1x1x256xf32, #tpu.memory_space<vmem>>, vector<1x1x256xf32>
    %get3A_25 = vector.shape_cast %get3A_24 : vector<1x1x256xf32> to vector<256xf32>
    %broadcast_in_dim3A = vector.shape_cast %get3A_25 : vector<256xf32> to vector<256x1xf32>
    %get3A_26 = arith.constant 0 : index
    %get3A_27 = arith.constant 0 : index
    %get3A_28 = arith.constant 0 : index
    %get3A_29 = vector.load %arg4[%get3A_26, %get3A_27, %get3A_28] : memref<1x1x256xf32, #tpu.memory_space<vmem>>, vector<1x1x256xf32>
    %get3A_30 = vector.shape_cast %get3A_29 : vector<1x1x256xf32> to vector<256xf32>
    %broadcast_in_dim3A_31 = vector.shape_cast %get3A_30 : vector<256xf32> to vector<256x1xf32>
    %get3A_32 = arith.constant 0 : index
    %get3A_33 = arith.constant 0 : index
    %get3A_34 = arith.constant 0 : index
    %get3A_35 = vector.load %arg5[%get3A_32, %get3A_33, %get3A_34] : memref<1x1x256xf32, #tpu.memory_space<vmem>>, vector<1x1x256xf32>
    %get3A_36 = vector.shape_cast %get3A_35 : vector<1x1x256xf32> to vector<256xf32>
    %broadcast_in_dim3A_37 = vector.shape_cast %get3A_36 : vector<256xf32> to vector<256x1xf32>
    %concatenate3A = tpu.concatenate %broadcast_in_dim3A, %broadcast_in_dim3A_31, %broadcast_in_dim3A_37 in 1 : vector<256x1xf32>, vector<256x1xf32>, vector<256x1xf32> -> vector<256x3xf32>
    %get3A_38 = arith.constant 0 : index
    %get3A_39 = arith.constant 0 : index
    %get3A_40 = vector.load %arg6[%get3A_38, %get3A_39] : memref<3x128xf32, #tpu.memory_space<vmem>>, vector<3x128xf32>
    %dot_general3A = arith.constant dense<0.000000e+00> : vector<256x128xf32>
    %dot_general3A_41 = tpu.matmul %concatenate3A, %get3A_40, %dot_general3A {dimension_numbers = #tpu.dot_dimension_numbers<[1], [0], [0], [1], [0, 0, 1, 1], [], []>, transpose_lhs_hint = false} : vector<256x3xf32>, vector<3x128xf32>, vector<256x128xf32> -> vector<256x128xf32>
    %add3A = arith.constant 1 : i32
    %add3A_42 = arith.addi %arg0, %add3A : i32
    %convert_element_type3A = arith.sitofp %add3A_42 : i32 to f32
    %add3A_43 = arith.addf %max3A_20, %dot_general3A_41 : vector<256x128xf32>
    %get3A_44 = arith.constant 1 : index
    %get3A_45 = arith.constant 0 : index
    %get3A_46 = vector.load %arg7[%get3A_44, %get3A_45] : memref<4x128xf32, #tpu.memory_space<vmem>>, vector<1x128xf32>
    %get3A_47 = vector.shape_cast %get3A_46 : vector<1x128xf32> to vector<128xf32>
    %broadcast_in_dim3A_48 = vector.shape_cast %get3A_47 : vector<128xf32> to vector<1x128xf32>
    %mul3A = vector.broadcast %convert_element_type3A : f32 to vector<1x128xf32>
    %mul3A_49 = arith.mulf %mul3A, %broadcast_in_dim3A_48 : vector<1x128xf32>
    %add3A_50 = vector.broadcast %mul3A_49 : vector<1x128xf32> to vector<256x128xf32>
    %add3A_51 = arith.addf %add3A_43, %add3A_50 : vector<256x128xf32>
    %get3A_52 = arith.constant 2 : index
    %get3A_53 = arith.constant 0 : index
    %get3A_54 = vector.load %arg7[%get3A_52, %get3A_53] : memref<4x128xf32, #tpu.memory_space<vmem>>, vector<1x128xf32>
    %get3A_55 = vector.shape_cast %get3A_54 : vector<1x128xf32> to vector<128xf32>
    %broadcast_in_dim3A_56 = vector.shape_cast %get3A_55 : vector<128xf32> to vector<1x128xf32>
    %add3A_57 = vector.broadcast %broadcast_in_dim3A_56 : vector<1x128xf32> to vector<256x128xf32>
    %add3A_58 = arith.addf %add3A_51, %add3A_57 : vector<256x128xf32>
    %max3A_59 = arith.constant 0.000000e+00 : f32
    %max3A_60 = vector.broadcast %max3A_59 : f32 to vector<256x128xf32>
    %max3A_61 = arith.maximumf %add3A_58, %max3A_60 : vector<256x128xf32>
    %swap3A = arith.constant 0 : index
    %swap3A_62 = arith.constant 0 : index
    %swap3A_63 = arith.constant 0 : index
    %swap3A_64 = arith.constant 0 : index
    %swap3A_65 = vector.load %arg8[%swap3A, %swap3A_62, %swap3A_63, %swap3A_64] : memref<1x1x256x128xf32, #tpu.memory_space<vmem>>, vector<1x1x256x128xf32>
    %swap3A_66 = vector.shape_cast %swap3A_65 : vector<1x1x256x128xf32> to vector<256x128xf32>
    %swap3A_67 = vector.shape_cast %max3A_61 : vector<256x128xf32> to vector<1x1x256x128xf32>
    tpu.vector_store %arg8[%swap3A, %swap3A_62, %swap3A_63, %swap3A_64], %swap3A_67 {strides = array<i32>} : memref<1x1x256x128xf32, #tpu.memory_space<vmem>>, vector<1x1x256x128xf32>,
    return
  }
  func.func @transform_0(%arg0: i32, %arg1: i32) -> (i32, i32, i32, i32, i32) {
    %c0_i32 = arith.constant 0 : i32
    %c0_i32_0 = arith.constant 0 : i32
    %c0_i32_1 = arith.constant 0 : i32
    %c0_i32_2 = arith.constant 0 : i32
    return %arg0, %c0_i32, %arg1, %c0_i32_0, %c0_i32_1 : i32, i32, i32, i32, i32
  }
  func.func @transform_1(%arg0: i32, %arg1: i32) -> (i32, i32, i32) {
    %mul3A = arith.constant 4 : i32
    %mul3A_0 = arith.muli %arg0, %mul3A : i32
    %add3A = arith.addi %mul3A_0, %arg1 : i32
    %c0_i32 = arith.constant 0 : i32
    %c0_i32_1 = arith.constant 0 : i32
    %c0_i32_2 = arith.constant 0 : i32
    return %add3A, %c0_i32, %c0_i32_1 : i32, i32, i32
  }
  func.func @transform_2(%arg0: i32, %arg1: i32) -> (i32, i32, i32) {
    %mul3A = arith.constant 4 : i32
    %mul3A_0 = arith.muli %arg0, %mul3A : i32
    %add3A = arith.addi %mul3A_0, %arg1 : i32
    %c0_i32 = arith.constant 0 : i32
    %c0_i32_1 = arith.constant 0 : i32
    %c0_i32_2 = arith.constant 0 : i32
    return %add3A, %c0_i32, %c0_i32_1 : i32, i32, i32
  }
  func.func @transform_3(%arg0: i32, %arg1: i32) -> (i32, i32, i32) {
    %mul3A = arith.constant 4 : i32
    %mul3A_0 = arith.muli %arg0, %mul3A : i32
    %add3A = arith.addi %mul3A_0, %arg1 : i32
    %c0_i32 = arith.constant 0 : i32
    %c0_i32_1 = arith.constant 0 : i32
    %c0_i32_2 = arith.constant 0 : i32
    return %add3A, %c0_i32, %c0_i32_1 : i32, i32, i32
  }
  func.func @transform_4(%arg0: i32, %arg1: i32) -> (i32, i32) {
    %c0_i32 = arith.constant 0 : i32
    %c0_i32_0 = arith.constant 0 : i32
    %c0_i32_1 = arith.constant 0 : i32
    return %c0_i32, %c0_i32_0 : i32, i32
  }
  func.func @transform_5(%arg0: i32, %arg1: i32) -> (i32, i32) {
    %c0_i32 = arith.constant 0 : i32
    %c0_i32_0 = arith.constant 0 : i32
    %c0_i32_1 = arith.constant 0 : i32
    return %c0_i32, %c0_i32_0 : i32, i32
  }
  func.func @transform_6(%arg0: i32, %arg1: i32) -> (i32, i32, i32, i32) {
    %c0_i32 = arith.constant 0 : i32
    %c0_i32_0 = arith.constant 0 : i32
    %c0_i32_1 = arith.constant 0 : i32
    return %arg0, %arg1, %c0_i32, %c0_i32_0 : i32, i32, i32, i32
  }
}

</mosaic_0001>

<sc_bundles>
// kernel: kernel.6.cloned.1.call-start
scs
__scs_entry_jumppad:
0x0: {  	(pc) =	sbr.rel $0x88, $3  }
0x1: {  	(tag) =	ssettag $0x0;
	lr =	simm.s32 $0x1  }
0x2: {  	[smem:$0x3F9C] =	sst lr;
	_ =	strace $0xD0000000  }
0x3: {  	_ = 	snop  }
0x4: {  	_ = 	snop  }
0x5: {  	_ = 	snop  }
0x6: {  	_ = 	snop  }
0x7: {  	_ = 	snop  }
__scs_overlays_trampoline_lowered:
0x8: {  	[smem:$0x3FAB] =	sst s0  }
0x9: {  	[smem:$0x3FAC] =	sst s1  }
0xa: {  	[smem:$0x3FAD] =	sst s2  }
0xb: {  	[smem:$0x3FAE] =	sst s3  }
0xc: {  	[smem:$0x3FAF] =	sst s4  }
0xd: {  	[smem:$0x3FB0] =	sst s5  }
0xe: {  	[smem:$0x3FB1] =	sst s6  }
0xf: {  	[smem:$0x3FB2] =	sst s7  }
0x10: {  	[smem:$0x3FB3] =	sst s8  }
0x11: {  	[smem:$0x3FB4] =	sst s9;
	s0 =	simm.s32 @!p0 $0x0  }
0x12: {  	s1 =	sld [smem:$0x3F9A];
	s0 =	simm.s32 @p0 $0x1  }
0x13: {  	[smem:$0x3FB5] =	sst s0;
	s0 =	simm.s32 @!p1 $0x0  }
0x14: {  	s2 =	sld [smem:$0x3F99];
	s0 =	simm.s32 @p1 $0x1  }
0x15: {  	[smem:$0x3FB6] =	sst s0;
	s0 =	simm.s32 @!p2 $0x0  }
0x16: {  	s3 =	sld [smem:$0x3FDB];
	s0 =	simm.s32 @p2 $0x1  }
0x17: {  	s4 =	simm.s32 $0x1BF5;
	[smem:$0x3FB8] =	sst s0  }
0x18: {  	s0 =	sld [smem:$0x3F9B];
	_ =	swait.ge [sflag:s4], $0x0  }
0x19: {  	s7 =	sld [smem:$0x3F9C]  }
0x1a: {  	s8 =	sadd.s32 $0xFFFFE003, lr  }
0x1b: {  	s9 =	sadd.s32 $0xFFFFFEF7, lr;
	s5 =	simm.s32 $0xFFFFFFFF;
	p2 =	slt.u32 s8, $0xFFFFF086  }
0x1c: {  	p1 =	slt.u32 s9, $0xF7A;
	s5 =	simm.s32 @!p2 $0x0  }
0x1d: {  	s5 =	simm.s32 @p1 $0x1;
	p0 =	seq.s32 s7, s2  }
0x1e: {  	s7 =	smul.u32 @!p0 $0xF7A, s2;
	p2 =	seq.s32 @!p0 s5, $0x0  }
0x1f: {  	s9 =	smul.u32 $0xF7A, s1;
	s8 =	simm.s32 @!p0 $0x1BF5;
	p2 =	por !p2, p0  }
0x20: {  	[sflag:s8] =	ssyncset.s32 @!p0 $0xFFFFF086;
	s6 =	sadd.s32 @!p0 s3, s7;
	s7 =	simm.s32 @!p0 $0x108  }
0x21: {  	s3 =	sadd.s32 s3, s9;
	s6 =	sadd.s32 @!p0 $0x88, s6;
	s7 =	simm.s32 @p2 $0x1082  }
0x22: {  	[simem:s7], [sflag:s8] =	dma.local @!p0 [hbm:s6], $0xF7A  }
0x23: {  	s9 =	sor.u32 $0xD0000000, s2;
	s6 =	simm.s32 $0x108;
	_ =	swait.ge @!p0 [sflag:s8], $0x0  }
0x24: {  	s3 =	sadd.s32 $0x88, s3;
	s6 =	simm.s32 @!p1 $0x1082;
	[sflag:s4] =	ssyncset.s32 $0xFFFFF086  }
0x25: {  	[simem:s6], [sflag:s4] =	dma.local [hbm:s3], $0xF7A  }
0x26: {  	[smem:$0x3F9C] =	sst s1;
	(tag) =	ssettag s2;
	_ =	strace s9  }
0x27: {  	s1 =	sld [smem:$0x3FAC]  }
0x28: {  	s2 =	sld [smem:$0x3FAD]  }
0x29: {  	s4 =	sld [smem:$0x3FAF]  }
0x2a: {  	p0 =	seq.s32 s5, $0x0;
	s5 =	sld [smem:$0x3FB0]  }
0x2b: {  	s6 =	sld [smem:$0x3FB1]  }
0x2c: {  	s7 =	sld [smem:$0x3FB2]  }
0x2d: {  	s3 =	simm.s32 $0x108;
	s8 =	sld [smem:$0x3FB3]  }
0x2e: {  	s3 =	simm.s32 @!p0 $0x1082;
	s9 =	sld [smem:$0x3FB4]  }
0x2f: {  	lr =	sadd.s32 s0, s3;
	s0 =	sld [smem:$0x3FAB]  }
0x30: {  	s3 =	sld [smem:$0x3FAE]  }
0x31: {  	[smem:$0x3FB7] =	sst s10  }
0x32: {  	s10 =	sld [smem:$0x3FB5];
	_ =	sdelay $0x3  }
0x33: {  	p0 =	seq.s32 s10, $0x1;
	s10 =	sld [smem:$0x3FB7];
	_ =	sdelay $0x3  }
0x34: {  	[smem:$0x3FB7] =	sst s10  }
0x35: {  	s10 =	sld [smem:$0x3FB6];
	_ =	sdelay $0x3  }
0x36: {  	p1 =	seq.s32 s10, $0x1;
	s10 =	sld [smem:$0x3FB7];
	_ =	sdelay $0x3  }
0x37: {  	[smem:$0x3FB7] =	sst s10  }
0x38: {  	s10 =	sld [smem:$0x3FB8]  }
0x39: {  	_ = 	snop;
	(pc) =	sbr.ind lr, $3  }
0x3a: {  	_ = 	snop  }
0x3b: {  	_ = 	snop  }
0x3c: {  	p2 =	seq.s32 s10, $0x1;
	s10 =	sld [smem:$0x3FB7]  }
0x3d: {  	_ =	shalt  }
0x3e: {  	_ =	shalt  }
0x3f: {  	_ =	shalt  }
0x40: {  	_ =	shalt  }
0x41: {  	_ =	shalt  }
0x42: {  	_ =	shalt  }
0x43: {  	_ =	shalt  }
0x44: {  	_ =	shalt  }
0x45: {  	_ =	shalt  }
0x46: {  	_ =	shalt  }
0x47: {  	_ =	shalt  }
0x48: {  	_ =	shalt  }
0x49: {  	_ =	shalt  }
0x4a: {  	_ =	shalt  }
0x4b: {  	_ =	shalt  }
0x4c: {  	_ =	shalt  }
0x4d: {  	_ =	shalt  }
0x4e: {  	_ =	shalt  }
0x4f: {  	_ =	shalt  }
0x50: {  	_ =	shalt  }
0x51: {  	_ =	shalt  }
0x52: {  	_ =	shalt  }
0x53: {  	_ =	shalt  }
0x54: {  	_ =	shalt  }
0x55: {  	_ =	shalt  }
0x56: {  	_ =	shalt  }
0x57: {  	_ =	shalt  }
0x58: {  	_ =	shalt  }
0x59: {  	_ =	shalt  }
0x5a: {  	_ =	shalt  }
0x5b: {  	_ =	shalt  }
0x5c: {  	_ =	shalt  }
0x5d: {  	_ =	shalt  }
0x5e: {  	_ =	shalt  }
0x5f: {  	_ =	shalt  }
0x60: {  	_ =	shalt  }
0x61: {  	_ =	shalt  }
0x62: {  	_ =	shalt  }
0x63: {  	_ =	shalt  }
0x64: {  	_ =	shalt  }
0x65: {  	_ =	shalt  }
0x66: {  	_ =	shalt  }
0x67: {  	_ =	shalt  }
0x68: {  	_ =	shalt  }
0x69: {  	_ =	shalt  }
0x6a: {  	_ =	shalt  }
0x6b: {  	_ =	shalt  }
0x6c: {  	_ =	shalt  }
0x6d: {  	_ =	shalt  }
0x6e: {  	_ =	shalt  }
0x6f: {  	_ =	shalt  }
0x70: {  	_ =	shalt  }
0x71: {  	_ =	shalt  }
0x72: {  	_ =	shalt  }
0x73: {  	_ =	shalt  }
0x74: {  	_ =	shalt  }
0x75: {  	_ =	shalt  }
0x76: {  	_ =	shalt  }
0x77: {  	_ =	shalt  }
0x78: {  	_ =	shalt  }
0x79: {  	_ =	shalt  }
0x7a: {  	_ =	shalt  }
0x7b: {  	_ =	shalt  }
0x7c: {  	_ =	shalt  }
0x7d: {  	_ =	shalt  }
0x7e: {  	_ =	shalt  }
0x7f: {  	_ =	shalt  }
0x80: {  	_ =	shalt  }
0x81: {  	_ =	shalt  }
0x82: {  	_ =	shalt  }
0x83: {  	_ =	shalt  }
0x84: {  	_ =	shalt  }
0x85: {  	_ =	shalt  }
0x86: {  	_ =	shalt  }
0x87: {  	_ =	shalt  }
.Lfunc_end0:
.L_simem_size_0:
called_computation_lowered:
.L_overlay_start_0:
0x88: {  	s2 =	sld [smem:$0x3FD9]  }
0x89: {  	s3 =	sld [smem:$0x3FFE];
	_ =	sdelay $0x1  }
0x8a: {  	s1 =	srdreg.scid  }
0x8b: {  	s0 =	sand.u32 $0x1, s1  }
0x8c: {  	s16 =	sshll.u32 s0, $0xA;
	s2 =	sadd.s32 s3, s2  }
0x8d: {  	s2 =	sadd.s32 s2, s16  }
0x8e: {  	[smem:$0x3FC3] =	sst s2  }
0x8f: {  	_ = 	snop  }
0x90: {  	(tm) =	ssettm $0x1  }
0x91: {  	s17 =	sld [smem:$0x3FFB];
	_ =	sdelay $0x3  }
0x92: {  	_ =	strace s17  }
0x93: {  	s2 =	sld [smem:$0x3FFC];
	_ =	sdelay $0x3  }
0x94: {  	_ =	strace s2  }
0x95: {  	s2 =	sld [smem:$0x3FFD];
	_ =	sdelay $0x3  }
0x96: {  	_ =	strace s2  }
0x97: {  	_ =	strace $0x8FFFFFFF  }
0x98: {  	s18 =	sld [smem:$0x3FDB];
	_ =	sdelay $0x1  }
0x99: {  	s19 =	simm.s32 $_scs_section_size  }
0x9a: {  	s4 =	simm.s32 $_size__tile_overlayer_lowered;
	s5 =	simm.s32 $_tile_overlayer_lowered  }
0x9b: {  	s22 =	simm.s32 $0x1BFF;
	s21 =	sshll.u32 s5, $0x1;
	s2 =	sadd.s32 s19, s18  }
0x9c: {  	s6 =	simm.s32 $0x0;
	s20 =	sshll.u32 s4, $0x1;
	s4 =	sadd.s32 s21, s2  }
0x9d: {  	[timem:s6], [sflag:s22] =	dma.local [hbm:s4], s20  }
0x9e: {  	_ =	swait.ge [sflag:s22], s20  }
0x9f: {  	s3 =	ssub.s32 $0x0, s20;
	[sflag:s22] =	ssyncset.done $0x0  }
0xa0: {  	[sflag:s22] =	ssyncadd.s32 s3;
	_ =	sdelay $0x1  }
0xa1: {  	s23 =	simm.s32 $0x1B8B  }
0xa2: {  	_ =	swait.ge [sflag:s23], $0x1  }
0xa3: {  	[sflag:s23] =	ssyncset.done $0x0  }
0xa4: {  	s25 =	simm.s32 $0x1B8E;
	s24 =	sld [smem:$0x3FFE];
	[sflag:s23] =	ssyncadd.s32 $0xFFFFFFFF  }
0xa5: {  	s26 =	simm.s32 $execute0_lowered;
	[smem:$0x3FD2] =	sst s25  }
0xa6: {  	s4 =	sshll.u32 s26, $0x1;
	_ =	strace $0x80000046;
	[dreg:$0x1] =	wrdreg $0xFFFFFFFF  }
0xa7: {  	s28 =	simm.s32 $_size_execute0_lowered;
	s2 =	sadd.s32 s2, s4;
	[dreg:$0x0] =	wrdreg $0x0  }
0xa8: {  	s4 =	sshll.u32 s28, $0x1;
	[dreg:$0x2] =	wrdreg s2  }
0xa9: {  	[dreg:$0x3] =	wrdreg s4  }
0xaa: {  	[dreg:$0x4] =	wrdreg $0xC0  }
0xab: {  	_ =	task [dreg:s6], $0x5FFFF  }
0xac: {  	[dreg:$0x1] =	wrdreg $0xFFFFFFFF  }
0xad: {  	[dreg:$0x0] =	wrdreg $0x60  }
0xae: {  	[dreg:$0x2] =	wrdreg s24  }
0xaf: {  	[dreg:$0x3] =	wrdreg $0x9  }
0xb0: {  	_ =	task.clear_ibuf [dreg:s6], $0x4FFFF;
	_ =	strace $0x90000046  }
0xb1: {  	s29 =	simm.s32 $0x9;
	_ =	strace $0x80000048  }
0xb2: {  	_ =	swait.ge [sflag:s29], $0x1  }
0xb3: {  	[sflag:s29] =	ssyncadd.s32 $0xFFFFFFFF  }
0xb4: {  	_ =	strace $0x90000048  }
0xb5: {  	_ =	sfence  }
0xb6: {  	s30 =	sld [smem:$0x0];
	_ =	sdelay $0x2  }
0xb7: {  	s31 =	sshll.u32 s1, $0xD;
	s1 =	sshrl.u32 s1, $0x2  }
0xb8: {  	s3 =	sand.u32 $0x4000, s31;
	s1 =	sadd.s32 s1, s30  }
0xb9: {  	s0 =	sor.u32 s3, s0;
	s1 =	sshll.u32 s1, $0x11  }
0xba: {  	s0 =	sor.u32 s1, s0  }
0xbb: {  	s0 =	sadd.s32 $0x8F2B, s0  }
0xbc: {  	[sflag:s0] =	ssyncadd.remote.s32 $0x1  }
0xbd: {  	_ =	sfence.sel $0xFFFF  }
0xbe: {  	[dreg:$0x0] =	wrdreg $0xFFFFFFFF;
	(pc) =	sbr.abs _section_cstart, $3  }
0xbf: {  	[dreg:$0x1] =	wrdreg $0xFFFFFFFF  }
0xc0: {  	_ =	task.clear_ibuf [dreg:s6], $0x2FFFF;
	_ =	strace $0x9FFFFFFF  }
0xc1: {  	(tm) =	ssettm $0x7FFFFFFF  }
tec
execute0_lowered:
.L_overlay_start_1:
0x0: {  	(tag) =	ssettag $0x1  }
0x1: {  	s7 =	rddreg [dreg:$0x0]  }
0x2: {  	s0 =	rddreg [dreg:$0x1]  }
0x3: {  	s3 =	srdreg.scid;
	s1 =	stileid.u32;
	s2 =	simm.s32 $0x0  }
0x4: {  	s16 =	simm.s32 $0x2180;
	s17 =	simm.s32 $0x80;
	s18 =	simm.s32 $0x1  }
0x5: {  	s19 =	simm.s32 $0x1100;
	s20 =	simm.s32 $0x3;
	s21 =	simm.s32 $0x2  }
0x6: {  	s22 =	simm.s32 $0x4;
	s23 =	simm.s32 $0x0;
	s8 =	sand.u32 $0x1, s3  }
0x7: {  	s31 =	sshll.u32 s1, $0x1;
	[smem:$0x7FF] =	sst s2;
	s10 =	smul.u32 $0x600, s1  }
0x8: {  	s4 =	sadd.s32 $0x303600, s7;
	s5 =	sadd.s32 $0x62E00, s7;
	s13 =	smul.u32 $0x6000, s1  }
0x9: {  	s14 =	sadd.s32 $0x2E20, s7;
	s3 =	sor.u32 s8, s31;
	s12 =	smul.u32 $0x300, s8  }
0xa: {  	_ =	strace $0x80000047;
	s6 =	ssub.s32 $0x2, s8;
	s15 =	smul.u32 $0x3000, s8  }
0xb: {  	[dreg:$0x2] =	wrdreg s14;
	s9 =	smul.u32 $0x3000, s3;
	s11 =	sshrl.u32 s6, $0x1  }
0xc: {  	s14 =	simm.s32 $0x100;
	s3 =	sadd.s32 $0x2E00, s7;
	s11 =	ssub.s32 s6, s11  }
0xd: {  	s10 =	sadd.s32 s12, s10;
	s12 =	simm.s32 $0x5;
	s6 =	sadd.s32 s5, s9  }
0xe: {  	s7 =	sadd.s32 s3, s9;
	s9 =	smax.u32 s11, $0x1;
	s11 =	sadd.s32 s15, s13  }
0xf: {  	s13 =	simm.s32 $0x20;
	s15 =	simm.s32 $0x2100;
	s8 =	sadd.s32 $0x10, s6  }
.LBB2_1:
0x10: {  	[tilespmem:s2], [sflag:$0x5] =	stream.linear.gather [hbm4b:s7+s2], $0x80, $0x38;
	[tilespmem:$0x2200] =	vst v63  }
0x11: {  	_ =	swait.ge [sflag:s12], $0x80  }
0x12: {  	[sflag:s12] =	ssyncset.done $0x0  }
0x13: {  	[sflag:s12] =	ssyncadd.s32 $0xFFFFFF80  }
0x14: {  	[tilespmem:s14], [sflag:$0x1] =	stream.indirect.gather [hbm4b:s4+s13], $0x80, s2, s13, $0xb8;
	[tilespmem:$0x2200] =	vst v63  }
0x15: {  	_ = 	snop  }
0x16: {  	[hbm4b:s6+s2] =	stream.linear.scatter [tilespmem:s15], [sflag:$0x3], $0x80, $0x38;
	[tilespmem:$0x2200] =	vst v63  }
0x17: {  	s24 =	smov.u32 s10;
	s25 =	simm.s32 $0x0  }
0x18: {  	[hbm4b:s8+s2] =	stream.linear.scatter [tilespmem:s16], [sflag:$0x4], $0x80, $0x38;
	[tilespmem:$0x2200] =	vst v63  }
.LBB2_2:
0x19: {  	s26 =	sadd.s32 s25, s11  }
0x1a: {  	s29 =	sand.u32 $0x60, s25;
	s28 =	sand.u32 $0xFFFFF80, s26  }
0x1b: {  	s26 =	sor.u32 s29, s28  }
0x1c: {  	s26 =	sor.u32 $0x10, s26  }
0x1d: {  	s30 =	sadd.s32 s3, s26  }
0x1e: {  	[tilespmem:s17], [sflag:$0x5] =	stream.linear.gather [hbm4b:s30+s2], $0x80, $0x38;
	[tilespmem:$0x2200] =	vst v63  }
0x1f: {  	_ =	swait.ge [sflag:s12], $0x80  }
0x20: {  	[sflag:s12] =	ssyncset.done $0x0  }
0x21: {  	[sflag:s12] =	ssyncadd.s32 $0xFFFFFF80  }
0x22: {  	_ =	swait.ge [sflag:s18], $0x1000  }
0x23: {  	[sflag:s18] =	ssyncset.done $0x0  }
0x24: {  	[sflag:s18] =	ssyncadd.s32 $0xFFFFF000  }
0x25: {  	[tilespmem:s19], [sflag:$0x2] =	stream.indirect.gather [hbm4b:s4+s13], $0x80, s17, s13, $0xb8;
	[tilespmem:$0x2200] =	vst v63  }
0x26: {  	_ =	swait.ge [sflag:s20], $0x80  }
0x27: {  	[sflag:s20] =	ssyncset.done $0x0  }
0x28: {  	[sflag:s20] =	ssyncadd.s32 $0xFFFFFF80  }
0x29: {  	v0 =	vld [tilespmem:$0x100]  }
0x2a: {  	v1 =	vld [tilespmem:$0x180]  }
0x2b: {  	v2 =	vld [tilespmem:$0x200]  }
0x2c: {  	v3 =	vld [tilespmem:$0x280]  }
0x2d: {  	v4 =	vld [tilespmem:$0x300]  }
0x2e: {  	v5 =	vld [tilespmem:$0x380]  }
0x2f: {  	v14 =	vld [tilespmem:$0x400]  }
0x30: {  	v15 =	vld [tilespmem:$0x480]  }
0x31: {  	v16 =	vld [tilespmem:$0x500]  }
0x32: {  	v17 =	vld [tilespmem:$0x580]  }
0x33: {  	v18 =	vld [tilespmem:$0x600]  }
0x34: {  	v19 =	vld [tilespmem:$0x680]  }
0x35: {  	v20 =	vld [tilespmem:$0x700]  }
0x36: {  	v21 =	vld [tilespmem:$0x780]  }
0x37: {  	v22 =	vld [tilespmem:$0x800]  }
0x38: {  	v23 =	vld [tilespmem:$0x880]  }
0x39: {  	v24 =	vld [tilespmem:$0x900]  }
0x3a: {  	v25 =	vld [tilespmem:$0x980]  }
0x3b: {  	v26 =	vld [tilespmem:$0xA00]  }
0x3c: {  	v27 =	vld [tilespmem:$0xA80]  }
0x3d: {  	v28 =	vld [tilespmem:$0xB00]  }
0x3e: {  	v29 =	vld [tilespmem:$0xB80]  }
0x3f: {  	v30 =	vld [tilespmem:$0xC00]  }
0x40: {  	v31 =	vld [tilespmem:$0xC80]  }
0x41: {  	v32 =	vld [tilespmem:$0xD00]  }
0x42: {  	v33 =	vld [tilespmem:$0xD80]  }
0x43: {  	v34 =	vld [tilespmem:$0xE00]  }
0x44: {  	v35 =	vld [tilespmem:$0xE80]  }
0x45: {  	v36 =	vld [tilespmem:$0xF00]  }
0x46: {  	v37 =	vld [tilespmem:$0xF80]  }
0x47: {  	v38 =	vld [tilespmem:$0x1000]  }
0x48: {  	v39 =	vld [tilespmem:$0x1080]  }
0x49: {  	v41 =	vld [tilespmem:$0x990]  }
0x4a: {  	v42 =	vld [tilespmem:$0xA10]  }
0x4b: {  	v44 =	vld [tilespmem:$0xA90]  }
0x4c: {  	v45 =	vld [tilespmem:$0xB10]  }
0x4d: {  	v48 =	vld [tilespmem:$0xB90]  }
0x4e: {  	v49 =	vld [tilespmem:$0xC10]  }
0x4f: {  	v51 =	vld [tilespmem:$0xC90]  }
0x50: {  	v53 =	vld [tilespmem:$0xD10]  }
0x51: {  	v54 =	vld [tilespmem:$0xD90]  }
0x52: {  	v57 =	vld [tilespmem:$0xE10]  }
0x53: {  	v58 =	vld [tilespmem:$0xE90]  }
0x54: {  	v60 =	vld [tilespmem:$0xF10]  }
0x55: {  	v40 =	vld [tilespmem:$0xF90]  }
0x56: {  	v43 =	vld [tilespmem:$0x1010]  }
0x57: {  	v46 =	vld [tilespmem:$0x1090]  }
0x58: {  	v47 =	vld [tilespmem:$0x120]  }
0x59: {  	v59 =	vld [tilespmem:$0x1A0]  }
0x5a: {  	v50 =	vld [tilespmem:$0x220]  }
0x5b: {  	v52 =	vld [tilespmem:$0x2A0]  }
0x5c: {  	v55 =	vld [tilespmem:$0x320]  }
0x5d: {  	v56 =	vld [tilespmem:$0x3A0]  }
0x5e: {  	v61 =	vld [tilespmem:$0x420]  }
0x5f: {  	v62 =	vld [tilespmem:$0x4A0]  }
0x60: {  	v63 =	vld [tilespmem:$0x520]  }
0x61: {  	v6 =	vld [tilespmem:$0x6A0]  }
0x62: {  	v7 =	vld [tilespmem:$0x720]  }
0x63: {  	v8 =	vld [tilespmem:$0x7A0]  }
0x64: {  	v9 =	vld [tilespmem:$0x820]  }
0x65: {  	v10 =	vld [tilespmem:$0x8A0]  }
0x66: {  	v11 =	vld [tilespmem:$0x920]  }
0x67: {  	v12 =	vld [tilespmem:$0x9A0]  }
0x68: {  	v13 =	vld [tilespmem:$0xA20]  }
0x69: {  	[tilespmem:$0x1F290] =	vst v40;
	v40 =	vld [tilespmem:$0xF20]  }
0x6a: {  	[tilespmem:$0x1F2A0] =	vst v43;
	v43 =	vld [tilespmem:$0xFA0]  }
0x6b: {  	[tilespmem:$0x1F2C0] =	vst v46;
	v46 =	vld [tilespmem:$0x1020]  }
0x6c: {  	[tilespmem:$0x1F2B0] =	vst v47;
	v47 =	vld [tilespmem:$0x10A0]  }
0x6d: {  	[tilespmem:$0x1F400] =	vst v12;
	v12 =	vld [tilespmem:$0x130]  }
0x6e: {  	[tilespmem:$0x1F3E0] =	vst v11;
	v11 =	vld [tilespmem:$0x1B0]  }
0x6f: {  	[tilespmem:$0x1F2E0] =	vst v52;
	v52 =	vld [tilespmem:$0x5B0]  }
0x70: {  	[tilespmem:$0x1F2F0] =	vst v55;
	v55 =	vld [tilespmem:$0x630]  }
0x71: {  	[tilespmem:$0x1F320] =	vst v62;
	v62 =	vld [tilespmem:$0x6B0]  }
0x72: {  	[tilespmem:$0x1F2D0] =	vst v50;
	v50 =	vld [tilespmem:$0x730]  }
0x73: {  	[tilespmem:$0x1F300] =	vst v56;
	v56 =	vld [tilespmem:$0x7B0]  }
0x74: {  	[tilespmem:$0x1F310] =	vst v61;
	v61 =	vld [tilespmem:$0x830]  }
0x75: {  	[tilespmem:$0x1F330] =	vst v63;
	v63 =	vld [tilespmem:$0x8B0]  }
0x76: {  	[tilespmem:$0x1F360] =	vst v6;
	v6 =	vld [tilespmem:$0xA30]  }
0x77: {  	[tilespmem:$0x1F370] =	vst v7;
	v7 =	vld [tilespmem:$0xAB0]  }
0x78: {  	[tilespmem:$0x1F380] =	vst v8;
	v8 =	vld [tilespmem:$0xB30]  }
0x79: {  	[tilespmem:$0x1F3A0] =	vst v9;
	v9 =	vld [tilespmem:$0xBB0]  }
0x7a: {  	[tilespmem:$0x1F3C0] =	vst v10;
	v10 =	vld [tilespmem:$0xC30]  }
0x7b: {  	[tilespmem:$0x1F420] =	vst v13;
	v13 =	vld [tilespmem:$0xCB0]  }
0x7c: {  	v0 =	vmax.f32 v0, v1;
	v1 =	vld [tilespmem:$0x140]  }
0x7d: {  	v0 =	vmax.f32 v0, v2;
	v2 =	vld [tilespmem:$0x240]  }
0x7e: {  	v0 =	vmax.f32 v0, v3;
	v3 =	vld [tilespmem:$0x2C0]  }
0x7f: {  	v0 =	vmax.f32 v0, v4;
	v4 =	vld [tilespmem:$0x5A0]  }
0x80: {  	v0 =	vmax.f32 v0, v5;
	v5 =	vld [tilespmem:$0x620]  }
0x81: {  	v0 =	vmax.f32 v0, v14;
	v14 =	vld [tilespmem:$0xAA0]  }
0x82: {  	[tilespmem:$0x1F5E0] =	vst v43;
	v43 =	vld [tilespmem:$0x4B0]  }
0x83: {  	[tilespmem:$0x1F610] =	vst v46;
	v46 =	vld [tilespmem:$0x530]  }
0x84: {  	[tilespmem:$0x1F5B0] =	vst v40;
	v40 =	vld [tilespmem:$0xF30]  }
0x85: {  	[tilespmem:$0x1F640] =	vst v47;
	v47 =	vld [tilespmem:$0xFB0]  }
0x86: {  	[tilespmem:$0x1F390] =	vst v50;
	v50 =	vld [tilespmem:$0x1030]  }
0x87: {  	[tilespmem:$0x1F3B0] =	vst v56;
	v56 =	vld [tilespmem:$0x10B0]  }
0x88: {  	[tilespmem:$0x1F450] =	vst v6;
	v6 =	vld [tilespmem:$0x440]  }
0x89: {  	[tilespmem:$0x1F470] =	vst v7;
	v7 =	vld [tilespmem:$0x4C0]  }
0x8a: {  	[tilespmem:$0x1F490] =	vst v8;
	v8 =	vld [tilespmem:$0x540]  }
0x8b: {  	[tilespmem:$0x1F4B0] =	vst v9;
	v9 =	vld [tilespmem:$0x5C0]  }
0x8c: {  	[tilespmem:$0x1F4D0] =	vst v10;
	v10 =	vld [tilespmem:$0x640]  }
0x8d: {  	[tilespmem:$0x1F500] =	vst v13;
	v13 =	vld [tilespmem:$0x6C0]  }
0x8e: {  	[tilespmem:$0x1F3F0] =	vst v63;
	v63 =	vld [tilespmem:$0xB40]  }
0x8f: {  	[tilespmem:$0x1F3D0] =	vst v61;
	v61 =	vld [tilespmem:$0xBC0]  }
0x90: {  	v0 =	vmax.f32 v0, v15;
	v15 =	vld [tilespmem:$0x210]  }
0x91: {  	v0 =	vmax.f32 v0, v16;
	v16 =	vld [tilespmem:$0x290]  }
0x92: {  	v0 =	vmax.f32 v0, v17;
	v17 =	vld [tilespmem:$0x310]  }
0x93: {  	[tilespmem:$0x1F340] =	vst v4;
	v4 =	vld [tilespmem:$0x930]  }
0x94: {  	v0 =	vmax.f32 v0, v18;
	v18 =	vld [tilespmem:$0x390]  }
0x95: {  	[tilespmem:$0x1F350] =	vst v5;
	v5 =	vld [tilespmem:$0x9B0]  }
0x96: {  	v0 =	vmax.f32 v0, v19;
	v19 =	vld [tilespmem:$0xB20]  }
0x97: {  	[tilespmem:$0x1F440] =	vst v14;
	v14 =	vld [tilespmem:$0x230]  }
0x98: {  	[tilespmem:$0x1F5F0] =	vst v40;
	v40 =	vld [tilespmem:$0x940]  }
0x99: {  	[tilespmem:$0x1F620] =	vst v47;
	v47 =	vld [tilespmem:$0x9C0]  }
0x9a: {  	[tilespmem:$0x1F650] =	vst v50;
	v50 =	vld [tilespmem:$0xA40]  }
0x9b: {  	[tilespmem:$0x1F670] =	vst v56;
	v56 =	vld [tilespmem:$0xAC0]  }
0x9c: {  	[tilespmem:$0x1F4E0] =	vst v61;
	v61 =	vld [tilespmem:$0xC40]  }
0x9d: {  	v0 =	vmax.f32 v0, v20;
	v20 =	vld [tilespmem:$0xBA0]  }
0x9e: {  	v0 =	vmax.f32 v0, v21;
	v21 =	vld [tilespmem:$0x190]  }
0x9f: {  	v0 =	vmax.f32 v0, v22;
	v22 =	vld [tilespmem:$0x410]  }
0xa0: {  	[tilespmem:$0x1F410] =	vst v4;
	v4 =	vld [tilespmem:$0x340]  }
0xa1: {  	v0 =	vmax.f32 v0, v23;
	v23 =	vld [tilespmem:$0x490]  }
0xa2: {  	[tilespmem:$0x1F430] =	vst v5;
	v5 =	vld [tilespmem:$0x3C0]  }
0xa3: {  	v0 =	vmax.f32 v0, v24;
	v24 =	vld [tilespmem:$0x110]  }
0xa4: {  	[tilespmem:$0x1F460] =	vst v19;
	v19 =	vld [tilespmem:$0x2B0]  }
0xa5: {  	v11 =	vmax.f32 v12, v11;
	[tilespmem:$0x1F510] =	vst v61;
	v61 =	vld [tilespmem:$0xCC0]  }
0xa6: {  	v11 =	vmax.f32 v11, v14;
	v14 =	vld [tilespmem:$0x760]  }
0xa7: {  	v0 =	vmax.f32 v0, v25;
	v25 =	vld [tilespmem:$0x510]  }
0xa8: {  	[tilespmem:$0x1F480] =	vst v20;
	v20 =	vld [tilespmem:$0xD30]  }
0xa9: {  	v0 =	vmax.f32 v0, v26;
	v26 =	vld [tilespmem:$0xC20]  }
0xaa: {  	v0 =	vmax.f32 v0, v27;
	v27 =	vld [tilespmem:$0x590]  }
0xab: {  	v0 =	vmax.f32 v0, v28;
	v28 =	vld [tilespmem:$0x610]  }
0xac: {  	v0 =	vmax.f32 v0, v29;
	v29 =	vld [tilespmem:$0xCA0]  }
0xad: {  	[tilespmem:$0x1F540] =	vst v61;
	v61 =	vld [tilespmem:$0xD40]  }
0xae: {  	v21 =	vmax.f32 v24, v21;
	v24 =	vld [tilespmem:$0x650]  }
0xaf: {  	v11 =	vmax.f32 v11, v19;
	v19 =	vld [tilespmem:$0x960]  }
0xb0: {  	v0 =	vmax.f32 v0, v30;
	v30 =	vld [tilespmem:$0x690]  }
0xb1: {  	[tilespmem:$0x1F530] =	vst v20;
	v20 =	vld [tilespmem:$0x740]  }
0xb2: {  	v15 =	vmax.f32 v21, v15;
	v21 =	vld [tilespmem:$0x750]  }
0xb3: {  	v0 =	vmax.f32 v0, v31;
	v31 =	vld [tilespmem:$0xD20]  }
0xb4: {  	[tilespmem:$0x1F4A0] =	vst v26;
	v26 =	vld [tilespmem:$0xDB0]  }
0xb5: {  	v15 =	vmax.f32 v15, v16;
	v0 =	vmax.f32 v0, v32;
	v32 =	vld [tilespmem:$0x710]  }
0xb6: {  	v15 =	vmax.f32 v15, v17;
	v17 =	vld [tilespmem:$0x1F400]  }
0xb7: {  	v0 =	vmax.f32 v0, v33;
	v33 =	vld [tilespmem:$0x790]  }
0xb8: {  	v15 =	vmax.f32 v15, v18;
	v18 =	vld [tilespmem:$0x8E0]  }
0xb9: {  	v0 =	vmax.f32 v0, v34;
	v34 =	vld [tilespmem:$0x810]  }
0xba: {  	[tilespmem:$0x1F4C0] =	vst v29;
	v29 =	vld [tilespmem:$0x330]  }
0xbb: {  	[tilespmem:$0x1F570] =	vst v61;
	v61 =	vld [tilespmem:$0xDC0]  }
0xbc: {  	v15 =	vmax.f32 v15, v22;
	v22 =	vld [tilespmem:$0x7D0]  }
0xbd: {  	[tilespmem:$0x1F740] =	vst v24;
	v24 =	vld [tilespmem:$0x850]  }
0xbe: {  	v0 =	vmax.f32 v0, v35;
	v35 =	vld [tilespmem:$0xDA0]  }
0xbf: {  	[tilespmem:$0x1F760] =	vst v21;
	v21 =	vld [tilespmem:$0x1F2A0]  }
0xc0: {  	v15 =	vmax.f32 v15, v23;
	v23 =	vld [tilespmem:$0x1F2C0]  }
0xc1: {  	v0 =	vmax.f32 v0, v36;
	v36 =	vld [tilespmem:$0x890]  }
0xc2: {  	[tilespmem:$0x1F4F0] =	vst v31;
	v31 =	vld [tilespmem:$0x3B0]  }
0xc3: {  	[tilespmem:$0x1F560] =	vst v26;
	v26 =	vld [tilespmem:$0x7C0]  }
0xc4: {  	v15 =	vmax.f32 v15, v25;
	v25 =	vld [tilespmem:$0x8D0]  }
0xc5: {  	v0 =	vmax.f32 v0, v37;
	v37 =	vld [tilespmem:$0xE20]  }
0xc6: {  	v15 =	vmax.f32 v15, v27;
	v27 =	vld [tilespmem:$0x950]  }
0xc7: {  	v0 =	vmax.f32 v0, v38;
	v38 =	vld [tilespmem:$0xEA0]  }
0xc8: {  	v15 =	vmax.f32 v15, v28;
	v28 =	vld [tilespmem:$0x9D0]  }
0xc9: {  	[tilespmem:$0x1F5A0] =	vst v61;
	v61 =	vld [tilespmem:$0xE40]  }
0xca: {  	v0 =	vmax.f32 v0, v39;
	v39 =	vld [tilespmem:$0x910]  }
0xcb: {  	v15 =	vmax.f32 v15, v30;
	v30 =	vld [tilespmem:$0xA50]  }
0xcc: {  	[tilespmem:$0x1F770] =	vst v22;
	v22 =	vld [tilespmem:$0x1F2B0]  }
0xcd: {  	[tilespmem:$0x1F780] =	vst v24;
	v24 =	vld [tilespmem:$0x1F2D0]  }
0xce: {  	[tilespmem:$0x1F5D0] =	vst v61;
	v61 =	vld [tilespmem:$0xEC0]  }
0xcf: {  	[tilespmem:$0x1F520] =	vst v35;
	v35 =	vld [tilespmem:$0xE30]  }
0xd0: {  	[tilespmem:$0x2100] =	vst v0;
	v0 =	vld [tilespmem:$0x1C0]  }
0xd1: {  	v15 =	vmax.f32 v15, v32;
	v32 =	vld [tilespmem:$0xAD0]  }
0xd2: {  	v15 =	vmax.f32 v15, v33;
	v33 =	vld [tilespmem:$0xB50]  }
0xd3: {  	[tilespmem:$0x1F600] =	vst v61;
	v61 =	vld [tilespmem:$0xF40]  }
0xd4: {  	[tilespmem:$0x1F790] =	vst v25;
	v25 =	vld [tilespmem:$0x1F2E0]  }
0xd5: {  	[tilespmem:$0x1F550] =	vst v37;
	v37 =	vld [tilespmem:$0x430]  }
0xd6: {  	v15 =	vmax.f32 v15, v34;
	v34 =	vld [tilespmem:$0xBD0]  }
0xd7: {  	[tilespmem:$0x1F7A0] =	vst v27;
	v27 =	vld [tilespmem:$0x360]  }
0xd8: {  	[tilespmem:$0x1F630] =	vst v61;
	v61 =	vld [tilespmem:$0xFC0]  }
0xd9: {  	[tilespmem:$0x1F580] =	vst v38;
	v38 =	vld [tilespmem:$0xEB0]  }
0xda: {  	v15 =	vmax.f32 v15, v36;
	v36 =	vld [tilespmem:$0xC50]  }
0xdb: {  	[tilespmem:$0x1F7B0] =	vst v28;
	v28 =	vld [tilespmem:$0x3E0]  }
0xdc: {  	v15 =	vmax.f32 v15, v39;
	v39 =	vld [tilespmem:$0xCD0]  }
0xdd: {  	[tilespmem:$0x1F660] =	vst v61;
	v61 =	vld [tilespmem:$0x1040]  }
0xde: {  	[tilespmem:$0x1F7C0] =	vst v30;
	v30 =	vld [tilespmem:$0x2E0]  }
0xdf: {  	v16 =	vmax.f32 v22, v59;
	v59 =	vld [tilespmem:$0x1F350]  }
0xe0: {  	v22 =	vld [tilespmem:$0xA60]  }
0xe1: {  	[tilespmem:$0x1F590] =	vst v35;
	v35 =	vld [tilespmem:$0x840]  }
0xe2: {  	[tilespmem:$0x1F680] =	vst v61;
	v61 =	vld [tilespmem:$0x10C0]  }
0xe3: {  	v15 =	vmax.f32 v15, v41;
	v41 =	vld [tilespmem:$0xD50]  }
0xe4: {  	[tilespmem:$0x1F7D0] =	vst v32;
	v32 =	vld [tilespmem:$0x460]  }
0xe5: {  	v15 =	vmax.f32 v15, v42;
	v42 =	vld [tilespmem:$0xDD0]  }
0xe6: {  	[tilespmem:$0x1F7E0] =	vst v33;
	v33 =	vld [tilespmem:$0x160]  }
0xe7: {  	[tilespmem:$0x1F6B0] =	vst v61;
	v61 =	vld [tilespmem:$0x150]  }
0xe8: {  	v0 =	vmax.f32 v1, v0;
	v15 =	vmax.f32 v15, v44;
	v44 =	vld [tilespmem:$0xE50]  }
0xe9: {  	v0 =	vmax.f32 v0, v2;
	[tilespmem:$0x1F7F0] =	vst v34;
	v34 =	vld [tilespmem:$0x260]  }
0xea: {  	v0 =	vmax.f32 v0, v3;
	v3 =	vld [tilespmem:$0xEE0]  }
0xeb: {  	[tilespmem:$0x1F5C0] =	vst v38;
	v38 =	vld [tilespmem:$0x8C0]  }
0xec: {  	[tilespmem:$0x1F690] =	vst v61;
	v61 =	vld [tilespmem:$0x1D0]  }
0xed: {  	v15 =	vmax.f32 v15, v45;
	v45 =	vld [tilespmem:$0xED0]  }
0xee: {  	[tilespmem:$0x1F800] =	vst v36;
	v36 =	vld [tilespmem:$0x1E0]  }
0xef: {  	v15 =	vmax.f32 v15, v48;
	v48 =	vld [tilespmem:$0xF50]  }
0xf0: {  	[tilespmem:$0x1F810] =	vst v39;
	v39 =	vld [tilespmem:$0x1F2F0]  }
0xf1: {  	v0 =	vmax.f32 v0, v4;
	[tilespmem:$0x1F6A0] =	vst v61;
	v61 =	vld [tilespmem:$0x250]  }
0xf2: {  	v0 =	vmax.f32 v0, v5;
	v5 =	vld [tilespmem:$0xB60]  }
0xf3: {  	[tilespmem:$0x1F820] =	vst v41;
	v41 =	vld [tilespmem:$0x1F300]  }
0xf4: {  	v0 =	vmax.f32 v0, v6;
	v6 =	vld [tilespmem:$0x1F390]  }
0xf5: {  	[tilespmem:$0x1F830] =	vst v42;
	v42 =	vld [tilespmem:$0x4E0]  }
0xf6: {  	[tilespmem:$0x1F6C0] =	vst v61;
	v61 =	vld [tilespmem:$0x2D0]  }
0xf7: {  	v15 =	vmax.f32 v15, v49;
	v0 =	vmax.f32 v0, v7;
	v7 =	vld [tilespmem:$0x1F3A0]  }
0xf8: {  	v15 =	vmax.f32 v15, v51;
	v51 =	vmax.f32 v11, v29;
	v11 =	vld [tilespmem:$0x1F3E0]  }
0xf9: {  	v29 =	vld [tilespmem:$0x1F450]  }
0xfa: {  	v15 =	vmax.f32 v15, v53;
	v53 =	vld [tilespmem:$0x1F310]  }
0xfb: {  	[tilespmem:$0x1F6D0] =	vst v61;
	v61 =	vld [tilespmem:$0x350]  }
0xfc: {  	v2 =	vmax.f32 v51, v31;
	v31 =	vld [tilespmem:$0x6E0]  }
0xfd: {  	v0 =	vmax.f32 v0, v8;
	v8 =	vld [tilespmem:$0x1F3B0]  }
0xfe: {  	v51 =	vld [tilespmem:$0x1F4E0]  }
0xff: {  	[tilespmem:$0x1F850] =	vst v45;
	v45 =	vld [tilespmem:$0x1050]  }
0x100: {  	[tilespmem:$0x1F6E0] =	vst v61;
	v61 =	vld [tilespmem:$0x3D0]  }
0x101: {  	v15 =	vmax.f32 v15, v54;
	v54 =	vld [tilespmem:$0x1F320]  }
0x102: {  	v0 =	vmax.f32 v0, v9;
	v9 =	vld [tilespmem:$0x1F3C0]  }
0x103: {  	v2 =	vmax.f32 v2, v37;
	v37 =	vld [tilespmem:$0x1F470]  }
0x104: {  	v33 =	vmax.f32 v33, v36;
	v36 =	vld [tilespmem:$0x970]  }
0x105: {  	[tilespmem:$0x1F6F0] =	vst v61;
	v61 =	vld [tilespmem:$0x450]  }
0x106: {  	[tilespmem:$0x1F860] =	vst v48;
	v48 =	vld [tilespmem:$0xFD0]  }
0x107: {  	v15 =	vmax.f32 v15, v57;
	v57 =	vld [tilespmem:$0x1F330]  }
0x108: {  	v0 =	vmax.f32 v0, v10;
	v10 =	vld [tilespmem:$0x1F3D0]  }
0x109: {  	v2 =	vmax.f32 v2, v43;
	v43 =	vld [tilespmem:$0x1F4A0]  }
0x10a: {  	[tilespmem:$0x1F700] =	vst v61;
	v61 =	vld [tilespmem:$0x4D0]  }
0x10b: {  	v15 =	vmax.f32 v15, v58;
	v58 =	vld [tilespmem:$0x1F340]  }
0x10c: {  	v0 =	vmax.f32 v0, v13;
	v13 =	vld [tilespmem:$0x1F3F0]  }
0x10d: {  	v2 =	vmax.f32 v2, v46;
	v46 =	vld [tilespmem:$0x1F4B0]  }
0x10e: {  	v15 =	vmax.f32 v15, v60;
	v60 =	vld [tilespmem:$0x1F360]  }
0x10f: {  	[tilespmem:$0x1F710] =	vst v61;
	v61 =	vld [tilespmem:$0x550]  }
0x110: {  	v0 =	vmax.f32 v0, v20;
	v20 =	vld [tilespmem:$0x1F410]  }
0x111: {  	v2 =	vmax.f32 v2, v52;
	v52 =	vld [tilespmem:$0x1F4F0]  }
0x112: {  	v0 =	vmax.f32 v0, v26;
	v26 =	vld [tilespmem:$0x1F440]  }
0x113: {  	v33 =	vmax.f32 v33, v34;
	v2 =	vmax.f32 v2, v55;
	v55 =	vld [tilespmem:$0x1F520]  }
0x114: {  	v30 =	vmax.f32 v33, v30;
	[tilespmem:$0x1F720] =	vst v61;
	v61 =	vld [tilespmem:$0x5D0]  }
0x115: {  	v27 =	vmax.f32 v30, v27;
	v2 =	vmax.f32 v2, v62;
	v62 =	vld [tilespmem:$0x1F380]  }
0x116: {  	v27 =	vmax.f32 v27, v28;
	v0 =	vmax.f32 v0, v35;
	v35 =	vld [tilespmem:$0x1F460]  }
0x117: {  	v27 =	vmax.f32 v27, v32;
	v0 =	vmax.f32 v0, v38;
	v38 =	vld [tilespmem:$0x1F480]  }
0x118: {  	v27 =	vmax.f32 v27, v42;
	v42 =	vld [tilespmem:$0xAF0]  }
0x119: {  	[tilespmem:$0x1F730] =	vst v61;
	v61 =	vld [tilespmem:$0x6D0]  }
0x11a: {  	v2 =	vmax.f32 v2, v6;
	v0 =	vmax.f32 v0, v40;
	v40 =	vld [tilespmem:$0x1F490]  }
0x11b: {  	v2 =	vmax.f32 v2, v8;
	v0 =	vmax.f32 v0, v47;
	v47 =	vld [tilespmem:$0x1F4C0]  }
0x11c: {  	v2 =	vmax.f32 v2, v10;
	v0 =	vmax.f32 v0, v50;
	v50 =	vld [tilespmem:$0x1F4D0]  }
0x11d: {  	v2 =	vmax.f32 v2, v13;
	v13 =	vld [tilespmem:$0x1F5B0]  }
0x11e: {  	[tilespmem:$0x1F750] =	vst v61;
	v61 =	vld [tilespmem:$0x1F290]  }
0x11f: {  	v2 =	vmax.f32 v2, v20;
	v20 =	vld [tilespmem:$0xCE0]  }
0x120: {  	v0 =	vmax.f32 v0, v56;
	v56 =	vld [tilespmem:$0x1F530]  }
0x121: {  	v0 =	vmax.f32 v0, v63;
	v63 =	vld [tilespmem:$0x1F5A0]  }
0x122: {  	v0 =	vmax.f32 v0, v51;
	v51 =	vld [tilespmem:$0x270]  }
0x123: {  	v15 =	vmax.f32 v15, v61;
	v61 =	vld [tilespmem:$0x1F370]  }
0x124: {  	v15 =	vmax.f32 v15, v21;
	v21 =	vld [tilespmem:$0x9E0]  }
0x125: {  	v49 =	vmax.f32 v15, v23;
	v15 =	vmax.f32 v16, v24;
	v16 =	vld [tilespmem:$0x860]  }
0x126: {  	v23 =	vld [tilespmem:$0xAE0]  }
0x127: {  	v24 =	vld [tilespmem:$0x1F420]  }
0x128: {  	v12 =	vmax.f32 v15, v25;
	v15 =	vld [tilespmem:$0x7E0]  }
0x129: {  	v25 =	vld [tilespmem:$0x1F430]  }
0x12a: {  	v1 =	vmax.f32 v12, v39;
	v12 =	vld [tilespmem:$0x560]  }
0x12b: {  	v39 =	vld [tilespmem:$0x660]  }
0x12c: {  	v1 =	vmax.f32 v1, v41;
	v41 =	vld [tilespmem:$0x5E0]  }
0x12d: {  	v1 =	vmax.f32 v1, v53;
	v53 =	vld [tilespmem:$0x1F500]  }
0x12e: {  	v1 =	vmax.f32 v1, v54;
	v54 =	vld [tilespmem:$0x1F510]  }
0x12f: {  	v2 =	vmax.f32 v2, v25;
	v25 =	vld [tilespmem:$0xDE0]  }
0x130: {  	v1 =	vmax.f32 v1, v57;
	v57 =	vld [tilespmem:$0x1F540]  }
0x131: {  	v1 =	vmax.f32 v1, v58;
	v58 =	vld [tilespmem:$0x1F550]  }
0x132: {  	v2 =	vmax.f32 v2, v29;
	v29 =	vld [tilespmem:$0x1F5C0]  }
0x133: {  	v1 =	vmax.f32 v1, v59;
	v59 =	vld [tilespmem:$0x1F560]  }
0x134: {  	v12 =	vmax.f32 v27, v12;
	v2 =	vmax.f32 v2, v37;
	v37 =	vld [tilespmem:$0x1F5E0]  }
0x135: {  	v12 =	vmax.f32 v12, v41;
	v41 =	vld [tilespmem:$0x1F7A0]  }
0x136: {  	v1 =	vmax.f32 v1, v60;
	v60 =	vld [tilespmem:$0x1F570]  }
0x137: {  	v2 =	vmax.f32 v2, v40;
	v40 =	vld [tilespmem:$0x1F600]  }
0x138: {  	v12 =	vmax.f32 v12, v39;
	v39 =	vld [tilespmem:$0x1F790]  }
0x139: {  	v4 =	vmax.f32 v0, v54;
	v0 =	vld [tilespmem:$0xF60]  }
0x13a: {  	v1 =	vmax.f32 v1, v61;
	v61 =	vld [tilespmem:$0x1F580]  }
0x13b: {  	v2 =	vmax.f32 v2, v46;
	v46 =	vld [tilespmem:$0x1F610]  }
0x13c: {  	v54 =	vld [tilespmem:$0x1F660]  }
0x13d: {  	v1 =	vmax.f32 v1, v62;
	v62 =	vld [tilespmem:$0x1F590]  }
0x13e: {  	v2 =	vmax.f32 v2, v50;
	v50 =	vld [tilespmem:$0x1F630]  }
0x13f: {  	v4 =	vmax.f32 v4, v57;
	v57 =	vld [tilespmem:$0x1F680]  }
0x140: {  	v1 =	vmax.f32 v1, v7;
	v2 =	vmax.f32 v2, v53;
	v53 =	vld [tilespmem:$0x1F650]  }
0x141: {  	v1 =	vmax.f32 v1, v9;
	v9 =	vld [tilespmem:$0x170]  }
0x142: {  	v2 =	vmax.f32 v2, v56;
	v56 =	vld [tilespmem:$0x1F670]  }
0x143: {  	v1 =	vmax.f32 v1, v11;
	v11 =	vld [tilespmem:$0xBE0]  }
0x144: {  	v7 =	vmax.f32 v2, v59;
	v2 =	vld [tilespmem:$0x1060]  }
0x145: {  	v59 =	vld [tilespmem:$0x1F6A0]  }
0x146: {  	v12 =	vmax.f32 v12, v31;
	v4 =	vmax.f32 v4, v60;
	v60 =	vld [tilespmem:$0x370]  }
0x147: {  	v12 =	vmax.f32 v12, v14;
	v1 =	vmax.f32 v1, v17;
	v17 =	vld [tilespmem:$0xC60]  }
0x148: {  	v12 =	vmax.f32 v12, v15;
	v8 =	vmax.f32 v4, v63;
	v4 =	vld [tilespmem:$0x10E0]  }
0x149: {  	v12 =	vmax.f32 v12, v16;
	v63 =	vld [tilespmem:$0x3F0]  }
0x14a: {  	v12 =	vmax.f32 v12, v18;
	v1 =	vmax.f32 v1, v24;
	v24 =	vld [tilespmem:$0xD60]  }
0x14b: {  	[tilespmem:$0x1F840] =	vst v44;
	v12 =	vmax.f32 v12, v19;
	v7 =	vmax.f32 v7, v62;
	v62 =	vld [tilespmem:$0x1F6C0]  }
0x14c: {  	v12 =	vmax.f32 v12, v21;
	v21 =	vld [tilespmem:$0x1F840]  }
0x14d: {  	v1 =	vmax.f32 v1, v26;
	v26 =	vld [tilespmem:$0xE60]  }
0x14e: {  	v12 =	vmax.f32 v12, v22;
	v22 =	vld [tilespmem:$0xFF0]  }
0x14f: {  	v1 =	vmax.f32 v1, v35;
	v35 =	vld [tilespmem:$0x1F5D0]  }
0x150: {  	v12 =	vmax.f32 v12, v23;
	v23 =	vld [tilespmem:$0x1F850]  }
0x151: {  	v1 =	vmax.f32 v1, v38;
	v38 =	vld [tilespmem:$0x1F5F0]  }
0x152: {  	v5 =	vmax.f32 v12, v5;
	v1 =	vmax.f32 v1, v43;
	v43 =	vld [tilespmem:$0x1F0]  }
0x153: {  	v5 =	vmax.f32 v5, v11;
	v1 =	vmax.f32 v1, v47;
	v47 =	vld [tilespmem:$0x1F620]  }
0x154: {  	v5 =	vmax.f32 v5, v17;
	v1 =	vmax.f32 v1, v52;
	v52 =	vld [tilespmem:$0x1F640]  }
0x155: {  	v5 =	vmax.f32 v5, v20;
	v20 =	vld [tilespmem:$0xF70]  }
0x156: {  	v6 =	vmax.f32 v1, v55;
	v55 =	vld [tilespmem:$0x2F0]  }
0x157: {  	v8 =	vmax.f32 v8, v35;
	v6 =	vmax.f32 v6, v58;
	v58 =	vld [tilespmem:$0x1F690]  }
0x158: {  	v7 =	vmax.f32 v7, v29;
	v8 =	vmax.f32 v8, v40;
	v40 =	vld [tilespmem:$0x1F6D0]  }
0x159: {  	v7 =	vmax.f32 v7, v38;
	v38 =	vld [tilespmem:$0x9F0]  }
0x15a: {  	v6 =	vmax.f32 v6, v61;
	v61 =	vld [tilespmem:$0x1F6B0]  }
0x15b: {  	v9 =	vmax.f32 v9, v43;
	v43 =	vld [tilespmem:$0x470]  }
0x15c: {  	v8 =	vmax.f32 v8, v50;
	v50 =	vld [tilespmem:$0x1F6F0]  }
0x15d: {  	v7 =	vmax.f32 v7, v47;
	v47 =	vld [tilespmem:$0x4F0]  }
0x15e: {  	v9 =	vmax.f32 v9, v51;
	v51 =	vld [tilespmem:$0x570]  }
0x15f: {  	v8 =	vmax.f32 v8, v54;
	v54 =	vld [tilespmem:$0x1F710]  }
0x160: {  	v7 =	vmax.f32 v7, v53;
	v53 =	vld [tilespmem:$0x5F0]  }
0x161: {  	v6 =	vmax.f32 v6, v13;
	v8 =	vmax.f32 v8, v57;
	v57 =	vld [tilespmem:$0x6F0]  }
0x162: {  	v6 =	vmax.f32 v6, v37;
	v37 =	vld [tilespmem:$0x1F780]  }
0x163: {  	v6 =	vmax.f32 v6, v46;
	v46 =	vld [tilespmem:$0x1F6E0]  }
0x164: {  	v9 =	vmax.f32 v9, v55;
	v55 =	vld [tilespmem:$0x670]  }
0x165: {  	v7 =	vmax.f32 v7, v56;
	v56 =	vld [tilespmem:$0x1F720]  }
0x166: {  	v6 =	vmax.f32 v6, v52;
	v52 =	vld [tilespmem:$0x1F700]  }
0x167: {  	v35 =	vmax.f32 v58, v59;
	v58 =	vld [tilespmem:$0x1F730]  }
0x168: {  	v59 =	vld [tilespmem:$0x770]  }
0x169: {  	v9 =	vmax.f32 v9, v60;
	v60 =	vld [tilespmem:$0x1F740]  }
0x16a: {  	v8 =	vmax.f32 v8, v61;
	v61 =	vld [tilespmem:$0x7F0]  }
0x16b: {  	v35 =	vmax.f32 v35, v62;
	v62 =	vld [tilespmem:$0x1F750]  }
0x16c: {  	v9 =	vmax.f32 v9, v63;
	v63 =	vld [tilespmem:$0x870]  }
0x16d: {  	v35 =	vmax.f32 v35, v40;
	v40 =	vld [tilespmem:$0xA70]  }
0x16e: {  	v9 =	vmax.f32 v9, v43;
	v43 =	vld [tilespmem:$0x1F7B0]  }
0x16f: {  	v9 =	vmax.f32 v9, v47;
	v47 =	vld [tilespmem:$0x1F7C0]  }
0x170: {  	v34 =	vmax.f32 v35, v46;
	v35 =	vld [tilespmem:$0x1F770]  }
0x171: {  	v46 =	vld [tilespmem:$0xB70];
	v33 =	vmax.f32 v34, v50  }
0x172: {  	v9 =	vmax.f32 v9, v51;
	v51 =	vld [tilespmem:$0x1F7D0];
	v30 =	vmax.f32 v33, v52  }
0x173: {  	v33 =	vld [tilespmem:$0x1F760];
	v30 =	vmax.f32 v30, v54  }
0x174: {  	v9 =	vmax.f32 v9, v53;
	v34 =	vld [tilespmem:$0x8F0];
	v30 =	vmax.f32 v30, v56  }
0x175: {  	v50 =	vld [tilespmem:$0xBF0];
	v9 =	vmax.f32 v9, v55;
	v30 =	vmax.f32 v30, v58  }
0x176: {  	v53 =	vld [tilespmem:$0x1F7E0];
	v9 =	vmax.f32 v9, v57;
	v27 =	vmax.f32 v30, v60  }
0x177: {  	v52 =	vld [tilespmem:$0xC70];
	v9 =	vmax.f32 v9, v59;
	v27 =	vmax.f32 v27, v62  }
0x178: {  	v55 =	vld [tilespmem:$0x1F7F0];
	v9 =	vmax.f32 v9, v61;
	v27 =	vmax.f32 v27, v33  }
0x179: {  	v54 =	vld [tilespmem:$0xCF0];
	v9 =	vmax.f32 v9, v63;
	v27 =	vmax.f32 v27, v35  }
0x17a: {  	v57 =	vld [tilespmem:$0x1F800];
	v9 =	vmax.f32 v9, v34;
	v14 =	vmax.f32 v27, v37  }
0x17b: {  	v56 =	vld [tilespmem:$0xD70];
	v9 =	vmax.f32 v9, v36;
	v14 =	vmax.f32 v14, v39  }
0x17c: {  	v59 =	vld [tilespmem:$0x1F810];
	v9 =	vmax.f32 v9, v38;
	v14 =	vmax.f32 v14, v41  }
0x17d: {  	v58 =	vld [tilespmem:$0xDF0];
	v9 =	vmax.f32 v9, v40;
	v14 =	vmax.f32 v14, v43  }
0x17e: {  	v61 =	vld [tilespmem:$0x1F820];
	v9 =	vmax.f32 v9, v42;
	v14 =	vmax.f32 v14, v47  }
0x17f: {  	v60 =	vld [tilespmem:$0xE70];
	v9 =	vmax.f32 v9, v46;
	v14 =	vmax.f32 v14, v51  }
0x180: {  	v63 =	vld [tilespmem:$0x1F830];
	v9 =	vmax.f32 v9, v50;
	v14 =	vmax.f32 v14, v53  }
0x181: {  	v62 =	vld [tilespmem:$0xEF0];
	v9 =	vmax.f32 v9, v52;
	v14 =	vmax.f32 v14, v55  }
0x182: {  	v1 =	vld [tilespmem:$0xFE0];
	v5 =	vmax.f32 v5, v24;
	v9 =	vmax.f32 v9, v54;
	v14 =	vmax.f32 v14, v57  }
0x183: {  	v5 =	vmax.f32 v5, v25;
	v25 =	vld [tilespmem:$0x1F860];
	v9 =	vmax.f32 v9, v56;
	v14 =	vmax.f32 v14, v59  }
0x184: {  	v24 =	vld [tilespmem:$0x1070];
	v5 =	vmax.f32 v5, v26;
	v9 =	vmax.f32 v9, v58;
	v14 =	vmax.f32 v14, v61  }
0x185: {  	v3 =	vmax.f32 v5, v3;
	v27 =	vld [tilespmem:$0x10F0];
	v26 =	vmax.f32 v9, v60;
	v14 =	vmax.f32 v14, v63  }
0x186: {  	v44 =	vld [tilespmem:$0x10D0];
	[tilespmem:$0x2110] =	vst v49;
	v0 =	vmax.f32 v3, v0;
	v29 =	vmax.f32 v26, v62;
	v14 =	vmax.f32 v14, v21  }
0x187: {  	v0 =	vmax.f32 v0, v1;
	[tilespmem:$0x2130] =	vst v7;
	v31 =	vmax.f32 v29, v20;
	v14 =	vmax.f32 v14, v23  }
0x188: {  	v0 =	vmax.f32 v0, v2;
	[tilespmem:$0x2120] =	vst v6;
	v1 =	vmax.f32 v31, v22;
	v14 =	vmax.f32 v14, v25  }
0x189: {  	v0 =	vmax.f32 v0, v4;
	[tilespmem:$0x2140] =	vst v8;
	v1 =	vmax.f32 v1, v24;
	v28 =	vmax.f32 v14, v48  }
0x18a: {  	[tilespmem:$0x2160] =	vst v0;
	v33 =	vmax.f32 v1, v27;
	v30 =	vmax.f32 v28, v45  }
0x18b: {  	s29 =	sadd.s32 s5, s29;
	[tilespmem:$0x2170] =	vst v33;
	v32 =	vmax.f32 v30, v44  }
0x18c: {  	s28 =	sadd.s32 s28, s29;
	[tilespmem:$0x2150] =	vst v32  }
0x18d: {  	[hbm4b:s28+s2] =	stream.linear.scatter [tilespmem:s15], [sflag:$0x3], $0x80, $0x38;
	[tilespmem:$0x2200] =	vst v63  }
0x18e: {  	p0 =	slt.s32 s24, $0x5FFD;
	s28 =	smov.u32 s24  }
0x18f: {  	s28 =	simm.s32 @!p0 $0x5FFD  }
0x190: {  	s31 =	rddreg [dreg:$0x2];
	s28 =	sshll.u32 s28, $0x4  }
0x191: {  	s28 =	sadd.s32 s28, s31  }
0x192: {  	[tilespmem:s2], [sflag:$0x5] =	stream.linear.gather [hbm4b:s28+s2], $0x80, $0x38;
	[tilespmem:$0x2200] =	vst v63  }
0x193: {  	_ =	swait.ge [sflag:s12], $0x80  }
0x194: {  	[sflag:s12] =	ssyncset.done $0x0  }
0x195: {  	[sflag:s12] =	ssyncadd.s32 $0xFFFFFF80  }
0x196: {  	_ =	swait.ge [sflag:s21], $0x1000  }
0x197: {  	[sflag:s21] =	ssyncset.done $0x0  }
0x198: {  	[sflag:s21] =	ssyncadd.s32 $0xFFFFF000  }
0x199: {  	[tilespmem:s14], [sflag:$0x1] =	stream.indirect.gather [hbm4b:s4+s13], $0x80, s2, s13, $0xb8;
	[tilespmem:$0x2200] =	vst v63  }
0x19a: {  	_ =	swait.ge [sflag:s22], $0x80  }
0x19b: {  	[sflag:s22] =	ssyncset.done $0x0  }
0x19c: {  	[sflag:s22] =	ssyncadd.s32 $0xFFFFFF80  }
0x19d: {  	v30 =	vld [tilespmem:$0x1100]  }
0x19e: {  	v29 =	vld [tilespmem:$0x1180]  }
0x19f: {  	v31 =	vld [tilespmem:$0x1200]  }
0x1a0: {  	v35 =	vld [tilespmem:$0x1280]  }
0x1a1: {  	v39 =	vld [tilespmem:$0x1300]  }
0x1a2: {  	v44 =	vld [tilespmem:$0x1380]  }
0x1a3: {  	v46 =	vld [tilespmem:$0x1400]  }
0x1a4: {  	v50 =	vld [tilespmem:$0x1480]  }
0x1a5: {  	v52 =	vld [tilespmem:$0x1500]  }
0x1a6: {  	v56 =	vld [tilespmem:$0x1580]  }
0x1a7: {  	v60 =	vld [tilespmem:$0x1600]  }
0x1a8: {  	v34 =	vld [tilespmem:$0x1680]  }
0x1a9: {  	v36 =	vld [tilespmem:$0x1700]  }
0x1aa: {  	v37 =	vld [tilespmem:$0x1780]  }
0x1ab: {  	v38 =	vld [tilespmem:$0x1800]  }
0x1ac: {  	v40 =	vld [tilespmem:$0x1880]  }
0x1ad: {  	v41 =	vld [tilespmem:$0x1900]  }
0x1ae: {  	v42 =	vld [tilespmem:$0x1980]  }
0x1af: {  	v43 =	vld [tilespmem:$0x1A00]  }
0x1b0: {  	v45 =	vld [tilespmem:$0x1A80]  }
0x1b1: {  	v47 =	vld [tilespmem:$0x1B00]  }
0x1b2: {  	v48 =	vld [tilespmem:$0x1B80]  }
0x1b3: {  	v49 =	vld [tilespmem:$0x1C00]  }
0x1b4: {  	v51 =	vld [tilespmem:$0x1C80]  }
0x1b5: {  	v53 =	vld [tilespmem:$0x1D00]  }
0x1b6: {  	v54 =	vld [tilespmem:$0x1D80]  }
0x1b7: {  	v55 =	vld [tilespmem:$0x1E00]  }
0x1b8: {  	v57 =	vld [tilespmem:$0x1E80]  }
0x1b9: {  	v58 =	vld [tilespmem:$0x1F00]  }
0x1ba: {  	v59 =	vld [tilespmem:$0x1F80]  }
0x1bb: {  	v61 =	vld [tilespmem:$0x2000]  }
0x1bc: {  	v62 =	vld [tilespmem:$0x2080]  }
0x1bd: {  	v2 =	vld [tilespmem:$0x1110]  }
0x1be: {  	v0 =	vld [tilespmem:$0x1190]  }
0x1bf: {  	v4 =	vld [tilespmem:$0x1210]  }
0x1c0: {  	v6 =	vld [tilespmem:$0x1290]  }
0x1c1: {  	v8 =	vld [tilespmem:$0x1310]  }
0x1c2: {  	v9 =	vld [tilespmem:$0x1390]  }
0x1c3: {  	v11 =	vld [tilespmem:$0x1410]  }
0x1c4: {  	v12 =	vld [tilespmem:$0x1490]  }
0x1c5: {  	v14 =	vld [tilespmem:$0x1510]  }
0x1c6: {  	v15 =	vld [tilespmem:$0x1590]  }
0x1c7: {  	v17 =	vld [tilespmem:$0x1610]  }
0x1c8: {  	v19 =	vld [tilespmem:$0x1690]  }
0x1c9: {  	v20 =	vld [tilespmem:$0x1710]  }
0x1ca: {  	v21 =	vld [tilespmem:$0x1790]  }
0x1cb: {  	v24 =	vld [tilespmem:$0x1810]  }
0x1cc: {  	v26 =	vld [tilespmem:$0x1890]  }
0x1cd: {  	v32 =	vld [tilespmem:$0x1910]  }
0x1ce: {  	v33 =	vld [tilespmem:$0x1990]  }
0x1cf: {  	v63 =	vld [tilespmem:$0x1D90]  }
0x1d0: {  	v5 =	vld [tilespmem:$0x1E10]  }
0x1d1: {  	v7 =	vld [tilespmem:$0x1E90]  }
0x1d2: {  	v10 =	vld [tilespmem:$0x1F10]  }
0x1d3: {  	v13 =	vld [tilespmem:$0x1F90]  }
0x1d4: {  	v16 =	vld [tilespmem:$0x2010]  }
0x1d5: {  	v18 =	vld [tilespmem:$0x2090]  }
0x1d6: {  	v22 =	vld [tilespmem:$0x1120]  }
0x1d7: {  	v23 =	vld [tilespmem:$0x11A0]  }
0x1d8: {  	v25 =	vld [tilespmem:$0x1220]  }
0x1d9: {  	v27 =	vld [tilespmem:$0x12A0]  }
0x1da: {  	v28 =	vld [tilespmem:$0x1320]  }
0x1db: {  	v3 =	vld [tilespmem:$0x1140]  }
0x1dc: {  	v1 =	vld [tilespmem:$0x11C0]  }
0x1dd: {  	[tilespmem:$0x1F8B0] =	vst v40;
	v40 =	vld [tilespmem:$0x1A10]  }
0x1de: {  	[tilespmem:$0x1F8C0] =	vst v41;
	v41 =	vld [tilespmem:$0x1A90]  }
0x1df: {  	[tilespmem:$0x1F8F0] =	vst v45;
	v45 =	vld [tilespmem:$0x1B10]  }
0x1e0: {  	[tilespmem:$0x1F920] =	vst v49;
	v49 =	vld [tilespmem:$0x1B90]  }
0x1e1: {  	[tilespmem:$0x1F940] =	vst v53;
	v53 =	vld [tilespmem:$0x1C10]  }
0x1e2: {  	[tilespmem:$0x1F960] =	vst v55;
	v55 =	vld [tilespmem:$0x1C90]  }
0x1e3: {  	[tilespmem:$0x1F9C0] =	vst v59;
	v59 =	vld [tilespmem:$0x1D10]  }
0x1e4: {  	[tilespmem:$0x1F870] =	vst v34;
	v34 =	vld [tilespmem:$0x13A0]  }
0x1e5: {  	[tilespmem:$0x1F880] =	vst v36;
	v36 =	vld [tilespmem:$0x1420]  }
0x1e6: {  	[tilespmem:$0x1F890] =	vst v37;
	v37 =	vld [tilespmem:$0x14A0]  }
0x1e7: {  	[tilespmem:$0x1F8A0] =	vst v38;
	v38 =	vld [tilespmem:$0x1520]  }
0x1e8: {  	[tilespmem:$0x1F8D0] =	vst v42;
	v42 =	vld [tilespmem:$0x15A0]  }
0x1e9: {  	[tilespmem:$0x1F8E0] =	vst v43;
	v43 =	vld [tilespmem:$0x1620]  }
0x1ea: {  	[tilespmem:$0x1F900] =	vst v47;
	v47 =	vld [tilespmem:$0x16A0]  }
0x1eb: {  	[tilespmem:$0x1F910] =	vst v48;
	v48 =	vld [tilespmem:$0x1720]  }
0x1ec: {  	[tilespmem:$0x1F930] =	vst v51;
	v51 =	vld [tilespmem:$0x17A0]  }
0x1ed: {  	[tilespmem:$0x1F950] =	vst v54;
	v54 =	vld [tilespmem:$0x1820]  }
0x1ee: {  	[tilespmem:$0x1F980] =	vst v57;
	v57 =	vld [tilespmem:$0x18A0]  }
0x1ef: {  	[tilespmem:$0x1F9A0] =	vst v58;
	v58 =	vld [tilespmem:$0x1920]  }
0x1f0: {  	[tilespmem:$0x1F9E0] =	vst v61;
	v61 =	vld [tilespmem:$0x19A0]  }
0x1f1: {  	[tilespmem:$0x1FA00] =	vst v62;
	v62 =	vld [tilespmem:$0x1A20]  }
0x1f2: {  	[tilespmem:$0x1F970] =	vst v63;
	v63 =	vld [tilespmem:$0x1AA0]  }
0x1f3: {  	[tilespmem:$0x1F990] =	vst v5;
	v5 =	vld [tilespmem:$0x1B20]  }
0x1f4: {  	[tilespmem:$0x1F9B0] =	vst v7;
	v7 =	vld [tilespmem:$0x1BA0]  }
0x1f5: {  	[tilespmem:$0x1F9D0] =	vst v10;
	v10 =	vld [tilespmem:$0x1C20]  }
0x1f6: {  	[tilespmem:$0x1F9F0] =	vst v13;
	v13 =	vld [tilespmem:$0x1CA0]  }
0x1f7: {  	[tilespmem:$0x1FA10] =	vst v16;
	v16 =	vld [tilespmem:$0x1D20]  }
0x1f8: {  	[tilespmem:$0x1FA40] =	vst v18;
	v18 =	vld [tilespmem:$0x1DA0]  }
0x1f9: {  	[tilespmem:$0x1FA20] =	vst v22;
	v22 =	vld [tilespmem:$0x1E20]  }
0x1fa: {  	[tilespmem:$0x1FA30] =	vst v23;
	v23 =	vld [tilespmem:$0x1EA0]  }
0x1fb: {  	[tilespmem:$0x1FA50] =	vst v25;
	v25 =	vld [tilespmem:$0x1F20]  }
0x1fc: {  	[tilespmem:$0x1FA60] =	vst v27;
	v27 =	vld [tilespmem:$0x1FA0]  }
0x1fd: {  	[tilespmem:$0x1FA70] =	vst v28;
	v28 =	vld [tilespmem:$0x2020];
	v29 =	vmax.f32 v30, v29  }
0x1fe: {  	v30 =	vld [tilespmem:$0x1550];
	v29 =	vmax.f32 v29, v31  }
0x1ff: {  	v0 =	vmax.f32 v2, v0;
	v31 =	vmax.f32 v29, v35;
	v35 =	vld [tilespmem:$0x15D0]  }
0x200: {  	v0 =	vmax.f32 v0, v4;
	v29 =	vld [tilespmem:$0x1F8C0]  }
0x201: {  	v0 =	vmax.f32 v0, v6;
	v2 =	vmax.f32 v31, v39;
	v39 =	vld [tilespmem:$0x1650]  }
0x202: {  	v0 =	vmax.f32 v0, v8;
	v8 =	vld [tilespmem:$0x1950]  }
0x203: {  	v31 =	vld [tilespmem:$0x1F8D0]  }
0x204: {  	v2 =	vmax.f32 v2, v44;
	v44 =	vld [tilespmem:$0x16D0]  }
0x205: {  	v0 =	vmax.f32 v0, v9;
	v9 =	vld [tilespmem:$0x1F870]  }
0x206: {  	[tilespmem:$0x1FA80] =	vst v34;
	v34 =	vld [tilespmem:$0x20A0]  }
0x207: {  	[tilespmem:$0x1FDF0] =	vst v28;
	v28 =	vld [tilespmem:$0x1130]  }
0x208: {  	[tilespmem:$0x1FDC0] =	vst v27;
	v27 =	vld [tilespmem:$0x11B0]  }
0x209: {  	[tilespmem:$0x1FAB0] =	vst v38;
	v38 =	vld [tilespmem:$0x12B0]  }
0x20a: {  	[tilespmem:$0x1FAC0] =	vst v42;
	v42 =	vld [tilespmem:$0x1330]  }
0x20b: {  	[tilespmem:$0x1FB10] =	vst v48;
	v48 =	vld [tilespmem:$0x13B0]  }
0x20c: {  	[tilespmem:$0x1FB50] =	vst v54;
	v54 =	vld [tilespmem:$0x1430]  }
0x20d: {  	[tilespmem:$0x1FB90] =	vst v58;
	v58 =	vld [tilespmem:$0x14B0]  }
0x20e: {  	[tilespmem:$0x1FBD0] =	vst v62;
	v62 =	vld [tilespmem:$0x1530]  }
0x20f: {  	[tilespmem:$0x1FA90] =	vst v36;
	v36 =	vld [tilespmem:$0x15B0]  }
0x210: {  	[tilespmem:$0x1FAA0] =	vst v37;
	v37 =	vld [tilespmem:$0x1630]  }
0x211: {  	[tilespmem:$0x1FAD0] =	vst v43;
	v43 =	vld [tilespmem:$0x16B0]  }
0x212: {  	[tilespmem:$0x1FAF0] =	vst v47;
	v47 =	vld [tilespmem:$0x1730]  }
0x213: {  	[tilespmem:$0x1FB30] =	vst v51;
	v51 =	vld [tilespmem:$0x17B0]  }
0x214: {  	[tilespmem:$0x1FB70] =	vst v57;
	v57 =	vld [tilespmem:$0x1830]  }
0x215: {  	[tilespmem:$0x1FBB0] =	vst v61;
	v61 =	vld [tilespmem:$0x18B0]  }
0x216: {  	[tilespmem:$0x1FBF0] =	vst v63;
	v63 =	vld [tilespmem:$0x1930]  }
0x217: {  	[tilespmem:$0x1FC10] =	vst v5;
	v5 =	vld [tilespmem:$0x19B0]  }
0x218: {  	[tilespmem:$0x1FC40] =	vst v7;
	v7 =	vld [tilespmem:$0x1A30]  }
0x219: {  	[tilespmem:$0x1FC70] =	vst v10;
	v10 =	vld [tilespmem:$0x1AB0]  }
0x21a: {  	[tilespmem:$0x1FCA0] =	vst v13;
	v13 =	vld [tilespmem:$0x1B30]  }
0x21b: {  	[tilespmem:$0x1FCD0] =	vst v16;
	v16 =	vld [tilespmem:$0x1BB0]  }
0x21c: {  	[tilespmem:$0x1FD00] =	vst v18;
	v18 =	vld [tilespmem:$0x1C30]  }
0x21d: {  	[tilespmem:$0x1FD30] =	vst v22;
	v22 =	vld [tilespmem:$0x1CB0]  }
0x21e: {  	[tilespmem:$0x1FD60] =	vst v23;
	v23 =	vld [tilespmem:$0x1D30]  }
0x21f: {  	[tilespmem:$0x1FD90] =	vst v25;
	v25 =	vld [tilespmem:$0x1DB0]  }
0x220: {  	v2 =	vmax.f32 v2, v46;
	v46 =	vld [tilespmem:$0x1750]  }
0x221: {  	v0 =	vmax.f32 v0, v11;
	v11 =	vld [tilespmem:$0x19D0]  }
0x222: {  	[tilespmem:$0x1FF00] =	vst v30;
	v30 =	vld [tilespmem:$0x1C50]  }
0x223: {  	v2 =	vmax.f32 v2, v50;
	v50 =	vld [tilespmem:$0x17D0]  }
0x224: {  	v0 =	vmax.f32 v0, v12;
	v12 =	vld [tilespmem:$0x1F880]  }
0x225: {  	v2 =	vmax.f32 v2, v52;
	v52 =	vld [tilespmem:$0x1850]  }
0x226: {  	v0 =	vmax.f32 v0, v14;
	v14 =	vld [tilespmem:$0x1A50]  }
0x227: {  	[tilespmem:$0x1FF10] =	vst v35;
	v35 =	vld [tilespmem:$0x1F8E0]  }
0x228: {  	v0 =	vmax.f32 v0, v15;
	v15 =	vld [tilespmem:$0x1F890]  }
0x229: {  	[tilespmem:$0x1FF20] =	vst v39;
	v39 =	vld [tilespmem:$0x1F8F0]  }
0x22a: {  	v2 =	vmax.f32 v2, v56;
	v56 =	vld [tilespmem:$0x1DD0]  }
0x22b: {  	[tilespmem:$0x1FF80] =	vst v8;
	v8 =	vld [tilespmem:$0x1F960]  }
0x22c: {  	v0 =	vmax.f32 v0, v17;
	v17 =	vld [tilespmem:$0x1AD0]  }
0x22d: {  	v2 =	vmax.f32 v2, v60;
	v60 =	vld [tilespmem:$0x1D50]  }
0x22e: {  	[tilespmem:$0x1FF30] =	vst v44;
	v44 =	vld [tilespmem:$0x1F910]  }
0x22f: {  	[tilespmem:$0x1FE20] =	vst v34;
	v34 =	vld [tilespmem:$0x1230]  }
0x230: {  	[tilespmem:$0x1FAE0] =	vst v36;
	v36 =	vld [tilespmem:$0x1E30]  }
0x231: {  	[tilespmem:$0x1FB00] =	vst v37;
	v37 =	vld [tilespmem:$0x1EB0]  }
0x232: {  	[tilespmem:$0x1FB20] =	vst v43;
	v43 =	vld [tilespmem:$0x1F30]  }
0x233: {  	[tilespmem:$0x1FB40] =	vst v47;
	v47 =	vld [tilespmem:$0x1FB0]  }
0x234: {  	[tilespmem:$0x1FB60] =	vst v51;
	v51 =	vld [tilespmem:$0x2030]  }
0x235: {  	[tilespmem:$0x1FB80] =	vst v57;
	v57 =	vld [tilespmem:$0x20B0]  }
0x236: {  	[tilespmem:$0x1FBA0] =	vst v61;
	v61 =	vld [tilespmem:$0x1A40]  }
0x237: {  	[tilespmem:$0x1FBE0] =	vst v5;
	v5 =	vld [tilespmem:$0x1240]  }
0x238: {  	[tilespmem:$0x1FC00] =	vst v7;
	v7 =	vld [tilespmem:$0x12C0]  }
0x239: {  	[tilespmem:$0x1FC20] =	vst v10;
	v10 =	vld [tilespmem:$0x1340]  }
0x23a: {  	[tilespmem:$0x1FC50] =	vst v13;
	v13 =	vld [tilespmem:$0x13C0]  }
0x23b: {  	[tilespmem:$0x1FC30] =	vst v61;
	v61 =	vld [tilespmem:$0x1AC0]  }
0x23c: {  	[tilespmem:$0x1FC80] =	vst v16;
	v16 =	vld [tilespmem:$0x1440]  }
0x23d: {  	[tilespmem:$0x1FCB0] =	vst v18;
	v18 =	vld [tilespmem:$0x14C0]  }
0x23e: {  	[tilespmem:$0x1FCE0] =	vst v22;
	v22 =	vld [tilespmem:$0x1540]  }
0x23f: {  	[tilespmem:$0x1FD10] =	vst v23;
	v23 =	vld [tilespmem:$0x15C0]  }
0x240: {  	[tilespmem:$0x1FC60] =	vst v61;
	v61 =	vld [tilespmem:$0x1B40]  }
0x241: {  	[tilespmem:$0x1FD40] =	vst v25;
	v25 =	vld [tilespmem:$0x1640]  }
0x242: {  	[tilespmem:$0x1FBC0] =	vst v63;
	v63 =	vld [tilespmem:$0x19C0]  }
0x243: {  	v0 =	vmax.f32 v0, v19;
	v19 =	vld [tilespmem:$0x1F8A0]  }
0x244: {  	[tilespmem:$0x1FF40] =	vst v46;
	v46 =	vld [tilespmem:$0x1F930]  }
0x245: {  	[tilespmem:$0x1FC90] =	vst v61;
	v61 =	vld [tilespmem:$0x1BC0]  }
0x246: {  	v2 =	vmax.f32 v2, v9;
	v9 =	vld [tilespmem:$0x1F970]  }
0x247: {  	[tilespmem:$0x1FF90] =	vst v11;
	v11 =	vld [tilespmem:$0x1F980]  }
0x248: {  	[tilespmem:$0x1FFE0] =	vst v30;
	v30 =	vld [tilespmem:$0x1FA30]  }
0x249: {  	v0 =	vmax.f32 v0, v20;
	v20 =	vld [tilespmem:$0x1B50]  }
0x24a: {  	[tilespmem:$0x1FCC0] =	vst v61;
	v61 =	vld [tilespmem:$0x1C40]  }
0x24b: {  	[tilespmem:$0x1FF50] =	vst v50;
	v50 =	vld [tilespmem:$0x1ED0]  }
0x24c: {  	v2 =	vmax.f32 v2, v12;
	v12 =	vld [tilespmem:$0x1F990]  }
0x24d: {  	v0 =	vmax.f32 v0, v21;
	v21 =	vld [tilespmem:$0x1F8B0]  }
0x24e: {  	[tilespmem:$0x1FF60] =	vst v52;
	v52 =	vld [tilespmem:$0x1E50]  }
0x24f: {  	[tilespmem:$0x1FCF0] =	vst v61;
	v61 =	vld [tilespmem:$0x1CC0]  }
0x250: {  	[tilespmem:$0x1FFA0] =	vst v14;
	v14 =	vld [tilespmem:$0x1F9A0]  }
0x251: {  	v0 =	vmax.f32 v0, v24;
	v24 =	vld [tilespmem:$0x1BD0]  }
0x252: {  	v2 =	vmax.f32 v2, v15;
	v15 =	vld [tilespmem:$0x1F9B0]  }
0x253: {  	[tilespmem:$0x1FFB0] =	vst v17;
	v17 =	vld [tilespmem:$0x1F9C0]  }
0x254: {  	[tilespmem:$0x1FD20] =	vst v61;
	v61 =	vld [tilespmem:$0x1D40]  }
0x255: {  	v0 =	vmax.f32 v0, v26;
	v26 =	vld [tilespmem:$0x1FA10]  }
0x256: {  	[tilespmem:$0x1FD70] =	vst v36;
	v36 =	vld [tilespmem:$0x16C0]  }
0x257: {  	[tilespmem:$0x1FDA0] =	vst v37;
	v37 =	vld [tilespmem:$0x1740]  }
0x258: {  	[tilespmem:$0x1FDD0] =	vst v43;
	v43 =	vld [tilespmem:$0x17C0]  }
0x259: {  	[tilespmem:$0x1FD50] =	vst v61;
	v61 =	vld [tilespmem:$0x1DC0]  }
0x25a: {  	[tilespmem:$0x1FE00] =	vst v47;
	v47 =	vld [tilespmem:$0x1840]  }
0x25b: {  	[tilespmem:$0x1FE30] =	vst v51;
	v51 =	vld [tilespmem:$0x18C0]  }
0x25c: {  	[tilespmem:$0x1FE50] =	vst v57;
	v57 =	vld [tilespmem:$0x1940]  }
0x25d: {  	v0 =	vmax.f32 v0, v32;
	v32 =	vld [tilespmem:$0x1CD0]  }
0x25e: {  	[tilespmem:$0x1FD80] =	vst v61;
	v61 =	vld [tilespmem:$0x1E40]  }
0x25f: {  	v1 =	vmax.f32 v3, v1;
	v2 =	vmax.f32 v2, v19;
	v19 =	vld [tilespmem:$0x1F9D0]  }
0x260: {  	v1 =	vmax.f32 v1, v5;
	v5 =	vld [tilespmem:$0x1EE0]  }
0x261: {  	v0 =	vmax.f32 v0, v33;
	v33 =	vld [tilespmem:$0x12E0]  }
0x262: {  	[tilespmem:$0x1FFC0] =	vst v20;
	v20 =	vld [tilespmem:$0x1F9E0]  }
0x263: {  	[tilespmem:$0x1FDB0] =	vst v61;
	v61 =	vld [tilespmem:$0x1EC0]  }
0x264: {  	v0 =	vmax.f32 v0, v40;
	v40 =	vld [tilespmem:$0x1F900]  }
0x265: {  	v1 =	vmax.f32 v1, v7;
	v2 =	vmax.f32 v2, v21;
	v21 =	vld [tilespmem:$0x1F9F0]  }
0x266: {  	v1 =	vmax.f32 v1, v10;
	v10 =	vld [tilespmem:$0x1FAB0]  }
0x267: {  	[tilespmem:$0x1FFD0] =	vst v24;
	v24 =	vld [tilespmem:$0x1FA00]  }
0x268: {  	[tilespmem:$0x1FDE0] =	vst v61;
	v61 =	vld [tilespmem:$0x1F40]  }
0x269: {  	v2 =	vmax.f32 v2, v29;
	v29 =	vld [tilespmem:$0x1FA20]  }
0x26a: {  	v0 =	vmax.f32 v0, v41;
	v41 =	vld [tilespmem:$0x1FA60]  }
0x26b: {  	v1 =	vmax.f32 v1, v13;
	v13 =	vld [tilespmem:$0x1FAC0]  }
0x26c: {  	v0 =	vmax.f32 v0, v45;
	v45 =	vld [tilespmem:$0x1F920]  }
0x26d: {  	[tilespmem:$0x1FE10] =	vst v61;
	v61 =	vld [tilespmem:$0x1FC0]  }
0x26e: {  	v2 =	vmax.f32 v2, v31;
	v31 =	vld [tilespmem:$0x11E0]  }
0x26f: {  	v1 =	vmax.f32 v1, v16;
	v16 =	vld [tilespmem:$0x1FAD0]  }
0x270: {  	v0 =	vmax.f32 v0, v49;
	v49 =	vld [tilespmem:$0x1F50]  }
0x271: {  	v2 =	vmax.f32 v2, v35;
	v35 =	vld [tilespmem:$0x1260]  }
0x272: {  	[tilespmem:$0x1FE40] =	vst v61;
	v61 =	vld [tilespmem:$0x2040]  }
0x273: {  	[tilespmem:$0x1FFF0] =	vst v32;
	v32 =	vld [tilespmem:$0x1FA40]  }
0x274: {  	v1 =	vmax.f32 v1, v18;
	v18 =	vld [tilespmem:$0x1FAE0]  }
0x275: {  	v0 =	vmax.f32 v0, v53;
	v53 =	vld [tilespmem:$0x1F940]  }
0x276: {  	v2 =	vmax.f32 v2, v39;
	v39 =	vld [tilespmem:$0x1FA50]  }
0x277: {  	[tilespmem:$0x1FE60] =	vst v61;
	v61 =	vld [tilespmem:$0x20C0]  }
0x278: {  	v1 =	vmax.f32 v1, v22;
	v22 =	vld [tilespmem:$0x1FAF0]  }
0x279: {  	v2 =	vmax.f32 v2, v40;
	v40 =	vmax.f32 v28, v27;
	v27 =	vld [tilespmem:$0x1FB20]  }
0x27a: {  	v28 =	vld [tilespmem:$0x1FB30]  }
0x27b: {  	v1 =	vmax.f32 v1, v23;
	v23 =	vld [tilespmem:$0x1A60]  }
0x27c: {  	[tilespmem:$0x1FE90] =	vst v61;
	v61 =	vld [tilespmem:$0x1150]  }
0x27d: {  	v0 =	vmax.f32 v0, v55;
	v2 =	vmax.f32 v2, v44;
	v44 =	vld [tilespmem:$0x20D0]  }
0x27e: {  	v0 =	vmax.f32 v0, v59;
	v59 =	vld [tilespmem:$0x1FA80]  }
0x27f: {  	v4 =	vmax.f32 v29, v30;
	v29 =	vld [tilespmem:$0x1FB40]  }
0x280: {  	v30 =	vld [tilespmem:$0x1FB50]  }
0x281: {  	[tilespmem:$0x1FE70] =	vst v61;
	v61 =	vld [tilespmem:$0x11D0]  }
0x282: {  	v1 =	vmax.f32 v1, v25;
	v25 =	vld [tilespmem:$0x1B60]  }
0x283: {  	v2 =	vmax.f32 v2, v45;
	v45 =	vld [tilespmem:$0x2050]  }
0x284: {  	v0 =	vmax.f32 v0, v9;
	v9 =	vld [tilespmem:$0x1160]  }
0x285: {  	v1 =	vmax.f32 v1, v36;
	v36 =	vld [tilespmem:$0x1FB70]  }
0x286: {  	[tilespmem:$0x1FE80] =	vst v61;
	v61 =	vld [tilespmem:$0x1250]  }
0x287: {  	v2 =	vmax.f32 v2, v46;
	v46 =	vld [tilespmem:$0x1FD0]  }
0x288: {  	v0 =	vmax.f32 v0, v12;
	v12 =	vld [tilespmem:$0x13E0]  }
0x289: {  	v1 =	vmax.f32 v1, v37;
	v37 =	vld [tilespmem:$0x1FB80]  }
0x28a: {  	v0 =	vmax.f32 v0, v15;
	v15 =	vld [tilespmem:$0x14E0]  }
0x28b: {  	[tilespmem:$0x1FEA0] =	vst v61;
	v61 =	vld [tilespmem:$0x12D0]  }
0x28c: {  	v2 =	vmax.f32 v2, v53;
	v53 =	vld [tilespmem:$0x1FA70]  }
0x28d: {  	v1 =	vmax.f32 v1, v43;
	v43 =	vld [tilespmem:$0x1FBE0]  }
0x28e: {  	v0 =	vmax.f32 v0, v19;
	v19 =	vld [tilespmem:$0x15E0]  }
0x28f: {  	v1 =	vmax.f32 v1, v47;
	v47 =	vld [tilespmem:$0x1FBF0]  }
0x290: {  	[tilespmem:$0x1FEB0] =	vst v61;
	v61 =	vld [tilespmem:$0x1350]  }
0x291: {  	v0 =	vmax.f32 v0, v21;
	v21 =	vld [tilespmem:$0x16E0]  }
0x292: {  	v1 =	vmax.f32 v1, v51;
	v51 =	vld [tilespmem:$0x1FC10]  }
0x293: {  	v0 =	vmax.f32 v0, v26;
	v26 =	vld [tilespmem:$0x1FB10]  }
0x294: {  	v1 =	vmax.f32 v1, v57;
	v57 =	vld [tilespmem:$0x1FC50]  }
0x295: {  	[tilespmem:$0x1FEC0] =	vst v61;
	v61 =	vld [tilespmem:$0x13D0]  }
0x296: {  	v32 =	vmax.f32 v0, v32;
	v0 =	vmax.f32 v4, v39;
	v4 =	vmax.f32 v40, v34;
	v34 =	vld [tilespmem:$0x1FB60]  }
0x297: {  	v39 =	vld [tilespmem:$0x1FBA0]  }
0x298: {  	v40 =	vld [tilespmem:$0x1FBB0]  }
0x299: {  	v1 =	vmax.f32 v1, v63;
	v63 =	vld [tilespmem:$0x1FCA0]  }
0x29a: {  	v9 =	vmax.f32 v9, v31;
	[tilespmem:$0x1FED0] =	vst v61;
	v61 =	vld [tilespmem:$0x1450]  }
0x29b: {  	v9 =	vmax.f32 v9, v35;
	v35 =	vld [tilespmem:$0x1BF0]  }
0x29c: {  	v55 =	vmax.f32 v4, v38;
	v38 =	vld [tilespmem:$0x1FB90]  }
0x29d: {  	v0 =	vmax.f32 v0, v41;
	v41 =	vld [tilespmem:$0x1FBC0]  }
0x29e: {  	v9 =	vmax.f32 v9, v33;
	v33 =	vld [tilespmem:$0x1FFA0]  }
0x29f: {  	[tilespmem:$0x1FEE0] =	vst v61;
	v61 =	vld [tilespmem:$0x14D0]  }
0x2a0: {  	v3 =	vmax.f32 v55, v42;
	v42 =	vld [tilespmem:$0x1FBD0]  }
0x2a1: {  	v0 =	vmax.f32 v0, v53;
	v53 =	vld [tilespmem:$0x1FC20]  }
0x2a2: {  	v55 =	vld [tilespmem:$0x1FC40]  }
0x2a3: {  	v3 =	vmax.f32 v3, v48;
	v48 =	vld [tilespmem:$0x1FC00]  }
0x2a4: {  	[tilespmem:$0x1FEF0] =	vst v61;
	v61 =	vld [tilespmem:$0x18D0]  }
0x2a5: {  	v0 =	vmax.f32 v0, v59;
	v59 =	vld [tilespmem:$0x1FC70]  }
0x2a6: {  	v3 =	vmax.f32 v3, v54;
	v54 =	vld [tilespmem:$0x1FC30]  }
0x2a7: {  	v3 =	vmax.f32 v3, v58;
	v58 =	vld [tilespmem:$0x1FC60]  }
0x2a8: {  	v3 =	vmax.f32 v3, v62;
	v62 =	vld [tilespmem:$0x1FC90]  }
0x2a9: {  	[tilespmem:$0x1FF70] =	vst v61;
	v61 =	vld [tilespmem:$0x1F950]  }
0x2aa: {  	v3 =	vmax.f32 v3, v18;
	v18 =	vld [tilespmem:$0x1960]  }
0x2ab: {  	v1 =	vmax.f32 v1, v54;
	v54 =	vld [tilespmem:$0x1FD80]  }
0x2ac: {  	v1 =	vmax.f32 v1, v58;
	v58 =	vld [tilespmem:$0x1FDB0]  }
0x2ad: {  	v1 =	vmax.f32 v1, v62;
	v62 =	vld [tilespmem:$0x1FDE0]  }
0x2ae: {  	v2 =	vmax.f32 v2, v61;
	v61 =	vld [tilespmem:$0x1FA90]  }
0x2af: {  	v2 =	vmax.f32 v2, v8;
	v8 =	vld [tilespmem:$0x1FAA0]  }
0x2b0: {  	v2 =	vmax.f32 v2, v11;
	v11 =	vld [tilespmem:$0x1360]  }
0x2b1: {  	v2 =	vmax.f32 v2, v14;
	v14 =	vld [tilespmem:$0x1460]  }
0x2b2: {  	v2 =	vmax.f32 v2, v17;
	v17 =	vld [tilespmem:$0x1560]  }
0x2b3: {  	v2 =	vmax.f32 v2, v20;
	v20 =	vld [tilespmem:$0x1660]  }
0x2b4: {  	v0 =	vmax.f32 v0, v61;
	v61 =	vld [tilespmem:$0x1FC80]  }
0x2b5: {  	v0 =	vmax.f32 v0, v8;
	v8 =	vld [tilespmem:$0x1760]  }
0x2b6: {  	v2 =	vmax.f32 v2, v24;
	v24 =	vld [tilespmem:$0x1FB00]  }
0x2b7: {  	v0 =	vmax.f32 v0, v10;
	v10 =	vld [tilespmem:$0x17E0]  }
0x2b8: {  	v0 =	vmax.f32 v0, v13;
	v13 =	vld [tilespmem:$0x1860]  }
0x2b9: {  	v0 =	vmax.f32 v0, v16;
	v16 =	vld [tilespmem:$0x18E0]  }
0x2ba: {  	v0 =	vmax.f32 v0, v22;
	v22 =	vld [tilespmem:$0x19E0]  }
0x2bb: {  	v3 =	vmax.f32 v3, v24;
	v24 =	vld [tilespmem:$0x1AE0]  }
0x2bc: {  	v9 =	vmax.f32 v9, v11;
	v0 =	vmax.f32 v0, v26;
	v26 =	vld [tilespmem:$0x1BE0]  }
0x2bd: {  	v9 =	vmax.f32 v9, v12;
	v3 =	vmax.f32 v3, v27;
	v27 =	vld [tilespmem:$0x1C60]  }
0x2be: {  	v9 =	vmax.f32 v9, v14;
	v0 =	vmax.f32 v0, v28;
	v28 =	vld [tilespmem:$0x1CE0]  }
0x2bf: {  	v9 =	vmax.f32 v9, v15;
	v3 =	vmax.f32 v3, v29;
	v29 =	vld [tilespmem:$0x1D60]  }
0x2c0: {  	v9 =	vmax.f32 v9, v17;
	v0 =	vmax.f32 v0, v30;
	v30 =	vld [tilespmem:$0x1DE0]  }
0x2c1: {  	v9 =	vmax.f32 v9, v19;
	v3 =	vmax.f32 v3, v34;
	v34 =	vld [tilespmem:$0x1FCB0]  }
0x2c2: {  	v9 =	vmax.f32 v9, v20;
	v0 =	vmax.f32 v0, v36;
	v36 =	vld [tilespmem:$0x1FCC0]  }
0x2c3: {  	v9 =	vmax.f32 v9, v21;
	v21 =	vld [tilespmem:$0x1FF90]  }
0x2c4: {  	v3 =	vmax.f32 v3, v37;
	v37 =	vld [tilespmem:$0x1FCD0]  }
0x2c5: {  	v0 =	vmax.f32 v0, v38;
	v38 =	vld [tilespmem:$0x1FCE0]  }
0x2c6: {  	v3 =	vmax.f32 v3, v39;
	v39 =	vld [tilespmem:$0x1FCF0]  }
0x2c7: {  	v0 =	vmax.f32 v0, v40;
	v40 =	vld [tilespmem:$0x1FD00]  }
0x2c8: {  	v3 =	vmax.f32 v3, v41;
	v41 =	vld [tilespmem:$0x1FD10]  }
0x2c9: {  	v0 =	vmax.f32 v0, v42;
	v42 =	vld [tilespmem:$0x1FD20]  }
0x2ca: {  	v3 =	vmax.f32 v3, v43;
	v43 =	vld [tilespmem:$0x1FD30]  }
0x2cb: {  	v0 =	vmax.f32 v0, v47;
	v47 =	vld [tilespmem:$0x1FD40]  }
0x2cc: {  	v3 =	vmax.f32 v3, v48;
	v48 =	vld [tilespmem:$0x1FD50]  }
0x2cd: {  	v0 =	vmax.f32 v0, v51;
	v51 =	vld [tilespmem:$0x1FD60]  }
0x2ce: {  	v3 =	vmax.f32 v3, v53;
	v53 =	vld [tilespmem:$0x1FD70]  }
0x2cf: {  	v0 =	vmax.f32 v0, v55;
	v55 =	vld [tilespmem:$0x1FD90]  }
0x2d0: {  	v3 =	vmax.f32 v3, v57;
	v57 =	vld [tilespmem:$0x1FDA0]  }
0x2d1: {  	v1 =	vmax.f32 v1, v36;
	v0 =	vmax.f32 v0, v59;
	v59 =	vld [tilespmem:$0x1FDC0]  }
0x2d2: {  	v1 =	vmax.f32 v1, v39;
	v39 =	vld [tilespmem:$0x1270]  }
0x2d3: {  	v4 =	vmax.f32 v3, v61;
	v3 =	vld [tilespmem:$0x1E60]  }
0x2d4: {  	v7 =	vmax.f32 v1, v42;
	v1 =	vld [tilespmem:$0x1FE0]  }
0x2d5: {  	v61 =	vld [tilespmem:$0x1FDD0]  }
0x2d6: {  	v0 =	vmax.f32 v0, v63;
	v63 =	vld [tilespmem:$0x1FDF0]  }
0x2d7: {  	v42 =	vld [tilespmem:$0x1FE00]  }
0x2d8: {  	v6 =	vmax.f32 v0, v37;
	v0 =	vld [tilespmem:$0x1F60]  }
0x2d9: {  	v4 =	vmax.f32 v4, v34;
	v37 =	vld [tilespmem:$0x1170]  }
0x2da: {  	v4 =	vmax.f32 v4, v38;
	v38 =	vld [tilespmem:$0x11F0]  }
0x2db: {  	v7 =	vmax.f32 v7, v48;
	v48 =	vld [tilespmem:$0x1FE30]  }
0x2dc: {  	v6 =	vmax.f32 v6, v40;
	v40 =	vld [tilespmem:$0x12F0]  }
0x2dd: {  	v6 =	vmax.f32 v6, v43;
	v43 =	vld [tilespmem:$0x1FE10]  }
0x2de: {  	v4 =	vmax.f32 v4, v41;
	v7 =	vmax.f32 v7, v54;
	v54 =	vld [tilespmem:$0x1FE60]  }
0x2df: {  	v34 =	vmax.f32 v4, v47;
	v4 =	vld [tilespmem:$0x2060]  }
0x2e0: {  	v36 =	vmax.f32 v6, v51;
	v6 =	vld [tilespmem:$0x20E0]  }
0x2e1: {  	v47 =	vld [tilespmem:$0x1FE20]  }
0x2e2: {  	v51 =	vld [tilespmem:$0x1FE40]  }
0x2e3: {  	v7 =	vmax.f32 v7, v58;
	v58 =	vld [tilespmem:$0x1FE90]  }
0x2e4: {  	v34 =	vmax.f32 v34, v53;
	v53 =	vld [tilespmem:$0x1FE50]  }
0x2e5: {  	v36 =	vmax.f32 v36, v55;
	v55 =	vld [tilespmem:$0x1FE70]  }
0x2e6: {  	v7 =	vmax.f32 v7, v62;
	v62 =	vld [tilespmem:$0x1FEB0]  }
0x2e7: {  	v34 =	vmax.f32 v34, v57;
	v57 =	vld [tilespmem:$0x1FE80]  }
0x2e8: {  	v36 =	vmax.f32 v36, v59;
	v59 =	vld [tilespmem:$0x1FEA0]  }
0x2e9: {  	v34 =	vmax.f32 v34, v61;
	v61 =	vld [tilespmem:$0x13F0]  }
0x2ea: {  	v36 =	vmax.f32 v36, v63;
	v63 =	vmax.f32 v37, v38;
	v37 =	vld [tilespmem:$0x1FFB0]  }
0x2eb: {  	v34 =	vmax.f32 v34, v42;
	v42 =	vld [tilespmem:$0x1370]  }
0x2ec: {  	v7 =	vmax.f32 v7, v43;
	v43 =	vld [tilespmem:$0x1470]  }
0x2ed: {  	v36 =	vmax.f32 v36, v47;
	v47 =	vld [tilespmem:$0x1FEC0]  }
0x2ee: {  	v7 =	vmax.f32 v7, v51;
	v51 =	vld [tilespmem:$0x14F0]  }
0x2ef: {  	v34 =	vmax.f32 v34, v48;
	v48 =	vmax.f32 v63, v39;
	v63 =	vld [tilespmem:$0x16F0]  }
0x2f0: {  	v39 =	vld [tilespmem:$0x1FFC0]  }
0x2f1: {  	v34 =	vmax.f32 v34, v53;
	v53 =	vld [tilespmem:$0x1FED0]  }
0x2f2: {  	v7 =	vmax.f32 v7, v54;
	v54 =	vmax.f32 v48, v40;
	v40 =	vld [tilespmem:$0x1FF10]  }
0x2f3: {  	v48 =	vld [tilespmem:$0x1870]  }
0x2f4: {  	v41 =	vmax.f32 v55, v57;
	v55 =	vld [tilespmem:$0x1570]  }
0x2f5: {  	v57 =	vld [tilespmem:$0x1FEE0]  }
0x2f6: {  	v7 =	vmax.f32 v7, v58;
	v58 =	vld [tilespmem:$0x15F0]  }
0x2f7: {  	v41 =	vmax.f32 v41, v59;
	v59 =	vld [tilespmem:$0x1FEF0]  }
0x2f8: {  	v41 =	vmax.f32 v41, v62;
	v62 =	vld [tilespmem:$0x1FF00]  }
0x2f9: {  	v11 =	vmax.f32 v54, v42;
	v42 =	vld [tilespmem:$0x1FF20]  }
0x2fa: {  	v54 =	vld [tilespmem:$0x1FF50]  }
0x2fb: {  	v11 =	vmax.f32 v11, v61;
	v61 =	vld [tilespmem:$0x1670]  }
0x2fc: {  	v38 =	vmax.f32 v41, v47;
	v41 =	vld [tilespmem:$0x1770]  }
0x2fd: {  	v47 =	vld [tilespmem:$0x1FF30]  }
0x2fe: {  	v11 =	vmax.f32 v11, v43;
	v43 =	vld [tilespmem:$0x17F0]  }
0x2ff: {  	v38 =	vmax.f32 v38, v53;
	v53 =	vld [tilespmem:$0x18F0]  }
0x300: {  	v38 =	vmax.f32 v38, v57;
	v11 =	vmax.f32 v11, v51;
	v51 =	vld [tilespmem:$0x1FF40]  }
0x301: {  	v57 =	vld [tilespmem:$0x1970];
	v38 =	vmax.f32 v38, v59  }
0x302: {  	v11 =	vmax.f32 v11, v55;
	v59 =	vld [tilespmem:$0x19F0];
	v31 =	vmax.f32 v38, v62  }
0x303: {  	v11 =	vmax.f32 v11, v58;
	v58 =	vld [tilespmem:$0x1FF60];
	v31 =	vmax.f32 v31, v40  }
0x304: {  	v11 =	vmax.f32 v11, v61;
	v61 =	vld [tilespmem:$0x1FF70];
	v31 =	vmax.f32 v31, v42  }
0x305: {  	v8 =	vmax.f32 v9, v8;
	v55 =	vmax.f32 v11, v63;
	v63 =	vld [tilespmem:$0x1FF80];
	v31 =	vmax.f32 v31, v47  }
0x306: {  	v8 =	vmax.f32 v8, v10;
	v62 =	vld [tilespmem:$0x1A70];
	v20 =	vmax.f32 v31, v51  }
0x307: {  	v8 =	vmax.f32 v8, v13;
	v38 =	vld [tilespmem:$0x1C70];
	v9 =	vmax.f32 v55, v41;
	v20 =	vmax.f32 v20, v54  }
0x308: {  	v8 =	vmax.f32 v8, v16;
	v41 =	vld [tilespmem:$0x1FFD0];
	v9 =	vmax.f32 v9, v43;
	v15 =	vmax.f32 v20, v58  }
0x309: {  	v8 =	vmax.f32 v8, v18;
	v9 =	vmax.f32 v9, v48;
	v20 =	vld [tilespmem:$0x1AF0];
	v15 =	vmax.f32 v15, v61  }
0x30a: {  	v8 =	vmax.f32 v8, v22;
	v31 =	vld [tilespmem:$0x1B70];
	v9 =	vmax.f32 v9, v53;
	v15 =	vmax.f32 v15, v63  }
0x30b: {  	v8 =	vmax.f32 v8, v23;
	v43 =	vld [tilespmem:$0x1FFE0];
	v9 =	vmax.f32 v9, v57;
	v15 =	vmax.f32 v15, v21  }
0x30c: {  	v8 =	vmax.f32 v8, v24;
	v48 =	vld [tilespmem:$0x1FFF0];
	v9 =	vmax.f32 v9, v59;
	v15 =	vmax.f32 v15, v33  }
0x30d: {  	v8 =	vmax.f32 v8, v25;
	v40 =	vld [tilespmem:$0x1CF0];
	v9 =	vmax.f32 v9, v62;
	v15 =	vmax.f32 v15, v37  }
0x30e: {  	v8 =	vmax.f32 v8, v26;
	v42 =	vld [tilespmem:$0x1D70];
	v9 =	vmax.f32 v9, v20;
	v15 =	vmax.f32 v15, v39  }
0x30f: {  	v8 =	vmax.f32 v8, v27;
	v47 =	vld [tilespmem:$0x1DF0];
	v9 =	vmax.f32 v9, v31;
	v15 =	vmax.f32 v15, v41  }
0x310: {  	v8 =	vmax.f32 v8, v28;
	v51 =	vld [tilespmem:$0x1E70];
	v9 =	vmax.f32 v9, v35;
	v15 =	vmax.f32 v15, v43  }
0x311: {  	v8 =	vmax.f32 v8, v29;
	v53 =	vld [tilespmem:$0x1EF0];
	v9 =	vmax.f32 v9, v38;
	v15 =	vmax.f32 v15, v48  }
0x312: {  	v8 =	vmax.f32 v8, v30;
	v54 =	vld [tilespmem:$0x1F70];
	v9 =	vmax.f32 v9, v40;
	v15 =	vmax.f32 v15, v60  }
0x313: {  	v3 =	vmax.f32 v8, v3;
	v55 =	vld [tilespmem:$0x1FF0];
	v9 =	vmax.f32 v9, v42;
	v15 =	vmax.f32 v15, v56  }
0x314: {  	[tilespmem:$0x2190] =	vst v32;
	v3 =	vmax.f32 v3, v5;
	v58 =	vld [tilespmem:$0x2070];
	v57 =	vmax.f32 v9, v47;
	v15 =	vmax.f32 v15, v52  }
0x315: {  	[tilespmem:$0x2180] =	vst v2;
	v0 =	vmax.f32 v3, v0;
	v60 =	vld [tilespmem:$0x20F0];
	v59 =	vmax.f32 v57, v51;
	v56 =	vmax.f32 v15, v50  }
0x316: {  	[tilespmem:$0x21A0] =	vst v36;
	v0 =	vmax.f32 v0, v1;
	v61 =	vmax.f32 v59, v53;
	v2 =	vmax.f32 v56, v49  }
0x317: {  	p0 =	sne.s32 s25, $0x2FE0;
	[tilespmem:$0x21B0] =	vst v34;
	v0 =	vmax.f32 v0, v4;
	v62 =	vmax.f32 v61, v54;
	v2 =	vmax.f32 v2, v46  }
.Ltmp0:
0x318: {  	[tilespmem:$0x21C0] =	vst v7;
	v0 =	vmax.f32 v0, v6;
	v1 =	vmax.f32 v62, v55;
	v2 =	vmax.f32 v2, v45;
	(pc) =	sbr.rel @p0 .LBB2_2-.Ltmp0, $4  }
0x319: {  	[tilespmem:$0x21E0] =	vst v0;
	v1 =	vmax.f32 v1, v58;
	v2 =	vmax.f32 v2, v44  }
0x31a: {  	v63 =	vmax.f32 v1, v60;
	[tilespmem:$0x21D0] =	vst v2  }
0x31b: {  	s26 =	sadd.s32 s5, s26;
	s24 =	sadd.s32 $0x2, s24;
	s25 =	sadd.s32 $0x20, s25;
	[tilespmem:$0x21F0] =	vst v63  }
0x31c: {  	[hbm4b:s26+s2] =	stream.linear.scatter [tilespmem:s16], [sflag:$0x4], $0x80, $0x38;
	[tilespmem:$0x2200] =	vst v63  }
0x31d: {  	_ =	swait.ge [sflag:s18], $0x1000  }
0x31e: {  	[sflag:s18] =	ssyncset.done $0x0  }
0x31f: {  	s23 =	sadd.s32 $0x1, s23;
	[sflag:s18] =	ssyncadd.s32 $0xFFFFF000  }
0x320: {  	p0 =	sne.s32 s23, s9;
	_ =	swait.ge [sflag:s20], $0x80  }
.Ltmp1:
0x321: {  	[sflag:s20] =	ssyncset.done $0x0;
	(pc) =	sbr.rel @p0 .LBB2_1-.Ltmp1, $4  }
0x322: {  	[sflag:s20] =	ssyncadd.s32 $0xFFFFFF80  }
0x323: {  	_ =	swait.ge [sflag:s22], $0x80  }
0x324: {  	[sflag:s22] =	ssyncset.done $0x0  }
0x325: {  	[sflag:s22] =	ssyncadd.s32 $0xFFFFFF80  }
0x326: {  	_ =	sfence.sel $0x180000  }
0x327: {  	[bflag:$0x0] =	sbarrier.arrive $0xFFFF  }
0x328: {  	p0 =	sne.s32 s1, $0x0;
	_ =	strace $0x90000047  }
0x329: {  	s0 =	sadd.s32 @!p0 $0x100000, s0;
	[bflag:$0x2] =	sbarrier.arrive $0xFFFF  }
0x32a: {  	[sflag:s0] =	ssyncadd.tile.s32 @!p0 $0x1;
	_ =	shalt  }
.Lfunc_end2:
_tile_overlayer_lowered:
.L_overlay_start_2:
0x32b: {  	(tag) =	ssettag $0x2  }
0x32c: {  	s0 =	rddreg [dreg:$0x0];
	s2 =	stileid.u32  }
0x32d: {  	s1 =	rddreg [dreg:$0x1];
	p0 =	sne.s32 s2, $0x0  }
0x32e: {  	s3 =	rddreg [dreg:$0x2];
	[bflag:$0x3] =	sbarrier.arrive $0xFFFF;
	s2 =	simm.s32 @!p0 $0x1C05  }
0x32f: {  	[timem:s3], [sflag:s2] =	dma.local @!p0 [hbm:s0], s1  }
0x330: {  	s0 =	simm.s32 @!p0 $0x5  }
0x331: {  	_ =	swait.ge @!p0 [sflag:s0], s1  }
0x332: {  	s1 =	ssub.s32 @!p0 $0x0, s1;
	[sflag:s0] =	ssyncset.done @!p0 $0x0  }
0x333: {  	[sflag:s0] =	ssyncadd.s32 @!p0 s1  }
0x334: {  	[bflag:$0x3] =	sbarrier.arrive $0xFFFF  }
0x335: {  	_ =	shalt  }

</sc_bundles>
